<compile_context>
chip_gen: v7x
topology: tpu7x:2x2x1
jax: 0.10.2.dev20260603
libtpu: 0.0.44.dev20260713+nightly
codegen_flags: <defaults>
</compile_context>

<pallas_src>
import functools

import jax
import jax.numpy as jnp
from jax import lax
from jax.experimental import pallas as pl
from jax.experimental.pallas import tpu as pltpu
from jax.experimental.pallas import tpu_sc as plsc

_B = 1024
_D = 32
_P = 5
_N = 10
_NROWS = _B * (1 + _P + _N)
_PAD = 128
_REM_BASE = 999936
_SUB = 8

_JB = 1024
_NBLK = (_P + _N) * _B // _JB
_POS_BLKS = _P * _B // _JB


def _gather_padded(idx, table_t, rem_t):
    nrows = idx.shape[0]
    info = plsc.get_sparse_core_info()
    nc, ns = info.num_cores, info.num_subcores
    nw = nc * ns
    kpw = nrows // nw
    nsub = kpw // _SUB
    mesh = plsc.VectorSubcoreMesh(core_axis_name="c", subcore_axis_name="s")

    @functools.partial(
        pl.kernel,
        mesh=mesh,
        out_type=jax.ShapeDtypeStruct((nrows, _PAD), jnp.float32),
        scratch_types=[
            pltpu.VMEM((kpw + 16,), jnp.int32),
            pltpu.VMEM((2, _SUB, _D, 128), jnp.float32),
            pltpu.VMEM((2, _SUB, _PAD), jnp.float32),
            pltpu.VMEM((_D, 128), jnp.float32),
            pltpu.SemaphoreType.DMA,
            pltpu.SemaphoreType.DMA,
            pltpu.SemaphoreType.DMA,
        ],
        compiler_params=pltpu.CompilerParams(needs_layout_passes=False),
    )
    def gather_k(idx_hbm, table_hbm, rem_hbm, out_hbm, idx_v, tiles_v,
                 rows_v, rem_v, fsem, osem0, osem1):
        wid = lax.axis_index("s") * nc + lax.axis_index("c")
        base = wid * kpw
        pltpu.sync_copy(idx_hbm.at[pl.ds(base, kpw)], idx_v.at[pl.ds(0, kpw)])
        pltpu.sync_copy(rem_hbm, rem_v)
        lanes = jnp.arange(16, dtype=jnp.int32)

        def issue(g, nb):
            vec = idx_v[pl.ds(g * _SUB, 16)]
            for u in range(_SUB):
                r = vec[u]
                q = jnp.minimum(r >> 7, jnp.int32(7811))
                pltpu.async_copy(
                    table_hbm.at[:, pl.ds(q * 128, 128)],
                    tiles_v.at[nb, u],
                    fsem,
                )

        def wait_fetches(nb):
            for u in range(_SUB):
                pltpu.make_async_copy(
                    table_hbm.at[:, pl.ds(0, 128)], tiles_v.at[nb, u], fsem
                ).wait()

        def extract(g, nb):
            vec = idx_v[pl.ds(g * _SUB, 16)]
            for u in range(_SUB):
                r = vec[u]
                q = jnp.minimum(r >> 7, jnp.int32(7811))
                l_main = jnp.minimum(r - q * 128, jnp.int32(127))
                l_rem = jnp.minimum(
                    jnp.maximum(r - _REM_BASE, jnp.int32(0)), jnp.int32(127)
                )
                in_rem = jnp.full((16,), r >= _REM_BASE, jnp.bool_)
                for h in range(2):
                    c = lanes + 16 * h
                    v_main = plsc.load_gather(
                        tiles_v,
                        [jnp.full((16,), nb, jnp.int32),
                         jnp.full((16,), u, jnp.int32),
                         c,
                         jnp.full((16,), l_main, jnp.int32)],
                    )
                    v_rem = plsc.load_gather(
                        rem_v, [c, jnp.full((16,), l_rem, jnp.int32)]
                    )
                    rows_v[nb, u, pl.ds(16 * h, 16)] = jnp.where(
                        in_rem, v_rem, v_main
                    )

        def ship(g, nb, osem):
            pltpu.async_copy(
                rows_v.at[nb],
                out_hbm.at[pl.ds(base + g * _SUB, _SUB)],
                osem,
            )

        def wait_ship(nb, osem):
            pltpu.make_async_copy(
                out_hbm.at[pl.ds(0, _SUB)], rows_v.at[nb], osem
            ).wait()

        issue(0, 0)

        def step(t, carry):
            g0 = 2 * t
            wait_fetches(0)
            issue(g0 + 1, 1)

            @pl.when(t > 0)
            def _():
                wait_ship(0, osem0)

            extract(g0, 0)
            ship(g0, 0, osem0)
            wait_fetches(1)

            @pl.when(t + 1 < nsub // 2)
            def _():
                issue(g0 + 2, 0)

            @pl.when(t > 0)
            def _():
                wait_ship(1, osem1)

            extract(g0 + 1, 1)
            ship(g0 + 1, 1, osem1)
            return carry

        lax.fori_loop(0, nsub // 2, step, 0)
        wait_ship(0, osem0)
        wait_ship(1, osem1)

    return gather_k(idx, table_t, rem_t)


def _cross_a(center_ref, ctx_ref, out_ref):
    j = pl.program_id(0)
    sign = jnp.where(j < _POS_BLKS, jnp.float32(1.0), jnp.float32(-1.0))
    acc = lax.dot_general(
        center_ref[:, :_D],
        ctx_ref[:, :_D],
        (((1,), (1,)), ((), ())),
        preferred_element_type=jnp.float32,
    )
    out_ref[...] = jax.nn.sigmoid(acc * sign)


def _cross_b(center_ref, ctx_ref, part_ref, out_ref):
    acc = lax.dot_general(
        center_ref[:, :_D],
        ctx_ref[:, :_D],
        (((1,), (1,)), ((), ())),
        preferred_element_type=jnp.float32,
    )
    out_ref[...] = jax.nn.sigmoid(-acc)


def kernel(x_center, x_positive, x_negative, emb_table):
    idx = jnp.concatenate(
        [
            x_center.astype(jnp.int32).reshape(-1),
            x_positive.astype(jnp.int32).T.reshape(-1),
            x_negative.astype(jnp.int32).T.reshape(-1),
        ]
    )
    rem_t = jnp.concatenate(
        [
            emb_table[_REM_BASE:, :].T,
            jnp.zeros((_D, 128 - (emb_table.shape[0] - _REM_BASE)),
                      jnp.float32),
        ],
        axis=1,
    )
    a_rows = (1 + 12) * _B
    rows_a = _gather_padded(idx[:a_rows], emb_table.T, rem_t)
    rows_b = _gather_padded(idx[a_rows:], emb_table.T, rem_t)
    out_shape = jax.ShapeDtypeStruct((_B, (_P + _N) * _B), jnp.float32)
    part = pl.pallas_call(
        _cross_a,
        grid=(12,),
        in_specs=[
            pl.BlockSpec((_B, _PAD), lambda j: (0, 0)),
            pl.BlockSpec((_JB, _PAD), lambda j: (1 + j, 0)),
        ],
        out_specs=pl.BlockSpec((_B, _JB), lambda j: (0, j)),
        out_shape=out_shape,
    )(rows_a, rows_a)
    return pl.pallas_call(
        _cross_b,
        grid=(3,),
        in_specs=[
            pl.BlockSpec((_B, _PAD), lambda j: (0, 0)),
            pl.BlockSpec((_JB, _PAD), lambda j: (j, 0)),
            pl.BlockSpec(memory_space=pl.ANY),
        ],
        out_specs=pl.BlockSpec((_B, _JB), lambda j: (0, 12 + j)),
        out_shape=out_shape,
        input_output_aliases={2: 0},
    )(rows_a, rows_b, part)

# --- scband reference (transcript-rebuilt; emitter-appended) ---
"""Pipeline reference for scband-sequence2-vector-16063177687369 (READ-ONLY COPY).

The authoritative reference and input builder live on the scoring server;
editing this copy changes nothing except your own understanding.
"""

import jax, jax.numpy as jnp
import numpy as np

VOCAB = 1000000
DIM = 32
B = 1024
P = 5
N = 10

def setup_inputs(seed: int = 0) -> dict:
    key = jax.random.key(seed)
    k1, k2, k3, k4 = jax.random.split(key, 4)
    x_center = jax.random.randint(k1, (B,), 0, VOCAB)
    x_positive = jax.random.randint(k2, (B, P), 0, VOCAB)
    x_negative = jax.random.randint(k3, (B, N), 0, VOCAB)
    emb_table = jax.random.normal(k4, (VOCAB, DIM), dtype=jnp.float32) * 0.02
    return {"x_center": x_center, "x_positive": x_positive, "x_negative": x_negative, "emb_table": emb_table}

def reference(x_center, x_positive, x_negative, emb_table):
    # layer1: shared embedding lookup (SparseCore gather)
    v_center = jnp.take(emb_table, x_center, axis=0)      # [B, d]
    v_pos = jnp.take(emb_table, x_positive, axis=0)       # [B, P, d]
    v_neg = jnp.take(emb_table, x_negative, axis=0)       # [B, N, d]
    # layer2: CrossInnerProduct. For each window position p, K.dot(center, vec_p.T) -> [B, B],
    # then concatenate over positions along the last axis -> [B, P*B].
    # einsum('bd,cpd->bpc') gives entry [b, p, c] = center[b] . pos[c, p]; reshape matches concat order.
    cross_center_windows = jnp.einsum('bd,cpd->bpc', v_center, v_pos).reshape(B, P * B)
    # negative-sampling inner products are negated per the original layer
    cross_center_negative = -jnp.einsum('bd,cnd->bnc', v_center, v_neg).reshape(B, N * B)
    h1 = jnp.concatenate([cross_center_windows, cross_center_negative], axis=1)  # [B, (P+N)*B]
    # layer3: sigmoid activation -> probabilities
    prob = jax.nn.sigmoid(h1)
    return prob

if __name__ == "__main__":
    import jax
    _d = setup_inputs()
    print(jax.jit(kernel)(*tuple(_d.values())))

</pallas_src>

<mosaic_0001>
#map = affine_map<(d0, d1) -> (0)>
#map1 = affine_map<(d0, d1) -> (0, 0)>
module attributes {stable_mosaic.version = 14 : i64} {
  func.func @gather_k(%arg0: i32, %arg1: i32, %arg2: memref<13312xi32, #tpu.memory_space<hbm>>, %arg3: memref<32x1000000xf32, #tpu.memory_space<hbm>>, %arg4: memref<32x128xf32, #tpu.memory_space<hbm>>, %arg5: memref<13312x128xf32, #tpu.memory_space<hbm>>, %arg6: memref<432xi32, #tpu.memory_space<vmem>>, %arg7: memref<2x8x32x128xf32, #tpu.memory_space<vmem>>, %arg8: memref<2x8x128xf32, #tpu.memory_space<vmem>>, %arg9: memref<32x128xf32, #tpu.memory_space<vmem>>, %arg10: memref<!tpu.dma_semaphore, #tpu.memory_space<semaphore_mem>>, %arg11: memref<!tpu.dma_semaphore, #tpu.memory_space<semaphore_mem>>, %arg12: memref<!tpu.dma_semaphore, #tpu.memory_space<semaphore_mem>>) attributes {dimension_semantics = [#tpu.dimension_semantics<core_parallel>, #tpu.dimension_semantics<subcore_parallel>], iteration_bounds = array<i64: 2, 16>, scalar_prefetch = 0 : i64, scratch_operands = 7 : i64, tpu.core_type = #tpu.core_type<sc_vector_subcore>, window_params = [{transform_indices = #map}, {transform_indices = #map1}, {transform_indices = #map1}, {transform_indices = #map1}]} {
    %mul3A = arith.constant 2 : i32
    %mul3A_0 = arith.muli %arg1, %mul3A : i32
    %add3A = arith.addi %mul3A_0, %arg0 : i32
    %mul3A_1 = arith.constant 416 : i32
    %mul3A_2 = arith.muli %add3A, %mul3A_1 : i32
    "tpu.region"() ({
      %run_scoped3A = tpu.sem_alloc : memref<!tpu.dma_semaphore, #tpu.memory_space<semaphore_mem>>
      %dma_start3A_209 = arith.constant 0 : i32
      %dma_start3A_210 = tpu.memref_slice %arg6[%dma_start3A_209] : memref<432xi32, #tpu.memory_space<vmem>> -> memref<416xi32, #tpu.memory_space<vmem>>
      %dma_start3A_211 = tpu.memref_slice %arg2[%mul3A_2] : memref<13312xi32, #tpu.memory_space<hbm>> -> memref<416xi32, #tpu.memory_space<hbm>>
      %dma_start3A_212 = arith.constant 0 : i32
      %dma_start3A_213 = tpu.memref_slice %arg6[%dma_start3A_212] : memref<432xi32, #tpu.memory_space<vmem>> -> memref<416xi32, #tpu.memory_space<vmem>>
      %dma_start3A_214 = tpu.memref_slice %arg2[%mul3A_2] : memref<13312xi32, #tpu.memory_space<hbm>> -> memref<416xi32, #tpu.memory_space<hbm>>
      tpu.enqueue_dma source(%dma_start3A_214 : memref<416xi32, #tpu.memory_space<hbm>>) target(%dma_start3A_213 : memref<416xi32, #tpu.memory_space<vmem>>) target_semaphore(%run_scoped3A : memref<!tpu.dma_semaphore, #tpu.memory_space<semaphore_mem>>)
      %dma_wait3A_215 = arith.constant 0 : i32
      %dma_wait3A_216 = tpu.memref_slice %arg6[%dma_wait3A_215] : memref<432xi32, #tpu.memory_space<vmem>> -> memref<416xi32, #tpu.memory_space<vmem>>
      %dma_wait3A_217 = tpu.memref_slice %arg2[%mul3A_2] : memref<13312xi32, #tpu.memory_space<hbm>> -> memref<416xi32, #tpu.memory_space<hbm>>
      %dma_wait3A_218 = arith.constant 0 : i32
      %dma_wait3A_219 = tpu.memref_slice %arg6[%dma_wait3A_218] : memref<432xi32, #tpu.memory_space<vmem>> -> memref<416xi32, #tpu.memory_space<vmem>>
      %dma_wait3A_220 = tpu.memref_slice %arg2[%mul3A_2] : memref<13312xi32, #tpu.memory_space<hbm>> -> memref<416xi32, #tpu.memory_space<hbm>>
      tpu.wait_dma2 semaphore(%run_scoped3A : memref<!tpu.dma_semaphore, #tpu.memory_space<semaphore_mem>>) src(%dma_wait3A_220 : memref<416xi32, #tpu.memory_space<hbm>>) dst(%dma_wait3A_219 : memref<416xi32, #tpu.memory_space<vmem>>)
      tpu.yield
    }) : () -> ()
    "tpu.region"() ({
      %run_scoped3A = tpu.sem_alloc : memref<!tpu.dma_semaphore, #tpu.memory_space<semaphore_mem>>
      tpu.enqueue_dma source(%arg4 : memref<32x128xf32, #tpu.memory_space<hbm>>) target(%arg9 : memref<32x128xf32, #tpu.memory_space<vmem>>) target_semaphore(%run_scoped3A : memref<!tpu.dma_semaphore, #tpu.memory_space<semaphore_mem>>)
      tpu.wait_dma2 semaphore(%run_scoped3A : memref<!tpu.dma_semaphore, #tpu.memory_space<semaphore_mem>>) src(%arg4 : memref<32x128xf32, #tpu.memory_space<hbm>>) dst(%arg9 : memref<32x128xf32, #tpu.memory_space<vmem>>)
      tpu.yield
    }) : () -> ()
    %iota3A = tpu.iota {dimensions = array<i32: 0>} : vector<16xi32>
    %get3A = arith.constant 0 : index
    %get3A_3 = tpu.vector_load %arg6[%get3A] {strides = array<i32>} : memref<432xi32, #tpu.memory_space<vmem>>, vector<16xi32>,
    %slice3A = vector.extract_strided_slice %get3A_3 {offsets = [0], sizes = [1], strides = [1]} : vector<16xi32> to vector<1xi32>
    %squeeze3A = vector.extract %slice3A[0] : i32 from vector<1xi32>
    %shift_right_arithmetic3A = arith.constant 7 : i32
    %shift_right_arithmetic3A_4 = arith.shrsi %squeeze3A, %shift_right_arithmetic3A : i32
    %min3A = arith.constant 7811 : i32
    %min3A_5 = arith.minsi %shift_right_arithmetic3A_4, %min3A : i32
    %mul3A_6 = arith.constant 128 : i32
    %mul3A_7 = arith.muli %min3A_5, %mul3A_6 : i32
    %dma_start3A = arith.constant 0 : i32
    %dma_start3A_8 = arith.constant 0 : i32
    %dma_start3A_9 = arith.constant 0 : i32
    %dma_start3A_10 = arith.constant 0 : i32
    %dma_start3A_11 = tpu.memref_slice %arg7[%dma_start3A, %dma_start3A_8, %dma_start3A_9, %dma_start3A_10] : memref<2x8x32x128xf32, #tpu.memory_space<vmem>> -> memref<1x1x32x128xf32, #tpu.memory_space<vmem>>
    %dma_start3A_12 = tpu.memref_squeeze %dma_start3A_11 : memref<1x1x32x128xf32, #tpu.memory_space<vmem>> -> memref<32x128xf32, #tpu.memory_space<vmem>>
    %dma_start3A_13 = arith.constant 0 : i32
    %dma_start3A_14 = tpu.memref_slice %arg3[%dma_start3A_13, %mul3A_7] : memref<32x1000000xf32, #tpu.memory_space<hbm>> -> memref<32x128xf32, #tpu.memory_space<hbm>>
    %dma_start3A_15 = arith.constant 0 : i32
    %dma_start3A_16 = arith.constant 0 : i32
    %dma_start3A_17 = tpu.memref_slice %arg7[%dma_start3A, %dma_start3A_8, %dma_start3A_15, %dma_start3A_16] : memref<2x8x32x128xf32, #tpu.memory_space<vmem>> -> memref<1x1x32x128xf32, #tpu.memory_space<vmem>>
    %dma_start3A_18 = tpu.memref_squeeze %dma_start3A_17 : memref<1x1x32x128xf32, #tpu.memory_space<vmem>> -> memref<32x128xf32, #tpu.memory_space<vmem>>
    %dma_start3A_19 = arith.constant 0 : i32
    %dma_start3A_20 = tpu.memref_slice %arg3[%dma_start3A_19, %mul3A_7] : memref<32x1000000xf32, #tpu.memory_space<hbm>> -> memref<32x128xf32, #tpu.memory_space<hbm>>
    tpu.enqueue_dma source(%dma_start3A_20 : memref<32x128xf32, #tpu.memory_space<hbm>>) target(%dma_start3A_18 : memref<32x128xf32, #tpu.memory_space<vmem>>) target_semaphore(%arg10 : memref<!tpu.dma_semaphore, #tpu.memory_space<semaphore_mem>>)
    %slice3A_21 = vector.extract_strided_slice %get3A_3 {offsets = [1], sizes = [1], strides = [1]} : vector<16xi32> to vector<1xi32>
    %squeeze3A_22 = vector.extract %slice3A_21[0] : i32 from vector<1xi32>
    %shift_right_arithmetic3A_23 = arith.constant 7 : i32
    %shift_right_arithmetic3A_24 = arith.shrsi %squeeze3A_22, %shift_right_arithmetic3A_23 : i32
    %min3A_25 = arith.constant 7811 : i32
    %min3A_26 = arith.minsi %shift_right_arithmetic3A_24, %min3A_25 : i32
    %mul3A_27 = arith.constant 128 : i32
    %mul3A_28 = arith.muli %min3A_26, %mul3A_27 : i32
    %dma_start3A_29 = arith.constant 0 : i32
    %dma_start3A_30 = arith.constant 1 : i32
    %dma_start3A_31 = arith.constant 0 : i32
    %dma_start3A_32 = arith.constant 0 : i32
    %dma_start3A_33 = tpu.memref_slice %arg7[%dma_start3A_29, %dma_start3A_30, %dma_start3A_31, %dma_start3A_32] : memref<2x8x32x128xf32, #tpu.memory_space<vmem>> -> memref<1x1x32x128xf32, #tpu.memory_space<vmem>>
    %dma_start3A_34 = tpu.memref_squeeze %dma_start3A_33 : memref<1x1x32x128xf32, #tpu.memory_space<vmem>> -> memref<32x128xf32, #tpu.memory_space<vmem>>
    %dma_start3A_35 = arith.constant 0 : i32
    %dma_start3A_36 = tpu.memref_slice %arg3[%dma_start3A_35, %mul3A_28] : memref<32x1000000xf32, #tpu.memory_space<hbm>> -> memref<32x128xf32, #tpu.memory_space<hbm>>
    %dma_start3A_37 = arith.constant 0 : i32
    %dma_start3A_38 = arith.constant 0 : i32
    %dma_start3A_39 = tpu.memref_slice %arg7[%dma_start3A_29, %dma_start3A_30, %dma_start3A_37, %dma_start3A_38] : memref<2x8x32x128xf32, #tpu.memory_space<vmem>> -> memref<1x1x32x128xf32, #tpu.memory_space<vmem>>
    %dma_start3A_40 = tpu.memref_squeeze %dma_start3A_39 : memref<1x1x32x128xf32, #tpu.memory_space<vmem>> -> memref<32x128xf32, #tpu.memory_space<vmem>>
    %dma_start3A_41 = arith.constant 0 : i32
    %dma_start3A_42 = tpu.memref_slice %arg3[%dma_start3A_41, %mul3A_28] : memref<32x1000000xf32, #tpu.memory_space<hbm>> -> memref<32x128xf32, #tpu.memory_space<hbm>>
    tpu.enqueue_dma source(%dma_start3A_42 : memref<32x128xf32, #tpu.memory_space<hbm>>) target(%dma_start3A_40 : memref<32x128xf32, #tpu.memory_space<vmem>>) target_semaphore(%arg10 : memref<!tpu.dma_semaphore, #tpu.memory_space<semaphore_mem>>)
    %slice3A_43 = vector.extract_strided_slice %get3A_3 {offsets = [2], sizes = [1], strides = [1]} : vector<16xi32> to vector<1xi32>
    %squeeze3A_44 = vector.extract %slice3A_43[0] : i32 from vector<1xi32>
    %shift_right_arithmetic3A_45 = arith.constant 7 : i32
    %shift_right_arithmetic3A_46 = arith.shrsi %squeeze3A_44, %shift_right_arithmetic3A_45 : i32
    %min3A_47 = arith.constant 7811 : i32
    %min3A_48 = arith.minsi %shift_right_arithmetic3A_46, %min3A_47 : i32
    %mul3A_49 = arith.constant 128 : i32
    %mul3A_50 = arith.muli %min3A_48, %mul3A_49 : i32
    %dma_start3A_51 = arith.constant 0 : i32
    %dma_start3A_52 = arith.constant 2 : i32
    %dma_start3A_53 = arith.constant 0 : i32
    %dma_start3A_54 = arith.constant 0 : i32
    %dma_start3A_55 = tpu.memref_slice %arg7[%dma_start3A_51, %dma_start3A_52, %dma_start3A_53, %dma_start3A_54] : memref<2x8x32x128xf32, #tpu.memory_space<vmem>> -> memref<1x1x32x128xf32, #tpu.memory_space<vmem>>
    %dma_start3A_56 = tpu.memref_squeeze %dma_start3A_55 : memref<1x1x32x128xf32, #tpu.memory_space<vmem>> -> memref<32x128xf32, #tpu.memory_space<vmem>>
    %dma_start3A_57 = arith.constant 0 : i32
    %dma_start3A_58 = tpu.memref_slice %arg3[%dma_start3A_57, %mul3A_50] : memref<32x1000000xf32, #tpu.memory_space<hbm>> -> memref<32x128xf32, #tpu.memory_space<hbm>>
    %dma_start3A_59 = arith.constant 0 : i32
    %dma_start3A_60 = arith.constant 0 : i32
    %dma_start3A_61 = tpu.memref_slice %arg7[%dma_start3A_51, %dma_start3A_52, %dma_start3A_59, %dma_start3A_60] : memref<2x8x32x128xf32, #tpu.memory_space<vmem>> -> memref<1x1x32x128xf32, #tpu.memory_space<vmem>>
    %dma_start3A_62 = tpu.memref_squeeze %dma_start3A_61 : memref<1x1x32x128xf32, #tpu.memory_space<vmem>> -> memref<32x128xf32, #tpu.memory_space<vmem>>
    %dma_start3A_63 = arith.constant 0 : i32
    %dma_start3A_64 = tpu.memref_slice %arg3[%dma_start3A_63, %mul3A_50] : memref<32x1000000xf32, #tpu.memory_space<hbm>> -> memref<32x128xf32, #tpu.memory_space<hbm>>
    tpu.enqueue_dma source(%dma_start3A_64 : memref<32x128xf32, #tpu.memory_space<hbm>>) target(%dma_start3A_62 : memref<32x128xf32, #tpu.memory_space<vmem>>) target_semaphore(%arg10 : memref<!tpu.dma_semaphore, #tpu.memory_space<semaphore_mem>>)
    %slice3A_65 = vector.extract_strided_slice %get3A_3 {offsets = [3], sizes = [1], strides = [1]} : vector<16xi32> to vector<1xi32>
    %squeeze3A_66 = vector.extract %slice3A_65[0] : i32 from vector<1xi32>
    %shift_right_arithmetic3A_67 = arith.constant 7 : i32
    %shift_right_arithmetic3A_68 = arith.shrsi %squeeze3A_66, %shift_right_arithmetic3A_67 : i32
    %min3A_69 = arith.constant 7811 : i32
    %min3A_70 = arith.minsi %shift_right_arithmetic3A_68, %min3A_69 : i32
    %mul3A_71 = arith.constant 128 : i32
    %mul3A_72 = arith.muli %min3A_70, %mul3A_71 : i32
    %dma_start3A_73 = arith.constant 0 : i32
    %dma_start3A_74 = arith.constant 3 : i32
    %dma_start3A_75 = arith.constant 0 : i32
    %dma_start3A_76 = arith.constant 0 : i32
    %dma_start3A_77 = tpu.memref_slice %arg7[%dma_start3A_73, %dma_start3A_74, %dma_start3A_75, %dma_start3A_76] : memref<2x8x32x128xf32, #tpu.memory_space<vmem>> -> memref<1x1x32x128xf32, #tpu.memory_space<vmem>>
    %dma_start3A_78 = tpu.memref_squeeze %dma_start3A_77 : memref<1x1x32x128xf32, #tpu.memory_space<vmem>> -> memref<32x128xf32, #tpu.memory_space<vmem>>
    %dma_start3A_79 = arith.constant 0 : i32
    %dma_start3A_80 = tpu.memref_slice %arg3[%dma_start3A_79, %mul3A_72] : memref<32x1000000xf32, #tpu.memory_space<hbm>> -> memref<32x128xf32, #tpu.memory_space<hbm>>
    %dma_start3A_81 = arith.constant 0 : i32
    %dma_start3A_82 = arith.constant 0 : i32
    %dma_start3A_83 = tpu.memref_slice %arg7[%dma_start3A_73, %dma_start3A_74, %dma_start3A_81, %dma_start3A_82] : memref<2x8x32x128xf32, #tpu.memory_space<vmem>> -> memref<1x1x32x128xf32, #tpu.memory_space<vmem>>
    %dma_start3A_84 = tpu.memref_squeeze %dma_start3A_83 : memref<1x1x32x128xf32, #tpu.memory_space<vmem>> -> memref<32x128xf32, #tpu.memory_space<vmem>>
    %dma_start3A_85 = arith.constant 0 : i32
    %dma_start3A_86 = tpu.memref_slice %arg3[%dma_start3A_85, %mul3A_72] : memref<32x1000000xf32, #tpu.memory_space<hbm>> -> memref<32x128xf32, #tpu.memory_space<hbm>>
    tpu.enqueue_dma source(%dma_start3A_86 : memref<32x128xf32, #tpu.memory_space<hbm>>) target(%dma_start3A_84 : memref<32x128xf32, #tpu.memory_space<vmem>>) target_semaphore(%arg10 : memref<!tpu.dma_semaphore, #tpu.memory_space<semaphore_mem>>)
    %slice3A_87 = vector.extract_strided_slice %get3A_3 {offsets = [4], sizes = [1], strides = [1]} : vector<16xi32> to vector<1xi32>
    %squeeze3A_88 = vector.extract %slice3A_87[0] : i32 from vector<1xi32>
    %shift_right_arithmetic3A_89 = arith.constant 7 : i32
    %shift_right_arithmetic3A_90 = arith.shrsi %squeeze3A_88, %shift_right_arithmetic3A_89 : i32
    %min3A_91 = arith.constant 7811 : i32
    %min3A_92 = arith.minsi %shift_right_arithmetic3A_90, %min3A_91 : i32
    %mul3A_93 = arith.constant 128 : i32
    %mul3A_94 = arith.muli %min3A_92, %mul3A_93 : i32
    %dma_start3A_95 = arith.constant 0 : i32
    %dma_start3A_96 = arith.constant 4 : i32
    %dma_start3A_97 = arith.constant 0 : i32
    %dma_start3A_98 = arith.constant 0 : i32
    %dma_start3A_99 = tpu.memref_slice %arg7[%dma_start3A_95, %dma_start3A_96, %dma_start3A_97, %dma_start3A_98] : memref<2x8x32x128xf32, #tpu.memory_space<vmem>> -> memref<1x1x32x128xf32, #tpu.memory_space<vmem>>
    %dma_start3A_100 = tpu.memref_squeeze %dma_start3A_99 : memref<1x1x32x128xf32, #tpu.memory_space<vmem>> -> memref<32x128xf32, #tpu.memory_space<vmem>>
    %dma_start3A_101 = arith.constant 0 : i32
    %dma_start3A_102 = tpu.memref_slice %arg3[%dma_start3A_101, %mul3A_94] : memref<32x1000000xf32, #tpu.memory_space<hbm>> -> memref<32x128xf32, #tpu.memory_space<hbm>>
    %dma_start3A_103 = arith.constant 0 : i32
    %dma_start3A_104 = arith.constant 0 : i32
    %dma_start3A_105 = tpu.memref_slice %arg7[%dma_start3A_95, %dma_start3A_96, %dma_start3A_103, %dma_start3A_104] : memref<2x8x32x128xf32, #tpu.memory_space<vmem>> -> memref<1x1x32x128xf32, #tpu.memory_space<vmem>>
    %dma_start3A_106 = tpu.memref_squeeze %dma_start3A_105 : memref<1x1x32x128xf32, #tpu.memory_space<vmem>> -> memref<32x128xf32, #tpu.memory_space<vmem>>
    %dma_start3A_107 = arith.constant 0 : i32
    %dma_start3A_108 = tpu.memref_slice %arg3[%dma_start3A_107, %mul3A_94] : memref<32x1000000xf32, #tpu.memory_space<hbm>> -> memref<32x128xf32, #tpu.memory_space<hbm>>
    tpu.enqueue_dma source(%dma_start3A_108 : memref<32x128xf32, #tpu.memory_space<hbm>>) target(%dma_start3A_106 : memref<32x128xf32, #tpu.memory_space<vmem>>) target_semaphore(%arg10 : memref<!tpu.dma_semaphore, #tpu.memory_space<semaphore_mem>>)
    %slice3A_109 = vector.extract_strided_slice %get3A_3 {offsets = [5], sizes = [1], strides = [1]} : vector<16xi32> to vector<1xi32>
    %squeeze3A_110 = vector.extract %slice3A_109[0] : i32 from vector<1xi32>
    %shift_right_arithmetic3A_111 = arith.constant 7 : i32
    %shift_right_arithmetic3A_112 = arith.shrsi %squeeze3A_110, %shift_right_arithmetic3A_111 : i32
    %min3A_113 = arith.constant 7811 : i32
    %min3A_114 = arith.minsi %shift_right_arithmetic3A_112, %min3A_113 : i32
    %mul3A_115 = arith.constant 128 : i32
    %mul3A_116 = arith.muli %min3A_114, %mul3A_115 : i32
    %dma_start3A_117 = arith.constant 0 : i32
    %dma_start3A_118 = arith.constant 5 : i32
    %dma_start3A_119 = arith.constant 0 : i32
    %dma_start3A_120 = arith.constant 0 : i32
    %dma_start3A_121 = tpu.memref_slice %arg7[%dma_start3A_117, %dma_start3A_118, %dma_start3A_119, %dma_start3A_120] : memref<2x8x32x128xf32, #tpu.memory_space<vmem>> -> memref<1x1x32x128xf32, #tpu.memory_space<vmem>>
    %dma_start3A_122 = tpu.memref_squeeze %dma_start3A_121 : memref<1x1x32x128xf32, #tpu.memory_space<vmem>> -> memref<32x128xf32, #tpu.memory_space<vmem>>
    %dma_start3A_123 = arith.constant 0 : i32
    %dma_start3A_124 = tpu.memref_slice %arg3[%dma_start3A_123, %mul3A_116] : memref<32x1000000xf32, #tpu.memory_space<hbm>> -> memref<32x128xf32, #tpu.memory_space<hbm>>
    %dma_start3A_125 = arith.constant 0 : i32
    %dma_start3A_126 = arith.constant 0 : i32
    %dma_start3A_127 = tpu.memref_slice %arg7[%dma_start3A_117, %dma_start3A_118, %dma_start3A_125, %dma_start3A_126] : memref<2x8x32x128xf32, #tpu.memory_space<vmem>> -> memref<1x1x32x128xf32, #tpu.memory_space<vmem>>
    %dma_start3A_128 = tpu.memref_squeeze %dma_start3A_127 : memref<1x1x32x128xf32, #tpu.memory_space<vmem>> -> memref<32x128xf32, #tpu.memory_space<vmem>>
    %dma_start3A_129 = arith.constant 0 : i32
    %dma_start3A_130 = tpu.memref_slice %arg3[%dma_start3A_129, %mul3A_116] : memref<32x1000000xf32, #tpu.memory_space<hbm>> -> memref<32x128xf32, #tpu.memory_space<hbm>>
    tpu.enqueue_dma source(%dma_start3A_130 : memref<32x128xf32, #tpu.memory_space<hbm>>) target(%dma_start3A_128 : memref<32x128xf32, #tpu.memory_space<vmem>>) target_semaphore(%arg10 : memref<!tpu.dma_semaphore, #tpu.memory_space<semaphore_mem>>)
    %slice3A_131 = vector.extract_strided_slice %get3A_3 {offsets = [6], sizes = [1], strides = [1]} : vector<16xi32> to vector<1xi32>
    %squeeze3A_132 = vector.extract %slice3A_131[0] : i32 from vector<1xi32>
    %shift_right_arithmetic3A_133 = arith.constant 7 : i32
    %shift_right_arithmetic3A_134 = arith.shrsi %squeeze3A_132, %shift_right_arithmetic3A_133 : i32
    %min3A_135 = arith.constant 7811 : i32
    %min3A_136 = arith.minsi %shift_right_arithmetic3A_134, %min3A_135 : i32
    %mul3A_137 = arith.constant 128 : i32
    %mul3A_138 = arith.muli %min3A_136, %mul3A_137 : i32
    %dma_start3A_139 = arith.constant 0 : i32
    %dma_start3A_140 = arith.constant 6 : i32
    %dma_start3A_141 = arith.constant 0 : i32
    %dma_start3A_142 = arith.constant 0 : i32
    %dma_start3A_143 = tpu.memref_slice %arg7[%dma_start3A_139, %dma_start3A_140, %dma_start3A_141, %dma_start3A_142] : memref<2x8x32x128xf32, #tpu.memory_space<vmem>> -> memref<1x1x32x128xf32, #tpu.memory_space<vmem>>
    %dma_start3A_144 = tpu.memref_squeeze %dma_start3A_143 : memref<1x1x32x128xf32, #tpu.memory_space<vmem>> -> memref<32x128xf32, #tpu.memory_space<vmem>>
    %dma_start3A_145 = arith.constant 0 : i32
    %dma_start3A_146 = tpu.memref_slice %arg3[%dma_start3A_145, %mul3A_138] : memref<32x1000000xf32, #tpu.memory_space<hbm>> -> memref<32x128xf32, #tpu.memory_space<hbm>>
    %dma_start3A_147 = arith.constant 0 : i32
    %dma_start3A_148 = arith.constant 0 : i32
    %dma_start3A_149 = tpu.memref_slice %arg7[%dma_start3A_139, %dma_start3A_140, %dma_start3A_147, %dma_start3A_148] : memref<2x8x32x128xf32, #tpu.memory_space<vmem>> -> memref<1x1x32x128xf32, #tpu.memory_space<vmem>>
    %dma_start3A_150 = tpu.memref_squeeze %dma_start3A_149 : memref<1x1x32x128xf32, #tpu.memory_space<vmem>> -> memref<32x128xf32, #tpu.memory_space<vmem>>
    %dma_start3A_151 = arith.constant 0 : i32
    %dma_start3A_152 = tpu.memref_slice %arg3[%dma_start3A_151, %mul3A_138] : memref<32x1000000xf32, #tpu.memory_space<hbm>> -> memref<32x128xf32, #tpu.memory_space<hbm>>
    tpu.enqueue_dma source(%dma_start3A_152 : memref<32x128xf32, #tpu.memory_space<hbm>>) target(%dma_start3A_150 : memref<32x128xf32, #tpu.memory_space<vmem>>) target_semaphore(%arg10 : memref<!tpu.dma_semaphore, #tpu.memory_space<semaphore_mem>>)
    %slice3A_153 = vector.extract_strided_slice %get3A_3 {offsets = [7], sizes = [1], strides = [1]} : vector<16xi32> to vector<1xi32>
    %squeeze3A_154 = vector.extract %slice3A_153[0] : i32 from vector<1xi32>
    %shift_right_arithmetic3A_155 = arith.constant 7 : i32
    %shift_right_arithmetic3A_156 = arith.shrsi %squeeze3A_154, %shift_right_arithmetic3A_155 : i32
    %min3A_157 = arith.constant 7811 : i32
    %min3A_158 = arith.minsi %shift_right_arithmetic3A_156, %min3A_157 : i32
    %mul3A_159 = arith.constant 128 : i32
    %mul3A_160 = arith.muli %min3A_158, %mul3A_159 : i32
    %dma_start3A_161 = arith.constant 0 : i32
    %dma_start3A_162 = arith.constant 7 : i32
    %dma_start3A_163 = arith.constant 0 : i32
    %dma_start3A_164 = arith.constant 0 : i32
    %dma_start3A_165 = tpu.memref_slice %arg7[%dma_start3A_161, %dma_start3A_162, %dma_start3A_163, %dma_start3A_164] : memref<2x8x32x128xf32, #tpu.memory_space<vmem>> -> memref<1x1x32x128xf32, #tpu.memory_space<vmem>>
    %dma_start3A_166 = tpu.memref_squeeze %dma_start3A_165 : memref<1x1x32x128xf32, #tpu.memory_space<vmem>> -> memref<32x128xf32, #tpu.memory_space<vmem>>
    %dma_start3A_167 = arith.constant 0 : i32
    %dma_start3A_168 = tpu.memref_slice %arg3[%dma_start3A_167, %mul3A_160] : memref<32x1000000xf32, #tpu.memory_space<hbm>> -> memref<32x128xf32, #tpu.memory_space<hbm>>
    %dma_start3A_169 = arith.constant 0 : i32
    %dma_start3A_170 = arith.constant 0 : i32
    %dma_start3A_171 = tpu.memref_slice %arg7[%dma_start3A_161, %dma_start3A_162, %dma_start3A_169, %dma_start3A_170] : memref<2x8x32x128xf32, #tpu.memory_space<vmem>> -> memref<1x1x32x128xf32, #tpu.memory_space<vmem>>
    %dma_start3A_172 = tpu.memref_squeeze %dma_start3A_171 : memref<1x1x32x128xf32, #tpu.memory_space<vmem>> -> memref<32x128xf32, #tpu.memory_space<vmem>>
    %dma_start3A_173 = arith.constant 0 : i32
    %dma_start3A_174 = tpu.memref_slice %arg3[%dma_start3A_173, %mul3A_160] : memref<32x1000000xf32, #tpu.memory_space<hbm>> -> memref<32x128xf32, #tpu.memory_space<hbm>>
    tpu.enqueue_dma source(%dma_start3A_174 : memref<32x128xf32, #tpu.memory_space<hbm>>) target(%dma_start3A_172 : memref<32x128xf32, #tpu.memory_space<vmem>>) target_semaphore(%arg10 : memref<!tpu.dma_semaphore, #tpu.memory_space<semaphore_mem>>)
    %scan3A = arith.constant 0 : i32
    %scan3A_175 = arith.constant 0 : i32
    %scan3A_176 = arith.constant 26 : i32
    %scan3A_177 = arith.addi %scan3A_175, %scan3A_176 : i32
    %scan3A_178 = arith.constant 1 : i32
    scf.for %scan3A_209 = %scan3A_175 to %scan3A_177 step %scan3A_178  : i32 {
      %mul3A_210 = arith.constant 2 : i32
      %mul3A_211 = arith.muli %mul3A_210, %scan3A_209 : i32
      %dma_wait3A_212 = arith.constant 0 : i32
      %dma_wait3A_213 = arith.constant 0 : i32
      %dma_wait3A_214 = arith.constant 0 : i32
      %dma_wait3A_215 = arith.constant 0 : i32
      %dma_wait3A_216 = tpu.memref_slice %arg7[%dma_wait3A_212, %dma_wait3A_213, %dma_wait3A_214, %dma_wait3A_215] : memref<2x8x32x128xf32, #tpu.memory_space<vmem>> -> memref<1x1x32x128xf32, #tpu.memory_space<vmem>>
      %dma_wait3A_217 = tpu.memref_squeeze %dma_wait3A_216 : memref<1x1x32x128xf32, #tpu.memory_space<vmem>> -> memref<32x128xf32, #tpu.memory_space<vmem>>
      %dma_wait3A_218 = arith.constant 0 : i32
      %dma_wait3A_219 = arith.constant 0 : i32
      %dma_wait3A_220 = tpu.memref_slice %arg3[%dma_wait3A_218, %dma_wait3A_219] : memref<32x1000000xf32, #tpu.memory_space<hbm>> -> memref<32x128xf32, #tpu.memory_space<hbm>>
      %dma_wait3A_221 = arith.constant 0 : i32
      %dma_wait3A_222 = arith.constant 0 : i32
      %dma_wait3A_223 = tpu.memref_slice %arg7[%dma_wait3A_212, %dma_wait3A_213, %dma_wait3A_221, %dma_wait3A_222] : memref<2x8x32x128xf32, #tpu.memory_space<vmem>> -> memref<1x1x32x128xf32, #tpu.memory_space<vmem>>
      %dma_wait3A_224 = tpu.memref_squeeze %dma_wait3A_223 : memref<1x1x32x128xf32, #tpu.memory_space<vmem>> -> memref<32x128xf32, #tpu.memory_space<vmem>>
      %dma_wait3A_225 = arith.constant 0 : i32
      %dma_wait3A_226 = arith.constant 0 : i32
      %dma_wait3A_227 = tpu.memref_slice %arg3[%dma_wait3A_225, %dma_wait3A_226] : memref<32x1000000xf32, #tpu.memory_space<hbm>> -> memref<32x128xf32, #tpu.memory_space<hbm>>
      tpu.wait_dma2 semaphore(%arg10 : memref<!tpu.dma_semaphore, #tpu.memory_space<semaphore_mem>>) src(%dma_wait3A_227 : memref<32x128xf32, #tpu.memory_space<hbm>>) dst(%dma_wait3A_224 : memref<32x128xf32, #tpu.memory_space<vmem>>)
      %dma_wait3A_228 = arith.constant 0 : i32
      %dma_wait3A_229 = arith.constant 1 : i32
      %dma_wait3A_230 = arith.constant 0 : i32
      %dma_wait3A_231 = arith.constant 0 : i32
      %dma_wait3A_232 = tpu.memref_slice %arg7[%dma_wait3A_228, %dma_wait3A_229, %dma_wait3A_230, %dma_wait3A_231] : memref<2x8x32x128xf32, #tpu.memory_space<vmem>> -> memref<1x1x32x128xf32, #tpu.memory_space<vmem>>
      %dma_wait3A_233 = tpu.memref_squeeze %dma_wait3A_232 : memref<1x1x32x128xf32, #tpu.memory_space<vmem>> -> memref<32x128xf32, #tpu.memory_space<vmem>>
      %dma_wait3A_234 = arith.constant 0 : i32
      %dma_wait3A_235 = arith.constant 0 : i32
      %dma_wait3A_236 = tpu.memref_slice %arg3[%dma_wait3A_234, %dma_wait3A_235] : memref<32x1000000xf32, #tpu.memory_space<hbm>> -> memref<32x128xf32, #tpu.memory_space<hbm>>
      %dma_wait3A_237 = arith.constant 0 : i32
      %dma_wait3A_238 = arith.constant 0 : i32
      %dma_wait3A_239 = tpu.memref_slice %arg7[%dma_wait3A_228, %dma_wait3A_229, %dma_wait3A_237, %dma_wait3A_238] : memref<2x8x32x128xf32, #tpu.memory_space<vmem>> -> memref<1x1x32x128xf32, #tpu.memory_space<vmem>>
      %dma_wait3A_240 = tpu.memref_squeeze %dma_wait3A_239 : memref<1x1x32x128xf32, #tpu.memory_space<vmem>> -> memref<32x128xf32, #tpu.memory_space<vmem>>
      %dma_wait3A_241 = arith.constant 0 : i32
      %dma_wait3A_242 = arith.constant 0 : i32
      %dma_wait3A_243 = tpu.memref_slice %arg3[%dma_wait3A_241, %dma_wait3A_242] : memref<32x1000000xf32, #tpu.memory_space<hbm>> -> memref<32x128xf32, #tpu.memory_space<hbm>>
      tpu.wait_dma2 semaphore(%arg10 : memref<!tpu.dma_semaphore, #tpu.memory_space<semaphore_mem>>) src(%dma_wait3A_243 : memref<32x128xf32, #tpu.memory_space<hbm>>) dst(%dma_wait3A_240 : memref<32x128xf32, #tpu.memory_space<vmem>>)
      %dma_wait3A_244 = arith.constant 0 : i32
      %dma_wait3A_245 = arith.constant 2 : i32
      %dma_wait3A_246 = arith.constant 0 : i32
      %dma_wait3A_247 = arith.constant 0 : i32
      %dma_wait3A_248 = tpu.memref_slice %arg7[%dma_wait3A_244, %dma_wait3A_245, %dma_wait3A_246, %dma_wait3A_247] : memref<2x8x32x128xf32, #tpu.memory_space<vmem>> -> memref<1x1x32x128xf32, #tpu.memory_space<vmem>>
      %dma_wait3A_249 = tpu.memref_squeeze %dma_wait3A_248 : memref<1x1x32x128xf32, #tpu.memory_space<vmem>> -> memref<32x128xf32, #tpu.memory_space<vmem>>
      %dma_wait3A_250 = arith.constant 0 : i32
      %dma_wait3A_251 = arith.constant 0 : i32
      %dma_wait3A_252 = tpu.memref_slice %arg3[%dma_wait3A_250, %dma_wait3A_251] : memref<32x1000000xf32, #tpu.memory_space<hbm>> -> memref<32x128xf32, #tpu.memory_space<hbm>>
      %dma_wait3A_253 = arith.constant 0 : i32
      %dma_wait3A_254 = arith.constant 0 : i32
      %dma_wait3A_255 = tpu.memref_slice %arg7[%dma_wait3A_244, %dma_wait3A_245, %dma_wait3A_253, %dma_wait3A_254] : memref<2x8x32x128xf32, #tpu.memory_space<vmem>> -> memref<1x1x32x128xf32, #tpu.memory_space<vmem>>
      %dma_wait3A_256 = tpu.memref_squeeze %dma_wait3A_255 : memref<1x1x32x128xf32, #tpu.memory_space<vmem>> -> memref<32x128xf32, #tpu.memory_space<vmem>>
      %dma_wait3A_257 = arith.constant 0 : i32
      %dma_wait3A_258 = arith.constant 0 : i32
      %dma_wait3A_259 = tpu.memref_slice %arg3[%dma_wait3A_257, %dma_wait3A_258] : memref<32x1000000xf32, #tpu.memory_space<hbm>> -> memref<32x128xf32, #tpu.memory_space<hbm>>
      tpu.wait_dma2 semaphore(%arg10 : memref<!tpu.dma_semaphore, #tpu.memory_space<semaphore_mem>>) src(%dma_wait3A_259 : memref<32x128xf32, #tpu.memory_space<hbm>>) dst(%dma_wait3A_256 : memref<32x128xf32, #tpu.memory_space<vmem>>)
      %dma_wait3A_260 = arith.constant 0 : i32
      %dma_wait3A_261 = arith.constant 3 : i32
      %dma_wait3A_262 = arith.constant 0 : i32
      %dma_wait3A_263 = arith.constant 0 : i32
      %dma_wait3A_264 = tpu.memref_slice %arg7[%dma_wait3A_260, %dma_wait3A_261, %dma_wait3A_262, %dma_wait3A_263] : memref<2x8x32x128xf32, #tpu.memory_space<vmem>> -> memref<1x1x32x128xf32, #tpu.memory_space<vmem>>
      %dma_wait3A_265 = tpu.memref_squeeze %dma_wait3A_264 : memref<1x1x32x128xf32, #tpu.memory_space<vmem>> -> memref<32x128xf32, #tpu.memory_space<vmem>>
      %dma_wait3A_266 = arith.constant 0 : i32
      %dma_wait3A_267 = arith.constant 0 : i32
      %dma_wait3A_268 = tpu.memref_slice %arg3[%dma_wait3A_266, %dma_wait3A_267] : memref<32x1000000xf32, #tpu.memory_space<hbm>> -> memref<32x128xf32, #tpu.memory_space<hbm>>
      %dma_wait3A_269 = arith.constant 0 : i32
      %dma_wait3A_270 = arith.constant 0 : i32
      %dma_wait3A_271 = tpu.memref_slice %arg7[%dma_wait3A_260, %dma_wait3A_261, %dma_wait3A_269, %dma_wait3A_270] : memref<2x8x32x128xf32, #tpu.memory_space<vmem>> -> memref<1x1x32x128xf32, #tpu.memory_space<vmem>>
      %dma_wait3A_272 = tpu.memref_squeeze %dma_wait3A_271 : memref<1x1x32x128xf32, #tpu.memory_space<vmem>> -> memref<32x128xf32, #tpu.memory_space<vmem>>
      %dma_wait3A_273 = arith.constant 0 : i32
      %dma_wait3A_274 = arith.constant 0 : i32
      %dma_wait3A_275 = tpu.memref_slice %arg3[%dma_wait3A_273, %dma_wait3A_274] : memref<32x1000000xf32, #tpu.memory_space<hbm>> -> memref<32x128xf32, #tpu.memory_space<hbm>>
      tpu.wait_dma2 semaphore(%arg10 : memref<!tpu.dma_semaphore, #tpu.memory_space<semaphore_mem>>) src(%dma_wait3A_275 : memref<32x128xf32, #tpu.memory_space<hbm>>) dst(%dma_wait3A_272 : memref<32x128xf32, #tpu.memory_space<vmem>>)
      %dma_wait3A_276 = arith.constant 0 : i32
      %dma_wait3A_277 = arith.constant 4 : i32
      %dma_wait3A_278 = arith.constant 0 : i32
      %dma_wait3A_279 = arith.constant 0 : i32
      %dma_wait3A_280 = tpu.memref_slice %arg7[%dma_wait3A_276, %dma_wait3A_277, %dma_wait3A_278, %dma_wait3A_279] : memref<2x8x32x128xf32, #tpu.memory_space<vmem>> -> memref<1x1x32x128xf32, #tpu.memory_space<vmem>>
      %dma_wait3A_281 = tpu.memref_squeeze %dma_wait3A_280 : memref<1x1x32x128xf32, #tpu.memory_space<vmem>> -> memref<32x128xf32, #tpu.memory_space<vmem>>
      %dma_wait3A_282 = arith.constant 0 : i32
      %dma_wait3A_283 = arith.constant 0 : i32
      %dma_wait3A_284 = tpu.memref_slice %arg3[%dma_wait3A_282, %dma_wait3A_283] : memref<32x1000000xf32, #tpu.memory_space<hbm>> -> memref<32x128xf32, #tpu.memory_space<hbm>>
      %dma_wait3A_285 = arith.constant 0 : i32
      %dma_wait3A_286 = arith.constant 0 : i32
      %dma_wait3A_287 = tpu.memref_slice %arg7[%dma_wait3A_276, %dma_wait3A_277, %dma_wait3A_285, %dma_wait3A_286] : memref<2x8x32x128xf32, #tpu.memory_space<vmem>> -> memref<1x1x32x128xf32, #tpu.memory_space<vmem>>
      %dma_wait3A_288 = tpu.memref_squeeze %dma_wait3A_287 : memref<1x1x32x128xf32, #tpu.memory_space<vmem>> -> memref<32x128xf32, #tpu.memory_space<vmem>>
      %dma_wait3A_289 = arith.constant 0 : i32
      %dma_wait3A_290 = arith.constant 0 : i32
      %dma_wait3A_291 = tpu.memref_slice %arg3[%dma_wait3A_289, %dma_wait3A_290] : memref<32x1000000xf32, #tpu.memory_space<hbm>> -> memref<32x128xf32, #tpu.memory_space<hbm>>
      tpu.wait_dma2 semaphore(%arg10 : memref<!tpu.dma_semaphore, #tpu.memory_space<semaphore_mem>>) src(%dma_wait3A_291 : memref<32x128xf32, #tpu.memory_space<hbm>>) dst(%dma_wait3A_288 : memref<32x128xf32, #tpu.memory_space<vmem>>)
      %dma_wait3A_292 = arith.constant 0 : i32
      %dma_wait3A_293 = arith.constant 5 : i32
      %dma_wait3A_294 = arith.constant 0 : i32
      %dma_wait3A_295 = arith.constant 0 : i32
      %dma_wait3A_296 = tpu.memref_slice %arg7[%dma_wait3A_292, %dma_wait3A_293, %dma_wait3A_294, %dma_wait3A_295] : memref<2x8x32x128xf32, #tpu.memory_space<vmem>> -> memref<1x1x32x128xf32, #tpu.memory_space<vmem>>
      %dma_wait3A_297 = tpu.memref_squeeze %dma_wait3A_296 : memref<1x1x32x128xf32, #tpu.memory_space<vmem>> -> memref<32x128xf32, #tpu.memory_space<vmem>>
      %dma_wait3A_298 = arith.constant 0 : i32
      %dma_wait3A_299 = arith.constant 0 : i32
      %dma_wait3A_300 = tpu.memref_slice %arg3[%dma_wait3A_298, %dma_wait3A_299] : memref<32x1000000xf32, #tpu.memory_space<hbm>> -> memref<32x128xf32, #tpu.memory_space<hbm>>
      %dma_wait3A_301 = arith.constant 0 : i32
      %dma_wait3A_302 = arith.constant 0 : i32
      %dma_wait3A_303 = tpu.memref_slice %arg7[%dma_wait3A_292, %dma_wait3A_293, %dma_wait3A_301, %dma_wait3A_302] : memref<2x8x32x128xf32, #tpu.memory_space<vmem>> -> memref<1x1x32x128xf32, #tpu.memory_space<vmem>>
      %dma_wait3A_304 = tpu.memref_squeeze %dma_wait3A_303 : memref<1x1x32x128xf32, #tpu.memory_space<vmem>> -> memref<32x128xf32, #tpu.memory_space<vmem>>
      %dma_wait3A_305 = arith.constant 0 : i32
      %dma_wait3A_306 = arith.constant 0 : i32
      %dma_wait3A_307 = tpu.memref_slice %arg3[%dma_wait3A_305, %dma_wait3A_306] : memref<32x1000000xf32, #tpu.memory_space<hbm>> -> memref<32x128xf32, #tpu.memory_space<hbm>>
      tpu.wait_dma2 semaphore(%arg10 : memref<!tpu.dma_semaphore, #tpu.memory_space<semaphore_mem>>) src(%dma_wait3A_307 : memref<32x128xf32, #tpu.memory_space<hbm>>) dst(%dma_wait3A_304 : memref<32x128xf32, #tpu.memory_space<vmem>>)
      %dma_wait3A_308 = arith.constant 0 : i32
      %dma_wait3A_309 = arith.constant 6 : i32
      %dma_wait3A_310 = arith.constant 0 : i32
      %dma_wait3A_311 = arith.constant 0 : i32
      %dma_wait3A_312 = tpu.memref_slice %arg7[%dma_wait3A_308, %dma_wait3A_309, %dma_wait3A_310, %dma_wait3A_311] : memref<2x8x32x128xf32, #tpu.memory_space<vmem>> -> memref<1x1x32x128xf32, #tpu.memory_space<vmem>>
      %dma_wait3A_313 = tpu.memref_squeeze %dma_wait3A_312 : memref<1x1x32x128xf32, #tpu.memory_space<vmem>> -> memref<32x128xf32, #tpu.memory_space<vmem>>
      %dma_wait3A_314 = arith.constant 0 : i32
      %dma_wait3A_315 = arith.constant 0 : i32
      %dma_wait3A_316 = tpu.memref_slice %arg3[%dma_wait3A_314, %dma_wait3A_315] : memref<32x1000000xf32, #tpu.memory_space<hbm>> -> memref<32x128xf32, #tpu.memory_space<hbm>>
      %dma_wait3A_317 = arith.constant 0 : i32
      %dma_wait3A_318 = arith.constant 0 : i32
      %dma_wait3A_319 = tpu.memref_slice %arg7[%dma_wait3A_308, %dma_wait3A_309, %dma_wait3A_317, %dma_wait3A_318] : memref<2x8x32x128xf32, #tpu.memory_space<vmem>> -> memref<1x1x32x128xf32, #tpu.memory_space<vmem>>
      %dma_wait3A_320 = tpu.memref_squeeze %dma_wait3A_319 : memref<1x1x32x128xf32, #tpu.memory_space<vmem>> -> memref<32x128xf32, #tpu.memory_space<vmem>>
      %dma_wait3A_321 = arith.constant 0 : i32
      %dma_wait3A_322 = arith.constant 0 : i32
      %dma_wait3A_323 = tpu.memref_slice %arg3[%dma_wait3A_321, %dma_wait3A_322] : memref<32x1000000xf32, #tpu.memory_space<hbm>> -> memref<32x128xf32, #tpu.memory_space<hbm>>
      tpu.wait_dma2 semaphore(%arg10 : memref<!tpu.dma_semaphore, #tpu.memory_space<semaphore_mem>>) src(%dma_wait3A_323 : memref<32x128xf32, #tpu.memory_space<hbm>>) dst(%dma_wait3A_320 : memref<32x128xf32, #tpu.memory_space<vmem>>)
      %dma_wait3A_324 = arith.constant 0 : i32
      %dma_wait3A_325 = arith.constant 7 : i32
      %dma_wait3A_326 = arith.constant 0 : i32
      %dma_wait3A_327 = arith.constant 0 : i32
      %dma_wait3A_328 = tpu.memref_slice %arg7[%dma_wait3A_324, %dma_wait3A_325, %dma_wait3A_326, %dma_wait3A_327] : memref<2x8x32x128xf32, #tpu.memory_space<vmem>> -> memref<1x1x32x128xf32, #tpu.memory_space<vmem>>
      %dma_wait3A_329 = tpu.memref_squeeze %dma_wait3A_328 : memref<1x1x32x128xf32, #tpu.memory_space<vmem>> -> memref<32x128xf32, #tpu.memory_space<vmem>>
      %dma_wait3A_330 = arith.constant 0 : i32
      %dma_wait3A_331 = arith.constant 0 : i32
      %dma_wait3A_332 = tpu.memref_slice %arg3[%dma_wait3A_330, %dma_wait3A_331] : memref<32x1000000xf32, #tpu.memory_space<hbm>> -> memref<32x128xf32, #tpu.memory_space<hbm>>
      %dma_wait3A_333 = arith.constant 0 : i32
      %dma_wait3A_334 = arith.constant 0 : i32
      %dma_wait3A_335 = tpu.memref_slice %arg7[%dma_wait3A_324, %dma_wait3A_325, %dma_wait3A_333, %dma_wait3A_334] : memref<2x8x32x128xf32, #tpu.memory_space<vmem>> -> memref<1x1x32x128xf32, #tpu.memory_space<vmem>>
      %dma_wait3A_336 = tpu.memref_squeeze %dma_wait3A_335 : memref<1x1x32x128xf32, #tpu.memory_space<vmem>> -> memref<32x128xf32, #tpu.memory_space<vmem>>
      %dma_wait3A_337 = arith.constant 0 : i32
      %dma_wait3A_338 = arith.constant 0 : i32
      %dma_wait3A_339 = tpu.memref_slice %arg3[%dma_wait3A_337, %dma_wait3A_338] : memref<32x1000000xf32, #tpu.memory_space<hbm>> -> memref<32x128xf32, #tpu.memory_space<hbm>>
      tpu.wait_dma2 semaphore(%arg10 : memref<!tpu.dma_semaphore, #tpu.memory_space<semaphore_mem>>) src(%dma_wait3A_339 : memref<32x128xf32, #tpu.memory_space<hbm>>) dst(%dma_wait3A_336 : memref<32x128xf32, #tpu.memory_space<vmem>>)
      %add3A_340 = arith.constant 1 : i32
      %add3A_341 = arith.addi %mul3A_211, %add3A_340 : i32
      %mul3A_342 = arith.constant 8 : i32
      %mul3A_343 = arith.muli %add3A_341, %mul3A_342 : i32
      %get3A_344 = arith.index_cast %mul3A_343 : i32 to index
      %get3A_345 = tpu.vector_load %arg6[%get3A_344] {strides = array<i32>} : memref<432xi32, #tpu.memory_space<vmem>>, vector<16xi32>,
      %slice3A_346 = vector.extract_strided_slice %get3A_345 {offsets = [0], sizes = [1], strides = [1]} : vector<16xi32> to vector<1xi32>
      %squeeze3A_347 = vector.extract %slice3A_346[0] : i32 from vector<1xi32>
      %shift_right_arithmetic3A_348 = arith.constant 7 : i32
      %shift_right_arithmetic3A_349 = arith.shrsi %squeeze3A_347, %shift_right_arithmetic3A_348 : i32
      %min3A_350 = arith.constant 7811 : i32
      %min3A_351 = arith.minsi %shift_right_arithmetic3A_349, %min3A_350 : i32
      %mul3A_352 = arith.constant 128 : i32
      %mul3A_353 = arith.muli %min3A_351, %mul3A_352 : i32
      %dma_start3A_354 = arith.constant 1 : i32
      %dma_start3A_355 = arith.constant 0 : i32
      %dma_start3A_356 = arith.constant 0 : i32
      %dma_start3A_357 = arith.constant 0 : i32
      %dma_start3A_358 = tpu.memref_slice %arg7[%dma_start3A_354, %dma_start3A_355, %dma_start3A_356, %dma_start3A_357] : memref<2x8x32x128xf32, #tpu.memory_space<vmem>> -> memref<1x1x32x128xf32, #tpu.memory_space<vmem>>
      %dma_start3A_359 = tpu.memref_squeeze %dma_start3A_358 : memref<1x1x32x128xf32, #tpu.memory_space<vmem>> -> memref<32x128xf32, #tpu.memory_space<vmem>>
      %dma_start3A_360 = arith.constant 0 : i32
      %dma_start3A_361 = tpu.memref_slice %arg3[%dma_start3A_360, %mul3A_353] : memref<32x1000000xf32, #tpu.memory_space<hbm>> -> memref<32x128xf32, #tpu.memory_space<hbm>>
      %dma_start3A_362 = arith.constant 0 : i32
      %dma_start3A_363 = arith.constant 0 : i32
      %dma_start3A_364 = tpu.memref_slice %arg7[%dma_start3A_354, %dma_start3A_355, %dma_start3A_362, %dma_start3A_363] : memref<2x8x32x128xf32, #tpu.memory_space<vmem>> -> memref<1x1x32x128xf32, #tpu.memory_space<vmem>>
      %dma_start3A_365 = tpu.memref_squeeze %dma_start3A_364 : memref<1x1x32x128xf32, #tpu.memory_space<vmem>> -> memref<32x128xf32, #tpu.memory_space<vmem>>
      %dma_start3A_366 = arith.constant 0 : i32
      %dma_start3A_367 = tpu.memref_slice %arg3[%dma_start3A_366, %mul3A_353] : memref<32x1000000xf32, #tpu.memory_space<hbm>> -> memref<32x128xf32, #tpu.memory_space<hbm>>
      tpu.enqueue_dma source(%dma_start3A_367 : memref<32x128xf32, #tpu.memory_space<hbm>>) target(%dma_start3A_365 : memref<32x128xf32, #tpu.memory_space<vmem>>) target_semaphore(%arg10 : memref<!tpu.dma_semaphore, #tpu.memory_space<semaphore_mem>>)
      %slice3A_368 = vector.extract_strided_slice %get3A_345 {offsets = [1], sizes = [1], strides = [1]} : vector<16xi32> to vector<1xi32>
      %squeeze3A_369 = vector.extract %slice3A_368[0] : i32 from vector<1xi32>
      %shift_right_arithmetic3A_370 = arith.constant 7 : i32
      %shift_right_arithmetic3A_371 = arith.shrsi %squeeze3A_369, %shift_right_arithmetic3A_370 : i32
      %min3A_372 = arith.constant 7811 : i32
      %min3A_373 = arith.minsi %shift_right_arithmetic3A_371, %min3A_372 : i32
      %mul3A_374 = arith.constant 128 : i32
      %mul3A_375 = arith.muli %min3A_373, %mul3A_374 : i32
      %dma_start3A_376 = arith.constant 1 : i32
      %dma_start3A_377 = arith.constant 1 : i32
      %dma_start3A_378 = arith.constant 0 : i32
      %dma_start3A_379 = arith.constant 0 : i32
      %dma_start3A_380 = tpu.memref_slice %arg7[%dma_start3A_376, %dma_start3A_377, %dma_start3A_378, %dma_start3A_379] : memref<2x8x32x128xf32, #tpu.memory_space<vmem>> -> memref<1x1x32x128xf32, #tpu.memory_space<vmem>>
      %dma_start3A_381 = tpu.memref_squeeze %dma_start3A_380 : memref<1x1x32x128xf32, #tpu.memory_space<vmem>> -> memref<32x128xf32, #tpu.memory_space<vmem>>
      %dma_start3A_382 = arith.constant 0 : i32
      %dma_start3A_383 = tpu.memref_slice %arg3[%dma_start3A_382, %mul3A_375] : memref<32x1000000xf32, #tpu.memory_space<hbm>> -> memref<32x128xf32, #tpu.memory_space<hbm>>
      %dma_start3A_384 = arith.constant 0 : i32
      %dma_start3A_385 = arith.constant 0 : i32
      %dma_start3A_386 = tpu.memref_slice %arg7[%dma_start3A_376, %dma_start3A_377, %dma_start3A_384, %dma_start3A_385] : memref<2x8x32x128xf32, #tpu.memory_space<vmem>> -> memref<1x1x32x128xf32, #tpu.memory_space<vmem>>
      %dma_start3A_387 = tpu.memref_squeeze %dma_start3A_386 : memref<1x1x32x128xf32, #tpu.memory_space<vmem>> -> memref<32x128xf32, #tpu.memory_space<vmem>>
      %dma_start3A_388 = arith.constant 0 : i32
      %dma_start3A_389 = tpu.memref_slice %arg3[%dma_start3A_388, %mul3A_375] : memref<32x1000000xf32, #tpu.memory_space<hbm>> -> memref<32x128xf32, #tpu.memory_space<hbm>>
      tpu.enqueue_dma source(%dma_start3A_389 : memref<32x128xf32, #tpu.memory_space<hbm>>) target(%dma_start3A_387 : memref<32x128xf32, #tpu.memory_space<vmem>>) target_semaphore(%arg10 : memref<!tpu.dma_semaphore, #tpu.memory_space<semaphore_mem>>)
      %slice3A_390 = vector.extract_strided_slice %get3A_345 {offsets = [2], sizes = [1], strides = [1]} : vector<16xi32> to vector<1xi32>
      %squeeze3A_391 = vector.extract %slice3A_390[0] : i32 from vector<1xi32>
      %shift_right_arithmetic3A_392 = arith.constant 7 : i32
      %shift_right_arithmetic3A_393 = arith.shrsi %squeeze3A_391, %shift_right_arithmetic3A_392 : i32
      %min3A_394 = arith.constant 7811 : i32
      %min3A_395 = arith.minsi %shift_right_arithmetic3A_393, %min3A_394 : i32
      %mul3A_396 = arith.constant 128 : i32
      %mul3A_397 = arith.muli %min3A_395, %mul3A_396 : i32
      %dma_start3A_398 = arith.constant 1 : i32
      %dma_start3A_399 = arith.constant 2 : i32
      %dma_start3A_400 = arith.constant 0 : i32
      %dma_start3A_401 = arith.constant 0 : i32
      %dma_start3A_402 = tpu.memref_slice %arg7[%dma_start3A_398, %dma_start3A_399, %dma_start3A_400, %dma_start3A_401] : memref<2x8x32x128xf32, #tpu.memory_space<vmem>> -> memref<1x1x32x128xf32, #tpu.memory_space<vmem>>
      %dma_start3A_403 = tpu.memref_squeeze %dma_start3A_402 : memref<1x1x32x128xf32, #tpu.memory_space<vmem>> -> memref<32x128xf32, #tpu.memory_space<vmem>>
      %dma_start3A_404 = arith.constant 0 : i32
      %dma_start3A_405 = tpu.memref_slice %arg3[%dma_start3A_404, %mul3A_397] : memref<32x1000000xf32, #tpu.memory_space<hbm>> -> memref<32x128xf32, #tpu.memory_space<hbm>>
      %dma_start3A_406 = arith.constant 0 : i32
      %dma_start3A_407 = arith.constant 0 : i32
      %dma_start3A_408 = tpu.memref_slice %arg7[%dma_start3A_398, %dma_start3A_399, %dma_start3A_406, %dma_start3A_407] : memref<2x8x32x128xf32, #tpu.memory_space<vmem>> -> memref<1x1x32x128xf32, #tpu.memory_space<vmem>>
      %dma_start3A_409 = tpu.memref_squeeze %dma_start3A_408 : memref<1x1x32x128xf32, #tpu.memory_space<vmem>> -> memref<32x128xf32, #tpu.memory_space<vmem>>
      %dma_start3A_410 = arith.constant 0 : i32
      %dma_start3A_411 = tpu.memref_slice %arg3[%dma_start3A_410, %mul3A_397] : memref<32x1000000xf32, #tpu.memory_space<hbm>> -> memref<32x128xf32, #tpu.memory_space<hbm>>
      tpu.enqueue_dma source(%dma_start3A_411 : memref<32x128xf32, #tpu.memory_space<hbm>>) target(%dma_start3A_409 : memref<32x128xf32, #tpu.memory_space<vmem>>) target_semaphore(%arg10 : memref<!tpu.dma_semaphore, #tpu.memory_space<semaphore_mem>>)
      %slice3A_412 = vector.extract_strided_slice %get3A_345 {offsets = [3], sizes = [1], strides = [1]} : vector<16xi32> to vector<1xi32>
      %squeeze3A_413 = vector.extract %slice3A_412[0] : i32 from vector<1xi32>
      %shift_right_arithmetic3A_414 = arith.constant 7 : i32
      %shift_right_arithmetic3A_415 = arith.shrsi %squeeze3A_413, %shift_right_arithmetic3A_414 : i32
      %min3A_416 = arith.constant 7811 : i32
      %min3A_417 = arith.minsi %shift_right_arithmetic3A_415, %min3A_416 : i32
      %mul3A_418 = arith.constant 128 : i32
      %mul3A_419 = arith.muli %min3A_417, %mul3A_418 : i32
      %dma_start3A_420 = arith.constant 1 : i32
      %dma_start3A_421 = arith.constant 3 : i32
      %dma_start3A_422 = arith.constant 0 : i32
      %dma_start3A_423 = arith.constant 0 : i32
      %dma_start3A_424 = tpu.memref_slice %arg7[%dma_start3A_420, %dma_start3A_421, %dma_start3A_422, %dma_start3A_423] : memref<2x8x32x128xf32, #tpu.memory_space<vmem>> -> memref<1x1x32x128xf32, #tpu.memory_space<vmem>>
      %dma_start3A_425 = tpu.memref_squeeze %dma_start3A_424 : memref<1x1x32x128xf32, #tpu.memory_space<vmem>> -> memref<32x128xf32, #tpu.memory_space<vmem>>
      %dma_start3A_426 = arith.constant 0 : i32
      %dma_start3A_427 = tpu.memref_slice %arg3[%dma_start3A_426, %mul3A_419] : memref<32x1000000xf32, #tpu.memory_space<hbm>> -> memref<32x128xf32, #tpu.memory_space<hbm>>
      %dma_start3A_428 = arith.constant 0 : i32
      %dma_start3A_429 = arith.constant 0 : i32
      %dma_start3A_430 = tpu.memref_slice %arg7[%dma_start3A_420, %dma_start3A_421, %dma_start3A_428, %dma_start3A_429] : memref<2x8x32x128xf32, #tpu.memory_space<vmem>> -> memref<1x1x32x128xf32, #tpu.memory_space<vmem>>
      %dma_start3A_431 = tpu.memref_squeeze %dma_start3A_430 : memref<1x1x32x128xf32, #tpu.memory_space<vmem>> -> memref<32x128xf32, #tpu.memory_space<vmem>>
      %dma_start3A_432 = arith.constant 0 : i32
      %dma_start3A_433 = tpu.memref_slice %arg3[%dma_start3A_432, %mul3A_419] : memref<32x1000000xf32, #tpu.memory_space<hbm>> -> memref<32x128xf32, #tpu.memory_space<hbm>>
      tpu.enqueue_dma source(%dma_start3A_433 : memref<32x128xf32, #tpu.memory_space<hbm>>) target(%dma_start3A_431 : memref<32x128xf32, #tpu.memory_space<vmem>>) target_semaphore(%arg10 : memref<!tpu.dma_semaphore, #tpu.memory_space<semaphore_mem>>)
      %slice3A_434 = vector.extract_strided_slice %get3A_345 {offsets = [4], sizes = [1], strides = [1]} : vector<16xi32> to vector<1xi32>
      %squeeze3A_435 = vector.extract %slice3A_434[0] : i32 from vector<1xi32>
      %shift_right_arithmetic3A_436 = arith.constant 7 : i32
      %shift_right_arithmetic3A_437 = arith.shrsi %squeeze3A_435, %shift_right_arithmetic3A_436 : i32
      %min3A_438 = arith.constant 7811 : i32
      %min3A_439 = arith.minsi %shift_right_arithmetic3A_437, %min3A_438 : i32
      %mul3A_440 = arith.constant 128 : i32
      %mul3A_441 = arith.muli %min3A_439, %mul3A_440 : i32
      %dma_start3A_442 = arith.constant 1 : i32
      %dma_start3A_443 = arith.constant 4 : i32
      %dma_start3A_444 = arith.constant 0 : i32
      %dma_start3A_445 = arith.constant 0 : i32
      %dma_start3A_446 = tpu.memref_slice %arg7[%dma_start3A_442, %dma_start3A_443, %dma_start3A_444, %dma_start3A_445] : memref<2x8x32x128xf32, #tpu.memory_space<vmem>> -> memref<1x1x32x128xf32, #tpu.memory_space<vmem>>
      %dma_start3A_447 = tpu.memref_squeeze %dma_start3A_446 : memref<1x1x32x128xf32, #tpu.memory_space<vmem>> -> memref<32x128xf32, #tpu.memory_space<vmem>>
      %dma_start3A_448 = arith.constant 0 : i32
      %dma_start3A_449 = tpu.memref_slice %arg3[%dma_start3A_448, %mul3A_441] : memref<32x1000000xf32, #tpu.memory_space<hbm>> -> memref<32x128xf32, #tpu.memory_space<hbm>>
      %dma_start3A_450 = arith.constant 0 : i32
      %dma_start3A_451 = arith.constant 0 : i32
      %dma_start3A_452 = tpu.memref_slice %arg7[%dma_start3A_442, %dma_start3A_443, %dma_start3A_450, %dma_start3A_451] : memref<2x8x32x128xf32, #tpu.memory_space<vmem>> -> memref<1x1x32x128xf32, #tpu.memory_space<vmem>>
      %dma_start3A_453 = tpu.memref_squeeze %dma_start3A_452 : memref<1x1x32x128xf32, #tpu.memory_space<vmem>> -> memref<32x128xf32, #tpu.memory_space<vmem>>
      %dma_start3A_454 = arith.constant 0 : i32
      %dma_start3A_455 = tpu.memref_slice %arg3[%dma_start3A_454, %mul3A_441] : memref<32x1000000xf32, #tpu.memory_space<hbm>> -> memref<32x128xf32, #tpu.memory_space<hbm>>
      tpu.enqueue_dma source(%dma_start3A_455 : memref<32x128xf32, #tpu.memory_space<hbm>>) target(%dma_start3A_453 : memref<32x128xf32, #tpu.memory_space<vmem>>) target_semaphore(%arg10 : memref<!tpu.dma_semaphore, #tpu.memory_space<semaphore_mem>>)
      %slice3A_456 = vector.extract_strided_slice %get3A_345 {offsets = [5], sizes = [1], strides = [1]} : vector<16xi32> to vector<1xi32>
      %squeeze3A_457 = vector.extract %slice3A_456[0] : i32 from vector<1xi32>
      %shift_right_arithmetic3A_458 = arith.constant 7 : i32
      %shift_right_arithmetic3A_459 = arith.shrsi %squeeze3A_457, %shift_right_arithmetic3A_458 : i32
      %min3A_460 = arith.constant 7811 : i32
      %min3A_461 = arith.minsi %shift_right_arithmetic3A_459, %min3A_460 : i32
      %mul3A_462 = arith.constant 128 : i32
      %mul3A_463 = arith.muli %min3A_461, %mul3A_462 : i32
      %dma_start3A_464 = arith.constant 1 : i32
      %dma_start3A_465 = arith.constant 5 : i32
      %dma_start3A_466 = arith.constant 0 : i32
      %dma_start3A_467 = arith.constant 0 : i32
      %dma_start3A_468 = tpu.memref_slice %arg7[%dma_start3A_464, %dma_start3A_465, %dma_start3A_466, %dma_start3A_467] : memref<2x8x32x128xf32, #tpu.memory_space<vmem>> -> memref<1x1x32x128xf32, #tpu.memory_space<vmem>>
      %dma_start3A_469 = tpu.memref_squeeze %dma_start3A_468 : memref<1x1x32x128xf32, #tpu.memory_space<vmem>> -> memref<32x128xf32, #tpu.memory_space<vmem>>
      %dma_start3A_470 = arith.constant 0 : i32
      %dma_start3A_471 = tpu.memref_slice %arg3[%dma_start3A_470, %mul3A_463] : memref<32x1000000xf32, #tpu.memory_space<hbm>> -> memref<32x128xf32, #tpu.memory_space<hbm>>
      %dma_start3A_472 = arith.constant 0 : i32
      %dma_start3A_473 = arith.constant 0 : i32
      %dma_start3A_474 = tpu.memref_slice %arg7[%dma_start3A_464, %dma_start3A_465, %dma_start3A_472, %dma_start3A_473] : memref<2x8x32x128xf32, #tpu.memory_space<vmem>> -> memref<1x1x32x128xf32, #tpu.memory_space<vmem>>
      %dma_start3A_475 = tpu.memref_squeeze %dma_start3A_474 : memref<1x1x32x128xf32, #tpu.memory_space<vmem>> -> memref<32x128xf32, #tpu.memory_space<vmem>>
      %dma_start3A_476 = arith.constant 0 : i32
      %dma_start3A_477 = tpu.memref_slice %arg3[%dma_start3A_476, %mul3A_463] : memref<32x1000000xf32, #tpu.memory_space<hbm>> -> memref<32x128xf32, #tpu.memory_space<hbm>>
      tpu.enqueue_dma source(%dma_start3A_477 : memref<32x128xf32, #tpu.memory_space<hbm>>) target(%dma_start3A_475 : memref<32x128xf32, #tpu.memory_space<vmem>>) target_semaphore(%arg10 : memref<!tpu.dma_semaphore, #tpu.memory_space<semaphore_mem>>)
      %slice3A_478 = vector.extract_strided_slice %get3A_345 {offsets = [6], sizes = [1], strides = [1]} : vector<16xi32> to vector<1xi32>
      %squeeze3A_479 = vector.extract %slice3A_478[0] : i32 from vector<1xi32>
      %shift_right_arithmetic3A_480 = arith.constant 7 : i32
      %shift_right_arithmetic3A_481 = arith.shrsi %squeeze3A_479, %shift_right_arithmetic3A_480 : i32
      %min3A_482 = arith.constant 7811 : i32
      %min3A_483 = arith.minsi %shift_right_arithmetic3A_481, %min3A_482 : i32
      %mul3A_484 = arith.constant 128 : i32
      %mul3A_485 = arith.muli %min3A_483, %mul3A_484 : i32
      %dma_start3A_486 = arith.constant 1 : i32
      %dma_start3A_487 = arith.constant 6 : i32
      %dma_start3A_488 = arith.constant 0 : i32
      %dma_start3A_489 = arith.constant 0 : i32
      %dma_start3A_490 = tpu.memref_slice %arg7[%dma_start3A_486, %dma_start3A_487, %dma_start3A_488, %dma_start3A_489] : memref<2x8x32x128xf32, #tpu.memory_space<vmem>> -> memref<1x1x32x128xf32, #tpu.memory_space<vmem>>
      %dma_start3A_491 = tpu.memref_squeeze %dma_start3A_490 : memref<1x1x32x128xf32, #tpu.memory_space<vmem>> -> memref<32x128xf32, #tpu.memory_space<vmem>>
      %dma_start3A_492 = arith.constant 0 : i32
      %dma_start3A_493 = tpu.memref_slice %arg3[%dma_start3A_492, %mul3A_485] : memref<32x1000000xf32, #tpu.memory_space<hbm>> -> memref<32x128xf32, #tpu.memory_space<hbm>>
      %dma_start3A_494 = arith.constant 0 : i32
      %dma_start3A_495 = arith.constant 0 : i32
      %dma_start3A_496 = tpu.memref_slice %arg7[%dma_start3A_486, %dma_start3A_487, %dma_start3A_494, %dma_start3A_495] : memref<2x8x32x128xf32, #tpu.memory_space<vmem>> -> memref<1x1x32x128xf32, #tpu.memory_space<vmem>>
      %dma_start3A_497 = tpu.memref_squeeze %dma_start3A_496 : memref<1x1x32x128xf32, #tpu.memory_space<vmem>> -> memref<32x128xf32, #tpu.memory_space<vmem>>
      %dma_start3A_498 = arith.constant 0 : i32
      %dma_start3A_499 = tpu.memref_slice %arg3[%dma_start3A_498, %mul3A_485] : memref<32x1000000xf32, #tpu.memory_space<hbm>> -> memref<32x128xf32, #tpu.memory_space<hbm>>
      tpu.enqueue_dma source(%dma_start3A_499 : memref<32x128xf32, #tpu.memory_space<hbm>>) target(%dma_start3A_497 : memref<32x128xf32, #tpu.memory_space<vmem>>) target_semaphore(%arg10 : memref<!tpu.dma_semaphore, #tpu.memory_space<semaphore_mem>>)
      %slice3A_500 = vector.extract_strided_slice %get3A_345 {offsets = [7], sizes = [1], strides = [1]} : vector<16xi32> to vector<1xi32>
      %squeeze3A_501 = vector.extract %slice3A_500[0] : i32 from vector<1xi32>
      %shift_right_arithmetic3A_502 = arith.constant 7 : i32
      %shift_right_arithmetic3A_503 = arith.shrsi %squeeze3A_501, %shift_right_arithmetic3A_502 : i32
      %min3A_504 = arith.constant 7811 : i32
      %min3A_505 = arith.minsi %shift_right_arithmetic3A_503, %min3A_504 : i32
      %mul3A_506 = arith.constant 128 : i32
      %mul3A_507 = arith.muli %min3A_505, %mul3A_506 : i32
      %dma_start3A_508 = arith.constant 1 : i32
      %dma_start3A_509 = arith.constant 7 : i32
      %dma_start3A_510 = arith.constant 0 : i32
      %dma_start3A_511 = arith.constant 0 : i32
      %dma_start3A_512 = tpu.memref_slice %arg7[%dma_start3A_508, %dma_start3A_509, %dma_start3A_510, %dma_start3A_511] : memref<2x8x32x128xf32, #tpu.memory_space<vmem>> -> memref<1x1x32x128xf32, #tpu.memory_space<vmem>>
      %dma_start3A_513 = tpu.memref_squeeze %dma_start3A_512 : memref<1x1x32x128xf32, #tpu.memory_space<vmem>> -> memref<32x128xf32, #tpu.memory_space<vmem>>
      %dma_start3A_514 = arith.constant 0 : i32
      %dma_start3A_515 = tpu.memref_slice %arg3[%dma_start3A_514, %mul3A_507] : memref<32x1000000xf32, #tpu.memory_space<hbm>> -> memref<32x128xf32, #tpu.memory_space<hbm>>
      %dma_start3A_516 = arith.constant 0 : i32
      %dma_start3A_517 = arith.constant 0 : i32
      %dma_start3A_518 = tpu.memref_slice %arg7[%dma_start3A_508, %dma_start3A_509, %dma_start3A_516, %dma_start3A_517] : memref<2x8x32x128xf32, #tpu.memory_space<vmem>> -> memref<1x1x32x128xf32, #tpu.memory_space<vmem>>
      %dma_start3A_519 = tpu.memref_squeeze %dma_start3A_518 : memref<1x1x32x128xf32, #tpu.memory_space<vmem>> -> memref<32x128xf32, #tpu.memory_space<vmem>>
      %dma_start3A_520 = arith.constant 0 : i32
      %dma_start3A_521 = tpu.memref_slice %arg3[%dma_start3A_520, %mul3A_507] : memref<32x1000000xf32, #tpu.memory_space<hbm>> -> memref<32x128xf32, #tpu.memory_space<hbm>>
      tpu.enqueue_dma source(%dma_start3A_521 : memref<32x128xf32, #tpu.memory_space<hbm>>) target(%dma_start3A_519 : memref<32x128xf32, #tpu.memory_space<vmem>>) target_semaphore(%arg10 : memref<!tpu.dma_semaphore, #tpu.memory_space<semaphore_mem>>)
      %gt3A = arith.constant 0 : i32
      %gt3A_522 = arith.cmpi sgt, %scan3A_209, %gt3A : i32
      %convert_element_type3A = arith.extui %gt3A_522 : i1 to i32
      %cond3A = arith.constant 0 : i32
      %cond3A_523 = arith.cmpi ne, %convert_element_type3A, %cond3A : i32
      scf.if %cond3A_523 {
        %dma_wait3A_1596 = arith.constant 0 : i32
        %dma_wait3A_1597 = arith.constant 0 : i32
        %dma_wait3A_1598 = arith.constant 0 : i32
        %dma_wait3A_1599 = tpu.memref_slice %arg8[%dma_wait3A_1596, %dma_wait3A_1597, %dma_wait3A_1598] : memref<2x8x128xf32, #tpu.memory_space<vmem>> -> memref<1x8x128xf32, #tpu.memory_space<vmem>>
        %dma_wait3A_1600 = tpu.memref_squeeze %dma_wait3A_1599 : memref<1x8x128xf32, #tpu.memory_space<vmem>> -> memref<8x128xf32, #tpu.memory_space<vmem>>
        %dma_wait3A_1601 = arith.constant 0 : i32
        %dma_wait3A_1602 = arith.constant 0 : i32
        %dma_wait3A_1603 = tpu.memref_slice %arg5[%dma_wait3A_1601, %dma_wait3A_1602] : memref<13312x128xf32, #tpu.memory_space<hbm>> -> memref<8x128xf32, #tpu.memory_space<hbm>>
        %dma_wait3A_1604 = arith.constant 0 : i32
        %dma_wait3A_1605 = arith.constant 0 : i32
        %dma_wait3A_1606 = tpu.memref_slice %arg8[%dma_wait3A_1596, %dma_wait3A_1604, %dma_wait3A_1605] : memref<2x8x128xf32, #tpu.memory_space<vmem>> -> memref<1x8x128xf32, #tpu.memory_space<vmem>>
        %dma_wait3A_1607 = tpu.memref_squeeze %dma_wait3A_1606 : memref<1x8x128xf32, #tpu.memory_space<vmem>> -> memref<8x128xf32, #tpu.memory_space<vmem>>
        %dma_wait3A_1608 = arith.constant 0 : i32
        %dma_wait3A_1609 = arith.constant 0 : i32
        %dma_wait3A_1610 = tpu.memref_slice %arg5[%dma_wait3A_1608, %dma_wait3A_1609] : memref<13312x128xf32, #tpu.memory_space<hbm>> -> memref<8x128xf32, #tpu.memory_space<hbm>>
        tpu.wait_dma2 semaphore(%arg11 : memref<!tpu.dma_semaphore, #tpu.memory_space<semaphore_mem>>) src(%dma_wait3A_1610 : memref<8x128xf32, #tpu.memory_space<hbm>>) dst(%dma_wait3A_1607 : memref<8x128xf32, #tpu.memory_space<vmem>>)
      } else {
      }
      %mul3A_524 = arith.constant 8 : i32
      %mul3A_525 = arith.muli %mul3A_211, %mul3A_524 : i32
      %get3A_526 = arith.index_cast %mul3A_525 : i32 to index
      %get3A_527 = tpu.vector_load %arg6[%get3A_526] {strides = array<i32>} : memref<432xi32, #tpu.memory_space<vmem>>, vector<16xi32>,
      %slice3A_528 = vector.extract_strided_slice %get3A_527 {offsets = [0], sizes = [1], strides = [1]} : vector<16xi32> to vector<1xi32>
      %squeeze3A_529 = vector.extract %slice3A_528[0] : i32 from vector<1xi32>
      %shift_right_arithmetic3A_530 = arith.constant 7 : i32
      %shift_right_arithmetic3A_531 = arith.shrsi %squeeze3A_529, %shift_right_arithmetic3A_530 : i32
      %min3A_532 = arith.constant 7811 : i32
      %min3A_533 = arith.minsi %shift_right_arithmetic3A_531, %min3A_532 : i32
      %mul3A_534 = arith.constant 128 : i32
      %mul3A_535 = arith.muli %min3A_533, %mul3A_534 : i32
      %sub3A = arith.subi %squeeze3A_529, %mul3A_535 : i32
      %min3A_536 = arith.constant 127 : i32
      %min3A_537 = arith.minsi %sub3A, %min3A_536 : i32
      %sub3A_538 = arith.constant 999936 : i32
      %sub3A_539 = arith.subi %squeeze3A_529, %sub3A_538 : i32
      %max3A = arith.constant 0 : i32
      %max3A_540 = arith.maxsi %sub3A_539, %max3A : i32
      %min3A_541 = arith.constant 127 : i32
      %min3A_542 = arith.minsi %max3A_540, %min3A_541 : i32
      %ge3A = arith.constant 999936 : i32
      %ge3A_543 = arith.cmpi sge, %squeeze3A_529, %ge3A : i32
      %broadcast_in_dim3A = vector.broadcast %ge3A_543 : i1 to vector<16xi1>
      %add3A_544 = arith.constant 0 : i32
      %add3A_545 = vector.broadcast %add3A_544 : i32 to vector<16xi32>
      %add3A_546 = arith.addi %iota3A, %add3A_545 : vector<16xi32>
      %broadcast_in_dim3A_547 = arith.constant 0 : i32
      %broadcast_in_dim3A_548 = vector.broadcast %broadcast_in_dim3A_547 : i32 to vector<16xi32>
      %broadcast_in_dim3A_549 = arith.constant 0 : i32
      %broadcast_in_dim3A_550 = vector.broadcast %broadcast_in_dim3A_549 : i32 to vector<16xi32>
      %broadcast_in_dim3A_551 = vector.broadcast %min3A_537 : i32 to vector<16xi32>
      %gather3A = tpu.vector_load_idx %arg7[%broadcast_in_dim3A_548, %broadcast_in_dim3A_550, %add3A_546, %broadcast_in_dim3A_551] : memref<2x8x32x128xf32, #tpu.memory_space<vmem>>[vector<16xi32>, vector<16xi32>, vector<16xi32>, vector<16xi32>], vector<16xf32>,
      %broadcast_in_dim3A_552 = vector.broadcast %min3A_542 : i32 to vector<16xi32>
      %gather3A_553 = tpu.vector_load_idx %arg9[%add3A_546, %broadcast_in_dim3A_552] : memref<32x128xf32, #tpu.memory_space<vmem>>[vector<16xi32>, vector<16xi32>], vector<16xf32>,
      %select_n3A = arith.select %broadcast_in_dim3A, %gather3A_553, %gather3A : vector<16xi1>, vector<16xf32>
      %swap3A = arith.constant 0 : i32
      %swap3A_554 = arith.constant 0 : i32
      %swap3A_555 = arith.index_cast %swap3A : i32 to index
      %swap3A_556 = arith.index_cast %swap3A_554 : i32 to index
      %swap3A_557 = arith.constant 0 : index
      %swap3A_558 = tpu.vector_load %arg8[%swap3A_555, %swap3A_556, %swap3A_557] {strides = array<i32>} : memref<2x8x128xf32, #tpu.memory_space<vmem>>, vector<16xf32>,
      tpu.vector_store %arg8[%swap3A_555, %swap3A_556, %swap3A_557], %select_n3A {strides = array<i32>} : memref<2x8x128xf32, #tpu.memory_space<vmem>>, vector<16xf32>,
      %add3A_559 = arith.constant 16 : i32
      %add3A_560 = vector.broadcast %add3A_559 : i32 to vector<16xi32>
      %add3A_561 = arith.addi %iota3A, %add3A_560 : vector<16xi32>
      %broadcast_in_dim3A_562 = arith.constant 0 : i32
      %broadcast_in_dim3A_563 = vector.broadcast %broadcast_in_dim3A_562 : i32 to vector<16xi32>
      %broadcast_in_dim3A_564 = arith.constant 0 : i32
      %broadcast_in_dim3A_565 = vector.broadcast %broadcast_in_dim3A_564 : i32 to vector<16xi32>
      %broadcast_in_dim3A_566 = vector.broadcast %min3A_537 : i32 to vector<16xi32>
      %gather3A_567 = tpu.vector_load_idx %arg7[%broadcast_in_dim3A_563, %broadcast_in_dim3A_565, %add3A_561, %broadcast_in_dim3A_566] : memref<2x8x32x128xf32, #tpu.memory_space<vmem>>[vector<16xi32>, vector<16xi32>, vector<16xi32>, vector<16xi32>], vector<16xf32>,
      %broadcast_in_dim3A_568 = vector.broadcast %min3A_542 : i32 to vector<16xi32>
      %gather3A_569 = tpu.vector_load_idx %arg9[%add3A_561, %broadcast_in_dim3A_568] : memref<32x128xf32, #tpu.memory_space<vmem>>[vector<16xi32>, vector<16xi32>], vector<16xf32>,
      %select_n3A_570 = arith.select %broadcast_in_dim3A, %gather3A_569, %gather3A_567 : vector<16xi1>, vector<16xf32>
      %swap3A_571 = arith.constant 0 : i32
      %swap3A_572 = arith.constant 0 : i32
      %swap3A_573 = arith.index_cast %swap3A_571 : i32 to index
      %swap3A_574 = arith.index_cast %swap3A_572 : i32 to index
      %swap3A_575 = arith.constant 16 : index
      %swap3A_576 = tpu.vector_load %arg8[%swap3A_573, %swap3A_574, %swap3A_575] {strides = array<i32>} : memref<2x8x128xf32, #tpu.memory_space<vmem>>, vector<16xf32>,
      tpu.vector_store %arg8[%swap3A_573, %swap3A_574, %swap3A_575], %select_n3A_570 {strides = array<i32>} : memref<2x8x128xf32, #tpu.memory_space<vmem>>, vector<16xf32>,
      %slice3A_577 = vector.extract_strided_slice %get3A_527 {offsets = [1], sizes = [1], strides = [1]} : vector<16xi32> to vector<1xi32>
      %squeeze3A_578 = vector.extract %slice3A_577[0] : i32 from vector<1xi32>
      %shift_right_arithmetic3A_579 = arith.constant 7 : i32
      %shift_right_arithmetic3A_580 = arith.shrsi %squeeze3A_578, %shift_right_arithmetic3A_579 : i32
      %min3A_581 = arith.constant 7811 : i32
      %min3A_582 = arith.minsi %shift_right_arithmetic3A_580, %min3A_581 : i32
      %mul3A_583 = arith.constant 128 : i32
      %mul3A_584 = arith.muli %min3A_582, %mul3A_583 : i32
      %sub3A_585 = arith.subi %squeeze3A_578, %mul3A_584 : i32
      %min3A_586 = arith.constant 127 : i32
      %min3A_587 = arith.minsi %sub3A_585, %min3A_586 : i32
      %sub3A_588 = arith.constant 999936 : i32
      %sub3A_589 = arith.subi %squeeze3A_578, %sub3A_588 : i32
      %max3A_590 = arith.constant 0 : i32
      %max3A_591 = arith.maxsi %sub3A_589, %max3A_590 : i32
      %min3A_592 = arith.constant 127 : i32
      %min3A_593 = arith.minsi %max3A_591, %min3A_592 : i32
      %ge3A_594 = arith.constant 999936 : i32
      %ge3A_595 = arith.cmpi sge, %squeeze3A_578, %ge3A_594 : i32
      %broadcast_in_dim3A_596 = vector.broadcast %ge3A_595 : i1 to vector<16xi1>
      %add3A_597 = arith.constant 0 : i32
      %add3A_598 = vector.broadcast %add3A_597 : i32 to vector<16xi32>
      %add3A_599 = arith.addi %iota3A, %add3A_598 : vector<16xi32>
      %broadcast_in_dim3A_600 = arith.constant 0 : i32
      %broadcast_in_dim3A_601 = vector.broadcast %broadcast_in_dim3A_600 : i32 to vector<16xi32>
      %broadcast_in_dim3A_602 = arith.constant 1 : i32
      %broadcast_in_dim3A_603 = vector.broadcast %broadcast_in_dim3A_602 : i32 to vector<16xi32>
      %broadcast_in_dim3A_604 = vector.broadcast %min3A_587 : i32 to vector<16xi32>
      %gather3A_605 = tpu.vector_load_idx %arg7[%broadcast_in_dim3A_601, %broadcast_in_dim3A_603, %add3A_599, %broadcast_in_dim3A_604] : memref<2x8x32x128xf32, #tpu.memory_space<vmem>>[vector<16xi32>, vector<16xi32>, vector<16xi32>, vector<16xi32>], vector<16xf32>,
      %broadcast_in_dim3A_606 = vector.broadcast %min3A_593 : i32 to vector<16xi32>
      %gather3A_607 = tpu.vector_load_idx %arg9[%add3A_599, %broadcast_in_dim3A_606] : memref<32x128xf32, #tpu.memory_space<vmem>>[vector<16xi32>, vector<16xi32>], vector<16xf32>,
      %select_n3A_608 = arith.select %broadcast_in_dim3A_596, %gather3A_607, %gather3A_605 : vector<16xi1>, vector<16xf32>
      %swap3A_609 = arith.constant 0 : i32
      %swap3A_610 = arith.constant 1 : i32
      %swap3A_611 = arith.index_cast %swap3A_609 : i32 to index
      %swap3A_612 = arith.index_cast %swap3A_610 : i32 to index
      %swap3A_613 = arith.constant 0 : index
      %swap3A_614 = tpu.vector_load %arg8[%swap3A_611, %swap3A_612, %swap3A_613] {strides = array<i32>} : memref<2x8x128xf32, #tpu.memory_space<vmem>>, vector<16xf32>,
      tpu.vector_store %arg8[%swap3A_611, %swap3A_612, %swap3A_613], %select_n3A_608 {strides = array<i32>} : memref<2x8x128xf32, #tpu.memory_space<vmem>>, vector<16xf32>,
      %add3A_615 = arith.constant 16 : i32
      %add3A_616 = vector.broadcast %add3A_615 : i32 to vector<16xi32>
      %add3A_617 = arith.addi %iota3A, %add3A_616 : vector<16xi32>
      %broadcast_in_dim3A_618 = arith.constant 0 : i32
      %broadcast_in_dim3A_619 = vector.broadcast %broadcast_in_dim3A_618 : i32 to vector<16xi32>
      %broadcast_in_dim3A_620 = arith.constant 1 : i32
      %broadcast_in_dim3A_621 = vector.broadcast %broadcast_in_dim3A_620 : i32 to vector<16xi32>
      %broadcast_in_dim3A_622 = vector.broadcast %min3A_587 : i32 to vector<16xi32>
      %gather3A_623 = tpu.vector_load_idx %arg7[%broadcast_in_dim3A_619, %broadcast_in_dim3A_621, %add3A_617, %broadcast_in_dim3A_622] : memref<2x8x32x128xf32, #tpu.memory_space<vmem>>[vector<16xi32>, vector<16xi32>, vector<16xi32>, vector<16xi32>], vector<16xf32>,
      %broadcast_in_dim3A_624 = vector.broadcast %min3A_593 : i32 to vector<16xi32>
      %gather3A_625 = tpu.vector_load_idx %arg9[%add3A_617, %broadcast_in_dim3A_624] : memref<32x128xf32, #tpu.memory_space<vmem>>[vector<16xi32>, vector<16xi32>], vector<16xf32>,
      %select_n3A_626 = arith.select %broadcast_in_dim3A_596, %gather3A_625, %gather3A_623 : vector<16xi1>, vector<16xf32>
      %swap3A_627 = arith.constant 0 : i32
      %swap3A_628 = arith.constant 1 : i32
      %swap3A_629 = arith.index_cast %swap3A_627 : i32 to index
      %swap3A_630 = arith.index_cast %swap3A_628 : i32 to index
      %swap3A_631 = arith.constant 16 : index
      %swap3A_632 = tpu.vector_load %arg8[%swap3A_629, %swap3A_630, %swap3A_631] {strides = array<i32>} : memref<2x8x128xf32, #tpu.memory_space<vmem>>, vector<16xf32>,
      tpu.vector_store %arg8[%swap3A_629, %swap3A_630, %swap3A_631], %select_n3A_626 {strides = array<i32>} : memref<2x8x128xf32, #tpu.memory_space<vmem>>, vector<16xf32>,
      %slice3A_633 = vector.extract_strided_slice %get3A_527 {offsets = [2], sizes = [1], strides = [1]} : vector<16xi32> to vector<1xi32>
      %squeeze3A_634 = vector.extract %slice3A_633[0] : i32 from vector<1xi32>
      %shift_right_arithmetic3A_635 = arith.constant 7 : i32
      %shift_right_arithmetic3A_636 = arith.shrsi %squeeze3A_634, %shift_right_arithmetic3A_635 : i32
      %min3A_637 = arith.constant 7811 : i32
      %min3A_638 = arith.minsi %shift_right_arithmetic3A_636, %min3A_637 : i32
      %mul3A_639 = arith.constant 128 : i32
      %mul3A_640 = arith.muli %min3A_638, %mul3A_639 : i32
      %sub3A_641 = arith.subi %squeeze3A_634, %mul3A_640 : i32
      %min3A_642 = arith.constant 127 : i32
      %min3A_643 = arith.minsi %sub3A_641, %min3A_642 : i32
      %sub3A_644 = arith.constant 999936 : i32
      %sub3A_645 = arith.subi %squeeze3A_634, %sub3A_644 : i32
      %max3A_646 = arith.constant 0 : i32
      %max3A_647 = arith.maxsi %sub3A_645, %max3A_646 : i32
      %min3A_648 = arith.constant 127 : i32
      %min3A_649 = arith.minsi %max3A_647, %min3A_648 : i32
      %ge3A_650 = arith.constant 999936 : i32
      %ge3A_651 = arith.cmpi sge, %squeeze3A_634, %ge3A_650 : i32
      %broadcast_in_dim3A_652 = vector.broadcast %ge3A_651 : i1 to vector<16xi1>
      %add3A_653 = arith.constant 0 : i32
      %add3A_654 = vector.broadcast %add3A_653 : i32 to vector<16xi32>
      %add3A_655 = arith.addi %iota3A, %add3A_654 : vector<16xi32>
      %broadcast_in_dim3A_656 = arith.constant 0 : i32
      %broadcast_in_dim3A_657 = vector.broadcast %broadcast_in_dim3A_656 : i32 to vector<16xi32>
      %broadcast_in_dim3A_658 = arith.constant 2 : i32
      %broadcast_in_dim3A_659 = vector.broadcast %broadcast_in_dim3A_658 : i32 to vector<16xi32>
      %broadcast_in_dim3A_660 = vector.broadcast %min3A_643 : i32 to vector<16xi32>
      %gather3A_661 = tpu.vector_load_idx %arg7[%broadcast_in_dim3A_657, %broadcast_in_dim3A_659, %add3A_655, %broadcast_in_dim3A_660] : memref<2x8x32x128xf32, #tpu.memory_space<vmem>>[vector<16xi32>, vector<16xi32>, vector<16xi32>, vector<16xi32>], vector<16xf32>,
      %broadcast_in_dim3A_662 = vector.broadcast %min3A_649 : i32 to vector<16xi32>
      %gather3A_663 = tpu.vector_load_idx %arg9[%add3A_655, %broadcast_in_dim3A_662] : memref<32x128xf32, #tpu.memory_space<vmem>>[vector<16xi32>, vector<16xi32>], vector<16xf32>,
      %select_n3A_664 = arith.select %broadcast_in_dim3A_652, %gather3A_663, %gather3A_661 : vector<16xi1>, vector<16xf32>
      %swap3A_665 = arith.constant 0 : i32
      %swap3A_666 = arith.constant 2 : i32
      %swap3A_667 = arith.index_cast %swap3A_665 : i32 to index
      %swap3A_668 = arith.index_cast %swap3A_666 : i32 to index
      %swap3A_669 = arith.constant 0 : index
      %swap3A_670 = tpu.vector_load %arg8[%swap3A_667, %swap3A_668, %swap3A_669] {strides = array<i32>} : memref<2x8x128xf32, #tpu.memory_space<vmem>>, vector<16xf32>,
      tpu.vector_store %arg8[%swap3A_667, %swap3A_668, %swap3A_669], %select_n3A_664 {strides = array<i32>} : memref<2x8x128xf32, #tpu.memory_space<vmem>>, vector<16xf32>,
      %add3A_671 = arith.constant 16 : i32
      %add3A_672 = vector.broadcast %add3A_671 : i32 to vector<16xi32>
      %add3A_673 = arith.addi %iota3A, %add3A_672 : vector<16xi32>
      %broadcast_in_dim3A_674 = arith.constant 0 : i32
      %broadcast_in_dim3A_675 = vector.broadcast %broadcast_in_dim3A_674 : i32 to vector<16xi32>
      %broadcast_in_dim3A_676 = arith.constant 2 : i32
      %broadcast_in_dim3A_677 = vector.broadcast %broadcast_in_dim3A_676 : i32 to vector<16xi32>
      %broadcast_in_dim3A_678 = vector.broadcast %min3A_643 : i32 to vector<16xi32>
      %gather3A_679 = tpu.vector_load_idx %arg7[%broadcast_in_dim3A_675, %broadcast_in_dim3A_677, %add3A_673, %broadcast_in_dim3A_678] : memref<2x8x32x128xf32, #tpu.memory_space<vmem>>[vector<16xi32>, vector<16xi32>, vector<16xi32>, vector<16xi32>], vector<16xf32>,
      %broadcast_in_dim3A_680 = vector.broadcast %min3A_649 : i32 to vector<16xi32>
      %gather3A_681 = tpu.vector_load_idx %arg9[%add3A_673, %broadcast_in_dim3A_680] : memref<32x128xf32, #tpu.memory_space<vmem>>[vector<16xi32>, vector<16xi32>], vector<16xf32>,
      %select_n3A_682 = arith.select %broadcast_in_dim3A_652, %gather3A_681, %gather3A_679 : vector<16xi1>, vector<16xf32>
      %swap3A_683 = arith.constant 0 : i32
      %swap3A_684 = arith.constant 2 : i32
      %swap3A_685 = arith.index_cast %swap3A_683 : i32 to index
      %swap3A_686 = arith.index_cast %swap3A_684 : i32 to index
      %swap3A_687 = arith.constant 16 : index
      %swap3A_688 = tpu.vector_load %arg8[%swap3A_685, %swap3A_686, %swap3A_687] {strides = array<i32>} : memref<2x8x128xf32, #tpu.memory_space<vmem>>, vector<16xf32>,
      tpu.vector_store %arg8[%swap3A_685, %swap3A_686, %swap3A_687], %select_n3A_682 {strides = array<i32>} : memref<2x8x128xf32, #tpu.memory_space<vmem>>, vector<16xf32>,
      %slice3A_689 = vector.extract_strided_slice %get3A_527 {offsets = [3], sizes = [1], strides = [1]} : vector<16xi32> to vector<1xi32>
      %squeeze3A_690 = vector.extract %slice3A_689[0] : i32 from vector<1xi32>
      %shift_right_arithmetic3A_691 = arith.constant 7 : i32
      %shift_right_arithmetic3A_692 = arith.shrsi %squeeze3A_690, %shift_right_arithmetic3A_691 : i32
      %min3A_693 = arith.constant 7811 : i32
      %min3A_694 = arith.minsi %shift_right_arithmetic3A_692, %min3A_693 : i32
      %mul3A_695 = arith.constant 128 : i32
      %mul3A_696 = arith.muli %min3A_694, %mul3A_695 : i32
      %sub3A_697 = arith.subi %squeeze3A_690, %mul3A_696 : i32
      %min3A_698 = arith.constant 127 : i32
      %min3A_699 = arith.minsi %sub3A_697, %min3A_698 : i32
      %sub3A_700 = arith.constant 999936 : i32
      %sub3A_701 = arith.subi %squeeze3A_690, %sub3A_700 : i32
      %max3A_702 = arith.constant 0 : i32
      %max3A_703 = arith.maxsi %sub3A_701, %max3A_702 : i32
      %min3A_704 = arith.constant 127 : i32
      %min3A_705 = arith.minsi %max3A_703, %min3A_704 : i32
      %ge3A_706 = arith.constant 999936 : i32
      %ge3A_707 = arith.cmpi sge, %squeeze3A_690, %ge3A_706 : i32
      %broadcast_in_dim3A_708 = vector.broadcast %ge3A_707 : i1 to vector<16xi1>
      %add3A_709 = arith.constant 0 : i32
      %add3A_710 = vector.broadcast %add3A_709 : i32 to vector<16xi32>
      %add3A_711 = arith.addi %iota3A, %add3A_710 : vector<16xi32>
      %broadcast_in_dim3A_712 = arith.constant 0 : i32
      %broadcast_in_dim3A_713 = vector.broadcast %broadcast_in_dim3A_712 : i32 to vector<16xi32>
      %broadcast_in_dim3A_714 = arith.constant 3 : i32
      %broadcast_in_dim3A_715 = vector.broadcast %broadcast_in_dim3A_714 : i32 to vector<16xi32>
      %broadcast_in_dim3A_716 = vector.broadcast %min3A_699 : i32 to vector<16xi32>
      %gather3A_717 = tpu.vector_load_idx %arg7[%broadcast_in_dim3A_713, %broadcast_in_dim3A_715, %add3A_711, %broadcast_in_dim3A_716] : memref<2x8x32x128xf32, #tpu.memory_space<vmem>>[vector<16xi32>, vector<16xi32>, vector<16xi32>, vector<16xi32>], vector<16xf32>,
      %broadcast_in_dim3A_718 = vector.broadcast %min3A_705 : i32 to vector<16xi32>
      %gather3A_719 = tpu.vector_load_idx %arg9[%add3A_711, %broadcast_in_dim3A_718] : memref<32x128xf32, #tpu.memory_space<vmem>>[vector<16xi32>, vector<16xi32>], vector<16xf32>,
      %select_n3A_720 = arith.select %broadcast_in_dim3A_708, %gather3A_719, %gather3A_717 : vector<16xi1>, vector<16xf32>
      %swap3A_721 = arith.constant 0 : i32
      %swap3A_722 = arith.constant 3 : i32
      %swap3A_723 = arith.index_cast %swap3A_721 : i32 to index
      %swap3A_724 = arith.index_cast %swap3A_722 : i32 to index
      %swap3A_725 = arith.constant 0 : index
      %swap3A_726 = tpu.vector_load %arg8[%swap3A_723, %swap3A_724, %swap3A_725] {strides = array<i32>} : memref<2x8x128xf32, #tpu.memory_space<vmem>>, vector<16xf32>,
      tpu.vector_store %arg8[%swap3A_723, %swap3A_724, %swap3A_725], %select_n3A_720 {strides = array<i32>} : memref<2x8x128xf32, #tpu.memory_space<vmem>>, vector<16xf32>,
      %add3A_727 = arith.constant 16 : i32
      %add3A_728 = vector.broadcast %add3A_727 : i32 to vector<16xi32>
      %add3A_729 = arith.addi %iota3A, %add3A_728 : vector<16xi32>
      %broadcast_in_dim3A_730 = arith.constant 0 : i32
      %broadcast_in_dim3A_731 = vector.broadcast %broadcast_in_dim3A_730 : i32 to vector<16xi32>
      %broadcast_in_dim3A_732 = arith.constant 3 : i32
      %broadcast_in_dim3A_733 = vector.broadcast %broadcast_in_dim3A_732 : i32 to vector<16xi32>
      %broadcast_in_dim3A_734 = vector.broadcast %min3A_699 : i32 to vector<16xi32>
      %gather3A_735 = tpu.vector_load_idx %arg7[%broadcast_in_dim3A_731, %broadcast_in_dim3A_733, %add3A_729, %broadcast_in_dim3A_734] : memref<2x8x32x128xf32, #tpu.memory_space<vmem>>[vector<16xi32>, vector<16xi32>, vector<16xi32>, vector<16xi32>], vector<16xf32>,
      %broadcast_in_dim3A_736 = vector.broadcast %min3A_705 : i32 to vector<16xi32>
      %gather3A_737 = tpu.vector_load_idx %arg9[%add3A_729, %broadcast_in_dim3A_736] : memref<32x128xf32, #tpu.memory_space<vmem>>[vector<16xi32>, vector<16xi32>], vector<16xf32>,
      %select_n3A_738 = arith.select %broadcast_in_dim3A_708, %gather3A_737, %gather3A_735 : vector<16xi1>, vector<16xf32>
      %swap3A_739 = arith.constant 0 : i32
      %swap3A_740 = arith.constant 3 : i32
      %swap3A_741 = arith.index_cast %swap3A_739 : i32 to index
      %swap3A_742 = arith.index_cast %swap3A_740 : i32 to index
      %swap3A_743 = arith.constant 16 : index
      %swap3A_744 = tpu.vector_load %arg8[%swap3A_741, %swap3A_742, %swap3A_743] {strides = array<i32>} : memref<2x8x128xf32, #tpu.memory_space<vmem>>, vector<16xf32>,
      tpu.vector_store %arg8[%swap3A_741, %swap3A_742, %swap3A_743], %select_n3A_738 {strides = array<i32>} : memref<2x8x128xf32, #tpu.memory_space<vmem>>, vector<16xf32>,
      %slice3A_745 = vector.extract_strided_slice %get3A_527 {offsets = [4], sizes = [1], strides = [1]} : vector<16xi32> to vector<1xi32>
      %squeeze3A_746 = vector.extract %slice3A_745[0] : i32 from vector<1xi32>
      %shift_right_arithmetic3A_747 = arith.constant 7 : i32
      %shift_right_arithmetic3A_748 = arith.shrsi %squeeze3A_746, %shift_right_arithmetic3A_747 : i32
      %min3A_749 = arith.constant 7811 : i32
      %min3A_750 = arith.minsi %shift_right_arithmetic3A_748, %min3A_749 : i32
      %mul3A_751 = arith.constant 128 : i32
      %mul3A_752 = arith.muli %min3A_750, %mul3A_751 : i32
      %sub3A_753 = arith.subi %squeeze3A_746, %mul3A_752 : i32
      %min3A_754 = arith.constant 127 : i32
      %min3A_755 = arith.minsi %sub3A_753, %min3A_754 : i32
      %sub3A_756 = arith.constant 999936 : i32
      %sub3A_757 = arith.subi %squeeze3A_746, %sub3A_756 : i32
      %max3A_758 = arith.constant 0 : i32
      %max3A_759 = arith.maxsi %sub3A_757, %max3A_758 : i32
      %min3A_760 = arith.constant 127 : i32
      %min3A_761 = arith.minsi %max3A_759, %min3A_760 : i32
      %ge3A_762 = arith.constant 999936 : i32
      %ge3A_763 = arith.cmpi sge, %squeeze3A_746, %ge3A_762 : i32
      %broadcast_in_dim3A_764 = vector.broadcast %ge3A_763 : i1 to vector<16xi1>
      %add3A_765 = arith.constant 0 : i32
      %add3A_766 = vector.broadcast %add3A_765 : i32 to vector<16xi32>
      %add3A_767 = arith.addi %iota3A, %add3A_766 : vector<16xi32>
      %broadcast_in_dim3A_768 = arith.constant 0 : i32
      %broadcast_in_dim3A_769 = vector.broadcast %broadcast_in_dim3A_768 : i32 to vector<16xi32>
      %broadcast_in_dim3A_770 = arith.constant 4 : i32
      %broadcast_in_dim3A_771 = vector.broadcast %broadcast_in_dim3A_770 : i32 to vector<16xi32>
      %broadcast_in_dim3A_772 = vector.broadcast %min3A_755 : i32 to vector<16xi32>
      %gather3A_773 = tpu.vector_load_idx %arg7[%broadcast_in_dim3A_769, %broadcast_in_dim3A_771, %add3A_767, %broadcast_in_dim3A_772] : memref<2x8x32x128xf32, #tpu.memory_space<vmem>>[vector<16xi32>, vector<16xi32>, vector<16xi32>, vector<16xi32>], vector<16xf32>,
      %broadcast_in_dim3A_774 = vector.broadcast %min3A_761 : i32 to vector<16xi32>
      %gather3A_775 = tpu.vector_load_idx %arg9[%add3A_767, %broadcast_in_dim3A_774] : memref<32x128xf32, #tpu.memory_space<vmem>>[vector<16xi32>, vector<16xi32>], vector<16xf32>,
      %select_n3A_776 = arith.select %broadcast_in_dim3A_764, %gather3A_775, %gather3A_773 : vector<16xi1>, vector<16xf32>
      %swap3A_777 = arith.constant 0 : i32
      %swap3A_778 = arith.constant 4 : i32
      %swap3A_779 = arith.index_cast %swap3A_777 : i32 to index
      %swap3A_780 = arith.index_cast %swap3A_778 : i32 to index
      %swap3A_781 = arith.constant 0 : index
      %swap3A_782 = tpu.vector_load %arg8[%swap3A_779, %swap3A_780, %swap3A_781] {strides = array<i32>} : memref<2x8x128xf32, #tpu.memory_space<vmem>>, vector<16xf32>,
      tpu.vector_store %arg8[%swap3A_779, %swap3A_780, %swap3A_781], %select_n3A_776 {strides = array<i32>} : memref<2x8x128xf32, #tpu.memory_space<vmem>>, vector<16xf32>,
      %add3A_783 = arith.constant 16 : i32
      %add3A_784 = vector.broadcast %add3A_783 : i32 to vector<16xi32>
      %add3A_785 = arith.addi %iota3A, %add3A_784 : vector<16xi32>
      %broadcast_in_dim3A_786 = arith.constant 0 : i32
      %broadcast_in_dim3A_787 = vector.broadcast %broadcast_in_dim3A_786 : i32 to vector<16xi32>
      %broadcast_in_dim3A_788 = arith.constant 4 : i32
      %broadcast_in_dim3A_789 = vector.broadcast %broadcast_in_dim3A_788 : i32 to vector<16xi32>
      %broadcast_in_dim3A_790 = vector.broadcast %min3A_755 : i32 to vector<16xi32>
      %gather3A_791 = tpu.vector_load_idx %arg7[%broadcast_in_dim3A_787, %broadcast_in_dim3A_789, %add3A_785, %broadcast_in_dim3A_790] : memref<2x8x32x128xf32, #tpu.memory_space<vmem>>[vector<16xi32>, vector<16xi32>, vector<16xi32>, vector<16xi32>], vector<16xf32>,
      %broadcast_in_dim3A_792 = vector.broadcast %min3A_761 : i32 to vector<16xi32>
      %gather3A_793 = tpu.vector_load_idx %arg9[%add3A_785, %broadcast_in_dim3A_792] : memref<32x128xf32, #tpu.memory_space<vmem>>[vector<16xi32>, vector<16xi32>], vector<16xf32>,
      %select_n3A_794 = arith.select %broadcast_in_dim3A_764, %gather3A_793, %gather3A_791 : vector<16xi1>, vector<16xf32>
      %swap3A_795 = arith.constant 0 : i32
      %swap3A_796 = arith.constant 4 : i32
      %swap3A_797 = arith.index_cast %swap3A_795 : i32 to index
      %swap3A_798 = arith.index_cast %swap3A_796 : i32 to index
      %swap3A_799 = arith.constant 16 : index
      %swap3A_800 = tpu.vector_load %arg8[%swap3A_797, %swap3A_798, %swap3A_799] {strides = array<i32>} : memref<2x8x128xf32, #tpu.memory_space<vmem>>, vector<16xf32>,
      tpu.vector_store %arg8[%swap3A_797, %swap3A_798, %swap3A_799], %select_n3A_794 {strides = array<i32>} : memref<2x8x128xf32, #tpu.memory_space<vmem>>, vector<16xf32>,
      %slice3A_801 = vector.extract_strided_slice %get3A_527 {offsets = [5], sizes = [1], strides = [1]} : vector<16xi32> to vector<1xi32>
      %squeeze3A_802 = vector.extract %slice3A_801[0] : i32 from vector<1xi32>
      %shift_right_arithmetic3A_803 = arith.constant 7 : i32
      %shift_right_arithmetic3A_804 = arith.shrsi %squeeze3A_802, %shift_right_arithmetic3A_803 : i32
      %min3A_805 = arith.constant 7811 : i32
      %min3A_806 = arith.minsi %shift_right_arithmetic3A_804, %min3A_805 : i32
      %mul3A_807 = arith.constant 128 : i32
      %mul3A_808 = arith.muli %min3A_806, %mul3A_807 : i32
      %sub3A_809 = arith.subi %squeeze3A_802, %mul3A_808 : i32
      %min3A_810 = arith.constant 127 : i32
      %min3A_811 = arith.minsi %sub3A_809, %min3A_810 : i32
      %sub3A_812 = arith.constant 999936 : i32
      %sub3A_813 = arith.subi %squeeze3A_802, %sub3A_812 : i32
      %max3A_814 = arith.constant 0 : i32
      %max3A_815 = arith.maxsi %sub3A_813, %max3A_814 : i32
      %min3A_816 = arith.constant 127 : i32
      %min3A_817 = arith.minsi %max3A_815, %min3A_816 : i32
      %ge3A_818 = arith.constant 999936 : i32
      %ge3A_819 = arith.cmpi sge, %squeeze3A_802, %ge3A_818 : i32
      %broadcast_in_dim3A_820 = vector.broadcast %ge3A_819 : i1 to vector<16xi1>
      %add3A_821 = arith.constant 0 : i32
      %add3A_822 = vector.broadcast %add3A_821 : i32 to vector<16xi32>
      %add3A_823 = arith.addi %iota3A, %add3A_822 : vector<16xi32>
      %broadcast_in_dim3A_824 = arith.constant 0 : i32
      %broadcast_in_dim3A_825 = vector.broadcast %broadcast_in_dim3A_824 : i32 to vector<16xi32>
      %broadcast_in_dim3A_826 = arith.constant 5 : i32
      %broadcast_in_dim3A_827 = vector.broadcast %broadcast_in_dim3A_826 : i32 to vector<16xi32>
      %broadcast_in_dim3A_828 = vector.broadcast %min3A_811 : i32 to vector<16xi32>
      %gather3A_829 = tpu.vector_load_idx %arg7[%broadcast_in_dim3A_825, %broadcast_in_dim3A_827, %add3A_823, %broadcast_in_dim3A_828] : memref<2x8x32x128xf32, #tpu.memory_space<vmem>>[vector<16xi32>, vector<16xi32>, vector<16xi32>, vector<16xi32>], vector<16xf32>,
      %broadcast_in_dim3A_830 = vector.broadcast %min3A_817 : i32 to vector<16xi32>
      %gather3A_831 = tpu.vector_load_idx %arg9[%add3A_823, %broadcast_in_dim3A_830] : memref<32x128xf32, #tpu.memory_space<vmem>>[vector<16xi32>, vector<16xi32>], vector<16xf32>,
      %select_n3A_832 = arith.select %broadcast_in_dim3A_820, %gather3A_831, %gather3A_829 : vector<16xi1>, vector<16xf32>
      %swap3A_833 = arith.constant 0 : i32
      %swap3A_834 = arith.constant 5 : i32
      %swap3A_835 = arith.index_cast %swap3A_833 : i32 to index
      %swap3A_836 = arith.index_cast %swap3A_834 : i32 to index
      %swap3A_837 = arith.constant 0 : index
      %swap3A_838 = tpu.vector_load %arg8[%swap3A_835, %swap3A_836, %swap3A_837] {strides = array<i32>} : memref<2x8x128xf32, #tpu.memory_space<vmem>>, vector<16xf32>,
      tpu.vector_store %arg8[%swap3A_835, %swap3A_836, %swap3A_837], %select_n3A_832 {strides = array<i32>} : memref<2x8x128xf32, #tpu.memory_space<vmem>>, vector<16xf32>,
      %add3A_839 = arith.constant 16 : i32
      %add3A_840 = vector.broadcast %add3A_839 : i32 to vector<16xi32>
      %add3A_841 = arith.addi %iota3A, %add3A_840 : vector<16xi32>
      %broadcast_in_dim3A_842 = arith.constant 0 : i32
      %broadcast_in_dim3A_843 = vector.broadcast %broadcast_in_dim3A_842 : i32 to vector<16xi32>
      %broadcast_in_dim3A_844 = arith.constant 5 : i32
      %broadcast_in_dim3A_845 = vector.broadcast %broadcast_in_dim3A_844 : i32 to vector<16xi32>
      %broadcast_in_dim3A_846 = vector.broadcast %min3A_811 : i32 to vector<16xi32>
      %gather3A_847 = tpu.vector_load_idx %arg7[%broadcast_in_dim3A_843, %broadcast_in_dim3A_845, %add3A_841, %broadcast_in_dim3A_846] : memref<2x8x32x128xf32, #tpu.memory_space<vmem>>[vector<16xi32>, vector<16xi32>, vector<16xi32>, vector<16xi32>], vector<16xf32>,
      %broadcast_in_dim3A_848 = vector.broadcast %min3A_817 : i32 to vector<16xi32>
      %gather3A_849 = tpu.vector_load_idx %arg9[%add3A_841, %broadcast_in_dim3A_848] : memref<32x128xf32, #tpu.memory_space<vmem>>[vector<16xi32>, vector<16xi32>], vector<16xf32>,
      %select_n3A_850 = arith.select %broadcast_in_dim3A_820, %gather3A_849, %gather3A_847 : vector<16xi1>, vector<16xf32>
      %swap3A_851 = arith.constant 0 : i32
      %swap3A_852 = arith.constant 5 : i32
      %swap3A_853 = arith.index_cast %swap3A_851 : i32 to index
      %swap3A_854 = arith.index_cast %swap3A_852 : i32 to index
      %swap3A_855 = arith.constant 16 : index
      %swap3A_856 = tpu.vector_load %arg8[%swap3A_853, %swap3A_854, %swap3A_855] {strides = array<i32>} : memref<2x8x128xf32, #tpu.memory_space<vmem>>, vector<16xf32>,
      tpu.vector_store %arg8[%swap3A_853, %swap3A_854, %swap3A_855], %select_n3A_850 {strides = array<i32>} : memref<2x8x128xf32, #tpu.memory_space<vmem>>, vector<16xf32>,
      %slice3A_857 = vector.extract_strided_slice %get3A_527 {offsets = [6], sizes = [1], strides = [1]} : vector<16xi32> to vector<1xi32>
      %squeeze3A_858 = vector.extract %slice3A_857[0] : i32 from vector<1xi32>
      %shift_right_arithmetic3A_859 = arith.constant 7 : i32
      %shift_right_arithmetic3A_860 = arith.shrsi %squeeze3A_858, %shift_right_arithmetic3A_859 : i32
      %min3A_861 = arith.constant 7811 : i32
      %min3A_862 = arith.minsi %shift_right_arithmetic3A_860, %min3A_861 : i32
      %mul3A_863 = arith.constant 128 : i32
      %mul3A_864 = arith.muli %min3A_862, %mul3A_863 : i32
      %sub3A_865 = arith.subi %squeeze3A_858, %mul3A_864 : i32
      %min3A_866 = arith.constant 127 : i32
      %min3A_867 = arith.minsi %sub3A_865, %min3A_866 : i32
      %sub3A_868 = arith.constant 999936 : i32
      %sub3A_869 = arith.subi %squeeze3A_858, %sub3A_868 : i32
      %max3A_870 = arith.constant 0 : i32
      %max3A_871 = arith.maxsi %sub3A_869, %max3A_870 : i32
      %min3A_872 = arith.constant 127 : i32
      %min3A_873 = arith.minsi %max3A_871, %min3A_872 : i32
      %ge3A_874 = arith.constant 999936 : i32
      %ge3A_875 = arith.cmpi sge, %squeeze3A_858, %ge3A_874 : i32
      %broadcast_in_dim3A_876 = vector.broadcast %ge3A_875 : i1 to vector<16xi1>
      %add3A_877 = arith.constant 0 : i32
      %add3A_878 = vector.broadcast %add3A_877 : i32 to vector<16xi32>
      %add3A_879 = arith.addi %iota3A, %add3A_878 : vector<16xi32>
      %broadcast_in_dim3A_880 = arith.constant 0 : i32
      %broadcast_in_dim3A_881 = vector.broadcast %broadcast_in_dim3A_880 : i32 to vector<16xi32>
      %broadcast_in_dim3A_882 = arith.constant 6 : i32
      %broadcast_in_dim3A_883 = vector.broadcast %broadcast_in_dim3A_882 : i32 to vector<16xi32>
      %broadcast_in_dim3A_884 = vector.broadcast %min3A_867 : i32 to vector<16xi32>
      %gather3A_885 = tpu.vector_load_idx %arg7[%broadcast_in_dim3A_881, %broadcast_in_dim3A_883, %add3A_879, %broadcast_in_dim3A_884] : memref<2x8x32x128xf32, #tpu.memory_space<vmem>>[vector<16xi32>, vector<16xi32>, vector<16xi32>, vector<16xi32>], vector<16xf32>,
      %broadcast_in_dim3A_886 = vector.broadcast %min3A_873 : i32 to vector<16xi32>
      %gather3A_887 = tpu.vector_load_idx %arg9[%add3A_879, %broadcast_in_dim3A_886] : memref<32x128xf32, #tpu.memory_space<vmem>>[vector<16xi32>, vector<16xi32>], vector<16xf32>,
      %select_n3A_888 = arith.select %broadcast_in_dim3A_876, %gather3A_887, %gather3A_885 : vector<16xi1>, vector<16xf32>
      %swap3A_889 = arith.constant 0 : i32
      %swap3A_890 = arith.constant 6 : i32
      %swap3A_891 = arith.index_cast %swap3A_889 : i32 to index
      %swap3A_892 = arith.index_cast %swap3A_890 : i32 to index
      %swap3A_893 = arith.constant 0 : index
      %swap3A_894 = tpu.vector_load %arg8[%swap3A_891, %swap3A_892, %swap3A_893] {strides = array<i32>} : memref<2x8x128xf32, #tpu.memory_space<vmem>>, vector<16xf32>,
      tpu.vector_store %arg8[%swap3A_891, %swap3A_892, %swap3A_893], %select_n3A_888 {strides = array<i32>} : memref<2x8x128xf32, #tpu.memory_space<vmem>>, vector<16xf32>,
      %add3A_895 = arith.constant 16 : i32
      %add3A_896 = vector.broadcast %add3A_895 : i32 to vector<16xi32>
      %add3A_897 = arith.addi %iota3A, %add3A_896 : vector<16xi32>
      %broadcast_in_dim3A_898 = arith.constant 0 : i32
      %broadcast_in_dim3A_899 = vector.broadcast %broadcast_in_dim3A_898 : i32 to vector<16xi32>
      %broadcast_in_dim3A_900 = arith.constant 6 : i32
      %broadcast_in_dim3A_901 = vector.broadcast %broadcast_in_dim3A_900 : i32 to vector<16xi32>
      %broadcast_in_dim3A_902 = vector.broadcast %min3A_867 : i32 to vector<16xi32>
      %gather3A_903 = tpu.vector_load_idx %arg7[%broadcast_in_dim3A_899, %broadcast_in_dim3A_901, %add3A_897, %broadcast_in_dim3A_902] : memref<2x8x32x128xf32, #tpu.memory_space<vmem>>[vector<16xi32>, vector<16xi32>, vector<16xi32>, vector<16xi32>], vector<16xf32>,
      %broadcast_in_dim3A_904 = vector.broadcast %min3A_873 : i32 to vector<16xi32>
      %gather3A_905 = tpu.vector_load_idx %arg9[%add3A_897, %broadcast_in_dim3A_904] : memref<32x128xf32, #tpu.memory_space<vmem>>[vector<16xi32>, vector<16xi32>], vector<16xf32>,
      %select_n3A_906 = arith.select %broadcast_in_dim3A_876, %gather3A_905, %gather3A_903 : vector<16xi1>, vector<16xf32>
      %swap3A_907 = arith.constant 0 : i32
      %swap3A_908 = arith.constant 6 : i32
      %swap3A_909 = arith.index_cast %swap3A_907 : i32 to index
      %swap3A_910 = arith.index_cast %swap3A_908 : i32 to index
      %swap3A_911 = arith.constant 16 : index
      %swap3A_912 = tpu.vector_load %arg8[%swap3A_909, %swap3A_910, %swap3A_911] {strides = array<i32>} : memref<2x8x128xf32, #tpu.memory_space<vmem>>, vector<16xf32>,
      tpu.vector_store %arg8[%swap3A_909, %swap3A_910, %swap3A_911], %select_n3A_906 {strides = array<i32>} : memref<2x8x128xf32, #tpu.memory_space<vmem>>, vector<16xf32>,
      %slice3A_913 = vector.extract_strided_slice %get3A_527 {offsets = [7], sizes = [1], strides = [1]} : vector<16xi32> to vector<1xi32>
      %squeeze3A_914 = vector.extract %slice3A_913[0] : i32 from vector<1xi32>
      %shift_right_arithmetic3A_915 = arith.constant 7 : i32
      %shift_right_arithmetic3A_916 = arith.shrsi %squeeze3A_914, %shift_right_arithmetic3A_915 : i32
      %min3A_917 = arith.constant 7811 : i32
      %min3A_918 = arith.minsi %shift_right_arithmetic3A_916, %min3A_917 : i32
      %mul3A_919 = arith.constant 128 : i32
      %mul3A_920 = arith.muli %min3A_918, %mul3A_919 : i32
      %sub3A_921 = arith.subi %squeeze3A_914, %mul3A_920 : i32
      %min3A_922 = arith.constant 127 : i32
      %min3A_923 = arith.minsi %sub3A_921, %min3A_922 : i32
      %sub3A_924 = arith.constant 999936 : i32
      %sub3A_925 = arith.subi %squeeze3A_914, %sub3A_924 : i32
      %max3A_926 = arith.constant 0 : i32
      %max3A_927 = arith.maxsi %sub3A_925, %max3A_926 : i32
      %min3A_928 = arith.constant 127 : i32
      %min3A_929 = arith.minsi %max3A_927, %min3A_928 : i32
      %ge3A_930 = arith.constant 999936 : i32
      %ge3A_931 = arith.cmpi sge, %squeeze3A_914, %ge3A_930 : i32
      %broadcast_in_dim3A_932 = vector.broadcast %ge3A_931 : i1 to vector<16xi1>
      %add3A_933 = arith.constant 0 : i32
      %add3A_934 = vector.broadcast %add3A_933 : i32 to vector<16xi32>
      %add3A_935 = arith.addi %iota3A, %add3A_934 : vector<16xi32>
      %broadcast_in_dim3A_936 = arith.constant 0 : i32
      %broadcast_in_dim3A_937 = vector.broadcast %broadcast_in_dim3A_936 : i32 to vector<16xi32>
      %broadcast_in_dim3A_938 = arith.constant 7 : i32
      %broadcast_in_dim3A_939 = vector.broadcast %broadcast_in_dim3A_938 : i32 to vector<16xi32>
      %broadcast_in_dim3A_940 = vector.broadcast %min3A_923 : i32 to vector<16xi32>
      %gather3A_941 = tpu.vector_load_idx %arg7[%broadcast_in_dim3A_937, %broadcast_in_dim3A_939, %add3A_935, %broadcast_in_dim3A_940] : memref<2x8x32x128xf32, #tpu.memory_space<vmem>>[vector<16xi32>, vector<16xi32>, vector<16xi32>, vector<16xi32>], vector<16xf32>,
      %broadcast_in_dim3A_942 = vector.broadcast %min3A_929 : i32 to vector<16xi32>
      %gather3A_943 = tpu.vector_load_idx %arg9[%add3A_935, %broadcast_in_dim3A_942] : memref<32x128xf32, #tpu.memory_space<vmem>>[vector<16xi32>, vector<16xi32>], vector<16xf32>,
      %select_n3A_944 = arith.select %broadcast_in_dim3A_932, %gather3A_943, %gather3A_941 : vector<16xi1>, vector<16xf32>
      %swap3A_945 = arith.constant 0 : i32
      %swap3A_946 = arith.constant 7 : i32
      %swap3A_947 = arith.index_cast %swap3A_945 : i32 to index
      %swap3A_948 = arith.index_cast %swap3A_946 : i32 to index
      %swap3A_949 = arith.constant 0 : index
      %swap3A_950 = tpu.vector_load %arg8[%swap3A_947, %swap3A_948, %swap3A_949] {strides = array<i32>} : memref<2x8x128xf32, #tpu.memory_space<vmem>>, vector<16xf32>,
      tpu.vector_store %arg8[%swap3A_947, %swap3A_948, %swap3A_949], %select_n3A_944 {strides = array<i32>} : memref<2x8x128xf32, #tpu.memory_space<vmem>>, vector<16xf32>,
      %add3A_951 = arith.constant 16 : i32
      %add3A_952 = vector.broadcast %add3A_951 : i32 to vector<16xi32>
      %add3A_953 = arith.addi %iota3A, %add3A_952 : vector<16xi32>
      %broadcast_in_dim3A_954 = arith.constant 0 : i32
      %broadcast_in_dim3A_955 = vector.broadcast %broadcast_in_dim3A_954 : i32 to vector<16xi32>
      %broadcast_in_dim3A_956 = arith.constant 7 : i32
      %broadcast_in_dim3A_957 = vector.broadcast %broadcast_in_dim3A_956 : i32 to vector<16xi32>
      %broadcast_in_dim3A_958 = vector.broadcast %min3A_923 : i32 to vector<16xi32>
      %gather3A_959 = tpu.vector_load_idx %arg7[%broadcast_in_dim3A_955, %broadcast_in_dim3A_957, %add3A_953, %broadcast_in_dim3A_958] : memref<2x8x32x128xf32, #tpu.memory_space<vmem>>[vector<16xi32>, vector<16xi32>, vector<16xi32>, vector<16xi32>], vector<16xf32>,
      %broadcast_in_dim3A_960 = vector.broadcast %min3A_929 : i32 to vector<16xi32>
      %gather3A_961 = tpu.vector_load_idx %arg9[%add3A_953, %broadcast_in_dim3A_960] : memref<32x128xf32, #tpu.memory_space<vmem>>[vector<16xi32>, vector<16xi32>], vector<16xf32>,
      %select_n3A_962 = arith.select %broadcast_in_dim3A_932, %gather3A_961, %gather3A_959 : vector<16xi1>, vector<16xf32>
      %swap3A_963 = arith.constant 0 : i32
      %swap3A_964 = arith.constant 7 : i32
      %swap3A_965 = arith.index_cast %swap3A_963 : i32 to index
      %swap3A_966 = arith.index_cast %swap3A_964 : i32 to index
      %swap3A_967 = arith.constant 16 : index
      %swap3A_968 = tpu.vector_load %arg8[%swap3A_965, %swap3A_966, %swap3A_967] {strides = array<i32>} : memref<2x8x128xf32, #tpu.memory_space<vmem>>, vector<16xf32>,
      tpu.vector_store %arg8[%swap3A_965, %swap3A_966, %swap3A_967], %select_n3A_962 {strides = array<i32>} : memref<2x8x128xf32, #tpu.memory_space<vmem>>, vector<16xf32>,
      %mul3A_969 = arith.constant 8 : i32
      %mul3A_970 = arith.muli %mul3A_211, %mul3A_969 : i32
      %add3A_971 = arith.addi %mul3A_2, %mul3A_970 : i32
      %dma_start3A_972 = arith.constant 0 : i32
      %dma_start3A_973 = arith.constant 0 : i32
      %dma_start3A_974 = arith.constant 0 : i32
      %dma_start3A_975 = tpu.memref_slice %arg8[%dma_start3A_972, %dma_start3A_973, %dma_start3A_974] : memref<2x8x128xf32, #tpu.memory_space<vmem>> -> memref<1x8x128xf32, #tpu.memory_space<vmem>>
      %dma_start3A_976 = tpu.memref_squeeze %dma_start3A_975 : memref<1x8x128xf32, #tpu.memory_space<vmem>> -> memref<8x128xf32, #tpu.memory_space<vmem>>
      %dma_start3A_977 = arith.constant 0 : i32
      %dma_start3A_978 = tpu.memref_slice %arg5[%add3A_971, %dma_start3A_977] : memref<13312x128xf32, #tpu.memory_space<hbm>> -> memref<8x128xf32, #tpu.memory_space<hbm>>
      %dma_start3A_979 = arith.constant 0 : i32
      %dma_start3A_980 = tpu.memref_slice %arg5[%add3A_971, %dma_start3A_979] : memref<13312x128xf32, #tpu.memory_space<hbm>> -> memref<8x128xf32, #tpu.memory_space<hbm>>
      %dma_start3A_981 = arith.constant 0 : i32
      %dma_start3A_982 = arith.constant 0 : i32
      %dma_start3A_983 = tpu.memref_slice %arg8[%dma_start3A_972, %dma_start3A_981, %dma_start3A_982] : memref<2x8x128xf32, #tpu.memory_space<vmem>> -> memref<1x8x128xf32, #tpu.memory_space<vmem>>
      %dma_start3A_984 = tpu.memref_squeeze %dma_start3A_983 : memref<1x8x128xf32, #tpu.memory_space<vmem>> -> memref<8x128xf32, #tpu.memory_space<vmem>>
      tpu.enqueue_dma source(%dma_start3A_984 : memref<8x128xf32, #tpu.memory_space<vmem>>) target(%dma_start3A_980 : memref<8x128xf32, #tpu.memory_space<hbm>>) target_semaphore(%arg11 : memref<!tpu.dma_semaphore, #tpu.memory_space<semaphore_mem>>)
      %dma_wait3A_985 = arith.constant 1 : i32
      %dma_wait3A_986 = arith.constant 0 : i32
      %dma_wait3A_987 = arith.constant 0 : i32
      %dma_wait3A_988 = arith.constant 0 : i32
      %dma_wait3A_989 = tpu.memref_slice %arg7[%dma_wait3A_985, %dma_wait3A_986, %dma_wait3A_987, %dma_wait3A_988] : memref<2x8x32x128xf32, #tpu.memory_space<vmem>> -> memref<1x1x32x128xf32, #tpu.memory_space<vmem>>
      %dma_wait3A_990 = tpu.memref_squeeze %dma_wait3A_989 : memref<1x1x32x128xf32, #tpu.memory_space<vmem>> -> memref<32x128xf32, #tpu.memory_space<vmem>>
      %dma_wait3A_991 = arith.constant 0 : i32
      %dma_wait3A_992 = arith.constant 0 : i32
      %dma_wait3A_993 = tpu.memref_slice %arg3[%dma_wait3A_991, %dma_wait3A_992] : memref<32x1000000xf32, #tpu.memory_space<hbm>> -> memref<32x128xf32, #tpu.memory_space<hbm>>
      %dma_wait3A_994 = arith.constant 0 : i32
      %dma_wait3A_995 = arith.constant 0 : i32
      %dma_wait3A_996 = tpu.memref_slice %arg7[%dma_wait3A_985, %dma_wait3A_986, %dma_wait3A_994, %dma_wait3A_995] : memref<2x8x32x128xf32, #tpu.memory_space<vmem>> -> memref<1x1x32x128xf32, #tpu.memory_space<vmem>>
      %dma_wait3A_997 = tpu.memref_squeeze %dma_wait3A_996 : memref<1x1x32x128xf32, #tpu.memory_space<vmem>> -> memref<32x128xf32, #tpu.memory_space<vmem>>
      %dma_wait3A_998 = arith.constant 0 : i32
      %dma_wait3A_999 = arith.constant 0 : i32
      %dma_wait3A_1000 = tpu.memref_slice %arg3[%dma_wait3A_998, %dma_wait3A_999] : memref<32x1000000xf32, #tpu.memory_space<hbm>> -> memref<32x128xf32, #tpu.memory_space<hbm>>
      tpu.wait_dma2 semaphore(%arg10 : memref<!tpu.dma_semaphore, #tpu.memory_space<semaphore_mem>>) src(%dma_wait3A_1000 : memref<32x128xf32, #tpu.memory_space<hbm>>) dst(%dma_wait3A_997 : memref<32x128xf32, #tpu.memory_space<vmem>>)
      %dma_wait3A_1001 = arith.constant 1 : i32
      %dma_wait3A_1002 = arith.constant 1 : i32
      %dma_wait3A_1003 = arith.constant 0 : i32
      %dma_wait3A_1004 = arith.constant 0 : i32
      %dma_wait3A_1005 = tpu.memref_slice %arg7[%dma_wait3A_1001, %dma_wait3A_1002, %dma_wait3A_1003, %dma_wait3A_1004] : memref<2x8x32x128xf32, #tpu.memory_space<vmem>> -> memref<1x1x32x128xf32, #tpu.memory_space<vmem>>
      %dma_wait3A_1006 = tpu.memref_squeeze %dma_wait3A_1005 : memref<1x1x32x128xf32, #tpu.memory_space<vmem>> -> memref<32x128xf32, #tpu.memory_space<vmem>>
      %dma_wait3A_1007 = arith.constant 0 : i32
      %dma_wait3A_1008 = arith.constant 0 : i32
      %dma_wait3A_1009 = tpu.memref_slice %arg3[%dma_wait3A_1007, %dma_wait3A_1008] : memref<32x1000000xf32, #tpu.memory_space<hbm>> -> memref<32x128xf32, #tpu.memory_space<hbm>>
      %dma_wait3A_1010 = arith.constant 0 : i32
      %dma_wait3A_1011 = arith.constant 0 : i32
      %dma_wait3A_1012 = tpu.memref_slice %arg7[%dma_wait3A_1001, %dma_wait3A_1002, %dma_wait3A_1010, %dma_wait3A_1011] : memref<2x8x32x128xf32, #tpu.memory_space<vmem>> -> memref<1x1x32x128xf32, #tpu.memory_space<vmem>>
      %dma_wait3A_1013 = tpu.memref_squeeze %dma_wait3A_1012 : memref<1x1x32x128xf32, #tpu.memory_space<vmem>> -> memref<32x128xf32, #tpu.memory_space<vmem>>
      %dma_wait3A_1014 = arith.constant 0 : i32
      %dma_wait3A_1015 = arith.constant 0 : i32
      %dma_wait3A_1016 = tpu.memref_slice %arg3[%dma_wait3A_1014, %dma_wait3A_1015] : memref<32x1000000xf32, #tpu.memory_space<hbm>> -> memref<32x128xf32, #tpu.memory_space<hbm>>
      tpu.wait_dma2 semaphore(%arg10 : memref<!tpu.dma_semaphore, #tpu.memory_space<semaphore_mem>>) src(%dma_wait3A_1016 : memref<32x128xf32, #tpu.memory_space<hbm>>) dst(%dma_wait3A_1013 : memref<32x128xf32, #tpu.memory_space<vmem>>)
      %dma_wait3A_1017 = arith.constant 1 : i32
      %dma_wait3A_1018 = arith.constant 2 : i32
      %dma_wait3A_1019 = arith.constant 0 : i32
      %dma_wait3A_1020 = arith.constant 0 : i32
      %dma_wait3A_1021 = tpu.memref_slice %arg7[%dma_wait3A_1017, %dma_wait3A_1018, %dma_wait3A_1019, %dma_wait3A_1020] : memref<2x8x32x128xf32, #tpu.memory_space<vmem>> -> memref<1x1x32x128xf32, #tpu.memory_space<vmem>>
      %dma_wait3A_1022 = tpu.memref_squeeze %dma_wait3A_1021 : memref<1x1x32x128xf32, #tpu.memory_space<vmem>> -> memref<32x128xf32, #tpu.memory_space<vmem>>
      %dma_wait3A_1023 = arith.constant 0 : i32
      %dma_wait3A_1024 = arith.constant 0 : i32
      %dma_wait3A_1025 = tpu.memref_slice %arg3[%dma_wait3A_1023, %dma_wait3A_1024] : memref<32x1000000xf32, #tpu.memory_space<hbm>> -> memref<32x128xf32, #tpu.memory_space<hbm>>
      %dma_wait3A_1026 = arith.constant 0 : i32
      %dma_wait3A_1027 = arith.constant 0 : i32
      %dma_wait3A_1028 = tpu.memref_slice %arg7[%dma_wait3A_1017, %dma_wait3A_1018, %dma_wait3A_1026, %dma_wait3A_1027] : memref<2x8x32x128xf32, #tpu.memory_space<vmem>> -> memref<1x1x32x128xf32, #tpu.memory_space<vmem>>
      %dma_wait3A_1029 = tpu.memref_squeeze %dma_wait3A_1028 : memref<1x1x32x128xf32, #tpu.memory_space<vmem>> -> memref<32x128xf32, #tpu.memory_space<vmem>>
      %dma_wait3A_1030 = arith.constant 0 : i32
      %dma_wait3A_1031 = arith.constant 0 : i32
      %dma_wait3A_1032 = tpu.memref_slice %arg3[%dma_wait3A_1030, %dma_wait3A_1031] : memref<32x1000000xf32, #tpu.memory_space<hbm>> -> memref<32x128xf32, #tpu.memory_space<hbm>>
      tpu.wait_dma2 semaphore(%arg10 : memref<!tpu.dma_semaphore, #tpu.memory_space<semaphore_mem>>) src(%dma_wait3A_1032 : memref<32x128xf32, #tpu.memory_space<hbm>>) dst(%dma_wait3A_1029 : memref<32x128xf32, #tpu.memory_space<vmem>>)
      %dma_wait3A_1033 = arith.constant 1 : i32
      %dma_wait3A_1034 = arith.constant 3 : i32
      %dma_wait3A_1035 = arith.constant 0 : i32
      %dma_wait3A_1036 = arith.constant 0 : i32
      %dma_wait3A_1037 = tpu.memref_slice %arg7[%dma_wait3A_1033, %dma_wait3A_1034, %dma_wait3A_1035, %dma_wait3A_1036] : memref<2x8x32x128xf32, #tpu.memory_space<vmem>> -> memref<1x1x32x128xf32, #tpu.memory_space<vmem>>
      %dma_wait3A_1038 = tpu.memref_squeeze %dma_wait3A_1037 : memref<1x1x32x128xf32, #tpu.memory_space<vmem>> -> memref<32x128xf32, #tpu.memory_space<vmem>>
      %dma_wait3A_1039 = arith.constant 0 : i32
      %dma_wait3A_1040 = arith.constant 0 : i32
      %dma_wait3A_1041 = tpu.memref_slice %arg3[%dma_wait3A_1039, %dma_wait3A_1040] : memref<32x1000000xf32, #tpu.memory_space<hbm>> -> memref<32x128xf32, #tpu.memory_space<hbm>>
      %dma_wait3A_1042 = arith.constant 0 : i32
      %dma_wait3A_1043 = arith.constant 0 : i32
      %dma_wait3A_1044 = tpu.memref_slice %arg7[%dma_wait3A_1033, %dma_wait3A_1034, %dma_wait3A_1042, %dma_wait3A_1043] : memref<2x8x32x128xf32, #tpu.memory_space<vmem>> -> memref<1x1x32x128xf32, #tpu.memory_space<vmem>>
      %dma_wait3A_1045 = tpu.memref_squeeze %dma_wait3A_1044 : memref<1x1x32x128xf32, #tpu.memory_space<vmem>> -> memref<32x128xf32, #tpu.memory_space<vmem>>
      %dma_wait3A_1046 = arith.constant 0 : i32
      %dma_wait3A_1047 = arith.constant 0 : i32
      %dma_wait3A_1048 = tpu.memref_slice %arg3[%dma_wait3A_1046, %dma_wait3A_1047] : memref<32x1000000xf32, #tpu.memory_space<hbm>> -> memref<32x128xf32, #tpu.memory_space<hbm>>
      tpu.wait_dma2 semaphore(%arg10 : memref<!tpu.dma_semaphore, #tpu.memory_space<semaphore_mem>>) src(%dma_wait3A_1048 : memref<32x128xf32, #tpu.memory_space<hbm>>) dst(%dma_wait3A_1045 : memref<32x128xf32, #tpu.memory_space<vmem>>)
      %dma_wait3A_1049 = arith.constant 1 : i32
      %dma_wait3A_1050 = arith.constant 4 : i32
      %dma_wait3A_1051 = arith.constant 0 : i32
      %dma_wait3A_1052 = arith.constant 0 : i32
      %dma_wait3A_1053 = tpu.memref_slice %arg7[%dma_wait3A_1049, %dma_wait3A_1050, %dma_wait3A_1051, %dma_wait3A_1052] : memref<2x8x32x128xf32, #tpu.memory_space<vmem>> -> memref<1x1x32x128xf32, #tpu.memory_space<vmem>>
      %dma_wait3A_1054 = tpu.memref_squeeze %dma_wait3A_1053 : memref<1x1x32x128xf32, #tpu.memory_space<vmem>> -> memref<32x128xf32, #tpu.memory_space<vmem>>
      %dma_wait3A_1055 = arith.constant 0 : i32
      %dma_wait3A_1056 = arith.constant 0 : i32
      %dma_wait3A_1057 = tpu.memref_slice %arg3[%dma_wait3A_1055, %dma_wait3A_1056] : memref<32x1000000xf32, #tpu.memory_space<hbm>> -> memref<32x128xf32, #tpu.memory_space<hbm>>
      %dma_wait3A_1058 = arith.constant 0 : i32
      %dma_wait3A_1059 = arith.constant 0 : i32
      %dma_wait3A_1060 = tpu.memref_slice %arg7[%dma_wait3A_1049, %dma_wait3A_1050, %dma_wait3A_1058, %dma_wait3A_1059] : memref<2x8x32x128xf32, #tpu.memory_space<vmem>> -> memref<1x1x32x128xf32, #tpu.memory_space<vmem>>
      %dma_wait3A_1061 = tpu.memref_squeeze %dma_wait3A_1060 : memref<1x1x32x128xf32, #tpu.memory_space<vmem>> -> memref<32x128xf32, #tpu.memory_space<vmem>>
      %dma_wait3A_1062 = arith.constant 0 : i32
      %dma_wait3A_1063 = arith.constant 0 : i32
      %dma_wait3A_1064 = tpu.memref_slice %arg3[%dma_wait3A_1062, %dma_wait3A_1063] : memref<32x1000000xf32, #tpu.memory_space<hbm>> -> memref<32x128xf32, #tpu.memory_space<hbm>>
      tpu.wait_dma2 semaphore(%arg10 : memref<!tpu.dma_semaphore, #tpu.memory_space<semaphore_mem>>) src(%dma_wait3A_1064 : memref<32x128xf32, #tpu.memory_space<hbm>>) dst(%dma_wait3A_1061 : memref<32x128xf32, #tpu.memory_space<vmem>>)
      %dma_wait3A_1065 = arith.constant 1 : i32
      %dma_wait3A_1066 = arith.constant 5 : i32
      %dma_wait3A_1067 = arith.constant 0 : i32
      %dma_wait3A_1068 = arith.constant 0 : i32
      %dma_wait3A_1069 = tpu.memref_slice %arg7[%dma_wait3A_1065, %dma_wait3A_1066, %dma_wait3A_1067, %dma_wait3A_1068] : memref<2x8x32x128xf32, #tpu.memory_space<vmem>> -> memref<1x1x32x128xf32, #tpu.memory_space<vmem>>
      %dma_wait3A_1070 = tpu.memref_squeeze %dma_wait3A_1069 : memref<1x1x32x128xf32, #tpu.memory_space<vmem>> -> memref<32x128xf32, #tpu.memory_space<vmem>>
      %dma_wait3A_1071 = arith.constant 0 : i32
      %dma_wait3A_1072 = arith.constant 0 : i32
      %dma_wait3A_1073 = tpu.memref_slice %arg3[%dma_wait3A_1071, %dma_wait3A_1072] : memref<32x1000000xf32, #tpu.memory_space<hbm>> -> memref<32x128xf32, #tpu.memory_space<hbm>>
      %dma_wait3A_1074 = arith.constant 0 : i32
      %dma_wait3A_1075 = arith.constant 0 : i32
      %dma_wait3A_1076 = tpu.memref_slice %arg7[%dma_wait3A_1065, %dma_wait3A_1066, %dma_wait3A_1074, %dma_wait3A_1075] : memref<2x8x32x128xf32, #tpu.memory_space<vmem>> -> memref<1x1x32x128xf32, #tpu.memory_space<vmem>>
      %dma_wait3A_1077 = tpu.memref_squeeze %dma_wait3A_1076 : memref<1x1x32x128xf32, #tpu.memory_space<vmem>> -> memref<32x128xf32, #tpu.memory_space<vmem>>
      %dma_wait3A_1078 = arith.constant 0 : i32
      %dma_wait3A_1079 = arith.constant 0 : i32
      %dma_wait3A_1080 = tpu.memref_slice %arg3[%dma_wait3A_1078, %dma_wait3A_1079] : memref<32x1000000xf32, #tpu.memory_space<hbm>> -> memref<32x128xf32, #tpu.memory_space<hbm>>
      tpu.wait_dma2 semaphore(%arg10 : memref<!tpu.dma_semaphore, #tpu.memory_space<semaphore_mem>>) src(%dma_wait3A_1080 : memref<32x128xf32, #tpu.memory_space<hbm>>) dst(%dma_wait3A_1077 : memref<32x128xf32, #tpu.memory_space<vmem>>)
      %dma_wait3A_1081 = arith.constant 1 : i32
      %dma_wait3A_1082 = arith.constant 6 : i32
      %dma_wait3A_1083 = arith.constant 0 : i32
      %dma_wait3A_1084 = arith.constant 0 : i32
      %dma_wait3A_1085 = tpu.memref_slice %arg7[%dma_wait3A_1081, %dma_wait3A_1082, %dma_wait3A_1083, %dma_wait3A_1084] : memref<2x8x32x128xf32, #tpu.memory_space<vmem>> -> memref<1x1x32x128xf32, #tpu.memory_space<vmem>>
      %dma_wait3A_1086 = tpu.memref_squeeze %dma_wait3A_1085 : memref<1x1x32x128xf32, #tpu.memory_space<vmem>> -> memref<32x128xf32, #tpu.memory_space<vmem>>
      %dma_wait3A_1087 = arith.constant 0 : i32
      %dma_wait3A_1088 = arith.constant 0 : i32
      %dma_wait3A_1089 = tpu.memref_slice %arg3[%dma_wait3A_1087, %dma_wait3A_1088] : memref<32x1000000xf32, #tpu.memory_space<hbm>> -> memref<32x128xf32, #tpu.memory_space<hbm>>
      %dma_wait3A_1090 = arith.constant 0 : i32
      %dma_wait3A_1091 = arith.constant 0 : i32
      %dma_wait3A_1092 = tpu.memref_slice %arg7[%dma_wait3A_1081, %dma_wait3A_1082, %dma_wait3A_1090, %dma_wait3A_1091] : memref<2x8x32x128xf32, #tpu.memory_space<vmem>> -> memref<1x1x32x128xf32, #tpu.memory_space<vmem>>
      %dma_wait3A_1093 = tpu.memref_squeeze %dma_wait3A_1092 : memref<1x1x32x128xf32, #tpu.memory_space<vmem>> -> memref<32x128xf32, #tpu.memory_space<vmem>>
      %dma_wait3A_1094 = arith.constant 0 : i32
      %dma_wait3A_1095 = arith.constant 0 : i32
      %dma_wait3A_1096 = tpu.memref_slice %arg3[%dma_wait3A_1094, %dma_wait3A_1095] : memref<32x1000000xf32, #tpu.memory_space<hbm>> -> memref<32x128xf32, #tpu.memory_space<hbm>>
      tpu.wait_dma2 semaphore(%arg10 : memref<!tpu.dma_semaphore, #tpu.memory_space<semaphore_mem>>) src(%dma_wait3A_1096 : memref<32x128xf32, #tpu.memory_space<hbm>>) dst(%dma_wait3A_1093 : memref<32x128xf32, #tpu.memory_space<vmem>>)
      %dma_wait3A_1097 = arith.constant 1 : i32
      %dma_wait3A_1098 = arith.constant 7 : i32
      %dma_wait3A_1099 = arith.constant 0 : i32
      %dma_wait3A_1100 = arith.constant 0 : i32
      %dma_wait3A_1101 = tpu.memref_slice %arg7[%dma_wait3A_1097, %dma_wait3A_1098, %dma_wait3A_1099, %dma_wait3A_1100] : memref<2x8x32x128xf32, #tpu.memory_space<vmem>> -> memref<1x1x32x128xf32, #tpu.memory_space<vmem>>
      %dma_wait3A_1102 = tpu.memref_squeeze %dma_wait3A_1101 : memref<1x1x32x128xf32, #tpu.memory_space<vmem>> -> memref<32x128xf32, #tpu.memory_space<vmem>>
      %dma_wait3A_1103 = arith.constant 0 : i32
      %dma_wait3A_1104 = arith.constant 0 : i32
      %dma_wait3A_1105 = tpu.memref_slice %arg3[%dma_wait3A_1103, %dma_wait3A_1104] : memref<32x1000000xf32, #tpu.memory_space<hbm>> -> memref<32x128xf32, #tpu.memory_space<hbm>>
      %dma_wait3A_1106 = arith.constant 0 : i32
      %dma_wait3A_1107 = arith.constant 0 : i32
      %dma_wait3A_1108 = tpu.memref_slice %arg7[%dma_wait3A_1097, %dma_wait3A_1098, %dma_wait3A_1106, %dma_wait3A_1107] : memref<2x8x32x128xf32, #tpu.memory_space<vmem>> -> memref<1x1x32x128xf32, #tpu.memory_space<vmem>>
      %dma_wait3A_1109 = tpu.memref_squeeze %dma_wait3A_1108 : memref<1x1x32x128xf32, #tpu.memory_space<vmem>> -> memref<32x128xf32, #tpu.memory_space<vmem>>
      %dma_wait3A_1110 = arith.constant 0 : i32
      %dma_wait3A_1111 = arith.constant 0 : i32
      %dma_wait3A_1112 = tpu.memref_slice %arg3[%dma_wait3A_1110, %dma_wait3A_1111] : memref<32x1000000xf32, #tpu.memory_space<hbm>> -> memref<32x128xf32, #tpu.memory_space<hbm>>
      tpu.wait_dma2 semaphore(%arg10 : memref<!tpu.dma_semaphore, #tpu.memory_space<semaphore_mem>>) src(%dma_wait3A_1112 : memref<32x128xf32, #tpu.memory_space<hbm>>) dst(%dma_wait3A_1109 : memref<32x128xf32, #tpu.memory_space<vmem>>)
      %add3A_1113 = arith.constant 1 : i32
      %add3A_1114 = arith.addi %scan3A_209, %add3A_1113 : i32
      %lt3A = arith.constant 26 : i32
      %lt3A_1115 = arith.cmpi slt, %add3A_1114, %lt3A : i32
      %convert_element_type3A_1116 = arith.extui %lt3A_1115 : i1 to i32
      %cond3A_1117 = arith.constant 0 : i32
      %cond3A_1118 = arith.cmpi ne, %convert_element_type3A_1116, %cond3A_1117 : i32
      scf.if %cond3A_1118 {
        %add3A_1596 = arith.constant 2 : i32
        %add3A_1597 = arith.addi %mul3A_211, %add3A_1596 : i32
        %mul3A_1598 = arith.constant 8 : i32
        %mul3A_1599 = arith.muli %add3A_1597, %mul3A_1598 : i32
        %get3A_1600 = arith.index_cast %mul3A_1599 : i32 to index
        %get3A_1601 = tpu.vector_load %arg6[%get3A_1600] {strides = array<i32>} : memref<432xi32, #tpu.memory_space<vmem>>, vector<16xi32>,
        %slice3A_1602 = vector.extract_strided_slice %get3A_1601 {offsets = [0], sizes = [1], strides = [1]} : vector<16xi32> to vector<1xi32>
        %squeeze3A_1603 = vector.extract %slice3A_1602[0] : i32 from vector<1xi32>
        %shift_right_arithmetic3A_1604 = arith.constant 7 : i32
        %shift_right_arithmetic3A_1605 = arith.shrsi %squeeze3A_1603, %shift_right_arithmetic3A_1604 : i32
        %min3A_1606 = arith.constant 7811 : i32
        %min3A_1607 = arith.minsi %shift_right_arithmetic3A_1605, %min3A_1606 : i32
        %mul3A_1608 = arith.constant 128 : i32
        %mul3A_1609 = arith.muli %min3A_1607, %mul3A_1608 : i32
        %dma_start3A_1610 = arith.constant 0 : i32
        %dma_start3A_1611 = arith.constant 0 : i32
        %dma_start3A_1612 = arith.constant 0 : i32
        %dma_start3A_1613 = arith.constant 0 : i32
        %dma_start3A_1614 = tpu.memref_slice %arg7[%dma_start3A_1610, %dma_start3A_1611, %dma_start3A_1612, %dma_start3A_1613] : memref<2x8x32x128xf32, #tpu.memory_space<vmem>> -> memref<1x1x32x128xf32, #tpu.memory_space<vmem>>
        %dma_start3A_1615 = tpu.memref_squeeze %dma_start3A_1614 : memref<1x1x32x128xf32, #tpu.memory_space<vmem>> -> memref<32x128xf32, #tpu.memory_space<vmem>>
        %dma_start3A_1616 = arith.constant 0 : i32
        %dma_start3A_1617 = tpu.memref_slice %arg3[%dma_start3A_1616, %mul3A_1609] : memref<32x1000000xf32, #tpu.memory_space<hbm>> -> memref<32x128xf32, #tpu.memory_space<hbm>>
        %dma_start3A_1618 = arith.constant 0 : i32
        %dma_start3A_1619 = arith.constant 0 : i32
        %dma_start3A_1620 = tpu.memref_slice %arg7[%dma_start3A_1610, %dma_start3A_1611, %dma_start3A_1618, %dma_start3A_1619] : memref<2x8x32x128xf32, #tpu.memory_space<vmem>> -> memref<1x1x32x128xf32, #tpu.memory_space<vmem>>
        %dma_start3A_1621 = tpu.memref_squeeze %dma_start3A_1620 : memref<1x1x32x128xf32, #tpu.memory_space<vmem>> -> memref<32x128xf32, #tpu.memory_space<vmem>>
        %dma_start3A_1622 = arith.constant 0 : i32
        %dma_start3A_1623 = tpu.memref_slice %arg3[%dma_start3A_1622, %mul3A_1609] : memref<32x1000000xf32, #tpu.memory_space<hbm>> -> memref<32x128xf32, #tpu.memory_space<hbm>>
        tpu.enqueue_dma source(%dma_start3A_1623 : memref<32x128xf32, #tpu.memory_space<hbm>>) target(%dma_start3A_1621 : memref<32x128xf32, #tpu.memory_space<vmem>>) target_semaphore(%arg10 : memref<!tpu.dma_semaphore, #tpu.memory_space<semaphore_mem>>)
        %slice3A_1624 = vector.extract_strided_slice %get3A_1601 {offsets = [1], sizes = [1], strides = [1]} : vector<16xi32> to vector<1xi32>
        %squeeze3A_1625 = vector.extract %slice3A_1624[0] : i32 from vector<1xi32>
        %shift_right_arithmetic3A_1626 = arith.constant 7 : i32
        %shift_right_arithmetic3A_1627 = arith.shrsi %squeeze3A_1625, %shift_right_arithmetic3A_1626 : i32
        %min3A_1628 = arith.constant 7811 : i32
        %min3A_1629 = arith.minsi %shift_right_arithmetic3A_1627, %min3A_1628 : i32
        %mul3A_1630 = arith.constant 128 : i32
        %mul3A_1631 = arith.muli %min3A_1629, %mul3A_1630 : i32
        %dma_start3A_1632 = arith.constant 0 : i32
        %dma_start3A_1633 = arith.constant 1 : i32
        %dma_start3A_1634 = arith.constant 0 : i32
        %dma_start3A_1635 = arith.constant 0 : i32
        %dma_start3A_1636 = tpu.memref_slice %arg7[%dma_start3A_1632, %dma_start3A_1633, %dma_start3A_1634, %dma_start3A_1635] : memref<2x8x32x128xf32, #tpu.memory_space<vmem>> -> memref<1x1x32x128xf32, #tpu.memory_space<vmem>>
        %dma_start3A_1637 = tpu.memref_squeeze %dma_start3A_1636 : memref<1x1x32x128xf32, #tpu.memory_space<vmem>> -> memref<32x128xf32, #tpu.memory_space<vmem>>
        %dma_start3A_1638 = arith.constant 0 : i32
        %dma_start3A_1639 = tpu.memref_slice %arg3[%dma_start3A_1638, %mul3A_1631] : memref<32x1000000xf32, #tpu.memory_space<hbm>> -> memref<32x128xf32, #tpu.memory_space<hbm>>
        %dma_start3A_1640 = arith.constant 0 : i32
        %dma_start3A_1641 = arith.constant 0 : i32
        %dma_start3A_1642 = tpu.memref_slice %arg7[%dma_start3A_1632, %dma_start3A_1633, %dma_start3A_1640, %dma_start3A_1641] : memref<2x8x32x128xf32, #tpu.memory_space<vmem>> -> memref<1x1x32x128xf32, #tpu.memory_space<vmem>>
        %dma_start3A_1643 = tpu.memref_squeeze %dma_start3A_1642 : memref<1x1x32x128xf32, #tpu.memory_space<vmem>> -> memref<32x128xf32, #tpu.memory_space<vmem>>
        %dma_start3A_1644 = arith.constant 0 : i32
        %dma_start3A_1645 = tpu.memref_slice %arg3[%dma_start3A_1644, %mul3A_1631] : memref<32x1000000xf32, #tpu.memory_space<hbm>> -> memref<32x128xf32, #tpu.memory_space<hbm>>
        tpu.enqueue_dma source(%dma_start3A_1645 : memref<32x128xf32, #tpu.memory_space<hbm>>) target(%dma_start3A_1643 : memref<32x128xf32, #tpu.memory_space<vmem>>) target_semaphore(%arg10 : memref<!tpu.dma_semaphore, #tpu.memory_space<semaphore_mem>>)
        %slice3A_1646 = vector.extract_strided_slice %get3A_1601 {offsets = [2], sizes = [1], strides = [1]} : vector<16xi32> to vector<1xi32>
        %squeeze3A_1647 = vector.extract %slice3A_1646[0] : i32 from vector<1xi32>
        %shift_right_arithmetic3A_1648 = arith.constant 7 : i32
        %shift_right_arithmetic3A_1649 = arith.shrsi %squeeze3A_1647, %shift_right_arithmetic3A_1648 : i32
        %min3A_1650 = arith.constant 7811 : i32
        %min3A_1651 = arith.minsi %shift_right_arithmetic3A_1649, %min3A_1650 : i32
        %mul3A_1652 = arith.constant 128 : i32
        %mul3A_1653 = arith.muli %min3A_1651, %mul3A_1652 : i32
        %dma_start3A_1654 = arith.constant 0 : i32
        %dma_start3A_1655 = arith.constant 2 : i32
        %dma_start3A_1656 = arith.constant 0 : i32
        %dma_start3A_1657 = arith.constant 0 : i32
        %dma_start3A_1658 = tpu.memref_slice %arg7[%dma_start3A_1654, %dma_start3A_1655, %dma_start3A_1656, %dma_start3A_1657] : memref<2x8x32x128xf32, #tpu.memory_space<vmem>> -> memref<1x1x32x128xf32, #tpu.memory_space<vmem>>
        %dma_start3A_1659 = tpu.memref_squeeze %dma_start3A_1658 : memref<1x1x32x128xf32, #tpu.memory_space<vmem>> -> memref<32x128xf32, #tpu.memory_space<vmem>>
        %dma_start3A_1660 = arith.constant 0 : i32
        %dma_start3A_1661 = tpu.memref_slice %arg3[%dma_start3A_1660, %mul3A_1653] : memref<32x1000000xf32, #tpu.memory_space<hbm>> -> memref<32x128xf32, #tpu.memory_space<hbm>>
        %dma_start3A_1662 = arith.constant 0 : i32
        %dma_start3A_1663 = arith.constant 0 : i32
        %dma_start3A_1664 = tpu.memref_slice %arg7[%dma_start3A_1654, %dma_start3A_1655, %dma_start3A_1662, %dma_start3A_1663] : memref<2x8x32x128xf32, #tpu.memory_space<vmem>> -> memref<1x1x32x128xf32, #tpu.memory_space<vmem>>
        %dma_start3A_1665 = tpu.memref_squeeze %dma_start3A_1664 : memref<1x1x32x128xf32, #tpu.memory_space<vmem>> -> memref<32x128xf32, #tpu.memory_space<vmem>>
        %dma_start3A_1666 = arith.constant 0 : i32
        %dma_start3A_1667 = tpu.memref_slice %arg3[%dma_start3A_1666, %mul3A_1653] : memref<32x1000000xf32, #tpu.memory_space<hbm>> -> memref<32x128xf32, #tpu.memory_space<hbm>>
        tpu.enqueue_dma source(%dma_start3A_1667 : memref<32x128xf32, #tpu.memory_space<hbm>>) target(%dma_start3A_1665 : memref<32x128xf32, #tpu.memory_space<vmem>>) target_semaphore(%arg10 : memref<!tpu.dma_semaphore, #tpu.memory_space<semaphore_mem>>)
        %slice3A_1668 = vector.extract_strided_slice %get3A_1601 {offsets = [3], sizes = [1], strides = [1]} : vector<16xi32> to vector<1xi32>
        %squeeze3A_1669 = vector.extract %slice3A_1668[0] : i32 from vector<1xi32>
        %shift_right_arithmetic3A_1670 = arith.constant 7 : i32
        %shift_right_arithmetic3A_1671 = arith.shrsi %squeeze3A_1669, %shift_right_arithmetic3A_1670 : i32
        %min3A_1672 = arith.constant 7811 : i32
        %min3A_1673 = arith.minsi %shift_right_arithmetic3A_1671, %min3A_1672 : i32
        %mul3A_1674 = arith.constant 128 : i32
        %mul3A_1675 = arith.muli %min3A_1673, %mul3A_1674 : i32
        %dma_start3A_1676 = arith.constant 0 : i32
        %dma_start3A_1677 = arith.constant 3 : i32
        %dma_start3A_1678 = arith.constant 0 : i32
        %dma_start3A_1679 = arith.constant 0 : i32
        %dma_start3A_1680 = tpu.memref_slice %arg7[%dma_start3A_1676, %dma_start3A_1677, %dma_start3A_1678, %dma_start3A_1679] : memref<2x8x32x128xf32, #tpu.memory_space<vmem>> -> memref<1x1x32x128xf32, #tpu.memory_space<vmem>>
        %dma_start3A_1681 = tpu.memref_squeeze %dma_start3A_1680 : memref<1x1x32x128xf32, #tpu.memory_space<vmem>> -> memref<32x128xf32, #tpu.memory_space<vmem>>
        %dma_start3A_1682 = arith.constant 0 : i32
        %dma_start3A_1683 = tpu.memref_slice %arg3[%dma_start3A_1682, %mul3A_1675] : memref<32x1000000xf32, #tpu.memory_space<hbm>> -> memref<32x128xf32, #tpu.memory_space<hbm>>
        %dma_start3A_1684 = arith.constant 0 : i32
        %dma_start3A_1685 = arith.constant 0 : i32
        %dma_start3A_1686 = tpu.memref_slice %arg7[%dma_start3A_1676, %dma_start3A_1677, %dma_start3A_1684, %dma_start3A_1685] : memref<2x8x32x128xf32, #tpu.memory_space<vmem>> -> memref<1x1x32x128xf32, #tpu.memory_space<vmem>>
        %dma_start3A_1687 = tpu.memref_squeeze %dma_start3A_1686 : memref<1x1x32x128xf32, #tpu.memory_space<vmem>> -> memref<32x128xf32, #tpu.memory_space<vmem>>
        %dma_start3A_1688 = arith.constant 0 : i32
        %dma_start3A_1689 = tpu.memref_slice %arg3[%dma_start3A_1688, %mul3A_1675] : memref<32x1000000xf32, #tpu.memory_space<hbm>> -> memref<32x128xf32, #tpu.memory_space<hbm>>
        tpu.enqueue_dma source(%dma_start3A_1689 : memref<32x128xf32, #tpu.memory_space<hbm>>) target(%dma_start3A_1687 : memref<32x128xf32, #tpu.memory_space<vmem>>) target_semaphore(%arg10 : memref<!tpu.dma_semaphore, #tpu.memory_space<semaphore_mem>>)
        %slice3A_1690 = vector.extract_strided_slice %get3A_1601 {offsets = [4], sizes = [1], strides = [1]} : vector<16xi32> to vector<1xi32>
        %squeeze3A_1691 = vector.extract %slice3A_1690[0] : i32 from vector<1xi32>
        %shift_right_arithmetic3A_1692 = arith.constant 7 : i32
        %shift_right_arithmetic3A_1693 = arith.shrsi %squeeze3A_1691, %shift_right_arithmetic3A_1692 : i32
        %min3A_1694 = arith.constant 7811 : i32
        %min3A_1695 = arith.minsi %shift_right_arithmetic3A_1693, %min3A_1694 : i32
        %mul3A_1696 = arith.constant 128 : i32
        %mul3A_1697 = arith.muli %min3A_1695, %mul3A_1696 : i32
        %dma_start3A_1698 = arith.constant 0 : i32
        %dma_start3A_1699 = arith.constant 4 : i32
        %dma_start3A_1700 = arith.constant 0 : i32
        %dma_start3A_1701 = arith.constant 0 : i32
        %dma_start3A_1702 = tpu.memref_slice %arg7[%dma_start3A_1698, %dma_start3A_1699, %dma_start3A_1700, %dma_start3A_1701] : memref<2x8x32x128xf32, #tpu.memory_space<vmem>> -> memref<1x1x32x128xf32, #tpu.memory_space<vmem>>
        %dma_start3A_1703 = tpu.memref_squeeze %dma_start3A_1702 : memref<1x1x32x128xf32, #tpu.memory_space<vmem>> -> memref<32x128xf32, #tpu.memory_space<vmem>>
        %dma_start3A_1704 = arith.constant 0 : i32
        %dma_start3A_1705 = tpu.memref_slice %arg3[%dma_start3A_1704, %mul3A_1697] : memref<32x1000000xf32, #tpu.memory_space<hbm>> -> memref<32x128xf32, #tpu.memory_space<hbm>>
        %dma_start3A_1706 = arith.constant 0 : i32
        %dma_start3A_1707 = arith.constant 0 : i32
        %dma_start3A_1708 = tpu.memref_slice %arg7[%dma_start3A_1698, %dma_start3A_1699, %dma_start3A_1706, %dma_start3A_1707] : memref<2x8x32x128xf32, #tpu.memory_space<vmem>> -> memref<1x1x32x128xf32, #tpu.memory_space<vmem>>
        %dma_start3A_1709 = tpu.memref_squeeze %dma_start3A_1708 : memref<1x1x32x128xf32, #tpu.memory_space<vmem>> -> memref<32x128xf32, #tpu.memory_space<vmem>>
        %dma_start3A_1710 = arith.constant 0 : i32
        %dma_start3A_1711 = tpu.memref_slice %arg3[%dma_start3A_1710, %mul3A_1697] : memref<32x1000000xf32, #tpu.memory_space<hbm>> -> memref<32x128xf32, #tpu.memory_space<hbm>>
        tpu.enqueue_dma source(%dma_start3A_1711 : memref<32x128xf32, #tpu.memory_space<hbm>>) target(%dma_start3A_1709 : memref<32x128xf32, #tpu.memory_space<vmem>>) target_semaphore(%arg10 : memref<!tpu.dma_semaphore, #tpu.memory_space<semaphore_mem>>)
        %slice3A_1712 = vector.extract_strided_slice %get3A_1601 {offsets = [5], sizes = [1], strides = [1]} : vector<16xi32> to vector<1xi32>
        %squeeze3A_1713 = vector.extract %slice3A_1712[0] : i32 from vector<1xi32>
        %shift_right_arithmetic3A_1714 = arith.constant 7 : i32
        %shift_right_arithmetic3A_1715 = arith.shrsi %squeeze3A_1713, %shift_right_arithmetic3A_1714 : i32
        %min3A_1716 = arith.constant 7811 : i32
        %min3A_1717 = arith.minsi %shift_right_arithmetic3A_1715, %min3A_1716 : i32
        %mul3A_1718 = arith.constant 128 : i32
        %mul3A_1719 = arith.muli %min3A_1717, %mul3A_1718 : i32
        %dma_start3A_1720 = arith.constant 0 : i32
        %dma_start3A_1721 = arith.constant 5 : i32
        %dma_start3A_1722 = arith.constant 0 : i32
        %dma_start3A_1723 = arith.constant 0 : i32
        %dma_start3A_1724 = tpu.memref_slice %arg7[%dma_start3A_1720, %dma_start3A_1721, %dma_start3A_1722, %dma_start3A_1723] : memref<2x8x32x128xf32, #tpu.memory_space<vmem>> -> memref<1x1x32x128xf32, #tpu.memory_space<vmem>>
        %dma_start3A_1725 = tpu.memref_squeeze %dma_start3A_1724 : memref<1x1x32x128xf32, #tpu.memory_space<vmem>> -> memref<32x128xf32, #tpu.memory_space<vmem>>
        %dma_start3A_1726 = arith.constant 0 : i32
        %dma_start3A_1727 = tpu.memref_slice %arg3[%dma_start3A_1726, %mul3A_1719] : memref<32x1000000xf32, #tpu.memory_space<hbm>> -> memref<32x128xf32, #tpu.memory_space<hbm>>
        %dma_start3A_1728 = arith.constant 0 : i32
        %dma_start3A_1729 = arith.constant 0 : i32
        %dma_start3A_1730 = tpu.memref_slice %arg7[%dma_start3A_1720, %dma_start3A_1721, %dma_start3A_1728, %dma_start3A_1729] : memref<2x8x32x128xf32, #tpu.memory_space<vmem>> -> memref<1x1x32x128xf32, #tpu.memory_space<vmem>>
        %dma_start3A_1731 = tpu.memref_squeeze %dma_start3A_1730 : memref<1x1x32x128xf32, #tpu.memory_space<vmem>> -> memref<32x128xf32, #tpu.memory_space<vmem>>
        %dma_start3A_1732 = arith.constant 0 : i32
        %dma_start3A_1733 = tpu.memref_slice %arg3[%dma_start3A_1732, %mul3A_1719] : memref<32x1000000xf32, #tpu.memory_space<hbm>> -> memref<32x128xf32, #tpu.memory_space<hbm>>
        tpu.enqueue_dma source(%dma_start3A_1733 : memref<32x128xf32, #tpu.memory_space<hbm>>) target(%dma_start3A_1731 : memref<32x128xf32, #tpu.memory_space<vmem>>) target_semaphore(%arg10 : memref<!tpu.dma_semaphore, #tpu.memory_space<semaphore_mem>>)
        %slice3A_1734 = vector.extract_strided_slice %get3A_1601 {offsets = [6], sizes = [1], strides = [1]} : vector<16xi32> to vector<1xi32>
        %squeeze3A_1735 = vector.extract %slice3A_1734[0] : i32 from vector<1xi32>
        %shift_right_arithmetic3A_1736 = arith.constant 7 : i32
        %shift_right_arithmetic3A_1737 = arith.shrsi %squeeze3A_1735, %shift_right_arithmetic3A_1736 : i32
        %min3A_1738 = arith.constant 7811 : i32
        %min3A_1739 = arith.minsi %shift_right_arithmetic3A_1737, %min3A_1738 : i32
        %mul3A_1740 = arith.constant 128 : i32
        %mul3A_1741 = arith.muli %min3A_1739, %mul3A_1740 : i32
        %dma_start3A_1742 = arith.constant 0 : i32
        %dma_start3A_1743 = arith.constant 6 : i32
        %dma_start3A_1744 = arith.constant 0 : i32
        %dma_start3A_1745 = arith.constant 0 : i32
        %dma_start3A_1746 = tpu.memref_slice %arg7[%dma_start3A_1742, %dma_start3A_1743, %dma_start3A_1744, %dma_start3A_1745] : memref<2x8x32x128xf32, #tpu.memory_space<vmem>> -> memref<1x1x32x128xf32, #tpu.memory_space<vmem>>
        %dma_start3A_1747 = tpu.memref_squeeze %dma_start3A_1746 : memref<1x1x32x128xf32, #tpu.memory_space<vmem>> -> memref<32x128xf32, #tpu.memory_space<vmem>>
        %dma_start3A_1748 = arith.constant 0 : i32
        %dma_start3A_1749 = tpu.memref_slice %arg3[%dma_start3A_1748, %mul3A_1741] : memref<32x1000000xf32, #tpu.memory_space<hbm>> -> memref<32x128xf32, #tpu.memory_space<hbm>>
        %dma_start3A_1750 = arith.constant 0 : i32
        %dma_start3A_1751 = arith.constant 0 : i32
        %dma_start3A_1752 = tpu.memref_slice %arg7[%dma_start3A_1742, %dma_start3A_1743, %dma_start3A_1750, %dma_start3A_1751] : memref<2x8x32x128xf32, #tpu.memory_space<vmem>> -> memref<1x1x32x128xf32, #tpu.memory_space<vmem>>
        %dma_start3A_1753 = tpu.memref_squeeze %dma_start3A_1752 : memref<1x1x32x128xf32, #tpu.memory_space<vmem>> -> memref<32x128xf32, #tpu.memory_space<vmem>>
        %dma_start3A_1754 = arith.constant 0 : i32
        %dma_start3A_1755 = tpu.memref_slice %arg3[%dma_start3A_1754, %mul3A_1741] : memref<32x1000000xf32, #tpu.memory_space<hbm>> -> memref<32x128xf32, #tpu.memory_space<hbm>>
        tpu.enqueue_dma source(%dma_start3A_1755 : memref<32x128xf32, #tpu.memory_space<hbm>>) target(%dma_start3A_1753 : memref<32x128xf32, #tpu.memory_space<vmem>>) target_semaphore(%arg10 : memref<!tpu.dma_semaphore, #tpu.memory_space<semaphore_mem>>)
        %slice3A_1756 = vector.extract_strided_slice %get3A_1601 {offsets = [7], sizes = [1], strides = [1]} : vector<16xi32> to vector<1xi32>
        %squeeze3A_1757 = vector.extract %slice3A_1756[0] : i32 from vector<1xi32>
        %shift_right_arithmetic3A_1758 = arith.constant 7 : i32
        %shift_right_arithmetic3A_1759 = arith.shrsi %squeeze3A_1757, %shift_right_arithmetic3A_1758 : i32
        %min3A_1760 = arith.constant 7811 : i32
        %min3A_1761 = arith.minsi %shift_right_arithmetic3A_1759, %min3A_1760 : i32
        %mul3A_1762 = arith.constant 128 : i32
        %mul3A_1763 = arith.muli %min3A_1761, %mul3A_1762 : i32
        %dma_start3A_1764 = arith.constant 0 : i32
        %dma_start3A_1765 = arith.constant 7 : i32
        %dma_start3A_1766 = arith.constant 0 : i32
        %dma_start3A_1767 = arith.constant 0 : i32
        %dma_start3A_1768 = tpu.memref_slice %arg7[%dma_start3A_1764, %dma_start3A_1765, %dma_start3A_1766, %dma_start3A_1767] : memref<2x8x32x128xf32, #tpu.memory_space<vmem>> -> memref<1x1x32x128xf32, #tpu.memory_space<vmem>>
        %dma_start3A_1769 = tpu.memref_squeeze %dma_start3A_1768 : memref<1x1x32x128xf32, #tpu.memory_space<vmem>> -> memref<32x128xf32, #tpu.memory_space<vmem>>
        %dma_start3A_1770 = arith.constant 0 : i32
        %dma_start3A_1771 = tpu.memref_slice %arg3[%dma_start3A_1770, %mul3A_1763] : memref<32x1000000xf32, #tpu.memory_space<hbm>> -> memref<32x128xf32, #tpu.memory_space<hbm>>
        %dma_start3A_1772 = arith.constant 0 : i32
        %dma_start3A_1773 = arith.constant 0 : i32
        %dma_start3A_1774 = tpu.memref_slice %arg7[%dma_start3A_1764, %dma_start3A_1765, %dma_start3A_1772, %dma_start3A_1773] : memref<2x8x32x128xf32, #tpu.memory_space<vmem>> -> memref<1x1x32x128xf32, #tpu.memory_space<vmem>>
        %dma_start3A_1775 = tpu.memref_squeeze %dma_start3A_1774 : memref<1x1x32x128xf32, #tpu.memory_space<vmem>> -> memref<32x128xf32, #tpu.memory_space<vmem>>
        %dma_start3A_1776 = arith.constant 0 : i32
        %dma_start3A_1777 = tpu.memref_slice %arg3[%dma_start3A_1776, %mul3A_1763] : memref<32x1000000xf32, #tpu.memory_space<hbm>> -> memref<32x128xf32, #tpu.memory_space<hbm>>
        tpu.enqueue_dma source(%dma_start3A_1777 : memref<32x128xf32, #tpu.memory_space<hbm>>) target(%dma_start3A_1775 : memref<32x128xf32, #tpu.memory_space<vmem>>) target_semaphore(%arg10 : memref<!tpu.dma_semaphore, #tpu.memory_space<semaphore_mem>>)
      } else {
      }
      %gt3A_1119 = arith.constant 0 : i32
      %gt3A_1120 = arith.cmpi sgt, %scan3A_209, %gt3A_1119 : i32
      %convert_element_type3A_1121 = arith.extui %gt3A_1120 : i1 to i32
      %cond3A_1122 = arith.constant 0 : i32
      %cond3A_1123 = arith.cmpi ne, %convert_element_type3A_1121, %cond3A_1122 : i32
      scf.if %cond3A_1123 {
        %dma_wait3A_1596 = arith.constant 1 : i32
        %dma_wait3A_1597 = arith.constant 0 : i32
        %dma_wait3A_1598 = arith.constant 0 : i32
        %dma_wait3A_1599 = tpu.memref_slice %arg8[%dma_wait3A_1596, %dma_wait3A_1597, %dma_wait3A_1598] : memref<2x8x128xf32, #tpu.memory_space<vmem>> -> memref<1x8x128xf32, #tpu.memory_space<vmem>>
        %dma_wait3A_1600 = tpu.memref_squeeze %dma_wait3A_1599 : memref<1x8x128xf32, #tpu.memory_space<vmem>> -> memref<8x128xf32, #tpu.memory_space<vmem>>
        %dma_wait3A_1601 = arith.constant 0 : i32
        %dma_wait3A_1602 = arith.constant 0 : i32
        %dma_wait3A_1603 = tpu.memref_slice %arg5[%dma_wait3A_1601, %dma_wait3A_1602] : memref<13312x128xf32, #tpu.memory_space<hbm>> -> memref<8x128xf32, #tpu.memory_space<hbm>>
        %dma_wait3A_1604 = arith.constant 0 : i32
        %dma_wait3A_1605 = arith.constant 0 : i32
        %dma_wait3A_1606 = tpu.memref_slice %arg8[%dma_wait3A_1596, %dma_wait3A_1604, %dma_wait3A_1605] : memref<2x8x128xf32, #tpu.memory_space<vmem>> -> memref<1x8x128xf32, #tpu.memory_space<vmem>>
        %dma_wait3A_1607 = tpu.memref_squeeze %dma_wait3A_1606 : memref<1x8x128xf32, #tpu.memory_space<vmem>> -> memref<8x128xf32, #tpu.memory_space<vmem>>
        %dma_wait3A_1608 = arith.constant 0 : i32
        %dma_wait3A_1609 = arith.constant 0 : i32
        %dma_wait3A_1610 = tpu.memref_slice %arg5[%dma_wait3A_1608, %dma_wait3A_1609] : memref<13312x128xf32, #tpu.memory_space<hbm>> -> memref<8x128xf32, #tpu.memory_space<hbm>>
        tpu.wait_dma2 semaphore(%arg12 : memref<!tpu.dma_semaphore, #tpu.memory_space<semaphore_mem>>) src(%dma_wait3A_1610 : memref<8x128xf32, #tpu.memory_space<hbm>>) dst(%dma_wait3A_1607 : memref<8x128xf32, #tpu.memory_space<vmem>>)
      } else {
      }
      %add3A_1124 = arith.constant 1 : i32
      %add3A_1125 = arith.addi %mul3A_211, %add3A_1124 : i32
      %mul3A_1126 = arith.constant 8 : i32
      %mul3A_1127 = arith.muli %add3A_1125, %mul3A_1126 : i32
      %get3A_1128 = arith.index_cast %mul3A_1127 : i32 to index
      %get3A_1129 = tpu.vector_load %arg6[%get3A_1128] {strides = array<i32>} : memref<432xi32, #tpu.memory_space<vmem>>, vector<16xi32>,
      %slice3A_1130 = vector.extract_strided_slice %get3A_1129 {offsets = [0], sizes = [1], strides = [1]} : vector<16xi32> to vector<1xi32>
      %squeeze3A_1131 = vector.extract %slice3A_1130[0] : i32 from vector<1xi32>
      %shift_right_arithmetic3A_1132 = arith.constant 7 : i32
      %shift_right_arithmetic3A_1133 = arith.shrsi %squeeze3A_1131, %shift_right_arithmetic3A_1132 : i32
      %min3A_1134 = arith.constant 7811 : i32
      %min3A_1135 = arith.minsi %shift_right_arithmetic3A_1133, %min3A_1134 : i32
      %mul3A_1136 = arith.constant 128 : i32
      %mul3A_1137 = arith.muli %min3A_1135, %mul3A_1136 : i32
      %sub3A_1138 = arith.subi %squeeze3A_1131, %mul3A_1137 : i32
      %min3A_1139 = arith.constant 127 : i32
      %min3A_1140 = arith.minsi %sub3A_1138, %min3A_1139 : i32
      %sub3A_1141 = arith.constant 999936 : i32
      %sub3A_1142 = arith.subi %squeeze3A_1131, %sub3A_1141 : i32
      %max3A_1143 = arith.constant 0 : i32
      %max3A_1144 = arith.maxsi %sub3A_1142, %max3A_1143 : i32
      %min3A_1145 = arith.constant 127 : i32
      %min3A_1146 = arith.minsi %max3A_1144, %min3A_1145 : i32
      %ge3A_1147 = arith.constant 999936 : i32
      %ge3A_1148 = arith.cmpi sge, %squeeze3A_1131, %ge3A_1147 : i32
      %broadcast_in_dim3A_1149 = vector.broadcast %ge3A_1148 : i1 to vector<16xi1>
      %add3A_1150 = arith.constant 0 : i32
      %add3A_1151 = vector.broadcast %add3A_1150 : i32 to vector<16xi32>
      %add3A_1152 = arith.addi %iota3A, %add3A_1151 : vector<16xi32>
      %broadcast_in_dim3A_1153 = arith.constant 1 : i32
      %broadcast_in_dim3A_1154 = vector.broadcast %broadcast_in_dim3A_1153 : i32 to vector<16xi32>
      %broadcast_in_dim3A_1155 = arith.constant 0 : i32
      %broadcast_in_dim3A_1156 = vector.broadcast %broadcast_in_dim3A_1155 : i32 to vector<16xi32>
      %broadcast_in_dim3A_1157 = vector.broadcast %min3A_1140 : i32 to vector<16xi32>
      %gather3A_1158 = tpu.vector_load_idx %arg7[%broadcast_in_dim3A_1154, %broadcast_in_dim3A_1156, %add3A_1152, %broadcast_in_dim3A_1157] : memref<2x8x32x128xf32, #tpu.memory_space<vmem>>[vector<16xi32>, vector<16xi32>, vector<16xi32>, vector<16xi32>], vector<16xf32>,
      %broadcast_in_dim3A_1159 = vector.broadcast %min3A_1146 : i32 to vector<16xi32>
      %gather3A_1160 = tpu.vector_load_idx %arg9[%add3A_1152, %broadcast_in_dim3A_1159] : memref<32x128xf32, #tpu.memory_space<vmem>>[vector<16xi32>, vector<16xi32>], vector<16xf32>,
      %select_n3A_1161 = arith.select %broadcast_in_dim3A_1149, %gather3A_1160, %gather3A_1158 : vector<16xi1>, vector<16xf32>
      %swap3A_1162 = arith.constant 1 : i32
      %swap3A_1163 = arith.constant 0 : i32
      %swap3A_1164 = arith.index_cast %swap3A_1162 : i32 to index
      %swap3A_1165 = arith.index_cast %swap3A_1163 : i32 to index
      %swap3A_1166 = arith.constant 0 : index
      %swap3A_1167 = tpu.vector_load %arg8[%swap3A_1164, %swap3A_1165, %swap3A_1166] {strides = array<i32>} : memref<2x8x128xf32, #tpu.memory_space<vmem>>, vector<16xf32>,
      tpu.vector_store %arg8[%swap3A_1164, %swap3A_1165, %swap3A_1166], %select_n3A_1161 {strides = array<i32>} : memref<2x8x128xf32, #tpu.memory_space<vmem>>, vector<16xf32>,
      %add3A_1168 = arith.constant 16 : i32
      %add3A_1169 = vector.broadcast %add3A_1168 : i32 to vector<16xi32>
      %add3A_1170 = arith.addi %iota3A, %add3A_1169 : vector<16xi32>
      %broadcast_in_dim3A_1171 = arith.constant 1 : i32
      %broadcast_in_dim3A_1172 = vector.broadcast %broadcast_in_dim3A_1171 : i32 to vector<16xi32>
      %broadcast_in_dim3A_1173 = arith.constant 0 : i32
      %broadcast_in_dim3A_1174 = vector.broadcast %broadcast_in_dim3A_1173 : i32 to vector<16xi32>
      %broadcast_in_dim3A_1175 = vector.broadcast %min3A_1140 : i32 to vector<16xi32>
      %gather3A_1176 = tpu.vector_load_idx %arg7[%broadcast_in_dim3A_1172, %broadcast_in_dim3A_1174, %add3A_1170, %broadcast_in_dim3A_1175] : memref<2x8x32x128xf32, #tpu.memory_space<vmem>>[vector<16xi32>, vector<16xi32>, vector<16xi32>, vector<16xi32>], vector<16xf32>,
      %broadcast_in_dim3A_1177 = vector.broadcast %min3A_1146 : i32 to vector<16xi32>
      %gather3A_1178 = tpu.vector_load_idx %arg9[%add3A_1170, %broadcast_in_dim3A_1177] : memref<32x128xf32, #tpu.memory_space<vmem>>[vector<16xi32>, vector<16xi32>], vector<16xf32>,
      %select_n3A_1179 = arith.select %broadcast_in_dim3A_1149, %gather3A_1178, %gather3A_1176 : vector<16xi1>, vector<16xf32>
      %swap3A_1180 = arith.constant 1 : i32
      %swap3A_1181 = arith.constant 0 : i32
      %swap3A_1182 = arith.index_cast %swap3A_1180 : i32 to index
      %swap3A_1183 = arith.index_cast %swap3A_1181 : i32 to index
      %swap3A_1184 = arith.constant 16 : index
      %swap3A_1185 = tpu.vector_load %arg8[%swap3A_1182, %swap3A_1183, %swap3A_1184] {strides = array<i32>} : memref<2x8x128xf32, #tpu.memory_space<vmem>>, vector<16xf32>,
      tpu.vector_store %arg8[%swap3A_1182, %swap3A_1183, %swap3A_1184], %select_n3A_1179 {strides = array<i32>} : memref<2x8x128xf32, #tpu.memory_space<vmem>>, vector<16xf32>,
      %slice3A_1186 = vector.extract_strided_slice %get3A_1129 {offsets = [1], sizes = [1], strides = [1]} : vector<16xi32> to vector<1xi32>
      %squeeze3A_1187 = vector.extract %slice3A_1186[0] : i32 from vector<1xi32>
      %shift_right_arithmetic3A_1188 = arith.constant 7 : i32
      %shift_right_arithmetic3A_1189 = arith.shrsi %squeeze3A_1187, %shift_right_arithmetic3A_1188 : i32
      %min3A_1190 = arith.constant 7811 : i32
      %min3A_1191 = arith.minsi %shift_right_arithmetic3A_1189, %min3A_1190 : i32
      %mul3A_1192 = arith.constant 128 : i32
      %mul3A_1193 = arith.muli %min3A_1191, %mul3A_1192 : i32
      %sub3A_1194 = arith.subi %squeeze3A_1187, %mul3A_1193 : i32
      %min3A_1195 = arith.constant 127 : i32
      %min3A_1196 = arith.minsi %sub3A_1194, %min3A_1195 : i32
      %sub3A_1197 = arith.constant 999936 : i32
      %sub3A_1198 = arith.subi %squeeze3A_1187, %sub3A_1197 : i32
      %max3A_1199 = arith.constant 0 : i32
      %max3A_1200 = arith.maxsi %sub3A_1198, %max3A_1199 : i32
      %min3A_1201 = arith.constant 127 : i32
      %min3A_1202 = arith.minsi %max3A_1200, %min3A_1201 : i32
      %ge3A_1203 = arith.constant 999936 : i32
      %ge3A_1204 = arith.cmpi sge, %squeeze3A_1187, %ge3A_1203 : i32
      %broadcast_in_dim3A_1205 = vector.broadcast %ge3A_1204 : i1 to vector<16xi1>
      %add3A_1206 = arith.constant 0 : i32
      %add3A_1207 = vector.broadcast %add3A_1206 : i32 to vector<16xi32>
      %add3A_1208 = arith.addi %iota3A, %add3A_1207 : vector<16xi32>
      %broadcast_in_dim3A_1209 = arith.constant 1 : i32
      %broadcast_in_dim3A_1210 = vector.broadcast %broadcast_in_dim3A_1209 : i32 to vector<16xi32>
      %broadcast_in_dim3A_1211 = arith.constant 1 : i32
      %broadcast_in_dim3A_1212 = vector.broadcast %broadcast_in_dim3A_1211 : i32 to vector<16xi32>
      %broadcast_in_dim3A_1213 = vector.broadcast %min3A_1196 : i32 to vector<16xi32>
      %gather3A_1214 = tpu.vector_load_idx %arg7[%broadcast_in_dim3A_1210, %broadcast_in_dim3A_1212, %add3A_1208, %broadcast_in_dim3A_1213] : memref<2x8x32x128xf32, #tpu.memory_space<vmem>>[vector<16xi32>, vector<16xi32>, vector<16xi32>, vector<16xi32>], vector<16xf32>,
      %broadcast_in_dim3A_1215 = vector.broadcast %min3A_1202 : i32 to vector<16xi32>
      %gather3A_1216 = tpu.vector_load_idx %arg9[%add3A_1208, %broadcast_in_dim3A_1215] : memref<32x128xf32, #tpu.memory_space<vmem>>[vector<16xi32>, vector<16xi32>], vector<16xf32>,
      %select_n3A_1217 = arith.select %broadcast_in_dim3A_1205, %gather3A_1216, %gather3A_1214 : vector<16xi1>, vector<16xf32>
      %swap3A_1218 = arith.constant 1 : i32
      %swap3A_1219 = arith.constant 1 : i32
      %swap3A_1220 = arith.index_cast %swap3A_1218 : i32 to index
      %swap3A_1221 = arith.index_cast %swap3A_1219 : i32 to index
      %swap3A_1222 = arith.constant 0 : index
      %swap3A_1223 = tpu.vector_load %arg8[%swap3A_1220, %swap3A_1221, %swap3A_1222] {strides = array<i32>} : memref<2x8x128xf32, #tpu.memory_space<vmem>>, vector<16xf32>,
      tpu.vector_store %arg8[%swap3A_1220, %swap3A_1221, %swap3A_1222], %select_n3A_1217 {strides = array<i32>} : memref<2x8x128xf32, #tpu.memory_space<vmem>>, vector<16xf32>,
      %add3A_1224 = arith.constant 16 : i32
      %add3A_1225 = vector.broadcast %add3A_1224 : i32 to vector<16xi32>
      %add3A_1226 = arith.addi %iota3A, %add3A_1225 : vector<16xi32>
      %broadcast_in_dim3A_1227 = arith.constant 1 : i32
      %broadcast_in_dim3A_1228 = vector.broadcast %broadcast_in_dim3A_1227 : i32 to vector<16xi32>
      %broadcast_in_dim3A_1229 = arith.constant 1 : i32
      %broadcast_in_dim3A_1230 = vector.broadcast %broadcast_in_dim3A_1229 : i32 to vector<16xi32>
      %broadcast_in_dim3A_1231 = vector.broadcast %min3A_1196 : i32 to vector<16xi32>
      %gather3A_1232 = tpu.vector_load_idx %arg7[%broadcast_in_dim3A_1228, %broadcast_in_dim3A_1230, %add3A_1226, %broadcast_in_dim3A_1231] : memref<2x8x32x128xf32, #tpu.memory_space<vmem>>[vector<16xi32>, vector<16xi32>, vector<16xi32>, vector<16xi32>], vector<16xf32>,
      %broadcast_in_dim3A_1233 = vector.broadcast %min3A_1202 : i32 to vector<16xi32>
      %gather3A_1234 = tpu.vector_load_idx %arg9[%add3A_1226, %broadcast_in_dim3A_1233] : memref<32x128xf32, #tpu.memory_space<vmem>>[vector<16xi32>, vector<16xi32>], vector<16xf32>,
      %select_n3A_1235 = arith.select %broadcast_in_dim3A_1205, %gather3A_1234, %gather3A_1232 : vector<16xi1>, vector<16xf32>
      %swap3A_1236 = arith.constant 1 : i32
      %swap3A_1237 = arith.constant 1 : i32
      %swap3A_1238 = arith.index_cast %swap3A_1236 : i32 to index
      %swap3A_1239 = arith.index_cast %swap3A_1237 : i32 to index
      %swap3A_1240 = arith.constant 16 : index
      %swap3A_1241 = tpu.vector_load %arg8[%swap3A_1238, %swap3A_1239, %swap3A_1240] {strides = array<i32>} : memref<2x8x128xf32, #tpu.memory_space<vmem>>, vector<16xf32>,
      tpu.vector_store %arg8[%swap3A_1238, %swap3A_1239, %swap3A_1240], %select_n3A_1235 {strides = array<i32>} : memref<2x8x128xf32, #tpu.memory_space<vmem>>, vector<16xf32>,
      %slice3A_1242 = vector.extract_strided_slice %get3A_1129 {offsets = [2], sizes = [1], strides = [1]} : vector<16xi32> to vector<1xi32>
      %squeeze3A_1243 = vector.extract %slice3A_1242[0] : i32 from vector<1xi32>
      %shift_right_arithmetic3A_1244 = arith.constant 7 : i32
      %shift_right_arithmetic3A_1245 = arith.shrsi %squeeze3A_1243, %shift_right_arithmetic3A_1244 : i32
      %min3A_1246 = arith.constant 7811 : i32
      %min3A_1247 = arith.minsi %shift_right_arithmetic3A_1245, %min3A_1246 : i32
      %mul3A_1248 = arith.constant 128 : i32
      %mul3A_1249 = arith.muli %min3A_1247, %mul3A_1248 : i32
      %sub3A_1250 = arith.subi %squeeze3A_1243, %mul3A_1249 : i32
      %min3A_1251 = arith.constant 127 : i32
      %min3A_1252 = arith.minsi %sub3A_1250, %min3A_1251 : i32
      %sub3A_1253 = arith.constant 999936 : i32
      %sub3A_1254 = arith.subi %squeeze3A_1243, %sub3A_1253 : i32
      %max3A_1255 = arith.constant 0 : i32
      %max3A_1256 = arith.maxsi %sub3A_1254, %max3A_1255 : i32
      %min3A_1257 = arith.constant 127 : i32
      %min3A_1258 = arith.minsi %max3A_1256, %min3A_1257 : i32
      %ge3A_1259 = arith.constant 999936 : i32
      %ge3A_1260 = arith.cmpi sge, %squeeze3A_1243, %ge3A_1259 : i32
      %broadcast_in_dim3A_1261 = vector.broadcast %ge3A_1260 : i1 to vector<16xi1>
      %add3A_1262 = arith.constant 0 : i32
      %add3A_1263 = vector.broadcast %add3A_1262 : i32 to vector<16xi32>
      %add3A_1264 = arith.addi %iota3A, %add3A_1263 : vector<16xi32>
      %broadcast_in_dim3A_1265 = arith.constant 1 : i32
      %broadcast_in_dim3A_1266 = vector.broadcast %broadcast_in_dim3A_1265 : i32 to vector<16xi32>
      %broadcast_in_dim3A_1267 = arith.constant 2 : i32
      %broadcast_in_dim3A_1268 = vector.broadcast %broadcast_in_dim3A_1267 : i32 to vector<16xi32>
      %broadcast_in_dim3A_1269 = vector.broadcast %min3A_1252 : i32 to vector<16xi32>
      %gather3A_1270 = tpu.vector_load_idx %arg7[%broadcast_in_dim3A_1266, %broadcast_in_dim3A_1268, %add3A_1264, %broadcast_in_dim3A_1269] : memref<2x8x32x128xf32, #tpu.memory_space<vmem>>[vector<16xi32>, vector<16xi32>, vector<16xi32>, vector<16xi32>], vector<16xf32>,
      %broadcast_in_dim3A_1271 = vector.broadcast %min3A_1258 : i32 to vector<16xi32>
      %gather3A_1272 = tpu.vector_load_idx %arg9[%add3A_1264, %broadcast_in_dim3A_1271] : memref<32x128xf32, #tpu.memory_space<vmem>>[vector<16xi32>, vector<16xi32>], vector<16xf32>,
      %select_n3A_1273 = arith.select %broadcast_in_dim3A_1261, %gather3A_1272, %gather3A_1270 : vector<16xi1>, vector<16xf32>
      %swap3A_1274 = arith.constant 1 : i32
      %swap3A_1275 = arith.constant 2 : i32
      %swap3A_1276 = arith.index_cast %swap3A_1274 : i32 to index
      %swap3A_1277 = arith.index_cast %swap3A_1275 : i32 to index
      %swap3A_1278 = arith.constant 0 : index
      %swap3A_1279 = tpu.vector_load %arg8[%swap3A_1276, %swap3A_1277, %swap3A_1278] {strides = array<i32>} : memref<2x8x128xf32, #tpu.memory_space<vmem>>, vector<16xf32>,
      tpu.vector_store %arg8[%swap3A_1276, %swap3A_1277, %swap3A_1278], %select_n3A_1273 {strides = array<i32>} : memref<2x8x128xf32, #tpu.memory_space<vmem>>, vector<16xf32>,
      %add3A_1280 = arith.constant 16 : i32
      %add3A_1281 = vector.broadcast %add3A_1280 : i32 to vector<16xi32>
      %add3A_1282 = arith.addi %iota3A, %add3A_1281 : vector<16xi32>
      %broadcast_in_dim3A_1283 = arith.constant 1 : i32
      %broadcast_in_dim3A_1284 = vector.broadcast %broadcast_in_dim3A_1283 : i32 to vector<16xi32>
      %broadcast_in_dim3A_1285 = arith.constant 2 : i32
      %broadcast_in_dim3A_1286 = vector.broadcast %broadcast_in_dim3A_1285 : i32 to vector<16xi32>
      %broadcast_in_dim3A_1287 = vector.broadcast %min3A_1252 : i32 to vector<16xi32>
      %gather3A_1288 = tpu.vector_load_idx %arg7[%broadcast_in_dim3A_1284, %broadcast_in_dim3A_1286, %add3A_1282, %broadcast_in_dim3A_1287] : memref<2x8x32x128xf32, #tpu.memory_space<vmem>>[vector<16xi32>, vector<16xi32>, vector<16xi32>, vector<16xi32>], vector<16xf32>,
      %broadcast_in_dim3A_1289 = vector.broadcast %min3A_1258 : i32 to vector<16xi32>
      %gather3A_1290 = tpu.vector_load_idx %arg9[%add3A_1282, %broadcast_in_dim3A_1289] : memref<32x128xf32, #tpu.memory_space<vmem>>[vector<16xi32>, vector<16xi32>], vector<16xf32>,
      %select_n3A_1291 = arith.select %broadcast_in_dim3A_1261, %gather3A_1290, %gather3A_1288 : vector<16xi1>, vector<16xf32>
      %swap3A_1292 = arith.constant 1 : i32
      %swap3A_1293 = arith.constant 2 : i32
      %swap3A_1294 = arith.index_cast %swap3A_1292 : i32 to index
      %swap3A_1295 = arith.index_cast %swap3A_1293 : i32 to index
      %swap3A_1296 = arith.constant 16 : index
      %swap3A_1297 = tpu.vector_load %arg8[%swap3A_1294, %swap3A_1295, %swap3A_1296] {strides = array<i32>} : memref<2x8x128xf32, #tpu.memory_space<vmem>>, vector<16xf32>,
      tpu.vector_store %arg8[%swap3A_1294, %swap3A_1295, %swap3A_1296], %select_n3A_1291 {strides = array<i32>} : memref<2x8x128xf32, #tpu.memory_space<vmem>>, vector<16xf32>,
      %slice3A_1298 = vector.extract_strided_slice %get3A_1129 {offsets = [3], sizes = [1], strides = [1]} : vector<16xi32> to vector<1xi32>
      %squeeze3A_1299 = vector.extract %slice3A_1298[0] : i32 from vector<1xi32>
      %shift_right_arithmetic3A_1300 = arith.constant 7 : i32
      %shift_right_arithmetic3A_1301 = arith.shrsi %squeeze3A_1299, %shift_right_arithmetic3A_1300 : i32
      %min3A_1302 = arith.constant 7811 : i32
      %min3A_1303 = arith.minsi %shift_right_arithmetic3A_1301, %min3A_1302 : i32
      %mul3A_1304 = arith.constant 128 : i32
      %mul3A_1305 = arith.muli %min3A_1303, %mul3A_1304 : i32
      %sub3A_1306 = arith.subi %squeeze3A_1299, %mul3A_1305 : i32
      %min3A_1307 = arith.constant 127 : i32
      %min3A_1308 = arith.minsi %sub3A_1306, %min3A_1307 : i32
      %sub3A_1309 = arith.constant 999936 : i32
      %sub3A_1310 = arith.subi %squeeze3A_1299, %sub3A_1309 : i32
      %max3A_1311 = arith.constant 0 : i32
      %max3A_1312 = arith.maxsi %sub3A_1310, %max3A_1311 : i32
      %min3A_1313 = arith.constant 127 : i32
      %min3A_1314 = arith.minsi %max3A_1312, %min3A_1313 : i32
      %ge3A_1315 = arith.constant 999936 : i32
      %ge3A_1316 = arith.cmpi sge, %squeeze3A_1299, %ge3A_1315 : i32
      %broadcast_in_dim3A_1317 = vector.broadcast %ge3A_1316 : i1 to vector<16xi1>
      %add3A_1318 = arith.constant 0 : i32
      %add3A_1319 = vector.broadcast %add3A_1318 : i32 to vector<16xi32>
      %add3A_1320 = arith.addi %iota3A, %add3A_1319 : vector<16xi32>
      %broadcast_in_dim3A_1321 = arith.constant 1 : i32
      %broadcast_in_dim3A_1322 = vector.broadcast %broadcast_in_dim3A_1321 : i32 to vector<16xi32>
      %broadcast_in_dim3A_1323 = arith.constant 3 : i32
      %broadcast_in_dim3A_1324 = vector.broadcast %broadcast_in_dim3A_1323 : i32 to vector<16xi32>
      %broadcast_in_dim3A_1325 = vector.broadcast %min3A_1308 : i32 to vector<16xi32>
      %gather3A_1326 = tpu.vector_load_idx %arg7[%broadcast_in_dim3A_1322, %broadcast_in_dim3A_1324, %add3A_1320, %broadcast_in_dim3A_1325] : memref<2x8x32x128xf32, #tpu.memory_space<vmem>>[vector<16xi32>, vector<16xi32>, vector<16xi32>, vector<16xi32>], vector<16xf32>,
      %broadcast_in_dim3A_1327 = vector.broadcast %min3A_1314 : i32 to vector<16xi32>
      %gather3A_1328 = tpu.vector_load_idx %arg9[%add3A_1320, %broadcast_in_dim3A_1327] : memref<32x128xf32, #tpu.memory_space<vmem>>[vector<16xi32>, vector<16xi32>], vector<16xf32>,
      %select_n3A_1329 = arith.select %broadcast_in_dim3A_1317, %gather3A_1328, %gather3A_1326 : vector<16xi1>, vector<16xf32>
      %swap3A_1330 = arith.constant 1 : i32
      %swap3A_1331 = arith.constant 3 : i32
      %swap3A_1332 = arith.index_cast %swap3A_1330 : i32 to index
      %swap3A_1333 = arith.index_cast %swap3A_1331 : i32 to index
      %swap3A_1334 = arith.constant 0 : index
      %swap3A_1335 = tpu.vector_load %arg8[%swap3A_1332, %swap3A_1333, %swap3A_1334] {strides = array<i32>} : memref<2x8x128xf32, #tpu.memory_space<vmem>>, vector<16xf32>,
      tpu.vector_store %arg8[%swap3A_1332, %swap3A_1333, %swap3A_1334], %select_n3A_1329 {strides = array<i32>} : memref<2x8x128xf32, #tpu.memory_space<vmem>>, vector<16xf32>,
      %add3A_1336 = arith.constant 16 : i32
      %add3A_1337 = vector.broadcast %add3A_1336 : i32 to vector<16xi32>
      %add3A_1338 = arith.addi %iota3A, %add3A_1337 : vector<16xi32>
      %broadcast_in_dim3A_1339 = arith.constant 1 : i32
      %broadcast_in_dim3A_1340 = vector.broadcast %broadcast_in_dim3A_1339 : i32 to vector<16xi32>
      %broadcast_in_dim3A_1341 = arith.constant 3 : i32
      %broadcast_in_dim3A_1342 = vector.broadcast %broadcast_in_dim3A_1341 : i32 to vector<16xi32>
      %broadcast_in_dim3A_1343 = vector.broadcast %min3A_1308 : i32 to vector<16xi32>
      %gather3A_1344 = tpu.vector_load_idx %arg7[%broadcast_in_dim3A_1340, %broadcast_in_dim3A_1342, %add3A_1338, %broadcast_in_dim3A_1343] : memref<2x8x32x128xf32, #tpu.memory_space<vmem>>[vector<16xi32>, vector<16xi32>, vector<16xi32>, vector<16xi32>], vector<16xf32>,
      %broadcast_in_dim3A_1345 = vector.broadcast %min3A_1314 : i32 to vector<16xi32>
      %gather3A_1346 = tpu.vector_load_idx %arg9[%add3A_1338, %broadcast_in_dim3A_1345] : memref<32x128xf32, #tpu.memory_space<vmem>>[vector<16xi32>, vector<16xi32>], vector<16xf32>,
      %select_n3A_1347 = arith.select %broadcast_in_dim3A_1317, %gather3A_1346, %gather3A_1344 : vector<16xi1>, vector<16xf32>
      %swap3A_1348 = arith.constant 1 : i32
      %swap3A_1349 = arith.constant 3 : i32
      %swap3A_1350 = arith.index_cast %swap3A_1348 : i32 to index
      %swap3A_1351 = arith.index_cast %swap3A_1349 : i32 to index
      %swap3A_1352 = arith.constant 16 : index
      %swap3A_1353 = tpu.vector_load %arg8[%swap3A_1350, %swap3A_1351, %swap3A_1352] {strides = array<i32>} : memref<2x8x128xf32, #tpu.memory_space<vmem>>, vector<16xf32>,
      tpu.vector_store %arg8[%swap3A_1350, %swap3A_1351, %swap3A_1352], %select_n3A_1347 {strides = array<i32>} : memref<2x8x128xf32, #tpu.memory_space<vmem>>, vector<16xf32>,
      %slice3A_1354 = vector.extract_strided_slice %get3A_1129 {offsets = [4], sizes = [1], strides = [1]} : vector<16xi32> to vector<1xi32>
      %squeeze3A_1355 = vector.extract %slice3A_1354[0] : i32 from vector<1xi32>
      %shift_right_arithmetic3A_1356 = arith.constant 7 : i32
      %shift_right_arithmetic3A_1357 = arith.shrsi %squeeze3A_1355, %shift_right_arithmetic3A_1356 : i32
      %min3A_1358 = arith.constant 7811 : i32
      %min3A_1359 = arith.minsi %shift_right_arithmetic3A_1357, %min3A_1358 : i32
      %mul3A_1360 = arith.constant 128 : i32
      %mul3A_1361 = arith.muli %min3A_1359, %mul3A_1360 : i32
      %sub3A_1362 = arith.subi %squeeze3A_1355, %mul3A_1361 : i32
      %min3A_1363 = arith.constant 127 : i32
      %min3A_1364 = arith.minsi %sub3A_1362, %min3A_1363 : i32
      %sub3A_1365 = arith.constant 999936 : i32
      %sub3A_1366 = arith.subi %squeeze3A_1355, %sub3A_1365 : i32
      %max3A_1367 = arith.constant 0 : i32
      %max3A_1368 = arith.maxsi %sub3A_1366, %max3A_1367 : i32
      %min3A_1369 = arith.constant 127 : i32
      %min3A_1370 = arith.minsi %max3A_1368, %min3A_1369 : i32
      %ge3A_1371 = arith.constant 999936 : i32
      %ge3A_1372 = arith.cmpi sge, %squeeze3A_1355, %ge3A_1371 : i32
      %broadcast_in_dim3A_1373 = vector.broadcast %ge3A_1372 : i1 to vector<16xi1>
      %add3A_1374 = arith.constant 0 : i32
      %add3A_1375 = vector.broadcast %add3A_1374 : i32 to vector<16xi32>
      %add3A_1376 = arith.addi %iota3A, %add3A_1375 : vector<16xi32>
      %broadcast_in_dim3A_1377 = arith.constant 1 : i32
      %broadcast_in_dim3A_1378 = vector.broadcast %broadcast_in_dim3A_1377 : i32 to vector<16xi32>
      %broadcast_in_dim3A_1379 = arith.constant 4 : i32
      %broadcast_in_dim3A_1380 = vector.broadcast %broadcast_in_dim3A_1379 : i32 to vector<16xi32>
      %broadcast_in_dim3A_1381 = vector.broadcast %min3A_1364 : i32 to vector<16xi32>
      %gather3A_1382 = tpu.vector_load_idx %arg7[%broadcast_in_dim3A_1378, %broadcast_in_dim3A_1380, %add3A_1376, %broadcast_in_dim3A_1381] : memref<2x8x32x128xf32, #tpu.memory_space<vmem>>[vector<16xi32>, vector<16xi32>, vector<16xi32>, vector<16xi32>], vector<16xf32>,
      %broadcast_in_dim3A_1383 = vector.broadcast %min3A_1370 : i32 to vector<16xi32>
      %gather3A_1384 = tpu.vector_load_idx %arg9[%add3A_1376, %broadcast_in_dim3A_1383] : memref<32x128xf32, #tpu.memory_space<vmem>>[vector<16xi32>, vector<16xi32>], vector<16xf32>,
      %select_n3A_1385 = arith.select %broadcast_in_dim3A_1373, %gather3A_1384, %gather3A_1382 : vector<16xi1>, vector<16xf32>
      %swap3A_1386 = arith.constant 1 : i32
      %swap3A_1387 = arith.constant 4 : i32
      %swap3A_1388 = arith.index_cast %swap3A_1386 : i32 to index
      %swap3A_1389 = arith.index_cast %swap3A_1387 : i32 to index
      %swap3A_1390 = arith.constant 0 : index
      %swap3A_1391 = tpu.vector_load %arg8[%swap3A_1388, %swap3A_1389, %swap3A_1390] {strides = array<i32>} : memref<2x8x128xf32, #tpu.memory_space<vmem>>, vector<16xf32>,
      tpu.vector_store %arg8[%swap3A_1388, %swap3A_1389, %swap3A_1390], %select_n3A_1385 {strides = array<i32>} : memref<2x8x128xf32, #tpu.memory_space<vmem>>, vector<16xf32>,
      %add3A_1392 = arith.constant 16 : i32
      %add3A_1393 = vector.broadcast %add3A_1392 : i32 to vector<16xi32>
      %add3A_1394 = arith.addi %iota3A, %add3A_1393 : vector<16xi32>
      %broadcast_in_dim3A_1395 = arith.constant 1 : i32
      %broadcast_in_dim3A_1396 = vector.broadcast %broadcast_in_dim3A_1395 : i32 to vector<16xi32>
      %broadcast_in_dim3A_1397 = arith.constant 4 : i32
      %broadcast_in_dim3A_1398 = vector.broadcast %broadcast_in_dim3A_1397 : i32 to vector<16xi32>
      %broadcast_in_dim3A_1399 = vector.broadcast %min3A_1364 : i32 to vector<16xi32>
      %gather3A_1400 = tpu.vector_load_idx %arg7[%broadcast_in_dim3A_1396, %broadcast_in_dim3A_1398, %add3A_1394, %broadcast_in_dim3A_1399] : memref<2x8x32x128xf32, #tpu.memory_space<vmem>>[vector<16xi32>, vector<16xi32>, vector<16xi32>, vector<16xi32>], vector<16xf32>,
      %broadcast_in_dim3A_1401 = vector.broadcast %min3A_1370 : i32 to vector<16xi32>
      %gather3A_1402 = tpu.vector_load_idx %arg9[%add3A_1394, %broadcast_in_dim3A_1401] : memref<32x128xf32, #tpu.memory_space<vmem>>[vector<16xi32>, vector<16xi32>], vector<16xf32>,
      %select_n3A_1403 = arith.select %broadcast_in_dim3A_1373, %gather3A_1402, %gather3A_1400 : vector<16xi1>, vector<16xf32>
      %swap3A_1404 = arith.constant 1 : i32
      %swap3A_1405 = arith.constant 4 : i32
      %swap3A_1406 = arith.index_cast %swap3A_1404 : i32 to index
      %swap3A_1407 = arith.index_cast %swap3A_1405 : i32 to index
      %swap3A_1408 = arith.constant 16 : index
      %swap3A_1409 = tpu.vector_load %arg8[%swap3A_1406, %swap3A_1407, %swap3A_1408] {strides = array<i32>} : memref<2x8x128xf32, #tpu.memory_space<vmem>>, vector<16xf32>,
      tpu.vector_store %arg8[%swap3A_1406, %swap3A_1407, %swap3A_1408], %select_n3A_1403 {strides = array<i32>} : memref<2x8x128xf32, #tpu.memory_space<vmem>>, vector<16xf32>,
      %slice3A_1410 = vector.extract_strided_slice %get3A_1129 {offsets = [5], sizes = [1], strides = [1]} : vector<16xi32> to vector<1xi32>
      %squeeze3A_1411 = vector.extract %slice3A_1410[0] : i32 from vector<1xi32>
      %shift_right_arithmetic3A_1412 = arith.constant 7 : i32
      %shift_right_arithmetic3A_1413 = arith.shrsi %squeeze3A_1411, %shift_right_arithmetic3A_1412 : i32
      %min3A_1414 = arith.constant 7811 : i32
      %min3A_1415 = arith.minsi %shift_right_arithmetic3A_1413, %min3A_1414 : i32
      %mul3A_1416 = arith.constant 128 : i32
      %mul3A_1417 = arith.muli %min3A_1415, %mul3A_1416 : i32
      %sub3A_1418 = arith.subi %squeeze3A_1411, %mul3A_1417 : i32
      %min3A_1419 = arith.constant 127 : i32
      %min3A_1420 = arith.minsi %sub3A_1418, %min3A_1419 : i32
      %sub3A_1421 = arith.constant 999936 : i32
      %sub3A_1422 = arith.subi %squeeze3A_1411, %sub3A_1421 : i32
      %max3A_1423 = arith.constant 0 : i32
      %max3A_1424 = arith.maxsi %sub3A_1422, %max3A_1423 : i32
      %min3A_1425 = arith.constant 127 : i32
      %min3A_1426 = arith.minsi %max3A_1424, %min3A_1425 : i32
      %ge3A_1427 = arith.constant 999936 : i32
      %ge3A_1428 = arith.cmpi sge, %squeeze3A_1411, %ge3A_1427 : i32
      %broadcast_in_dim3A_1429 = vector.broadcast %ge3A_1428 : i1 to vector<16xi1>
      %add3A_1430 = arith.constant 0 : i32
      %add3A_1431 = vector.broadcast %add3A_1430 : i32 to vector<16xi32>
      %add3A_1432 = arith.addi %iota3A, %add3A_1431 : vector<16xi32>
      %broadcast_in_dim3A_1433 = arith.constant 1 : i32
      %broadcast_in_dim3A_1434 = vector.broadcast %broadcast_in_dim3A_1433 : i32 to vector<16xi32>
      %broadcast_in_dim3A_1435 = arith.constant 5 : i32
      %broadcast_in_dim3A_1436 = vector.broadcast %broadcast_in_dim3A_1435 : i32 to vector<16xi32>
      %broadcast_in_dim3A_1437 = vector.broadcast %min3A_1420 : i32 to vector<16xi32>
      %gather3A_1438 = tpu.vector_load_idx %arg7[%broadcast_in_dim3A_1434, %broadcast_in_dim3A_1436, %add3A_1432, %broadcast_in_dim3A_1437] : memref<2x8x32x128xf32, #tpu.memory_space<vmem>>[vector<16xi32>, vector<16xi32>, vector<16xi32>, vector<16xi32>], vector<16xf32>,
      %broadcast_in_dim3A_1439 = vector.broadcast %min3A_1426 : i32 to vector<16xi32>
      %gather3A_1440 = tpu.vector_load_idx %arg9[%add3A_1432, %broadcast_in_dim3A_1439] : memref<32x128xf32, #tpu.memory_space<vmem>>[vector<16xi32>, vector<16xi32>], vector<16xf32>,
      %select_n3A_1441 = arith.select %broadcast_in_dim3A_1429, %gather3A_1440, %gather3A_1438 : vector<16xi1>, vector<16xf32>
      %swap3A_1442 = arith.constant 1 : i32
      %swap3A_1443 = arith.constant 5 : i32
      %swap3A_1444 = arith.index_cast %swap3A_1442 : i32 to index
      %swap3A_1445 = arith.index_cast %swap3A_1443 : i32 to index
      %swap3A_1446 = arith.constant 0 : index
      %swap3A_1447 = tpu.vector_load %arg8[%swap3A_1444, %swap3A_1445, %swap3A_1446] {strides = array<i32>} : memref<2x8x128xf32, #tpu.memory_space<vmem>>, vector<16xf32>,
      tpu.vector_store %arg8[%swap3A_1444, %swap3A_1445, %swap3A_1446], %select_n3A_1441 {strides = array<i32>} : memref<2x8x128xf32, #tpu.memory_space<vmem>>, vector<16xf32>,
      %add3A_1448 = arith.constant 16 : i32
      %add3A_1449 = vector.broadcast %add3A_1448 : i32 to vector<16xi32>
      %add3A_1450 = arith.addi %iota3A, %add3A_1449 : vector<16xi32>
      %broadcast_in_dim3A_1451 = arith.constant 1 : i32
      %broadcast_in_dim3A_1452 = vector.broadcast %broadcast_in_dim3A_1451 : i32 to vector<16xi32>
      %broadcast_in_dim3A_1453 = arith.constant 5 : i32
      %broadcast_in_dim3A_1454 = vector.broadcast %broadcast_in_dim3A_1453 : i32 to vector<16xi32>
      %broadcast_in_dim3A_1455 = vector.broadcast %min3A_1420 : i32 to vector<16xi32>
      %gather3A_1456 = tpu.vector_load_idx %arg7[%broadcast_in_dim3A_1452, %broadcast_in_dim3A_1454, %add3A_1450, %broadcast_in_dim3A_1455] : memref<2x8x32x128xf32, #tpu.memory_space<vmem>>[vector<16xi32>, vector<16xi32>, vector<16xi32>, vector<16xi32>], vector<16xf32>,
      %broadcast_in_dim3A_1457 = vector.broadcast %min3A_1426 : i32 to vector<16xi32>
      %gather3A_1458 = tpu.vector_load_idx %arg9[%add3A_1450, %broadcast_in_dim3A_1457] : memref<32x128xf32, #tpu.memory_space<vmem>>[vector<16xi32>, vector<16xi32>], vector<16xf32>,
      %select_n3A_1459 = arith.select %broadcast_in_dim3A_1429, %gather3A_1458, %gather3A_1456 : vector<16xi1>, vector<16xf32>
      %swap3A_1460 = arith.constant 1 : i32
      %swap3A_1461 = arith.constant 5 : i32
      %swap3A_1462 = arith.index_cast %swap3A_1460 : i32 to index
      %swap3A_1463 = arith.index_cast %swap3A_1461 : i32 to index
      %swap3A_1464 = arith.constant 16 : index
      %swap3A_1465 = tpu.vector_load %arg8[%swap3A_1462, %swap3A_1463, %swap3A_1464] {strides = array<i32>} : memref<2x8x128xf32, #tpu.memory_space<vmem>>, vector<16xf32>,
      tpu.vector_store %arg8[%swap3A_1462, %swap3A_1463, %swap3A_1464], %select_n3A_1459 {strides = array<i32>} : memref<2x8x128xf32, #tpu.memory_space<vmem>>, vector<16xf32>,
      %slice3A_1466 = vector.extract_strided_slice %get3A_1129 {offsets = [6], sizes = [1], strides = [1]} : vector<16xi32> to vector<1xi32>
      %squeeze3A_1467 = vector.extract %slice3A_1466[0] : i32 from vector<1xi32>
      %shift_right_arithmetic3A_1468 = arith.constant 7 : i32
      %shift_right_arithmetic3A_1469 = arith.shrsi %squeeze3A_1467, %shift_right_arithmetic3A_1468 : i32
      %min3A_1470 = arith.constant 7811 : i32
      %min3A_1471 = arith.minsi %shift_right_arithmetic3A_1469, %min3A_1470 : i32
      %mul3A_1472 = arith.constant 128 : i32
      %mul3A_1473 = arith.muli %min3A_1471, %mul3A_1472 : i32
      %sub3A_1474 = arith.subi %squeeze3A_1467, %mul3A_1473 : i32
      %min3A_1475 = arith.constant 127 : i32
      %min3A_1476 = arith.minsi %sub3A_1474, %min3A_1475 : i32
      %sub3A_1477 = arith.constant 999936 : i32
      %sub3A_1478 = arith.subi %squeeze3A_1467, %sub3A_1477 : i32
      %max3A_1479 = arith.constant 0 : i32
      %max3A_1480 = arith.maxsi %sub3A_1478, %max3A_1479 : i32
      %min3A_1481 = arith.constant 127 : i32
      %min3A_1482 = arith.minsi %max3A_1480, %min3A_1481 : i32
      %ge3A_1483 = arith.constant 999936 : i32
      %ge3A_1484 = arith.cmpi sge, %squeeze3A_1467, %ge3A_1483 : i32
      %broadcast_in_dim3A_1485 = vector.broadcast %ge3A_1484 : i1 to vector<16xi1>
      %add3A_1486 = arith.constant 0 : i32
      %add3A_1487 = vector.broadcast %add3A_1486 : i32 to vector<16xi32>
      %add3A_1488 = arith.addi %iota3A, %add3A_1487 : vector<16xi32>
      %broadcast_in_dim3A_1489 = arith.constant 1 : i32
      %broadcast_in_dim3A_1490 = vector.broadcast %broadcast_in_dim3A_1489 : i32 to vector<16xi32>
      %broadcast_in_dim3A_1491 = arith.constant 6 : i32
      %broadcast_in_dim3A_1492 = vector.broadcast %broadcast_in_dim3A_1491 : i32 to vector<16xi32>
      %broadcast_in_dim3A_1493 = vector.broadcast %min3A_1476 : i32 to vector<16xi32>
      %gather3A_1494 = tpu.vector_load_idx %arg7[%broadcast_in_dim3A_1490, %broadcast_in_dim3A_1492, %add3A_1488, %broadcast_in_dim3A_1493] : memref<2x8x32x128xf32, #tpu.memory_space<vmem>>[vector<16xi32>, vector<16xi32>, vector<16xi32>, vector<16xi32>], vector<16xf32>,
      %broadcast_in_dim3A_1495 = vector.broadcast %min3A_1482 : i32 to vector<16xi32>
      %gather3A_1496 = tpu.vector_load_idx %arg9[%add3A_1488, %broadcast_in_dim3A_1495] : memref<32x128xf32, #tpu.memory_space<vmem>>[vector<16xi32>, vector<16xi32>], vector<16xf32>,
      %select_n3A_1497 = arith.select %broadcast_in_dim3A_1485, %gather3A_1496, %gather3A_1494 : vector<16xi1>, vector<16xf32>
      %swap3A_1498 = arith.constant 1 : i32
      %swap3A_1499 = arith.constant 6 : i32
      %swap3A_1500 = arith.index_cast %swap3A_1498 : i32 to index
      %swap3A_1501 = arith.index_cast %swap3A_1499 : i32 to index
      %swap3A_1502 = arith.constant 0 : index
      %swap3A_1503 = tpu.vector_load %arg8[%swap3A_1500, %swap3A_1501, %swap3A_1502] {strides = array<i32>} : memref<2x8x128xf32, #tpu.memory_space<vmem>>, vector<16xf32>,
      tpu.vector_store %arg8[%swap3A_1500, %swap3A_1501, %swap3A_1502], %select_n3A_1497 {strides = array<i32>} : memref<2x8x128xf32, #tpu.memory_space<vmem>>, vector<16xf32>,
      %add3A_1504 = arith.constant 16 : i32
      %add3A_1505 = vector.broadcast %add3A_1504 : i32 to vector<16xi32>
      %add3A_1506 = arith.addi %iota3A, %add3A_1505 : vector<16xi32>
      %broadcast_in_dim3A_1507 = arith.constant 1 : i32
      %broadcast_in_dim3A_1508 = vector.broadcast %broadcast_in_dim3A_1507 : i32 to vector<16xi32>
      %broadcast_in_dim3A_1509 = arith.constant 6 : i32
      %broadcast_in_dim3A_1510 = vector.broadcast %broadcast_in_dim3A_1509 : i32 to vector<16xi32>
      %broadcast_in_dim3A_1511 = vector.broadcast %min3A_1476 : i32 to vector<16xi32>
      %gather3A_1512 = tpu.vector_load_idx %arg7[%broadcast_in_dim3A_1508, %broadcast_in_dim3A_1510, %add3A_1506, %broadcast_in_dim3A_1511] : memref<2x8x32x128xf32, #tpu.memory_space<vmem>>[vector<16xi32>, vector<16xi32>, vector<16xi32>, vector<16xi32>], vector<16xf32>,
      %broadcast_in_dim3A_1513 = vector.broadcast %min3A_1482 : i32 to vector<16xi32>
      %gather3A_1514 = tpu.vector_load_idx %arg9[%add3A_1506, %broadcast_in_dim3A_1513] : memref<32x128xf32, #tpu.memory_space<vmem>>[vector<16xi32>, vector<16xi32>], vector<16xf32>,
      %select_n3A_1515 = arith.select %broadcast_in_dim3A_1485, %gather3A_1514, %gather3A_1512 : vector<16xi1>, vector<16xf32>
      %swap3A_1516 = arith.constant 1 : i32
      %swap3A_1517 = arith.constant 6 : i32
      %swap3A_1518 = arith.index_cast %swap3A_1516 : i32 to index
      %swap3A_1519 = arith.index_cast %swap3A_1517 : i32 to index
      %swap3A_1520 = arith.constant 16 : index
      %swap3A_1521 = tpu.vector_load %arg8[%swap3A_1518, %swap3A_1519, %swap3A_1520] {strides = array<i32>} : memref<2x8x128xf32, #tpu.memory_space<vmem>>, vector<16xf32>,
      tpu.vector_store %arg8[%swap3A_1518, %swap3A_1519, %swap3A_1520], %select_n3A_1515 {strides = array<i32>} : memref<2x8x128xf32, #tpu.memory_space<vmem>>, vector<16xf32>,
      %slice3A_1522 = vector.extract_strided_slice %get3A_1129 {offsets = [7], sizes = [1], strides = [1]} : vector<16xi32> to vector<1xi32>
      %squeeze3A_1523 = vector.extract %slice3A_1522[0] : i32 from vector<1xi32>
      %shift_right_arithmetic3A_1524 = arith.constant 7 : i32
      %shift_right_arithmetic3A_1525 = arith.shrsi %squeeze3A_1523, %shift_right_arithmetic3A_1524 : i32
      %min3A_1526 = arith.constant 7811 : i32
      %min3A_1527 = arith.minsi %shift_right_arithmetic3A_1525, %min3A_1526 : i32
      %mul3A_1528 = arith.constant 128 : i32
      %mul3A_1529 = arith.muli %min3A_1527, %mul3A_1528 : i32
      %sub3A_1530 = arith.subi %squeeze3A_1523, %mul3A_1529 : i32
      %min3A_1531 = arith.constant 127 : i32
      %min3A_1532 = arith.minsi %sub3A_1530, %min3A_1531 : i32
      %sub3A_1533 = arith.constant 999936 : i32
      %sub3A_1534 = arith.subi %squeeze3A_1523, %sub3A_1533 : i32
      %max3A_1535 = arith.constant 0 : i32
      %max3A_1536 = arith.maxsi %sub3A_1534, %max3A_1535 : i32
      %min3A_1537 = arith.constant 127 : i32
      %min3A_1538 = arith.minsi %max3A_1536, %min3A_1537 : i32
      %ge3A_1539 = arith.constant 999936 : i32
      %ge3A_1540 = arith.cmpi sge, %squeeze3A_1523, %ge3A_1539 : i32
      %broadcast_in_dim3A_1541 = vector.broadcast %ge3A_1540 : i1 to vector<16xi1>
      %add3A_1542 = arith.constant 0 : i32
      %add3A_1543 = vector.broadcast %add3A_1542 : i32 to vector<16xi32>
      %add3A_1544 = arith.addi %iota3A, %add3A_1543 : vector<16xi32>
      %broadcast_in_dim3A_1545 = arith.constant 1 : i32
      %broadcast_in_dim3A_1546 = vector.broadcast %broadcast_in_dim3A_1545 : i32 to vector<16xi32>
      %broadcast_in_dim3A_1547 = arith.constant 7 : i32
      %broadcast_in_dim3A_1548 = vector.broadcast %broadcast_in_dim3A_1547 : i32 to vector<16xi32>
      %broadcast_in_dim3A_1549 = vector.broadcast %min3A_1532 : i32 to vector<16xi32>
      %gather3A_1550 = tpu.vector_load_idx %arg7[%broadcast_in_dim3A_1546, %broadcast_in_dim3A_1548, %add3A_1544, %broadcast_in_dim3A_1549] : memref<2x8x32x128xf32, #tpu.memory_space<vmem>>[vector<16xi32>, vector<16xi32>, vector<16xi32>, vector<16xi32>], vector<16xf32>,
      %broadcast_in_dim3A_1551 = vector.broadcast %min3A_1538 : i32 to vector<16xi32>
      %gather3A_1552 = tpu.vector_load_idx %arg9[%add3A_1544, %broadcast_in_dim3A_1551] : memref<32x128xf32, #tpu.memory_space<vmem>>[vector<16xi32>, vector<16xi32>], vector<16xf32>,
      %select_n3A_1553 = arith.select %broadcast_in_dim3A_1541, %gather3A_1552, %gather3A_1550 : vector<16xi1>, vector<16xf32>
      %swap3A_1554 = arith.constant 1 : i32
      %swap3A_1555 = arith.constant 7 : i32
      %swap3A_1556 = arith.index_cast %swap3A_1554 : i32 to index
      %swap3A_1557 = arith.index_cast %swap3A_1555 : i32 to index
      %swap3A_1558 = arith.constant 0 : index
      %swap3A_1559 = tpu.vector_load %arg8[%swap3A_1556, %swap3A_1557, %swap3A_1558] {strides = array<i32>} : memref<2x8x128xf32, #tpu.memory_space<vmem>>, vector<16xf32>,
      tpu.vector_store %arg8[%swap3A_1556, %swap3A_1557, %swap3A_1558], %select_n3A_1553 {strides = array<i32>} : memref<2x8x128xf32, #tpu.memory_space<vmem>>, vector<16xf32>,
      %add3A_1560 = arith.constant 16 : i32
      %add3A_1561 = vector.broadcast %add3A_1560 : i32 to vector<16xi32>
      %add3A_1562 = arith.addi %iota3A, %add3A_1561 : vector<16xi32>
      %broadcast_in_dim3A_1563 = arith.constant 1 : i32
      %broadcast_in_dim3A_1564 = vector.broadcast %broadcast_in_dim3A_1563 : i32 to vector<16xi32>
      %broadcast_in_dim3A_1565 = arith.constant 7 : i32
      %broadcast_in_dim3A_1566 = vector.broadcast %broadcast_in_dim3A_1565 : i32 to vector<16xi32>
      %broadcast_in_dim3A_1567 = vector.broadcast %min3A_1532 : i32 to vector<16xi32>
      %gather3A_1568 = tpu.vector_load_idx %arg7[%broadcast_in_dim3A_1564, %broadcast_in_dim3A_1566, %add3A_1562, %broadcast_in_dim3A_1567] : memref<2x8x32x128xf32, #tpu.memory_space<vmem>>[vector<16xi32>, vector<16xi32>, vector<16xi32>, vector<16xi32>], vector<16xf32>,
      %broadcast_in_dim3A_1569 = vector.broadcast %min3A_1538 : i32 to vector<16xi32>
      %gather3A_1570 = tpu.vector_load_idx %arg9[%add3A_1562, %broadcast_in_dim3A_1569] : memref<32x128xf32, #tpu.memory_space<vmem>>[vector<16xi32>, vector<16xi32>], vector<16xf32>,
      %select_n3A_1571 = arith.select %broadcast_in_dim3A_1541, %gather3A_1570, %gather3A_1568 : vector<16xi1>, vector<16xf32>
      %swap3A_1572 = arith.constant 1 : i32
      %swap3A_1573 = arith.constant 7 : i32
      %swap3A_1574 = arith.index_cast %swap3A_1572 : i32 to index
      %swap3A_1575 = arith.index_cast %swap3A_1573 : i32 to index
      %swap3A_1576 = arith.constant 16 : index
      %swap3A_1577 = tpu.vector_load %arg8[%swap3A_1574, %swap3A_1575, %swap3A_1576] {strides = array<i32>} : memref<2x8x128xf32, #tpu.memory_space<vmem>>, vector<16xf32>,
      tpu.vector_store %arg8[%swap3A_1574, %swap3A_1575, %swap3A_1576], %select_n3A_1571 {strides = array<i32>} : memref<2x8x128xf32, #tpu.memory_space<vmem>>, vector<16xf32>,
      %add3A_1578 = arith.constant 1 : i32
      %add3A_1579 = arith.addi %mul3A_211, %add3A_1578 : i32
      %mul3A_1580 = arith.constant 8 : i32
      %mul3A_1581 = arith.muli %add3A_1579, %mul3A_1580 : i32
      %add3A_1582 = arith.addi %mul3A_2, %mul3A_1581 : i32
      %dma_start3A_1583 = arith.constant 1 : i32
      %dma_start3A_1584 = arith.constant 0 : i32
      %dma_start3A_1585 = arith.constant 0 : i32
      %dma_start3A_1586 = tpu.memref_slice %arg8[%dma_start3A_1583, %dma_start3A_1584, %dma_start3A_1585] : memref<2x8x128xf32, #tpu.memory_space<vmem>> -> memref<1x8x128xf32, #tpu.memory_space<vmem>>
      %dma_start3A_1587 = tpu.memref_squeeze %dma_start3A_1586 : memref<1x8x128xf32, #tpu.memory_space<vmem>> -> memref<8x128xf32, #tpu.memory_space<vmem>>
      %dma_start3A_1588 = arith.constant 0 : i32
      %dma_start3A_1589 = tpu.memref_slice %arg5[%add3A_1582, %dma_start3A_1588] : memref<13312x128xf32, #tpu.memory_space<hbm>> -> memref<8x128xf32, #tpu.memory_space<hbm>>
      %dma_start3A_1590 = arith.constant 0 : i32
      %dma_start3A_1591 = tpu.memref_slice %arg5[%add3A_1582, %dma_start3A_1590] : memref<13312x128xf32, #tpu.memory_space<hbm>> -> memref<8x128xf32, #tpu.memory_space<hbm>>
      %dma_start3A_1592 = arith.constant 0 : i32
      %dma_start3A_1593 = arith.constant 0 : i32
      %dma_start3A_1594 = tpu.memref_slice %arg8[%dma_start3A_1583, %dma_start3A_1592, %dma_start3A_1593] : memref<2x8x128xf32, #tpu.memory_space<vmem>> -> memref<1x8x128xf32, #tpu.memory_space<vmem>>
      %dma_start3A_1595 = tpu.memref_squeeze %dma_start3A_1594 : memref<1x8x128xf32, #tpu.memory_space<vmem>> -> memref<8x128xf32, #tpu.memory_space<vmem>>
      tpu.enqueue_dma source(%dma_start3A_1595 : memref<8x128xf32, #tpu.memory_space<vmem>>) target(%dma_start3A_1591 : memref<8x128xf32, #tpu.memory_space<hbm>>) target_semaphore(%arg12 : memref<!tpu.dma_semaphore, #tpu.memory_space<semaphore_mem>>)
    }
    %scan3A_179 = arith.constant 26 : i32
    %dma_wait3A = arith.constant 0 : i32
    %dma_wait3A_180 = arith.constant 0 : i32
    %dma_wait3A_181 = arith.constant 0 : i32
    %dma_wait3A_182 = tpu.memref_slice %arg8[%dma_wait3A, %dma_wait3A_180, %dma_wait3A_181] : memref<2x8x128xf32, #tpu.memory_space<vmem>> -> memref<1x8x128xf32, #tpu.memory_space<vmem>>
    %dma_wait3A_183 = tpu.memref_squeeze %dma_wait3A_182 : memref<1x8x128xf32, #tpu.memory_space<vmem>> -> memref<8x128xf32, #tpu.memory_space<vmem>>
    %dma_wait3A_184 = arith.constant 0 : i32
    %dma_wait3A_185 = arith.constant 0 : i32
    %dma_wait3A_186 = tpu.memref_slice %arg5[%dma_wait3A_184, %dma_wait3A_185] : memref<13312x128xf32, #tpu.memory_space<hbm>> -> memref<8x128xf32, #tpu.memory_space<hbm>>
    %dma_wait3A_187 = arith.constant 0 : i32
    %dma_wait3A_188 = arith.constant 0 : i32
    %dma_wait3A_189 = tpu.memref_slice %arg8[%dma_wait3A, %dma_wait3A_187, %dma_wait3A_188] : memref<2x8x128xf32, #tpu.memory_space<vmem>> -> memref<1x8x128xf32, #tpu.memory_space<vmem>>
    %dma_wait3A_190 = tpu.memref_squeeze %dma_wait3A_189 : memref<1x8x128xf32, #tpu.memory_space<vmem>> -> memref<8x128xf32, #tpu.memory_space<vmem>>
    %dma_wait3A_191 = arith.constant 0 : i32
    %dma_wait3A_192 = arith.constant 0 : i32
    %dma_wait3A_193 = tpu.memref_slice %arg5[%dma_wait3A_191, %dma_wait3A_192] : memref<13312x128xf32, #tpu.memory_space<hbm>> -> memref<8x128xf32, #tpu.memory_space<hbm>>
    tpu.wait_dma2 semaphore(%arg11 : memref<!tpu.dma_semaphore, #tpu.memory_space<semaphore_mem>>) src(%dma_wait3A_193 : memref<8x128xf32, #tpu.memory_space<hbm>>) dst(%dma_wait3A_190 : memref<8x128xf32, #tpu.memory_space<vmem>>)
    %dma_wait3A_194 = arith.constant 1 : i32
    %dma_wait3A_195 = arith.constant 0 : i32
    %dma_wait3A_196 = arith.constant 0 : i32
    %dma_wait3A_197 = tpu.memref_slice %arg8[%dma_wait3A_194, %dma_wait3A_195, %dma_wait3A_196] : memref<2x8x128xf32, #tpu.memory_space<vmem>> -> memref<1x8x128xf32, #tpu.memory_space<vmem>>
    %dma_wait3A_198 = tpu.memref_squeeze %dma_wait3A_197 : memref<1x8x128xf32, #tpu.memory_space<vmem>> -> memref<8x128xf32, #tpu.memory_space<vmem>>
    %dma_wait3A_199 = arith.constant 0 : i32
    %dma_wait3A_200 = arith.constant 0 : i32
    %dma_wait3A_201 = tpu.memref_slice %arg5[%dma_wait3A_199, %dma_wait3A_200] : memref<13312x128xf32, #tpu.memory_space<hbm>> -> memref<8x128xf32, #tpu.memory_space<hbm>>
    %dma_wait3A_202 = arith.constant 0 : i32
    %dma_wait3A_203 = arith.constant 0 : i32
    %dma_wait3A_204 = tpu.memref_slice %arg8[%dma_wait3A_194, %dma_wait3A_202, %dma_wait3A_203] : memref<2x8x128xf32, #tpu.memory_space<vmem>> -> memref<1x8x128xf32, #tpu.memory_space<vmem>>
    %dma_wait3A_205 = tpu.memref_squeeze %dma_wait3A_204 : memref<1x8x128xf32, #tpu.memory_space<vmem>> -> memref<8x128xf32, #tpu.memory_space<vmem>>
    %dma_wait3A_206 = arith.constant 0 : i32
    %dma_wait3A_207 = arith.constant 0 : i32
    %dma_wait3A_208 = tpu.memref_slice %arg5[%dma_wait3A_206, %dma_wait3A_207] : memref<13312x128xf32, #tpu.memory_space<hbm>> -> memref<8x128xf32, #tpu.memory_space<hbm>>
    tpu.wait_dma2 semaphore(%arg12 : memref<!tpu.dma_semaphore, #tpu.memory_space<semaphore_mem>>) src(%dma_wait3A_208 : memref<8x128xf32, #tpu.memory_space<hbm>>) dst(%dma_wait3A_205 : memref<8x128xf32, #tpu.memory_space<vmem>>)
    return
  }
}

#map = affine_map<(d0, d1) -> (0)>
#map1 = affine_map<(d0, d1) -> (0, 0)>
module attributes {stable_mosaic.version = 14 : i64} {
  func.func @gather_k(%arg0: i32, %arg1: i32, %arg2: memref<3072xi32, #tpu.memory_space<hbm>>, %arg3: memref<32x1000000xf32, #tpu.memory_space<hbm>>, %arg4: memref<32x128xf32, #tpu.memory_space<hbm>>, %arg5: memref<3072x128xf32, #tpu.memory_space<hbm>>, %arg6: memref<112xi32, #tpu.memory_space<vmem>>, %arg7: memref<2x8x32x128xf32, #tpu.memory_space<vmem>>, %arg8: memref<2x8x128xf32, #tpu.memory_space<vmem>>, %arg9: memref<32x128xf32, #tpu.memory_space<vmem>>, %arg10: memref<!tpu.dma_semaphore, #tpu.memory_space<semaphore_mem>>, %arg11: memref<!tpu.dma_semaphore, #tpu.memory_space<semaphore_mem>>, %arg12: memref<!tpu.dma_semaphore, #tpu.memory_space<semaphore_mem>>) attributes {dimension_semantics = [#tpu.dimension_semantics<core_parallel>, #tpu.dimension_semantics<subcore_parallel>], iteration_bounds = array<i64: 2, 16>, scalar_prefetch = 0 : i64, scratch_operands = 7 : i64, tpu.core_type = #tpu.core_type<sc_vector_subcore>, window_params = [{transform_indices = #map}, {transform_indices = #map1}, {transform_indices = #map1}, {transform_indices = #map1}]} {
    %mul3A = arith.constant 2 : i32
    %mul3A_0 = arith.muli %arg1, %mul3A : i32
    %add3A = arith.addi %mul3A_0, %arg0 : i32
    %mul3A_1 = arith.constant 96 : i32
    %mul3A_2 = arith.muli %add3A, %mul3A_1 : i32
    "tpu.region"() ({
      %run_scoped3A = tpu.sem_alloc : memref<!tpu.dma_semaphore, #tpu.memory_space<semaphore_mem>>
      %dma_start3A_209 = arith.constant 0 : i32
      %dma_start3A_210 = tpu.memref_slice %arg6[%dma_start3A_209] : memref<112xi32, #tpu.memory_space<vmem>> -> memref<96xi32, #tpu.memory_space<vmem>>
      %dma_start3A_211 = tpu.memref_slice %arg2[%mul3A_2] : memref<3072xi32, #tpu.memory_space<hbm>> -> memref<96xi32, #tpu.memory_space<hbm>>
      %dma_start3A_212 = arith.constant 0 : i32
      %dma_start3A_213 = tpu.memref_slice %arg6[%dma_start3A_212] : memref<112xi32, #tpu.memory_space<vmem>> -> memref<96xi32, #tpu.memory_space<vmem>>
      %dma_start3A_214 = tpu.memref_slice %arg2[%mul3A_2] : memref<3072xi32, #tpu.memory_space<hbm>> -> memref<96xi32, #tpu.memory_space<hbm>>
      tpu.enqueue_dma source(%dma_start3A_214 : memref<96xi32, #tpu.memory_space<hbm>>) target(%dma_start3A_213 : memref<96xi32, #tpu.memory_space<vmem>>) target_semaphore(%run_scoped3A : memref<!tpu.dma_semaphore, #tpu.memory_space<semaphore_mem>>)
      %dma_wait3A_215 = arith.constant 0 : i32
      %dma_wait3A_216 = tpu.memref_slice %arg6[%dma_wait3A_215] : memref<112xi32, #tpu.memory_space<vmem>> -> memref<96xi32, #tpu.memory_space<vmem>>
      %dma_wait3A_217 = tpu.memref_slice %arg2[%mul3A_2] : memref<3072xi32, #tpu.memory_space<hbm>> -> memref<96xi32, #tpu.memory_space<hbm>>
      %dma_wait3A_218 = arith.constant 0 : i32
      %dma_wait3A_219 = tpu.memref_slice %arg6[%dma_wait3A_218] : memref<112xi32, #tpu.memory_space<vmem>> -> memref<96xi32, #tpu.memory_space<vmem>>
      %dma_wait3A_220 = tpu.memref_slice %arg2[%mul3A_2] : memref<3072xi32, #tpu.memory_space<hbm>> -> memref<96xi32, #tpu.memory_space<hbm>>
      tpu.wait_dma2 semaphore(%run_scoped3A : memref<!tpu.dma_semaphore, #tpu.memory_space<semaphore_mem>>) src(%dma_wait3A_220 : memref<96xi32, #tpu.memory_space<hbm>>) dst(%dma_wait3A_219 : memref<96xi32, #tpu.memory_space<vmem>>)
      tpu.yield
    }) : () -> ()
    "tpu.region"() ({
      %run_scoped3A = tpu.sem_alloc : memref<!tpu.dma_semaphore, #tpu.memory_space<semaphore_mem>>
      tpu.enqueue_dma source(%arg4 : memref<32x128xf32, #tpu.memory_space<hbm>>) target(%arg9 : memref<32x128xf32, #tpu.memory_space<vmem>>) target_semaphore(%run_scoped3A : memref<!tpu.dma_semaphore, #tpu.memory_space<semaphore_mem>>)
      tpu.wait_dma2 semaphore(%run_scoped3A : memref<!tpu.dma_semaphore, #tpu.memory_space<semaphore_mem>>) src(%arg4 : memref<32x128xf32, #tpu.memory_space<hbm>>) dst(%arg9 : memref<32x128xf32, #tpu.memory_space<vmem>>)
      tpu.yield
    }) : () -> ()
    %iota3A = tpu.iota {dimensions = array<i32: 0>} : vector<16xi32>
    %get3A = arith.constant 0 : index
    %get3A_3 = tpu.vector_load %arg6[%get3A] {strides = array<i32>} : memref<112xi32, #tpu.memory_space<vmem>>, vector<16xi32>,
    %slice3A = vector.extract_strided_slice %get3A_3 {offsets = [0], sizes = [1], strides = [1]} : vector<16xi32> to vector<1xi32>
    %squeeze3A = vector.extract %slice3A[0] : i32 from vector<1xi32>
    %shift_right_arithmetic3A = arith.constant 7 : i32
    %shift_right_arithmetic3A_4 = arith.shrsi %squeeze3A, %shift_right_arithmetic3A : i32
    %min3A = arith.constant 7811 : i32
    %min3A_5 = arith.minsi %shift_right_arithmetic3A_4, %min3A : i32
    %mul3A_6 = arith.constant 128 : i32
    %mul3A_7 = arith.muli %min3A_5, %mul3A_6 : i32
    %dma_start3A = arith.constant 0 : i32
    %dma_start3A_8 = arith.constant 0 : i32
    %dma_start3A_9 = arith.constant 0 : i32
    %dma_start3A_10 = arith.constant 0 : i32
    %dma_start3A_11 = tpu.memref_slice %arg7[%dma_start3A, %dma_start3A_8, %dma_start3A_9, %dma_start3A_10] : memref<2x8x32x128xf32, #tpu.memory_space<vmem>> -> memref<1x1x32x128xf32, #tpu.memory_space<vmem>>
    %dma_start3A_12 = tpu.memref_squeeze %dma_start3A_11 : memref<1x1x32x128xf32, #tpu.memory_space<vmem>> -> memref<32x128xf32, #tpu.memory_space<vmem>>
    %dma_start3A_13 = arith.constant 0 : i32
    %dma_start3A_14 = tpu.memref_slice %arg3[%dma_start3A_13, %mul3A_7] : memref<32x1000000xf32, #tpu.memory_space<hbm>> -> memref<32x128xf32, #tpu.memory_space<hbm>>
    %dma_start3A_15 = arith.constant 0 : i32
    %dma_start3A_16 = arith.constant 0 : i32
    %dma_start3A_17 = tpu.memref_slice %arg7[%dma_start3A, %dma_start3A_8, %dma_start3A_15, %dma_start3A_16] : memref<2x8x32x128xf32, #tpu.memory_space<vmem>> -> memref<1x1x32x128xf32, #tpu.memory_space<vmem>>
    %dma_start3A_18 = tpu.memref_squeeze %dma_start3A_17 : memref<1x1x32x128xf32, #tpu.memory_space<vmem>> -> memref<32x128xf32, #tpu.memory_space<vmem>>
    %dma_start3A_19 = arith.constant 0 : i32
    %dma_start3A_20 = tpu.memref_slice %arg3[%dma_start3A_19, %mul3A_7] : memref<32x1000000xf32, #tpu.memory_space<hbm>> -> memref<32x128xf32, #tpu.memory_space<hbm>>
    tpu.enqueue_dma source(%dma_start3A_20 : memref<32x128xf32, #tpu.memory_space<hbm>>) target(%dma_start3A_18 : memref<32x128xf32, #tpu.memory_space<vmem>>) target_semaphore(%arg10 : memref<!tpu.dma_semaphore, #tpu.memory_space<semaphore_mem>>)
    %slice3A_21 = vector.extract_strided_slice %get3A_3 {offsets = [1], sizes = [1], strides = [1]} : vector<16xi32> to vector<1xi32>
    %squeeze3A_22 = vector.extract %slice3A_21[0] : i32 from vector<1xi32>
    %shift_right_arithmetic3A_23 = arith.constant 7 : i32
    %shift_right_arithmetic3A_24 = arith.shrsi %squeeze3A_22, %shift_right_arithmetic3A_23 : i32
    %min3A_25 = arith.constant 7811 : i32
    %min3A_26 = arith.minsi %shift_right_arithmetic3A_24, %min3A_25 : i32
    %mul3A_27 = arith.constant 128 : i32
    %mul3A_28 = arith.muli %min3A_26, %mul3A_27 : i32
    %dma_start3A_29 = arith.constant 0 : i32
    %dma_start3A_30 = arith.constant 1 : i32
    %dma_start3A_31 = arith.constant 0 : i32
    %dma_start3A_32 = arith.constant 0 : i32
    %dma_start3A_33 = tpu.memref_slice %arg7[%dma_start3A_29, %dma_start3A_30, %dma_start3A_31, %dma_start3A_32] : memref<2x8x32x128xf32, #tpu.memory_space<vmem>> -> memref<1x1x32x128xf32, #tpu.memory_space<vmem>>
    %dma_start3A_34 = tpu.memref_squeeze %dma_start3A_33 : memref<1x1x32x128xf32, #tpu.memory_space<vmem>> -> memref<32x128xf32, #tpu.memory_space<vmem>>
    %dma_start3A_35 = arith.constant 0 : i32
    %dma_start3A_36 = tpu.memref_slice %arg3[%dma_start3A_35, %mul3A_28] : memref<32x1000000xf32, #tpu.memory_space<hbm>> -> memref<32x128xf32, #tpu.memory_space<hbm>>
    %dma_start3A_37 = arith.constant 0 : i32
    %dma_start3A_38 = arith.constant 0 : i32
    %dma_start3A_39 = tpu.memref_slice %arg7[%dma_start3A_29, %dma_start3A_30, %dma_start3A_37, %dma_start3A_38] : memref<2x8x32x128xf32, #tpu.memory_space<vmem>> -> memref<1x1x32x128xf32, #tpu.memory_space<vmem>>
    %dma_start3A_40 = tpu.memref_squeeze %dma_start3A_39 : memref<1x1x32x128xf32, #tpu.memory_space<vmem>> -> memref<32x128xf32, #tpu.memory_space<vmem>>
    %dma_start3A_41 = arith.constant 0 : i32
    %dma_start3A_42 = tpu.memref_slice %arg3[%dma_start3A_41, %mul3A_28] : memref<32x1000000xf32, #tpu.memory_space<hbm>> -> memref<32x128xf32, #tpu.memory_space<hbm>>
    tpu.enqueue_dma source(%dma_start3A_42 : memref<32x128xf32, #tpu.memory_space<hbm>>) target(%dma_start3A_40 : memref<32x128xf32, #tpu.memory_space<vmem>>) target_semaphore(%arg10 : memref<!tpu.dma_semaphore, #tpu.memory_space<semaphore_mem>>)
    %slice3A_43 = vector.extract_strided_slice %get3A_3 {offsets = [2], sizes = [1], strides = [1]} : vector<16xi32> to vector<1xi32>
    %squeeze3A_44 = vector.extract %slice3A_43[0] : i32 from vector<1xi32>
    %shift_right_arithmetic3A_45 = arith.constant 7 : i32
    %shift_right_arithmetic3A_46 = arith.shrsi %squeeze3A_44, %shift_right_arithmetic3A_45 : i32
    %min3A_47 = arith.constant 7811 : i32
    %min3A_48 = arith.minsi %shift_right_arithmetic3A_46, %min3A_47 : i32
    %mul3A_49 = arith.constant 128 : i32
    %mul3A_50 = arith.muli %min3A_48, %mul3A_49 : i32
    %dma_start3A_51 = arith.constant 0 : i32
    %dma_start3A_52 = arith.constant 2 : i32
    %dma_start3A_53 = arith.constant 0 : i32
    %dma_start3A_54 = arith.constant 0 : i32
    %dma_start3A_55 = tpu.memref_slice %arg7[%dma_start3A_51, %dma_start3A_52, %dma_start3A_53, %dma_start3A_54] : memref<2x8x32x128xf32, #tpu.memory_space<vmem>> -> memref<1x1x32x128xf32, #tpu.memory_space<vmem>>
    %dma_start3A_56 = tpu.memref_squeeze %dma_start3A_55 : memref<1x1x32x128xf32, #tpu.memory_space<vmem>> -> memref<32x128xf32, #tpu.memory_space<vmem>>
    %dma_start3A_57 = arith.constant 0 : i32
    %dma_start3A_58 = tpu.memref_slice %arg3[%dma_start3A_57, %mul3A_50] : memref<32x1000000xf32, #tpu.memory_space<hbm>> -> memref<32x128xf32, #tpu.memory_space<hbm>>
    %dma_start3A_59 = arith.constant 0 : i32
    %dma_start3A_60 = arith.constant 0 : i32
    %dma_start3A_61 = tpu.memref_slice %arg7[%dma_start3A_51, %dma_start3A_52, %dma_start3A_59, %dma_start3A_60] : memref<2x8x32x128xf32, #tpu.memory_space<vmem>> -> memref<1x1x32x128xf32, #tpu.memory_space<vmem>>
    %dma_start3A_62 = tpu.memref_squeeze %dma_start3A_61 : memref<1x1x32x128xf32, #tpu.memory_space<vmem>> -> memref<32x128xf32, #tpu.memory_space<vmem>>
    %dma_start3A_63 = arith.constant 0 : i32
    %dma_start3A_64 = tpu.memref_slice %arg3[%dma_start3A_63, %mul3A_50] : memref<32x1000000xf32, #tpu.memory_space<hbm>> -> memref<32x128xf32, #tpu.memory_space<hbm>>
    tpu.enqueue_dma source(%dma_start3A_64 : memref<32x128xf32, #tpu.memory_space<hbm>>) target(%dma_start3A_62 : memref<32x128xf32, #tpu.memory_space<vmem>>) target_semaphore(%arg10 : memref<!tpu.dma_semaphore, #tpu.memory_space<semaphore_mem>>)
    %slice3A_65 = vector.extract_strided_slice %get3A_3 {offsets = [3], sizes = [1], strides = [1]} : vector<16xi32> to vector<1xi32>
    %squeeze3A_66 = vector.extract %slice3A_65[0] : i32 from vector<1xi32>
    %shift_right_arithmetic3A_67 = arith.constant 7 : i32
    %shift_right_arithmetic3A_68 = arith.shrsi %squeeze3A_66, %shift_right_arithmetic3A_67 : i32
    %min3A_69 = arith.constant 7811 : i32
    %min3A_70 = arith.minsi %shift_right_arithmetic3A_68, %min3A_69 : i32
    %mul3A_71 = arith.constant 128 : i32
    %mul3A_72 = arith.muli %min3A_70, %mul3A_71 : i32
    %dma_start3A_73 = arith.constant 0 : i32
    %dma_start3A_74 = arith.constant 3 : i32
    %dma_start3A_75 = arith.constant 0 : i32
    %dma_start3A_76 = arith.constant 0 : i32
    %dma_start3A_77 = tpu.memref_slice %arg7[%dma_start3A_73, %dma_start3A_74, %dma_start3A_75, %dma_start3A_76] : memref<2x8x32x128xf32, #tpu.memory_space<vmem>> -> memref<1x1x32x128xf32, #tpu.memory_space<vmem>>
    %dma_start3A_78 = tpu.memref_squeeze %dma_start3A_77 : memref<1x1x32x128xf32, #tpu.memory_space<vmem>> -> memref<32x128xf32, #tpu.memory_space<vmem>>
    %dma_start3A_79 = arith.constant 0 : i32
    %dma_start3A_80 = tpu.memref_slice %arg3[%dma_start3A_79, %mul3A_72] : memref<32x1000000xf32, #tpu.memory_space<hbm>> -> memref<32x128xf32, #tpu.memory_space<hbm>>
    %dma_start3A_81 = arith.constant 0 : i32
    %dma_start3A_82 = arith.constant 0 : i32
    %dma_start3A_83 = tpu.memref_slice %arg7[%dma_start3A_73, %dma_start3A_74, %dma_start3A_81, %dma_start3A_82] : memref<2x8x32x128xf32, #tpu.memory_space<vmem>> -> memref<1x1x32x128xf32, #tpu.memory_space<vmem>>
    %dma_start3A_84 = tpu.memref_squeeze %dma_start3A_83 : memref<1x1x32x128xf32, #tpu.memory_space<vmem>> -> memref<32x128xf32, #tpu.memory_space<vmem>>
    %dma_start3A_85 = arith.constant 0 : i32
    %dma_start3A_86 = tpu.memref_slice %arg3[%dma_start3A_85, %mul3A_72] : memref<32x1000000xf32, #tpu.memory_space<hbm>> -> memref<32x128xf32, #tpu.memory_space<hbm>>
    tpu.enqueue_dma source(%dma_start3A_86 : memref<32x128xf32, #tpu.memory_space<hbm>>) target(%dma_start3A_84 : memref<32x128xf32, #tpu.memory_space<vmem>>) target_semaphore(%arg10 : memref<!tpu.dma_semaphore, #tpu.memory_space<semaphore_mem>>)
    %slice3A_87 = vector.extract_strided_slice %get3A_3 {offsets = [4], sizes = [1], strides = [1]} : vector<16xi32> to vector<1xi32>
    %squeeze3A_88 = vector.extract %slice3A_87[0] : i32 from vector<1xi32>
    %shift_right_arithmetic3A_89 = arith.constant 7 : i32
    %shift_right_arithmetic3A_90 = arith.shrsi %squeeze3A_88, %shift_right_arithmetic3A_89 : i32
    %min3A_91 = arith.constant 7811 : i32
    %min3A_92 = arith.minsi %shift_right_arithmetic3A_90, %min3A_91 : i32
    %mul3A_93 = arith.constant 128 : i32
    %mul3A_94 = arith.muli %min3A_92, %mul3A_93 : i32
    %dma_start3A_95 = arith.constant 0 : i32
    %dma_start3A_96 = arith.constant 4 : i32
    %dma_start3A_97 = arith.constant 0 : i32
    %dma_start3A_98 = arith.constant 0 : i32
    %dma_start3A_99 = tpu.memref_slice %arg7[%dma_start3A_95, %dma_start3A_96, %dma_start3A_97, %dma_start3A_98] : memref<2x8x32x128xf32, #tpu.memory_space<vmem>> -> memref<1x1x32x128xf32, #tpu.memory_space<vmem>>
    %dma_start3A_100 = tpu.memref_squeeze %dma_start3A_99 : memref<1x1x32x128xf32, #tpu.memory_space<vmem>> -> memref<32x128xf32, #tpu.memory_space<vmem>>
    %dma_start3A_101 = arith.constant 0 : i32
    %dma_start3A_102 = tpu.memref_slice %arg3[%dma_start3A_101, %mul3A_94] : memref<32x1000000xf32, #tpu.memory_space<hbm>> -> memref<32x128xf32, #tpu.memory_space<hbm>>
    %dma_start3A_103 = arith.constant 0 : i32
    %dma_start3A_104 = arith.constant 0 : i32
    %dma_start3A_105 = tpu.memref_slice %arg7[%dma_start3A_95, %dma_start3A_96, %dma_start3A_103, %dma_start3A_104] : memref<2x8x32x128xf32, #tpu.memory_space<vmem>> -> memref<1x1x32x128xf32, #tpu.memory_space<vmem>>
    %dma_start3A_106 = tpu.memref_squeeze %dma_start3A_105 : memref<1x1x32x128xf32, #tpu.memory_space<vmem>> -> memref<32x128xf32, #tpu.memory_space<vmem>>
    %dma_start3A_107 = arith.constant 0 : i32
    %dma_start3A_108 = tpu.memref_slice %arg3[%dma_start3A_107, %mul3A_94] : memref<32x1000000xf32, #tpu.memory_space<hbm>> -> memref<32x128xf32, #tpu.memory_space<hbm>>
    tpu.enqueue_dma source(%dma_start3A_108 : memref<32x128xf32, #tpu.memory_space<hbm>>) target(%dma_start3A_106 : memref<32x128xf32, #tpu.memory_space<vmem>>) target_semaphore(%arg10 : memref<!tpu.dma_semaphore, #tpu.memory_space<semaphore_mem>>)
    %slice3A_109 = vector.extract_strided_slice %get3A_3 {offsets = [5], sizes = [1], strides = [1]} : vector<16xi32> to vector<1xi32>
    %squeeze3A_110 = vector.extract %slice3A_109[0] : i32 from vector<1xi32>
    %shift_right_arithmetic3A_111 = arith.constant 7 : i32
    %shift_right_arithmetic3A_112 = arith.shrsi %squeeze3A_110, %shift_right_arithmetic3A_111 : i32
    %min3A_113 = arith.constant 7811 : i32
    %min3A_114 = arith.minsi %shift_right_arithmetic3A_112, %min3A_113 : i32
    %mul3A_115 = arith.constant 128 : i32
    %mul3A_116 = arith.muli %min3A_114, %mul3A_115 : i32
    %dma_start3A_117 = arith.constant 0 : i32
    %dma_start3A_118 = arith.constant 5 : i32
    %dma_start3A_119 = arith.constant 0 : i32
    %dma_start3A_120 = arith.constant 0 : i32
    %dma_start3A_121 = tpu.memref_slice %arg7[%dma_start3A_117, %dma_start3A_118, %dma_start3A_119, %dma_start3A_120] : memref<2x8x32x128xf32, #tpu.memory_space<vmem>> -> memref<1x1x32x128xf32, #tpu.memory_space<vmem>>
    %dma_start3A_122 = tpu.memref_squeeze %dma_start3A_121 : memref<1x1x32x128xf32, #tpu.memory_space<vmem>> -> memref<32x128xf32, #tpu.memory_space<vmem>>
    %dma_start3A_123 = arith.constant 0 : i32
    %dma_start3A_124 = tpu.memref_slice %arg3[%dma_start3A_123, %mul3A_116] : memref<32x1000000xf32, #tpu.memory_space<hbm>> -> memref<32x128xf32, #tpu.memory_space<hbm>>
    %dma_start3A_125 = arith.constant 0 : i32
    %dma_start3A_126 = arith.constant 0 : i32
    %dma_start3A_127 = tpu.memref_slice %arg7[%dma_start3A_117, %dma_start3A_118, %dma_start3A_125, %dma_start3A_126] : memref<2x8x32x128xf32, #tpu.memory_space<vmem>> -> memref<1x1x32x128xf32, #tpu.memory_space<vmem>>
    %dma_start3A_128 = tpu.memref_squeeze %dma_start3A_127 : memref<1x1x32x128xf32, #tpu.memory_space<vmem>> -> memref<32x128xf32, #tpu.memory_space<vmem>>
    %dma_start3A_129 = arith.constant 0 : i32
    %dma_start3A_130 = tpu.memref_slice %arg3[%dma_start3A_129, %mul3A_116] : memref<32x1000000xf32, #tpu.memory_space<hbm>> -> memref<32x128xf32, #tpu.memory_space<hbm>>
    tpu.enqueue_dma source(%dma_start3A_130 : memref<32x128xf32, #tpu.memory_space<hbm>>) target(%dma_start3A_128 : memref<32x128xf32, #tpu.memory_space<vmem>>) target_semaphore(%arg10 : memref<!tpu.dma_semaphore, #tpu.memory_space<semaphore_mem>>)
    %slice3A_131 = vector.extract_strided_slice %get3A_3 {offsets = [6], sizes = [1], strides = [1]} : vector<16xi32> to vector<1xi32>
    %squeeze3A_132 = vector.extract %slice3A_131[0] : i32 from vector<1xi32>
    %shift_right_arithmetic3A_133 = arith.constant 7 : i32
    %shift_right_arithmetic3A_134 = arith.shrsi %squeeze3A_132, %shift_right_arithmetic3A_133 : i32
    %min3A_135 = arith.constant 7811 : i32
    %min3A_136 = arith.minsi %shift_right_arithmetic3A_134, %min3A_135 : i32
    %mul3A_137 = arith.constant 128 : i32
    %mul3A_138 = arith.muli %min3A_136, %mul3A_137 : i32
    %dma_start3A_139 = arith.constant 0 : i32
    %dma_start3A_140 = arith.constant 6 : i32
    %dma_start3A_141 = arith.constant 0 : i32
    %dma_start3A_142 = arith.constant 0 : i32
    %dma_start3A_143 = tpu.memref_slice %arg7[%dma_start3A_139, %dma_start3A_140, %dma_start3A_141, %dma_start3A_142] : memref<2x8x32x128xf32, #tpu.memory_space<vmem>> -> memref<1x1x32x128xf32, #tpu.memory_space<vmem>>
    %dma_start3A_144 = tpu.memref_squeeze %dma_start3A_143 : memref<1x1x32x128xf32, #tpu.memory_space<vmem>> -> memref<32x128xf32, #tpu.memory_space<vmem>>
    %dma_start3A_145 = arith.constant 0 : i32
    %dma_start3A_146 = tpu.memref_slice %arg3[%dma_start3A_145, %mul3A_138] : memref<32x1000000xf32, #tpu.memory_space<hbm>> -> memref<32x128xf32, #tpu.memory_space<hbm>>
    %dma_start3A_147 = arith.constant 0 : i32
    %dma_start3A_148 = arith.constant 0 : i32
    %dma_start3A_149 = tpu.memref_slice %arg7[%dma_start3A_139, %dma_start3A_140, %dma_start3A_147, %dma_start3A_148] : memref<2x8x32x128xf32, #tpu.memory_space<vmem>> -> memref<1x1x32x128xf32, #tpu.memory_space<vmem>>
    %dma_start3A_150 = tpu.memref_squeeze %dma_start3A_149 : memref<1x1x32x128xf32, #tpu.memory_space<vmem>> -> memref<32x128xf32, #tpu.memory_space<vmem>>
    %dma_start3A_151 = arith.constant 0 : i32
    %dma_start3A_152 = tpu.memref_slice %arg3[%dma_start3A_151, %mul3A_138] : memref<32x1000000xf32, #tpu.memory_space<hbm>> -> memref<32x128xf32, #tpu.memory_space<hbm>>
    tpu.enqueue_dma source(%dma_start3A_152 : memref<32x128xf32, #tpu.memory_space<hbm>>) target(%dma_start3A_150 : memref<32x128xf32, #tpu.memory_space<vmem>>) target_semaphore(%arg10 : memref<!tpu.dma_semaphore, #tpu.memory_space<semaphore_mem>>)
    %slice3A_153 = vector.extract_strided_slice %get3A_3 {offsets = [7], sizes = [1], strides = [1]} : vector<16xi32> to vector<1xi32>
    %squeeze3A_154 = vector.extract %slice3A_153[0] : i32 from vector<1xi32>
    %shift_right_arithmetic3A_155 = arith.constant 7 : i32
    %shift_right_arithmetic3A_156 = arith.shrsi %squeeze3A_154, %shift_right_arithmetic3A_155 : i32
    %min3A_157 = arith.constant 7811 : i32
    %min3A_158 = arith.minsi %shift_right_arithmetic3A_156, %min3A_157 : i32
    %mul3A_159 = arith.constant 128 : i32
    %mul3A_160 = arith.muli %min3A_158, %mul3A_159 : i32
    %dma_start3A_161 = arith.constant 0 : i32
    %dma_start3A_162 = arith.constant 7 : i32
    %dma_start3A_163 = arith.constant 0 : i32
    %dma_start3A_164 = arith.constant 0 : i32
    %dma_start3A_165 = tpu.memref_slice %arg7[%dma_start3A_161, %dma_start3A_162, %dma_start3A_163, %dma_start3A_164] : memref<2x8x32x128xf32, #tpu.memory_space<vmem>> -> memref<1x1x32x128xf32, #tpu.memory_space<vmem>>
    %dma_start3A_166 = tpu.memref_squeeze %dma_start3A_165 : memref<1x1x32x128xf32, #tpu.memory_space<vmem>> -> memref<32x128xf32, #tpu.memory_space<vmem>>
    %dma_start3A_167 = arith.constant 0 : i32
    %dma_start3A_168 = tpu.memref_slice %arg3[%dma_start3A_167, %mul3A_160] : memref<32x1000000xf32, #tpu.memory_space<hbm>> -> memref<32x128xf32, #tpu.memory_space<hbm>>
    %dma_start3A_169 = arith.constant 0 : i32
    %dma_start3A_170 = arith.constant 0 : i32
    %dma_start3A_171 = tpu.memref_slice %arg7[%dma_start3A_161, %dma_start3A_162, %dma_start3A_169, %dma_start3A_170] : memref<2x8x32x128xf32, #tpu.memory_space<vmem>> -> memref<1x1x32x128xf32, #tpu.memory_space<vmem>>
    %dma_start3A_172 = tpu.memref_squeeze %dma_start3A_171 : memref<1x1x32x128xf32, #tpu.memory_space<vmem>> -> memref<32x128xf32, #tpu.memory_space<vmem>>
    %dma_start3A_173 = arith.constant 0 : i32
    %dma_start3A_174 = tpu.memref_slice %arg3[%dma_start3A_173, %mul3A_160] : memref<32x1000000xf32, #tpu.memory_space<hbm>> -> memref<32x128xf32, #tpu.memory_space<hbm>>
    tpu.enqueue_dma source(%dma_start3A_174 : memref<32x128xf32, #tpu.memory_space<hbm>>) target(%dma_start3A_172 : memref<32x128xf32, #tpu.memory_space<vmem>>) target_semaphore(%arg10 : memref<!tpu.dma_semaphore, #tpu.memory_space<semaphore_mem>>)
    %scan3A = arith.constant 0 : i32
    %scan3A_175 = arith.constant 0 : i32
    %scan3A_176 = arith.constant 6 : i32
    %scan3A_177 = arith.addi %scan3A_175, %scan3A_176 : i32
    %scan3A_178 = arith.constant 1 : i32
    scf.for %scan3A_209 = %scan3A_175 to %scan3A_177 step %scan3A_178  : i32 {
      %mul3A_210 = arith.constant 2 : i32
      %mul3A_211 = arith.muli %mul3A_210, %scan3A_209 : i32
      %dma_wait3A_212 = arith.constant 0 : i32
      %dma_wait3A_213 = arith.constant 0 : i32
      %dma_wait3A_214 = arith.constant 0 : i32
      %dma_wait3A_215 = arith.constant 0 : i32
      %dma_wait3A_216 = tpu.memref_slice %arg7[%dma_wait3A_212, %dma_wait3A_213, %dma_wait3A_214, %dma_wait3A_215] : memref<2x8x32x128xf32, #tpu.memory_space<vmem>> -> memref<1x1x32x128xf32, #tpu.memory_space<vmem>>
      %dma_wait3A_217 = tpu.memref_squeeze %dma_wait3A_216 : memref<1x1x32x128xf32, #tpu.memory_space<vmem>> -> memref<32x128xf32, #tpu.memory_space<vmem>>
      %dma_wait3A_218 = arith.constant 0 : i32
      %dma_wait3A_219 = arith.constant 0 : i32
      %dma_wait3A_220 = tpu.memref_slice %arg3[%dma_wait3A_218, %dma_wait3A_219] : memref<32x1000000xf32, #tpu.memory_space<hbm>> -> memref<32x128xf32, #tpu.memory_space<hbm>>
      %dma_wait3A_221 = arith.constant 0 : i32
      %dma_wait3A_222 = arith.constant 0 : i32
      %dma_wait3A_223 = tpu.memref_slice %arg7[%dma_wait3A_212, %dma_wait3A_213, %dma_wait3A_221, %dma_wait3A_222] : memref<2x8x32x128xf32, #tpu.memory_space<vmem>> -> memref<1x1x32x128xf32, #tpu.memory_space<vmem>>
      %dma_wait3A_224 = tpu.memref_squeeze %dma_wait3A_223 : memref<1x1x32x128xf32, #tpu.memory_space<vmem>> -> memref<32x128xf32, #tpu.memory_space<vmem>>
      %dma_wait3A_225 = arith.constant 0 : i32
      %dma_wait3A_226 = arith.constant 0 : i32
      %dma_wait3A_227 = tpu.memref_slice %arg3[%dma_wait3A_225, %dma_wait3A_226] : memref<32x1000000xf32, #tpu.memory_space<hbm>> -> memref<32x128xf32, #tpu.memory_space<hbm>>
      tpu.wait_dma2 semaphore(%arg10 : memref<!tpu.dma_semaphore, #tpu.memory_space<semaphore_mem>>) src(%dma_wait3A_227 : memref<32x128xf32, #tpu.memory_space<hbm>>) dst(%dma_wait3A_224 : memref<32x128xf32, #tpu.memory_space<vmem>>)
      %dma_wait3A_228 = arith.constant 0 : i32
      %dma_wait3A_229 = arith.constant 1 : i32
      %dma_wait3A_230 = arith.constant 0 : i32
      %dma_wait3A_231 = arith.constant 0 : i32
      %dma_wait3A_232 = tpu.memref_slice %arg7[%dma_wait3A_228, %dma_wait3A_229, %dma_wait3A_230, %dma_wait3A_231] : memref<2x8x32x128xf32, #tpu.memory_space<vmem>> -> memref<1x1x32x128xf32, #tpu.memory_space<vmem>>
      %dma_wait3A_233 = tpu.memref_squeeze %dma_wait3A_232 : memref<1x1x32x128xf32, #tpu.memory_space<vmem>> -> memref<32x128xf32, #tpu.memory_space<vmem>>
      %dma_wait3A_234 = arith.constant 0 : i32
      %dma_wait3A_235 = arith.constant 0 : i32
      %dma_wait3A_236 = tpu.memref_slice %arg3[%dma_wait3A_234, %dma_wait3A_235] : memref<32x1000000xf32, #tpu.memory_space<hbm>> -> memref<32x128xf32, #tpu.memory_space<hbm>>
      %dma_wait3A_237 = arith.constant 0 : i32
      %dma_wait3A_238 = arith.constant 0 : i32
      %dma_wait3A_239 = tpu.memref_slice %arg7[%dma_wait3A_228, %dma_wait3A_229, %dma_wait3A_237, %dma_wait3A_238] : memref<2x8x32x128xf32, #tpu.memory_space<vmem>> -> memref<1x1x32x128xf32, #tpu.memory_space<vmem>>
      %dma_wait3A_240 = tpu.memref_squeeze %dma_wait3A_239 : memref<1x1x32x128xf32, #tpu.memory_space<vmem>> -> memref<32x128xf32, #tpu.memory_space<vmem>>
      %dma_wait3A_241 = arith.constant 0 : i32
      %dma_wait3A_242 = arith.constant 0 : i32
      %dma_wait3A_243 = tpu.memref_slice %arg3[%dma_wait3A_241, %dma_wait3A_242] : memref<32x1000000xf32, #tpu.memory_space<hbm>> -> memref<32x128xf32, #tpu.memory_space<hbm>>
      tpu.wait_dma2 semaphore(%arg10 : memref<!tpu.dma_semaphore, #tpu.memory_space<semaphore_mem>>) src(%dma_wait3A_243 : memref<32x128xf32, #tpu.memory_space<hbm>>) dst(%dma_wait3A_240 : memref<32x128xf32, #tpu.memory_space<vmem>>)
      %dma_wait3A_244 = arith.constant 0 : i32
      %dma_wait3A_245 = arith.constant 2 : i32
      %dma_wait3A_246 = arith.constant 0 : i32
      %dma_wait3A_247 = arith.constant 0 : i32
      %dma_wait3A_248 = tpu.memref_slice %arg7[%dma_wait3A_244, %dma_wait3A_245, %dma_wait3A_246, %dma_wait3A_247] : memref<2x8x32x128xf32, #tpu.memory_space<vmem>> -> memref<1x1x32x128xf32, #tpu.memory_space<vmem>>
      %dma_wait3A_249 = tpu.memref_squeeze %dma_wait3A_248 : memref<1x1x32x128xf32, #tpu.memory_space<vmem>> -> memref<32x128xf32, #tpu.memory_space<vmem>>
      %dma_wait3A_250 = arith.constant 0 : i32
      %dma_wait3A_251 = arith.constant 0 : i32
      %dma_wait3A_252 = tpu.memref_slice %arg3[%dma_wait3A_250, %dma_wait3A_251] : memref<32x1000000xf32, #tpu.memory_space<hbm>> -> memref<32x128xf32, #tpu.memory_space<hbm>>
      %dma_wait3A_253 = arith.constant 0 : i32
      %dma_wait3A_254 = arith.constant 0 : i32
      %dma_wait3A_255 = tpu.memref_slice %arg7[%dma_wait3A_244, %dma_wait3A_245, %dma_wait3A_253, %dma_wait3A_254] : memref<2x8x32x128xf32, #tpu.memory_space<vmem>> -> memref<1x1x32x128xf32, #tpu.memory_space<vmem>>
      %dma_wait3A_256 = tpu.memref_squeeze %dma_wait3A_255 : memref<1x1x32x128xf32, #tpu.memory_space<vmem>> -> memref<32x128xf32, #tpu.memory_space<vmem>>
      %dma_wait3A_257 = arith.constant 0 : i32
      %dma_wait3A_258 = arith.constant 0 : i32
      %dma_wait3A_259 = tpu.memref_slice %arg3[%dma_wait3A_257, %dma_wait3A_258] : memref<32x1000000xf32, #tpu.memory_space<hbm>> -> memref<32x128xf32, #tpu.memory_space<hbm>>
      tpu.wait_dma2 semaphore(%arg10 : memref<!tpu.dma_semaphore, #tpu.memory_space<semaphore_mem>>) src(%dma_wait3A_259 : memref<32x128xf32, #tpu.memory_space<hbm>>) dst(%dma_wait3A_256 : memref<32x128xf32, #tpu.memory_space<vmem>>)
      %dma_wait3A_260 = arith.constant 0 : i32
      %dma_wait3A_261 = arith.constant 3 : i32
      %dma_wait3A_262 = arith.constant 0 : i32
      %dma_wait3A_263 = arith.constant 0 : i32
      %dma_wait3A_264 = tpu.memref_slice %arg7[%dma_wait3A_260, %dma_wait3A_261, %dma_wait3A_262, %dma_wait3A_263] : memref<2x8x32x128xf32, #tpu.memory_space<vmem>> -> memref<1x1x32x128xf32, #tpu.memory_space<vmem>>
      %dma_wait3A_265 = tpu.memref_squeeze %dma_wait3A_264 : memref<1x1x32x128xf32, #tpu.memory_space<vmem>> -> memref<32x128xf32, #tpu.memory_space<vmem>>
      %dma_wait3A_266 = arith.constant 0 : i32
      %dma_wait3A_267 = arith.constant 0 : i32
      %dma_wait3A_268 = tpu.memref_slice %arg3[%dma_wait3A_266, %dma_wait3A_267] : memref<32x1000000xf32, #tpu.memory_space<hbm>> -> memref<32x128xf32, #tpu.memory_space<hbm>>
      %dma_wait3A_269 = arith.constant 0 : i32
      %dma_wait3A_270 = arith.constant 0 : i32
      %dma_wait3A_271 = tpu.memref_slice %arg7[%dma_wait3A_260, %dma_wait3A_261, %dma_wait3A_269, %dma_wait3A_270] : memref<2x8x32x128xf32, #tpu.memory_space<vmem>> -> memref<1x1x32x128xf32, #tpu.memory_space<vmem>>
      %dma_wait3A_272 = tpu.memref_squeeze %dma_wait3A_271 : memref<1x1x32x128xf32, #tpu.memory_space<vmem>> -> memref<32x128xf32, #tpu.memory_space<vmem>>
      %dma_wait3A_273 = arith.constant 0 : i32
      %dma_wait3A_274 = arith.constant 0 : i32
      %dma_wait3A_275 = tpu.memref_slice %arg3[%dma_wait3A_273, %dma_wait3A_274] : memref<32x1000000xf32, #tpu.memory_space<hbm>> -> memref<32x128xf32, #tpu.memory_space<hbm>>
      tpu.wait_dma2 semaphore(%arg10 : memref<!tpu.dma_semaphore, #tpu.memory_space<semaphore_mem>>) src(%dma_wait3A_275 : memref<32x128xf32, #tpu.memory_space<hbm>>) dst(%dma_wait3A_272 : memref<32x128xf32, #tpu.memory_space<vmem>>)
      %dma_wait3A_276 = arith.constant 0 : i32
      %dma_wait3A_277 = arith.constant 4 : i32
      %dma_wait3A_278 = arith.constant 0 : i32
      %dma_wait3A_279 = arith.constant 0 : i32
      %dma_wait3A_280 = tpu.memref_slice %arg7[%dma_wait3A_276, %dma_wait3A_277, %dma_wait3A_278, %dma_wait3A_279] : memref<2x8x32x128xf32, #tpu.memory_space<vmem>> -> memref<1x1x32x128xf32, #tpu.memory_space<vmem>>
      %dma_wait3A_281 = tpu.memref_squeeze %dma_wait3A_280 : memref<1x1x32x128xf32, #tpu.memory_space<vmem>> -> memref<32x128xf32, #tpu.memory_space<vmem>>
      %dma_wait3A_282 = arith.constant 0 : i32
      %dma_wait3A_283 = arith.constant 0 : i32
      %dma_wait3A_284 = tpu.memref_slice %arg3[%dma_wait3A_282, %dma_wait3A_283] : memref<32x1000000xf32, #tpu.memory_space<hbm>> -> memref<32x128xf32, #tpu.memory_space<hbm>>
      %dma_wait3A_285 = arith.constant 0 : i32
      %dma_wait3A_286 = arith.constant 0 : i32
      %dma_wait3A_287 = tpu.memref_slice %arg7[%dma_wait3A_276, %dma_wait3A_277, %dma_wait3A_285, %dma_wait3A_286] : memref<2x8x32x128xf32, #tpu.memory_space<vmem>> -> memref<1x1x32x128xf32, #tpu.memory_space<vmem>>
      %dma_wait3A_288 = tpu.memref_squeeze %dma_wait3A_287 : memref<1x1x32x128xf32, #tpu.memory_space<vmem>> -> memref<32x128xf32, #tpu.memory_space<vmem>>
      %dma_wait3A_289 = arith.constant 0 : i32
      %dma_wait3A_290 = arith.constant 0 : i32
      %dma_wait3A_291 = tpu.memref_slice %arg3[%dma_wait3A_289, %dma_wait3A_290] : memref<32x1000000xf32, #tpu.memory_space<hbm>> -> memref<32x128xf32, #tpu.memory_space<hbm>>
      tpu.wait_dma2 semaphore(%arg10 : memref<!tpu.dma_semaphore, #tpu.memory_space<semaphore_mem>>) src(%dma_wait3A_291 : memref<32x128xf32, #tpu.memory_space<hbm>>) dst(%dma_wait3A_288 : memref<32x128xf32, #tpu.memory_space<vmem>>)
      %dma_wait3A_292 = arith.constant 0 : i32
      %dma_wait3A_293 = arith.constant 5 : i32
      %dma_wait3A_294 = arith.constant 0 : i32
      %dma_wait3A_295 = arith.constant 0 : i32
      %dma_wait3A_296 = tpu.memref_slice %arg7[%dma_wait3A_292, %dma_wait3A_293, %dma_wait3A_294, %dma_wait3A_295] : memref<2x8x32x128xf32, #tpu.memory_space<vmem>> -> memref<1x1x32x128xf32, #tpu.memory_space<vmem>>
      %dma_wait3A_297 = tpu.memref_squeeze %dma_wait3A_296 : memref<1x1x32x128xf32, #tpu.memory_space<vmem>> -> memref<32x128xf32, #tpu.memory_space<vmem>>
      %dma_wait3A_298 = arith.constant 0 : i32
      %dma_wait3A_299 = arith.constant 0 : i32
      %dma_wait3A_300 = tpu.memref_slice %arg3[%dma_wait3A_298, %dma_wait3A_299] : memref<32x1000000xf32, #tpu.memory_space<hbm>> -> memref<32x128xf32, #tpu.memory_space<hbm>>
      %dma_wait3A_301 = arith.constant 0 : i32
      %dma_wait3A_302 = arith.constant 0 : i32
      %dma_wait3A_303 = tpu.memref_slice %arg7[%dma_wait3A_292, %dma_wait3A_293, %dma_wait3A_301, %dma_wait3A_302] : memref<2x8x32x128xf32, #tpu.memory_space<vmem>> -> memref<1x1x32x128xf32, #tpu.memory_space<vmem>>
      %dma_wait3A_304 = tpu.memref_squeeze %dma_wait3A_303 : memref<1x1x32x128xf32, #tpu.memory_space<vmem>> -> memref<32x128xf32, #tpu.memory_space<vmem>>
      %dma_wait3A_305 = arith.constant 0 : i32
      %dma_wait3A_306 = arith.constant 0 : i32
      %dma_wait3A_307 = tpu.memref_slice %arg3[%dma_wait3A_305, %dma_wait3A_306] : memref<32x1000000xf32, #tpu.memory_space<hbm>> -> memref<32x128xf32, #tpu.memory_space<hbm>>
      tpu.wait_dma2 semaphore(%arg10 : memref<!tpu.dma_semaphore, #tpu.memory_space<semaphore_mem>>) src(%dma_wait3A_307 : memref<32x128xf32, #tpu.memory_space<hbm>>) dst(%dma_wait3A_304 : memref<32x128xf32, #tpu.memory_space<vmem>>)
      %dma_wait3A_308 = arith.constant 0 : i32
      %dma_wait3A_309 = arith.constant 6 : i32
      %dma_wait3A_310 = arith.constant 0 : i32
      %dma_wait3A_311 = arith.constant 0 : i32
      %dma_wait3A_312 = tpu.memref_slice %arg7[%dma_wait3A_308, %dma_wait3A_309, %dma_wait3A_310, %dma_wait3A_311] : memref<2x8x32x128xf32, #tpu.memory_space<vmem>> -> memref<1x1x32x128xf32, #tpu.memory_space<vmem>>
      %dma_wait3A_313 = tpu.memref_squeeze %dma_wait3A_312 : memref<1x1x32x128xf32, #tpu.memory_space<vmem>> -> memref<32x128xf32, #tpu.memory_space<vmem>>
      %dma_wait3A_314 = arith.constant 0 : i32
      %dma_wait3A_315 = arith.constant 0 : i32
      %dma_wait3A_316 = tpu.memref_slice %arg3[%dma_wait3A_314, %dma_wait3A_315] : memref<32x1000000xf32, #tpu.memory_space<hbm>> -> memref<32x128xf32, #tpu.memory_space<hbm>>
      %dma_wait3A_317 = arith.constant 0 : i32
      %dma_wait3A_318 = arith.constant 0 : i32
      %dma_wait3A_319 = tpu.memref_slice %arg7[%dma_wait3A_308, %dma_wait3A_309, %dma_wait3A_317, %dma_wait3A_318] : memref<2x8x32x128xf32, #tpu.memory_space<vmem>> -> memref<1x1x32x128xf32, #tpu.memory_space<vmem>>
      %dma_wait3A_320 = tpu.memref_squeeze %dma_wait3A_319 : memref<1x1x32x128xf32, #tpu.memory_space<vmem>> -> memref<32x128xf32, #tpu.memory_space<vmem>>
      %dma_wait3A_321 = arith.constant 0 : i32
      %dma_wait3A_322 = arith.constant 0 : i32
      %dma_wait3A_323 = tpu.memref_slice %arg3[%dma_wait3A_321, %dma_wait3A_322] : memref<32x1000000xf32, #tpu.memory_space<hbm>> -> memref<32x128xf32, #tpu.memory_space<hbm>>
      tpu.wait_dma2 semaphore(%arg10 : memref<!tpu.dma_semaphore, #tpu.memory_space<semaphore_mem>>) src(%dma_wait3A_323 : memref<32x128xf32, #tpu.memory_space<hbm>>) dst(%dma_wait3A_320 : memref<32x128xf32, #tpu.memory_space<vmem>>)
      %dma_wait3A_324 = arith.constant 0 : i32
      %dma_wait3A_325 = arith.constant 7 : i32
      %dma_wait3A_326 = arith.constant 0 : i32
      %dma_wait3A_327 = arith.constant 0 : i32
      %dma_wait3A_328 = tpu.memref_slice %arg7[%dma_wait3A_324, %dma_wait3A_325, %dma_wait3A_326, %dma_wait3A_327] : memref<2x8x32x128xf32, #tpu.memory_space<vmem>> -> memref<1x1x32x128xf32, #tpu.memory_space<vmem>>
      %dma_wait3A_329 = tpu.memref_squeeze %dma_wait3A_328 : memref<1x1x32x128xf32, #tpu.memory_space<vmem>> -> memref<32x128xf32, #tpu.memory_space<vmem>>
      %dma_wait3A_330 = arith.constant 0 : i32
      %dma_wait3A_331 = arith.constant 0 : i32
      %dma_wait3A_332 = tpu.memref_slice %arg3[%dma_wait3A_330, %dma_wait3A_331] : memref<32x1000000xf32, #tpu.memory_space<hbm>> -> memref<32x128xf32, #tpu.memory_space<hbm>>
      %dma_wait3A_333 = arith.constant 0 : i32
      %dma_wait3A_334 = arith.constant 0 : i32
      %dma_wait3A_335 = tpu.memref_slice %arg7[%dma_wait3A_324, %dma_wait3A_325, %dma_wait3A_333, %dma_wait3A_334] : memref<2x8x32x128xf32, #tpu.memory_space<vmem>> -> memref<1x1x32x128xf32, #tpu.memory_space<vmem>>
      %dma_wait3A_336 = tpu.memref_squeeze %dma_wait3A_335 : memref<1x1x32x128xf32, #tpu.memory_space<vmem>> -> memref<32x128xf32, #tpu.memory_space<vmem>>
      %dma_wait3A_337 = arith.constant 0 : i32
      %dma_wait3A_338 = arith.constant 0 : i32
      %dma_wait3A_339 = tpu.memref_slice %arg3[%dma_wait3A_337, %dma_wait3A_338] : memref<32x1000000xf32, #tpu.memory_space<hbm>> -> memref<32x128xf32, #tpu.memory_space<hbm>>
      tpu.wait_dma2 semaphore(%arg10 : memref<!tpu.dma_semaphore, #tpu.memory_space<semaphore_mem>>) src(%dma_wait3A_339 : memref<32x128xf32, #tpu.memory_space<hbm>>) dst(%dma_wait3A_336 : memref<32x128xf32, #tpu.memory_space<vmem>>)
      %add3A_340 = arith.constant 1 : i32
      %add3A_341 = arith.addi %mul3A_211, %add3A_340 : i32
      %mul3A_342 = arith.constant 8 : i32
      %mul3A_343 = arith.muli %add3A_341, %mul3A_342 : i32
      %get3A_344 = arith.index_cast %mul3A_343 : i32 to index
      %get3A_345 = tpu.vector_load %arg6[%get3A_344] {strides = array<i32>} : memref<112xi32, #tpu.memory_space<vmem>>, vector<16xi32>,
      %slice3A_346 = vector.extract_strided_slice %get3A_345 {offsets = [0], sizes = [1], strides = [1]} : vector<16xi32> to vector<1xi32>
      %squeeze3A_347 = vector.extract %slice3A_346[0] : i32 from vector<1xi32>
      %shift_right_arithmetic3A_348 = arith.constant 7 : i32
      %shift_right_arithmetic3A_349 = arith.shrsi %squeeze3A_347, %shift_right_arithmetic3A_348 : i32
      %min3A_350 = arith.constant 7811 : i32
      %min3A_351 = arith.minsi %shift_right_arithmetic3A_349, %min3A_350 : i32
      %mul3A_352 = arith.constant 128 : i32
      %mul3A_353 = arith.muli %min3A_351, %mul3A_352 : i32
      %dma_start3A_354 = arith.constant 1 : i32
      %dma_start3A_355 = arith.constant 0 : i32
      %dma_start3A_356 = arith.constant 0 : i32
      %dma_start3A_357 = arith.constant 0 : i32
      %dma_start3A_358 = tpu.memref_slice %arg7[%dma_start3A_354, %dma_start3A_355, %dma_start3A_356, %dma_start3A_357] : memref<2x8x32x128xf32, #tpu.memory_space<vmem>> -> memref<1x1x32x128xf32, #tpu.memory_space<vmem>>
      %dma_start3A_359 = tpu.memref_squeeze %dma_start3A_358 : memref<1x1x32x128xf32, #tpu.memory_space<vmem>> -> memref<32x128xf32, #tpu.memory_space<vmem>>
      %dma_start3A_360 = arith.constant 0 : i32
      %dma_start3A_361 = tpu.memref_slice %arg3[%dma_start3A_360, %mul3A_353] : memref<32x1000000xf32, #tpu.memory_space<hbm>> -> memref<32x128xf32, #tpu.memory_space<hbm>>
      %dma_start3A_362 = arith.constant 0 : i32
      %dma_start3A_363 = arith.constant 0 : i32
      %dma_start3A_364 = tpu.memref_slice %arg7[%dma_start3A_354, %dma_start3A_355, %dma_start3A_362, %dma_start3A_363] : memref<2x8x32x128xf32, #tpu.memory_space<vmem>> -> memref<1x1x32x128xf32, #tpu.memory_space<vmem>>
      %dma_start3A_365 = tpu.memref_squeeze %dma_start3A_364 : memref<1x1x32x128xf32, #tpu.memory_space<vmem>> -> memref<32x128xf32, #tpu.memory_space<vmem>>
      %dma_start3A_366 = arith.constant 0 : i32
      %dma_start3A_367 = tpu.memref_slice %arg3[%dma_start3A_366, %mul3A_353] : memref<32x1000000xf32, #tpu.memory_space<hbm>> -> memref<32x128xf32, #tpu.memory_space<hbm>>
      tpu.enqueue_dma source(%dma_start3A_367 : memref<32x128xf32, #tpu.memory_space<hbm>>) target(%dma_start3A_365 : memref<32x128xf32, #tpu.memory_space<vmem>>) target_semaphore(%arg10 : memref<!tpu.dma_semaphore, #tpu.memory_space<semaphore_mem>>)
      %slice3A_368 = vector.extract_strided_slice %get3A_345 {offsets = [1], sizes = [1], strides = [1]} : vector<16xi32> to vector<1xi32>
      %squeeze3A_369 = vector.extract %slice3A_368[0] : i32 from vector<1xi32>
      %shift_right_arithmetic3A_370 = arith.constant 7 : i32
      %shift_right_arithmetic3A_371 = arith.shrsi %squeeze3A_369, %shift_right_arithmetic3A_370 : i32
      %min3A_372 = arith.constant 7811 : i32
      %min3A_373 = arith.minsi %shift_right_arithmetic3A_371, %min3A_372 : i32
      %mul3A_374 = arith.constant 128 : i32
      %mul3A_375 = arith.muli %min3A_373, %mul3A_374 : i32
      %dma_start3A_376 = arith.constant 1 : i32
      %dma_start3A_377 = arith.constant 1 : i32
      %dma_start3A_378 = arith.constant 0 : i32
      %dma_start3A_379 = arith.constant 0 : i32
      %dma_start3A_380 = tpu.memref_slice %arg7[%dma_start3A_376, %dma_start3A_377, %dma_start3A_378, %dma_start3A_379] : memref<2x8x32x128xf32, #tpu.memory_space<vmem>> -> memref<1x1x32x128xf32, #tpu.memory_space<vmem>>
      %dma_start3A_381 = tpu.memref_squeeze %dma_start3A_380 : memref<1x1x32x128xf32, #tpu.memory_space<vmem>> -> memref<32x128xf32, #tpu.memory_space<vmem>>
      %dma_start3A_382 = arith.constant 0 : i32
      %dma_start3A_383 = tpu.memref_slice %arg3[%dma_start3A_382, %mul3A_375] : memref<32x1000000xf32, #tpu.memory_space<hbm>> -> memref<32x128xf32, #tpu.memory_space<hbm>>
      %dma_start3A_384 = arith.constant 0 : i32
      %dma_start3A_385 = arith.constant 0 : i32
      %dma_start3A_386 = tpu.memref_slice %arg7[%dma_start3A_376, %dma_start3A_377, %dma_start3A_384, %dma_start3A_385] : memref<2x8x32x128xf32, #tpu.memory_space<vmem>> -> memref<1x1x32x128xf32, #tpu.memory_space<vmem>>
      %dma_start3A_387 = tpu.memref_squeeze %dma_start3A_386 : memref<1x1x32x128xf32, #tpu.memory_space<vmem>> -> memref<32x128xf32, #tpu.memory_space<vmem>>
      %dma_start3A_388 = arith.constant 0 : i32
      %dma_start3A_389 = tpu.memref_slice %arg3[%dma_start3A_388, %mul3A_375] : memref<32x1000000xf32, #tpu.memory_space<hbm>> -> memref<32x128xf32, #tpu.memory_space<hbm>>
      tpu.enqueue_dma source(%dma_start3A_389 : memref<32x128xf32, #tpu.memory_space<hbm>>) target(%dma_start3A_387 : memref<32x128xf32, #tpu.memory_space<vmem>>) target_semaphore(%arg10 : memref<!tpu.dma_semaphore, #tpu.memory_space<semaphore_mem>>)
      %slice3A_390 = vector.extract_strided_slice %get3A_345 {offsets = [2], sizes = [1], strides = [1]} : vector<16xi32> to vector<1xi32>
      %squeeze3A_391 = vector.extract %slice3A_390[0] : i32 from vector<1xi32>
      %shift_right_arithmetic3A_392 = arith.constant 7 : i32
      %shift_right_arithmetic3A_393 = arith.shrsi %squeeze3A_391, %shift_right_arithmetic3A_392 : i32
      %min3A_394 = arith.constant 7811 : i32
      %min3A_395 = arith.minsi %shift_right_arithmetic3A_393, %min3A_394 : i32
      %mul3A_396 = arith.constant 128 : i32
      %mul3A_397 = arith.muli %min3A_395, %mul3A_396 : i32
      %dma_start3A_398 = arith.constant 1 : i32
      %dma_start3A_399 = arith.constant 2 : i32
      %dma_start3A_400 = arith.constant 0 : i32
      %dma_start3A_401 = arith.constant 0 : i32
      %dma_start3A_402 = tpu.memref_slice %arg7[%dma_start3A_398, %dma_start3A_399, %dma_start3A_400, %dma_start3A_401] : memref<2x8x32x128xf32, #tpu.memory_space<vmem>> -> memref<1x1x32x128xf32, #tpu.memory_space<vmem>>
      %dma_start3A_403 = tpu.memref_squeeze %dma_start3A_402 : memref<1x1x32x128xf32, #tpu.memory_space<vmem>> -> memref<32x128xf32, #tpu.memory_space<vmem>>
      %dma_start3A_404 = arith.constant 0 : i32
      %dma_start3A_405 = tpu.memref_slice %arg3[%dma_start3A_404, %mul3A_397] : memref<32x1000000xf32, #tpu.memory_space<hbm>> -> memref<32x128xf32, #tpu.memory_space<hbm>>
      %dma_start3A_406 = arith.constant 0 : i32
      %dma_start3A_407 = arith.constant 0 : i32
      %dma_start3A_408 = tpu.memref_slice %arg7[%dma_start3A_398, %dma_start3A_399, %dma_start3A_406, %dma_start3A_407] : memref<2x8x32x128xf32, #tpu.memory_space<vmem>> -> memref<1x1x32x128xf32, #tpu.memory_space<vmem>>
      %dma_start3A_409 = tpu.memref_squeeze %dma_start3A_408 : memref<1x1x32x128xf32, #tpu.memory_space<vmem>> -> memref<32x128xf32, #tpu.memory_space<vmem>>
      %dma_start3A_410 = arith.constant 0 : i32
      %dma_start3A_411 = tpu.memref_slice %arg3[%dma_start3A_410, %mul3A_397] : memref<32x1000000xf32, #tpu.memory_space<hbm>> -> memref<32x128xf32, #tpu.memory_space<hbm>>
      tpu.enqueue_dma source(%dma_start3A_411 : memref<32x128xf32, #tpu.memory_space<hbm>>) target(%dma_start3A_409 : memref<32x128xf32, #tpu.memory_space<vmem>>) target_semaphore(%arg10 : memref<!tpu.dma_semaphore, #tpu.memory_space<semaphore_mem>>)
      %slice3A_412 = vector.extract_strided_slice %get3A_345 {offsets = [3], sizes = [1], strides = [1]} : vector<16xi32> to vector<1xi32>
      %squeeze3A_413 = vector.extract %slice3A_412[0] : i32 from vector<1xi32>
      %shift_right_arithmetic3A_414 = arith.constant 7 : i32
      %shift_right_arithmetic3A_415 = arith.shrsi %squeeze3A_413, %shift_right_arithmetic3A_414 : i32
      %min3A_416 = arith.constant 7811 : i32
      %min3A_417 = arith.minsi %shift_right_arithmetic3A_415, %min3A_416 : i32
      %mul3A_418 = arith.constant 128 : i32
      %mul3A_419 = arith.muli %min3A_417, %mul3A_418 : i32
      %dma_start3A_420 = arith.constant 1 : i32
      %dma_start3A_421 = arith.constant 3 : i32
      %dma_start3A_422 = arith.constant 0 : i32
      %dma_start3A_423 = arith.constant 0 : i32
      %dma_start3A_424 = tpu.memref_slice %arg7[%dma_start3A_420, %dma_start3A_421, %dma_start3A_422, %dma_start3A_423] : memref<2x8x32x128xf32, #tpu.memory_space<vmem>> -> memref<1x1x32x128xf32, #tpu.memory_space<vmem>>
      %dma_start3A_425 = tpu.memref_squeeze %dma_start3A_424 : memref<1x1x32x128xf32, #tpu.memory_space<vmem>> -> memref<32x128xf32, #tpu.memory_space<vmem>>
      %dma_start3A_426 = arith.constant 0 : i32
      %dma_start3A_427 = tpu.memref_slice %arg3[%dma_start3A_426, %mul3A_419] : memref<32x1000000xf32, #tpu.memory_space<hbm>> -> memref<32x128xf32, #tpu.memory_space<hbm>>
      %dma_start3A_428 = arith.constant 0 : i32
      %dma_start3A_429 = arith.constant 0 : i32
      %dma_start3A_430 = tpu.memref_slice %arg7[%dma_start3A_420, %dma_start3A_421, %dma_start3A_428, %dma_start3A_429] : memref<2x8x32x128xf32, #tpu.memory_space<vmem>> -> memref<1x1x32x128xf32, #tpu.memory_space<vmem>>
      %dma_start3A_431 = tpu.memref_squeeze %dma_start3A_430 : memref<1x1x32x128xf32, #tpu.memory_space<vmem>> -> memref<32x128xf32, #tpu.memory_space<vmem>>
      %dma_start3A_432 = arith.constant 0 : i32
      %dma_start3A_433 = tpu.memref_slice %arg3[%dma_start3A_432, %mul3A_419] : memref<32x1000000xf32, #tpu.memory_space<hbm>> -> memref<32x128xf32, #tpu.memory_space<hbm>>
      tpu.enqueue_dma source(%dma_start3A_433 : memref<32x128xf32, #tpu.memory_space<hbm>>) target(%dma_start3A_431 : memref<32x128xf32, #tpu.memory_space<vmem>>) target_semaphore(%arg10 : memref<!tpu.dma_semaphore, #tpu.memory_space<semaphore_mem>>)
      %slice3A_434 = vector.extract_strided_slice %get3A_345 {offsets = [4], sizes = [1], strides = [1]} : vector<16xi32> to vector<1xi32>
      %squeeze3A_435 = vector.extract %slice3A_434[0] : i32 from vector<1xi32>
      %shift_right_arithmetic3A_436 = arith.constant 7 : i32
      %shift_right_arithmetic3A_437 = arith.shrsi %squeeze3A_435, %shift_right_arithmetic3A_436 : i32
      %min3A_438 = arith.constant 7811 : i32
      %min3A_439 = arith.minsi %shift_right_arithmetic3A_437, %min3A_438 : i32
      %mul3A_440 = arith.constant 128 : i32
      %mul3A_441 = arith.muli %min3A_439, %mul3A_440 : i32
      %dma_start3A_442 = arith.constant 1 : i32
      %dma_start3A_443 = arith.constant 4 : i32
      %dma_start3A_444 = arith.constant 0 : i32
      %dma_start3A_445 = arith.constant 0 : i32
      %dma_start3A_446 = tpu.memref_slice %arg7[%dma_start3A_442, %dma_start3A_443, %dma_start3A_444, %dma_start3A_445] : memref<2x8x32x128xf32, #tpu.memory_space<vmem>> -> memref<1x1x32x128xf32, #tpu.memory_space<vmem>>
      %dma_start3A_447 = tpu.memref_squeeze %dma_start3A_446 : memref<1x1x32x128xf32, #tpu.memory_space<vmem>> -> memref<32x128xf32, #tpu.memory_space<vmem>>
      %dma_start3A_448 = arith.constant 0 : i32
      %dma_start3A_449 = tpu.memref_slice %arg3[%dma_start3A_448, %mul3A_441] : memref<32x1000000xf32, #tpu.memory_space<hbm>> -> memref<32x128xf32, #tpu.memory_space<hbm>>
      %dma_start3A_450 = arith.constant 0 : i32
      %dma_start3A_451 = arith.constant 0 : i32
      %dma_start3A_452 = tpu.memref_slice %arg7[%dma_start3A_442, %dma_start3A_443, %dma_start3A_450, %dma_start3A_451] : memref<2x8x32x128xf32, #tpu.memory_space<vmem>> -> memref<1x1x32x128xf32, #tpu.memory_space<vmem>>
      %dma_start3A_453 = tpu.memref_squeeze %dma_start3A_452 : memref<1x1x32x128xf32, #tpu.memory_space<vmem>> -> memref<32x128xf32, #tpu.memory_space<vmem>>
      %dma_start3A_454 = arith.constant 0 : i32
      %dma_start3A_455 = tpu.memref_slice %arg3[%dma_start3A_454, %mul3A_441] : memref<32x1000000xf32, #tpu.memory_space<hbm>> -> memref<32x128xf32, #tpu.memory_space<hbm>>
      tpu.enqueue_dma source(%dma_start3A_455 : memref<32x128xf32, #tpu.memory_space<hbm>>) target(%dma_start3A_453 : memref<32x128xf32, #tpu.memory_space<vmem>>) target_semaphore(%arg10 : memref<!tpu.dma_semaphore, #tpu.memory_space<semaphore_mem>>)
      %slice3A_456 = vector.extract_strided_slice %get3A_345 {offsets = [5], sizes = [1], strides = [1]} : vector<16xi32> to vector<1xi32>
      %squeeze3A_457 = vector.extract %slice3A_456[0] : i32 from vector<1xi32>
      %shift_right_arithmetic3A_458 = arith.constant 7 : i32
      %shift_right_arithmetic3A_459 = arith.shrsi %squeeze3A_457, %shift_right_arithmetic3A_458 : i32
      %min3A_460 = arith.constant 7811 : i32
      %min3A_461 = arith.minsi %shift_right_arithmetic3A_459, %min3A_460 : i32
      %mul3A_462 = arith.constant 128 : i32
      %mul3A_463 = arith.muli %min3A_461, %mul3A_462 : i32
      %dma_start3A_464 = arith.constant 1 : i32
      %dma_start3A_465 = arith.constant 5 : i32
      %dma_start3A_466 = arith.constant 0 : i32
      %dma_start3A_467 = arith.constant 0 : i32
      %dma_start3A_468 = tpu.memref_slice %arg7[%dma_start3A_464, %dma_start3A_465, %dma_start3A_466, %dma_start3A_467] : memref<2x8x32x128xf32, #tpu.memory_space<vmem>> -> memref<1x1x32x128xf32, #tpu.memory_space<vmem>>
      %dma_start3A_469 = tpu.memref_squeeze %dma_start3A_468 : memref<1x1x32x128xf32, #tpu.memory_space<vmem>> -> memref<32x128xf32, #tpu.memory_space<vmem>>
      %dma_start3A_470 = arith.constant 0 : i32
      %dma_start3A_471 = tpu.memref_slice %arg3[%dma_start3A_470, %mul3A_463] : memref<32x1000000xf32, #tpu.memory_space<hbm>> -> memref<32x128xf32, #tpu.memory_space<hbm>>
      %dma_start3A_472 = arith.constant 0 : i32
      %dma_start3A_473 = arith.constant 0 : i32
      %dma_start3A_474 = tpu.memref_slice %arg7[%dma_start3A_464, %dma_start3A_465, %dma_start3A_472, %dma_start3A_473] : memref<2x8x32x128xf32, #tpu.memory_space<vmem>> -> memref<1x1x32x128xf32, #tpu.memory_space<vmem>>
      %dma_start3A_475 = tpu.memref_squeeze %dma_start3A_474 : memref<1x1x32x128xf32, #tpu.memory_space<vmem>> -> memref<32x128xf32, #tpu.memory_space<vmem>>
      %dma_start3A_476 = arith.constant 0 : i32
      %dma_start3A_477 = tpu.memref_slice %arg3[%dma_start3A_476, %mul3A_463] : memref<32x1000000xf32, #tpu.memory_space<hbm>> -> memref<32x128xf32, #tpu.memory_space<hbm>>
      tpu.enqueue_dma source(%dma_start3A_477 : memref<32x128xf32, #tpu.memory_space<hbm>>) target(%dma_start3A_475 : memref<32x128xf32, #tpu.memory_space<vmem>>) target_semaphore(%arg10 : memref<!tpu.dma_semaphore, #tpu.memory_space<semaphore_mem>>)
      %slice3A_478 = vector.extract_strided_slice %get3A_345 {offsets = [6], sizes = [1], strides = [1]} : vector<16xi32> to vector<1xi32>
      %squeeze3A_479 = vector.extract %slice3A_478[0] : i32 from vector<1xi32>
      %shift_right_arithmetic3A_480 = arith.constant 7 : i32
      %shift_right_arithmetic3A_481 = arith.shrsi %squeeze3A_479, %shift_right_arithmetic3A_480 : i32
      %min3A_482 = arith.constant 7811 : i32
      %min3A_483 = arith.minsi %shift_right_arithmetic3A_481, %min3A_482 : i32
      %mul3A_484 = arith.constant 128 : i32
      %mul3A_485 = arith.muli %min3A_483, %mul3A_484 : i32
      %dma_start3A_486 = arith.constant 1 : i32
      %dma_start3A_487 = arith.constant 6 : i32
      %dma_start3A_488 = arith.constant 0 : i32
      %dma_start3A_489 = arith.constant 0 : i32
      %dma_start3A_490 = tpu.memref_slice %arg7[%dma_start3A_486, %dma_start3A_487, %dma_start3A_488, %dma_start3A_489] : memref<2x8x32x128xf32, #tpu.memory_space<vmem>> -> memref<1x1x32x128xf32, #tpu.memory_space<vmem>>
      %dma_start3A_491 = tpu.memref_squeeze %dma_start3A_490 : memref<1x1x32x128xf32, #tpu.memory_space<vmem>> -> memref<32x128xf32, #tpu.memory_space<vmem>>
      %dma_start3A_492 = arith.constant 0 : i32
      %dma_start3A_493 = tpu.memref_slice %arg3[%dma_start3A_492, %mul3A_485] : memref<32x1000000xf32, #tpu.memory_space<hbm>> -> memref<32x128xf32, #tpu.memory_space<hbm>>
      %dma_start3A_494 = arith.constant 0 : i32
      %dma_start3A_495 = arith.constant 0 : i32
      %dma_start3A_496 = tpu.memref_slice %arg7[%dma_start3A_486, %dma_start3A_487, %dma_start3A_494, %dma_start3A_495] : memref<2x8x32x128xf32, #tpu.memory_space<vmem>> -> memref<1x1x32x128xf32, #tpu.memory_space<vmem>>
      %dma_start3A_497 = tpu.memref_squeeze %dma_start3A_496 : memref<1x1x32x128xf32, #tpu.memory_space<vmem>> -> memref<32x128xf32, #tpu.memory_space<vmem>>
      %dma_start3A_498 = arith.constant 0 : i32
      %dma_start3A_499 = tpu.memref_slice %arg3[%dma_start3A_498, %mul3A_485] : memref<32x1000000xf32, #tpu.memory_space<hbm>> -> memref<32x128xf32, #tpu.memory_space<hbm>>
      tpu.enqueue_dma source(%dma_start3A_499 : memref<32x128xf32, #tpu.memory_space<hbm>>) target(%dma_start3A_497 : memref<32x128xf32, #tpu.memory_space<vmem>>) target_semaphore(%arg10 : memref<!tpu.dma_semaphore, #tpu.memory_space<semaphore_mem>>)
      %slice3A_500 = vector.extract_strided_slice %get3A_345 {offsets = [7], sizes = [1], strides = [1]} : vector<16xi32> to vector<1xi32>
      %squeeze3A_501 = vector.extract %slice3A_500[0] : i32 from vector<1xi32>
      %shift_right_arithmetic3A_502 = arith.constant 7 : i32
      %shift_right_arithmetic3A_503 = arith.shrsi %squeeze3A_501, %shift_right_arithmetic3A_502 : i32
      %min3A_504 = arith.constant 7811 : i32
      %min3A_505 = arith.minsi %shift_right_arithmetic3A_503, %min3A_504 : i32
      %mul3A_506 = arith.constant 128 : i32
      %mul3A_507 = arith.muli %min3A_505, %mul3A_506 : i32
      %dma_start3A_508 = arith.constant 1 : i32
      %dma_start3A_509 = arith.constant 7 : i32
      %dma_start3A_510 = arith.constant 0 : i32
      %dma_start3A_511 = arith.constant 0 : i32
      %dma_start3A_512 = tpu.memref_slice %arg7[%dma_start3A_508, %dma_start3A_509, %dma_start3A_510, %dma_start3A_511] : memref<2x8x32x128xf32, #tpu.memory_space<vmem>> -> memref<1x1x32x128xf32, #tpu.memory_space<vmem>>
      %dma_start3A_513 = tpu.memref_squeeze %dma_start3A_512 : memref<1x1x32x128xf32, #tpu.memory_space<vmem>> -> memref<32x128xf32, #tpu.memory_space<vmem>>
      %dma_start3A_514 = arith.constant 0 : i32
      %dma_start3A_515 = tpu.memref_slice %arg3[%dma_start3A_514, %mul3A_507] : memref<32x1000000xf32, #tpu.memory_space<hbm>> -> memref<32x128xf32, #tpu.memory_space<hbm>>
      %dma_start3A_516 = arith.constant 0 : i32
      %dma_start3A_517 = arith.constant 0 : i32
      %dma_start3A_518 = tpu.memref_slice %arg7[%dma_start3A_508, %dma_start3A_509, %dma_start3A_516, %dma_start3A_517] : memref<2x8x32x128xf32, #tpu.memory_space<vmem>> -> memref<1x1x32x128xf32, #tpu.memory_space<vmem>>
      %dma_start3A_519 = tpu.memref_squeeze %dma_start3A_518 : memref<1x1x32x128xf32, #tpu.memory_space<vmem>> -> memref<32x128xf32, #tpu.memory_space<vmem>>
      %dma_start3A_520 = arith.constant 0 : i32
      %dma_start3A_521 = tpu.memref_slice %arg3[%dma_start3A_520, %mul3A_507] : memref<32x1000000xf32, #tpu.memory_space<hbm>> -> memref<32x128xf32, #tpu.memory_space<hbm>>
      tpu.enqueue_dma source(%dma_start3A_521 : memref<32x128xf32, #tpu.memory_space<hbm>>) target(%dma_start3A_519 : memref<32x128xf32, #tpu.memory_space<vmem>>) target_semaphore(%arg10 : memref<!tpu.dma_semaphore, #tpu.memory_space<semaphore_mem>>)
      %gt3A = arith.constant 0 : i32
      %gt3A_522 = arith.cmpi sgt, %scan3A_209, %gt3A : i32
      %convert_element_type3A = arith.extui %gt3A_522 : i1 to i32
      %cond3A = arith.constant 0 : i32
      %cond3A_523 = arith.cmpi ne, %convert_element_type3A, %cond3A : i32
      scf.if %cond3A_523 {
        %dma_wait3A_1596 = arith.constant 0 : i32
        %dma_wait3A_1597 = arith.constant 0 : i32
        %dma_wait3A_1598 = arith.constant 0 : i32
        %dma_wait3A_1599 = tpu.memref_slice %arg8[%dma_wait3A_1596, %dma_wait3A_1597, %dma_wait3A_1598] : memref<2x8x128xf32, #tpu.memory_space<vmem>> -> memref<1x8x128xf32, #tpu.memory_space<vmem>>
        %dma_wait3A_1600 = tpu.memref_squeeze %dma_wait3A_1599 : memref<1x8x128xf32, #tpu.memory_space<vmem>> -> memref<8x128xf32, #tpu.memory_space<vmem>>
        %dma_wait3A_1601 = arith.constant 0 : i32
        %dma_wait3A_1602 = arith.constant 0 : i32
        %dma_wait3A_1603 = tpu.memref_slice %arg5[%dma_wait3A_1601, %dma_wait3A_1602] : memref<3072x128xf32, #tpu.memory_space<hbm>> -> memref<8x128xf32, #tpu.memory_space<hbm>>
        %dma_wait3A_1604 = arith.constant 0 : i32
        %dma_wait3A_1605 = arith.constant 0 : i32
        %dma_wait3A_1606 = tpu.memref_slice %arg8[%dma_wait3A_1596, %dma_wait3A_1604, %dma_wait3A_1605] : memref<2x8x128xf32, #tpu.memory_space<vmem>> -> memref<1x8x128xf32, #tpu.memory_space<vmem>>
        %dma_wait3A_1607 = tpu.memref_squeeze %dma_wait3A_1606 : memref<1x8x128xf32, #tpu.memory_space<vmem>> -> memref<8x128xf32, #tpu.memory_space<vmem>>
        %dma_wait3A_1608 = arith.constant 0 : i32
        %dma_wait3A_1609 = arith.constant 0 : i32
        %dma_wait3A_1610 = tpu.memref_slice %arg5[%dma_wait3A_1608, %dma_wait3A_1609] : memref<3072x128xf32, #tpu.memory_space<hbm>> -> memref<8x128xf32, #tpu.memory_space<hbm>>
        tpu.wait_dma2 semaphore(%arg11 : memref<!tpu.dma_semaphore, #tpu.memory_space<semaphore_mem>>) src(%dma_wait3A_1610 : memref<8x128xf32, #tpu.memory_space<hbm>>) dst(%dma_wait3A_1607 : memref<8x128xf32, #tpu.memory_space<vmem>>)
      } else {
      }
      %mul3A_524 = arith.constant 8 : i32
      %mul3A_525 = arith.muli %mul3A_211, %mul3A_524 : i32
      %get3A_526 = arith.index_cast %mul3A_525 : i32 to index
      %get3A_527 = tpu.vector_load %arg6[%get3A_526] {strides = array<i32>} : memref<112xi32, #tpu.memory_space<vmem>>, vector<16xi32>,
      %slice3A_528 = vector.extract_strided_slice %get3A_527 {offsets = [0], sizes = [1], strides = [1]} : vector<16xi32> to vector<1xi32>
      %squeeze3A_529 = vector.extract %slice3A_528[0] : i32 from vector<1xi32>
      %shift_right_arithmetic3A_530 = arith.constant 7 : i32
      %shift_right_arithmetic3A_531 = arith.shrsi %squeeze3A_529, %shift_right_arithmetic3A_530 : i32
      %min3A_532 = arith.constant 7811 : i32
      %min3A_533 = arith.minsi %shift_right_arithmetic3A_531, %min3A_532 : i32
      %mul3A_534 = arith.constant 128 : i32
      %mul3A_535 = arith.muli %min3A_533, %mul3A_534 : i32
      %sub3A = arith.subi %squeeze3A_529, %mul3A_535 : i32
      %min3A_536 = arith.constant 127 : i32
      %min3A_537 = arith.minsi %sub3A, %min3A_536 : i32
      %sub3A_538 = arith.constant 999936 : i32
      %sub3A_539 = arith.subi %squeeze3A_529, %sub3A_538 : i32
      %max3A = arith.constant 0 : i32
      %max3A_540 = arith.maxsi %sub3A_539, %max3A : i32
      %min3A_541 = arith.constant 127 : i32
      %min3A_542 = arith.minsi %max3A_540, %min3A_541 : i32
      %ge3A = arith.constant 999936 : i32
      %ge3A_543 = arith.cmpi sge, %squeeze3A_529, %ge3A : i32
      %broadcast_in_dim3A = vector.broadcast %ge3A_543 : i1 to vector<16xi1>
      %add3A_544 = arith.constant 0 : i32
      %add3A_545 = vector.broadcast %add3A_544 : i32 to vector<16xi32>
      %add3A_546 = arith.addi %iota3A, %add3A_545 : vector<16xi32>
      %broadcast_in_dim3A_547 = arith.constant 0 : i32
      %broadcast_in_dim3A_548 = vector.broadcast %broadcast_in_dim3A_547 : i32 to vector<16xi32>
      %broadcast_in_dim3A_549 = arith.constant 0 : i32
      %broadcast_in_dim3A_550 = vector.broadcast %broadcast_in_dim3A_549 : i32 to vector<16xi32>
      %broadcast_in_dim3A_551 = vector.broadcast %min3A_537 : i32 to vector<16xi32>
      %gather3A = tpu.vector_load_idx %arg7[%broadcast_in_dim3A_548, %broadcast_in_dim3A_550, %add3A_546, %broadcast_in_dim3A_551] : memref<2x8x32x128xf32, #tpu.memory_space<vmem>>[vector<16xi32>, vector<16xi32>, vector<16xi32>, vector<16xi32>], vector<16xf32>,
      %broadcast_in_dim3A_552 = vector.broadcast %min3A_542 : i32 to vector<16xi32>
      %gather3A_553 = tpu.vector_load_idx %arg9[%add3A_546, %broadcast_in_dim3A_552] : memref<32x128xf32, #tpu.memory_space<vmem>>[vector<16xi32>, vector<16xi32>], vector<16xf32>,
      %select_n3A = arith.select %broadcast_in_dim3A, %gather3A_553, %gather3A : vector<16xi1>, vector<16xf32>
      %swap3A = arith.constant 0 : i32
      %swap3A_554 = arith.constant 0 : i32
      %swap3A_555 = arith.index_cast %swap3A : i32 to index
      %swap3A_556 = arith.index_cast %swap3A_554 : i32 to index
      %swap3A_557 = arith.constant 0 : index
      %swap3A_558 = tpu.vector_load %arg8[%swap3A_555, %swap3A_556, %swap3A_557] {strides = array<i32>} : memref<2x8x128xf32, #tpu.memory_space<vmem>>, vector<16xf32>,
      tpu.vector_store %arg8[%swap3A_555, %swap3A_556, %swap3A_557], %select_n3A {strides = array<i32>} : memref<2x8x128xf32, #tpu.memory_space<vmem>>, vector<16xf32>,
      %add3A_559 = arith.constant 16 : i32
      %add3A_560 = vector.broadcast %add3A_559 : i32 to vector<16xi32>
      %add3A_561 = arith.addi %iota3A, %add3A_560 : vector<16xi32>
      %broadcast_in_dim3A_562 = arith.constant 0 : i32
      %broadcast_in_dim3A_563 = vector.broadcast %broadcast_in_dim3A_562 : i32 to vector<16xi32>
      %broadcast_in_dim3A_564 = arith.constant 0 : i32
      %broadcast_in_dim3A_565 = vector.broadcast %broadcast_in_dim3A_564 : i32 to vector<16xi32>
      %broadcast_in_dim3A_566 = vector.broadcast %min3A_537 : i32 to vector<16xi32>
      %gather3A_567 = tpu.vector_load_idx %arg7[%broadcast_in_dim3A_563, %broadcast_in_dim3A_565, %add3A_561, %broadcast_in_dim3A_566] : memref<2x8x32x128xf32, #tpu.memory_space<vmem>>[vector<16xi32>, vector<16xi32>, vector<16xi32>, vector<16xi32>], vector<16xf32>,
      %broadcast_in_dim3A_568 = vector.broadcast %min3A_542 : i32 to vector<16xi32>
      %gather3A_569 = tpu.vector_load_idx %arg9[%add3A_561, %broadcast_in_dim3A_568] : memref<32x128xf32, #tpu.memory_space<vmem>>[vector<16xi32>, vector<16xi32>], vector<16xf32>,
      %select_n3A_570 = arith.select %broadcast_in_dim3A, %gather3A_569, %gather3A_567 : vector<16xi1>, vector<16xf32>
      %swap3A_571 = arith.constant 0 : i32
      %swap3A_572 = arith.constant 0 : i32
      %swap3A_573 = arith.index_cast %swap3A_571 : i32 to index
      %swap3A_574 = arith.index_cast %swap3A_572 : i32 to index
      %swap3A_575 = arith.constant 16 : index
      %swap3A_576 = tpu.vector_load %arg8[%swap3A_573, %swap3A_574, %swap3A_575] {strides = array<i32>} : memref<2x8x128xf32, #tpu.memory_space<vmem>>, vector<16xf32>,
      tpu.vector_store %arg8[%swap3A_573, %swap3A_574, %swap3A_575], %select_n3A_570 {strides = array<i32>} : memref<2x8x128xf32, #tpu.memory_space<vmem>>, vector<16xf32>,
      %slice3A_577 = vector.extract_strided_slice %get3A_527 {offsets = [1], sizes = [1], strides = [1]} : vector<16xi32> to vector<1xi32>
      %squeeze3A_578 = vector.extract %slice3A_577[0] : i32 from vector<1xi32>
      %shift_right_arithmetic3A_579 = arith.constant 7 : i32
      %shift_right_arithmetic3A_580 = arith.shrsi %squeeze3A_578, %shift_right_arithmetic3A_579 : i32
      %min3A_581 = arith.constant 7811 : i32
      %min3A_582 = arith.minsi %shift_right_arithmetic3A_580, %min3A_581 : i32
      %mul3A_583 = arith.constant 128 : i32
      %mul3A_584 = arith.muli %min3A_582, %mul3A_583 : i32
      %sub3A_585 = arith.subi %squeeze3A_578, %mul3A_584 : i32
      %min3A_586 = arith.constant 127 : i32
      %min3A_587 = arith.minsi %sub3A_585, %min3A_586 : i32
      %sub3A_588 = arith.constant 999936 : i32
      %sub3A_589 = arith.subi %squeeze3A_578, %sub3A_588 : i32
      %max3A_590 = arith.constant 0 : i32
      %max3A_591 = arith.maxsi %sub3A_589, %max3A_590 : i32
      %min3A_592 = arith.constant 127 : i32
      %min3A_593 = arith.minsi %max3A_591, %min3A_592 : i32
      %ge3A_594 = arith.constant 999936 : i32
      %ge3A_595 = arith.cmpi sge, %squeeze3A_578, %ge3A_594 : i32
      %broadcast_in_dim3A_596 = vector.broadcast %ge3A_595 : i1 to vector<16xi1>
      %add3A_597 = arith.constant 0 : i32
      %add3A_598 = vector.broadcast %add3A_597 : i32 to vector<16xi32>
      %add3A_599 = arith.addi %iota3A, %add3A_598 : vector<16xi32>
      %broadcast_in_dim3A_600 = arith.constant 0 : i32
      %broadcast_in_dim3A_601 = vector.broadcast %broadcast_in_dim3A_600 : i32 to vector<16xi32>
      %broadcast_in_dim3A_602 = arith.constant 1 : i32
      %broadcast_in_dim3A_603 = vector.broadcast %broadcast_in_dim3A_602 : i32 to vector<16xi32>
      %broadcast_in_dim3A_604 = vector.broadcast %min3A_587 : i32 to vector<16xi32>
      %gather3A_605 = tpu.vector_load_idx %arg7[%broadcast_in_dim3A_601, %broadcast_in_dim3A_603, %add3A_599, %broadcast_in_dim3A_604] : memref<2x8x32x128xf32, #tpu.memory_space<vmem>>[vector<16xi32>, vector<16xi32>, vector<16xi32>, vector<16xi32>], vector<16xf32>,
      %broadcast_in_dim3A_606 = vector.broadcast %min3A_593 : i32 to vector<16xi32>
      %gather3A_607 = tpu.vector_load_idx %arg9[%add3A_599, %broadcast_in_dim3A_606] : memref<32x128xf32, #tpu.memory_space<vmem>>[vector<16xi32>, vector<16xi32>], vector<16xf32>,
      %select_n3A_608 = arith.select %broadcast_in_dim3A_596, %gather3A_607, %gather3A_605 : vector<16xi1>, vector<16xf32>
      %swap3A_609 = arith.constant 0 : i32
      %swap3A_610 = arith.constant 1 : i32
      %swap3A_611 = arith.index_cast %swap3A_609 : i32 to index
      %swap3A_612 = arith.index_cast %swap3A_610 : i32 to index
      %swap3A_613 = arith.constant 0 : index
      %swap3A_614 = tpu.vector_load %arg8[%swap3A_611, %swap3A_612, %swap3A_613] {strides = array<i32>} : memref<2x8x128xf32, #tpu.memory_space<vmem>>, vector<16xf32>,
      tpu.vector_store %arg8[%swap3A_611, %swap3A_612, %swap3A_613], %select_n3A_608 {strides = array<i32>} : memref<2x8x128xf32, #tpu.memory_space<vmem>>, vector<16xf32>,
      %add3A_615 = arith.constant 16 : i32
      %add3A_616 = vector.broadcast %add3A_615 : i32 to vector<16xi32>
      %add3A_617 = arith.addi %iota3A, %add3A_616 : vector<16xi32>
      %broadcast_in_dim3A_618 = arith.constant 0 : i32
      %broadcast_in_dim3A_619 = vector.broadcast %broadcast_in_dim3A_618 : i32 to vector<16xi32>
      %broadcast_in_dim3A_620 = arith.constant 1 : i32
      %broadcast_in_dim3A_621 = vector.broadcast %broadcast_in_dim3A_620 : i32 to vector<16xi32>
      %broadcast_in_dim3A_622 = vector.broadcast %min3A_587 : i32 to vector<16xi32>
      %gather3A_623 = tpu.vector_load_idx %arg7[%broadcast_in_dim3A_619, %broadcast_in_dim3A_621, %add3A_617, %broadcast_in_dim3A_622] : memref<2x8x32x128xf32, #tpu.memory_space<vmem>>[vector<16xi32>, vector<16xi32>, vector<16xi32>, vector<16xi32>], vector<16xf32>,
      %broadcast_in_dim3A_624 = vector.broadcast %min3A_593 : i32 to vector<16xi32>
      %gather3A_625 = tpu.vector_load_idx %arg9[%add3A_617, %broadcast_in_dim3A_624] : memref<32x128xf32, #tpu.memory_space<vmem>>[vector<16xi32>, vector<16xi32>], vector<16xf32>,
      %select_n3A_626 = arith.select %broadcast_in_dim3A_596, %gather3A_625, %gather3A_623 : vector<16xi1>, vector<16xf32>
      %swap3A_627 = arith.constant 0 : i32
      %swap3A_628 = arith.constant 1 : i32
      %swap3A_629 = arith.index_cast %swap3A_627 : i32 to index
      %swap3A_630 = arith.index_cast %swap3A_628 : i32 to index
      %swap3A_631 = arith.constant 16 : index
      %swap3A_632 = tpu.vector_load %arg8[%swap3A_629, %swap3A_630, %swap3A_631] {strides = array<i32>} : memref<2x8x128xf32, #tpu.memory_space<vmem>>, vector<16xf32>,
      tpu.vector_store %arg8[%swap3A_629, %swap3A_630, %swap3A_631], %select_n3A_626 {strides = array<i32>} : memref<2x8x128xf32, #tpu.memory_space<vmem>>, vector<16xf32>,
      %slice3A_633 = vector.extract_strided_slice %get3A_527 {offsets = [2], sizes = [1], strides = [1]} : vector<16xi32> to vector<1xi32>
      %squeeze3A_634 = vector.extract %slice3A_633[0] : i32 from vector<1xi32>
      %shift_right_arithmetic3A_635 = arith.constant 7 : i32
      %shift_right_arithmetic3A_636 = arith.shrsi %squeeze3A_634, %shift_right_arithmetic3A_635 : i32
      %min3A_637 = arith.constant 7811 : i32
      %min3A_638 = arith.minsi %shift_right_arithmetic3A_636, %min3A_637 : i32
      %mul3A_639 = arith.constant 128 : i32
      %mul3A_640 = arith.muli %min3A_638, %mul3A_639 : i32
      %sub3A_641 = arith.subi %squeeze3A_634, %mul3A_640 : i32
      %min3A_642 = arith.constant 127 : i32
      %min3A_643 = arith.minsi %sub3A_641, %min3A_642 : i32
      %sub3A_644 = arith.constant 999936 : i32
      %sub3A_645 = arith.subi %squeeze3A_634, %sub3A_644 : i32
      %max3A_646 = arith.constant 0 : i32
      %max3A_647 = arith.maxsi %sub3A_645, %max3A_646 : i32
      %min3A_648 = arith.constant 127 : i32
      %min3A_649 = arith.minsi %max3A_647, %min3A_648 : i32
      %ge3A_650 = arith.constant 999936 : i32
      %ge3A_651 = arith.cmpi sge, %squeeze3A_634, %ge3A_650 : i32
      %broadcast_in_dim3A_652 = vector.broadcast %ge3A_651 : i1 to vector<16xi1>
      %add3A_653 = arith.constant 0 : i32
      %add3A_654 = vector.broadcast %add3A_653 : i32 to vector<16xi32>
      %add3A_655 = arith.addi %iota3A, %add3A_654 : vector<16xi32>
      %broadcast_in_dim3A_656 = arith.constant 0 : i32
      %broadcast_in_dim3A_657 = vector.broadcast %broadcast_in_dim3A_656 : i32 to vector<16xi32>
      %broadcast_in_dim3A_658 = arith.constant 2 : i32
      %broadcast_in_dim3A_659 = vector.broadcast %broadcast_in_dim3A_658 : i32 to vector<16xi32>
      %broadcast_in_dim3A_660 = vector.broadcast %min3A_643 : i32 to vector<16xi32>
      %gather3A_661 = tpu.vector_load_idx %arg7[%broadcast_in_dim3A_657, %broadcast_in_dim3A_659, %add3A_655, %broadcast_in_dim3A_660] : memref<2x8x32x128xf32, #tpu.memory_space<vmem>>[vector<16xi32>, vector<16xi32>, vector<16xi32>, vector<16xi32>], vector<16xf32>,
      %broadcast_in_dim3A_662 = vector.broadcast %min3A_649 : i32 to vector<16xi32>
      %gather3A_663 = tpu.vector_load_idx %arg9[%add3A_655, %broadcast_in_dim3A_662] : memref<32x128xf32, #tpu.memory_space<vmem>>[vector<16xi32>, vector<16xi32>], vector<16xf32>,
      %select_n3A_664 = arith.select %broadcast_in_dim3A_652, %gather3A_663, %gather3A_661 : vector<16xi1>, vector<16xf32>
      %swap3A_665 = arith.constant 0 : i32
      %swap3A_666 = arith.constant 2 : i32
      %swap3A_667 = arith.index_cast %swap3A_665 : i32 to index
      %swap3A_668 = arith.index_cast %swap3A_666 : i32 to index
      %swap3A_669 = arith.constant 0 : index
      %swap3A_670 = tpu.vector_load %arg8[%swap3A_667, %swap3A_668, %swap3A_669] {strides = array<i32>} : memref<2x8x128xf32, #tpu.memory_space<vmem>>, vector<16xf32>,
      tpu.vector_store %arg8[%swap3A_667, %swap3A_668, %swap3A_669], %select_n3A_664 {strides = array<i32>} : memref<2x8x128xf32, #tpu.memory_space<vmem>>, vector<16xf32>,
      %add3A_671 = arith.constant 16 : i32
      %add3A_672 = vector.broadcast %add3A_671 : i32 to vector<16xi32>
      %add3A_673 = arith.addi %iota3A, %add3A_672 : vector<16xi32>
      %broadcast_in_dim3A_674 = arith.constant 0 : i32
      %broadcast_in_dim3A_675 = vector.broadcast %broadcast_in_dim3A_674 : i32 to vector<16xi32>
      %broadcast_in_dim3A_676 = arith.constant 2 : i32
      %broadcast_in_dim3A_677 = vector.broadcast %broadcast_in_dim3A_676 : i32 to vector<16xi32>
      %broadcast_in_dim3A_678 = vector.broadcast %min3A_643 : i32 to vector<16xi32>
      %gather3A_679 = tpu.vector_load_idx %arg7[%broadcast_in_dim3A_675, %broadcast_in_dim3A_677, %add3A_673, %broadcast_in_dim3A_678] : memref<2x8x32x128xf32, #tpu.memory_space<vmem>>[vector<16xi32>, vector<16xi32>, vector<16xi32>, vector<16xi32>], vector<16xf32>,
      %broadcast_in_dim3A_680 = vector.broadcast %min3A_649 : i32 to vector<16xi32>
      %gather3A_681 = tpu.vector_load_idx %arg9[%add3A_673, %broadcast_in_dim3A_680] : memref<32x128xf32, #tpu.memory_space<vmem>>[vector<16xi32>, vector<16xi32>], vector<16xf32>,
      %select_n3A_682 = arith.select %broadcast_in_dim3A_652, %gather3A_681, %gather3A_679 : vector<16xi1>, vector<16xf32>
      %swap3A_683 = arith.constant 0 : i32
      %swap3A_684 = arith.constant 2 : i32
      %swap3A_685 = arith.index_cast %swap3A_683 : i32 to index
      %swap3A_686 = arith.index_cast %swap3A_684 : i32 to index
      %swap3A_687 = arith.constant 16 : index
      %swap3A_688 = tpu.vector_load %arg8[%swap3A_685, %swap3A_686, %swap3A_687] {strides = array<i32>} : memref<2x8x128xf32, #tpu.memory_space<vmem>>, vector<16xf32>,
      tpu.vector_store %arg8[%swap3A_685, %swap3A_686, %swap3A_687], %select_n3A_682 {strides = array<i32>} : memref<2x8x128xf32, #tpu.memory_space<vmem>>, vector<16xf32>,
      %slice3A_689 = vector.extract_strided_slice %get3A_527 {offsets = [3], sizes = [1], strides = [1]} : vector<16xi32> to vector<1xi32>
      %squeeze3A_690 = vector.extract %slice3A_689[0] : i32 from vector<1xi32>
      %shift_right_arithmetic3A_691 = arith.constant 7 : i32
      %shift_right_arithmetic3A_692 = arith.shrsi %squeeze3A_690, %shift_right_arithmetic3A_691 : i32
      %min3A_693 = arith.constant 7811 : i32
      %min3A_694 = arith.minsi %shift_right_arithmetic3A_692, %min3A_693 : i32
      %mul3A_695 = arith.constant 128 : i32
      %mul3A_696 = arith.muli %min3A_694, %mul3A_695 : i32
      %sub3A_697 = arith.subi %squeeze3A_690, %mul3A_696 : i32
      %min3A_698 = arith.constant 127 : i32
      %min3A_699 = arith.minsi %sub3A_697, %min3A_698 : i32
      %sub3A_700 = arith.constant 999936 : i32
      %sub3A_701 = arith.subi %squeeze3A_690, %sub3A_700 : i32
      %max3A_702 = arith.constant 0 : i32
      %max3A_703 = arith.maxsi %sub3A_701, %max3A_702 : i32
      %min3A_704 = arith.constant 127 : i32
      %min3A_705 = arith.minsi %max3A_703, %min3A_704 : i32
      %ge3A_706 = arith.constant 999936 : i32
      %ge3A_707 = arith.cmpi sge, %squeeze3A_690, %ge3A_706 : i32
      %broadcast_in_dim3A_708 = vector.broadcast %ge3A_707 : i1 to vector<16xi1>
      %add3A_709 = arith.constant 0 : i32
      %add3A_710 = vector.broadcast %add3A_709 : i32 to vector<16xi32>
      %add3A_711 = arith.addi %iota3A, %add3A_710 : vector<16xi32>
      %broadcast_in_dim3A_712 = arith.constant 0 : i32
      %broadcast_in_dim3A_713 = vector.broadcast %broadcast_in_dim3A_712 : i32 to vector<16xi32>
      %broadcast_in_dim3A_714 = arith.constant 3 : i32
      %broadcast_in_dim3A_715 = vector.broadcast %broadcast_in_dim3A_714 : i32 to vector<16xi32>
      %broadcast_in_dim3A_716 = vector.broadcast %min3A_699 : i32 to vector<16xi32>
      %gather3A_717 = tpu.vector_load_idx %arg7[%broadcast_in_dim3A_713, %broadcast_in_dim3A_715, %add3A_711, %broadcast_in_dim3A_716] : memref<2x8x32x128xf32, #tpu.memory_space<vmem>>[vector<16xi32>, vector<16xi32>, vector<16xi32>, vector<16xi32>], vector<16xf32>,
      %broadcast_in_dim3A_718 = vector.broadcast %min3A_705 : i32 to vector<16xi32>
      %gather3A_719 = tpu.vector_load_idx %arg9[%add3A_711, %broadcast_in_dim3A_718] : memref<32x128xf32, #tpu.memory_space<vmem>>[vector<16xi32>, vector<16xi32>], vector<16xf32>,
      %select_n3A_720 = arith.select %broadcast_in_dim3A_708, %gather3A_719, %gather3A_717 : vector<16xi1>, vector<16xf32>
      %swap3A_721 = arith.constant 0 : i32
      %swap3A_722 = arith.constant 3 : i32
      %swap3A_723 = arith.index_cast %swap3A_721 : i32 to index
      %swap3A_724 = arith.index_cast %swap3A_722 : i32 to index
      %swap3A_725 = arith.constant 0 : index
      %swap3A_726 = tpu.vector_load %arg8[%swap3A_723, %swap3A_724, %swap3A_725] {strides = array<i32>} : memref<2x8x128xf32, #tpu.memory_space<vmem>>, vector<16xf32>,
      tpu.vector_store %arg8[%swap3A_723, %swap3A_724, %swap3A_725], %select_n3A_720 {strides = array<i32>} : memref<2x8x128xf32, #tpu.memory_space<vmem>>, vector<16xf32>,
      %add3A_727 = arith.constant 16 : i32
      %add3A_728 = vector.broadcast %add3A_727 : i32 to vector<16xi32>
      %add3A_729 = arith.addi %iota3A, %add3A_728 : vector<16xi32>
      %broadcast_in_dim3A_730 = arith.constant 0 : i32
      %broadcast_in_dim3A_731 = vector.broadcast %broadcast_in_dim3A_730 : i32 to vector<16xi32>
      %broadcast_in_dim3A_732 = arith.constant 3 : i32
      %broadcast_in_dim3A_733 = vector.broadcast %broadcast_in_dim3A_732 : i32 to vector<16xi32>
      %broadcast_in_dim3A_734 = vector.broadcast %min3A_699 : i32 to vector<16xi32>
      %gather3A_735 = tpu.vector_load_idx %arg7[%broadcast_in_dim3A_731, %broadcast_in_dim3A_733, %add3A_729, %broadcast_in_dim3A_734] : memref<2x8x32x128xf32, #tpu.memory_space<vmem>>[vector<16xi32>, vector<16xi32>, vector<16xi32>, vector<16xi32>], vector<16xf32>,
      %broadcast_in_dim3A_736 = vector.broadcast %min3A_705 : i32 to vector<16xi32>
      %gather3A_737 = tpu.vector_load_idx %arg9[%add3A_729, %broadcast_in_dim3A_736] : memref<32x128xf32, #tpu.memory_space<vmem>>[vector<16xi32>, vector<16xi32>], vector<16xf32>,
      %select_n3A_738 = arith.select %broadcast_in_dim3A_708, %gather3A_737, %gather3A_735 : vector<16xi1>, vector<16xf32>
      %swap3A_739 = arith.constant 0 : i32
      %swap3A_740 = arith.constant 3 : i32
      %swap3A_741 = arith.index_cast %swap3A_739 : i32 to index
      %swap3A_742 = arith.index_cast %swap3A_740 : i32 to index
      %swap3A_743 = arith.constant 16 : index
      %swap3A_744 = tpu.vector_load %arg8[%swap3A_741, %swap3A_742, %swap3A_743] {strides = array<i32>} : memref<2x8x128xf32, #tpu.memory_space<vmem>>, vector<16xf32>,
      tpu.vector_store %arg8[%swap3A_741, %swap3A_742, %swap3A_743], %select_n3A_738 {strides = array<i32>} : memref<2x8x128xf32, #tpu.memory_space<vmem>>, vector<16xf32>,
      %slice3A_745 = vector.extract_strided_slice %get3A_527 {offsets = [4], sizes = [1], strides = [1]} : vector<16xi32> to vector<1xi32>
      %squeeze3A_746 = vector.extract %slice3A_745[0] : i32 from vector<1xi32>
      %shift_right_arithmetic3A_747 = arith.constant 7 : i32
      %shift_right_arithmetic3A_748 = arith.shrsi %squeeze3A_746, %shift_right_arithmetic3A_747 : i32
      %min3A_749 = arith.constant 7811 : i32
      %min3A_750 = arith.minsi %shift_right_arithmetic3A_748, %min3A_749 : i32
      %mul3A_751 = arith.constant 128 : i32
      %mul3A_752 = arith.muli %min3A_750, %mul3A_751 : i32
      %sub3A_753 = arith.subi %squeeze3A_746, %mul3A_752 : i32
      %min3A_754 = arith.constant 127 : i32
      %min3A_755 = arith.minsi %sub3A_753, %min3A_754 : i32
      %sub3A_756 = arith.constant 999936 : i32
      %sub3A_757 = arith.subi %squeeze3A_746, %sub3A_756 : i32
      %max3A_758 = arith.constant 0 : i32
      %max3A_759 = arith.maxsi %sub3A_757, %max3A_758 : i32
      %min3A_760 = arith.constant 127 : i32
      %min3A_761 = arith.minsi %max3A_759, %min3A_760 : i32
      %ge3A_762 = arith.constant 999936 : i32
      %ge3A_763 = arith.cmpi sge, %squeeze3A_746, %ge3A_762 : i32
      %broadcast_in_dim3A_764 = vector.broadcast %ge3A_763 : i1 to vector<16xi1>
      %add3A_765 = arith.constant 0 : i32
      %add3A_766 = vector.broadcast %add3A_765 : i32 to vector<16xi32>
      %add3A_767 = arith.addi %iota3A, %add3A_766 : vector<16xi32>
      %broadcast_in_dim3A_768 = arith.constant 0 : i32
      %broadcast_in_dim3A_769 = vector.broadcast %broadcast_in_dim3A_768 : i32 to vector<16xi32>
      %broadcast_in_dim3A_770 = arith.constant 4 : i32
      %broadcast_in_dim3A_771 = vector.broadcast %broadcast_in_dim3A_770 : i32 to vector<16xi32>
      %broadcast_in_dim3A_772 = vector.broadcast %min3A_755 : i32 to vector<16xi32>
      %gather3A_773 = tpu.vector_load_idx %arg7[%broadcast_in_dim3A_769, %broadcast_in_dim3A_771, %add3A_767, %broadcast_in_dim3A_772] : memref<2x8x32x128xf32, #tpu.memory_space<vmem>>[vector<16xi32>, vector<16xi32>, vector<16xi32>, vector<16xi32>], vector<16xf32>,
      %broadcast_in_dim3A_774 = vector.broadcast %min3A_761 : i32 to vector<16xi32>
      %gather3A_775 = tpu.vector_load_idx %arg9[%add3A_767, %broadcast_in_dim3A_774] : memref<32x128xf32, #tpu.memory_space<vmem>>[vector<16xi32>, vector<16xi32>], vector<16xf32>,
      %select_n3A_776 = arith.select %broadcast_in_dim3A_764, %gather3A_775, %gather3A_773 : vector<16xi1>, vector<16xf32>
      %swap3A_777 = arith.constant 0 : i32
      %swap3A_778 = arith.constant 4 : i32
      %swap3A_779 = arith.index_cast %swap3A_777 : i32 to index
      %swap3A_780 = arith.index_cast %swap3A_778 : i32 to index
      %swap3A_781 = arith.constant 0 : index
      %swap3A_782 = tpu.vector_load %arg8[%swap3A_779, %swap3A_780, %swap3A_781] {strides = array<i32>} : memref<2x8x128xf32, #tpu.memory_space<vmem>>, vector<16xf32>,
      tpu.vector_store %arg8[%swap3A_779, %swap3A_780, %swap3A_781], %select_n3A_776 {strides = array<i32>} : memref<2x8x128xf32, #tpu.memory_space<vmem>>, vector<16xf32>,
      %add3A_783 = arith.constant 16 : i32
      %add3A_784 = vector.broadcast %add3A_783 : i32 to vector<16xi32>
      %add3A_785 = arith.addi %iota3A, %add3A_784 : vector<16xi32>
      %broadcast_in_dim3A_786 = arith.constant 0 : i32
      %broadcast_in_dim3A_787 = vector.broadcast %broadcast_in_dim3A_786 : i32 to vector<16xi32>
      %broadcast_in_dim3A_788 = arith.constant 4 : i32
      %broadcast_in_dim3A_789 = vector.broadcast %broadcast_in_dim3A_788 : i32 to vector<16xi32>
      %broadcast_in_dim3A_790 = vector.broadcast %min3A_755 : i32 to vector<16xi32>
      %gather3A_791 = tpu.vector_load_idx %arg7[%broadcast_in_dim3A_787, %broadcast_in_dim3A_789, %add3A_785, %broadcast_in_dim3A_790] : memref<2x8x32x128xf32, #tpu.memory_space<vmem>>[vector<16xi32>, vector<16xi32>, vector<16xi32>, vector<16xi32>], vector<16xf32>,
      %broadcast_in_dim3A_792 = vector.broadcast %min3A_761 : i32 to vector<16xi32>
      %gather3A_793 = tpu.vector_load_idx %arg9[%add3A_785, %broadcast_in_dim3A_792] : memref<32x128xf32, #tpu.memory_space<vmem>>[vector<16xi32>, vector<16xi32>], vector<16xf32>,
      %select_n3A_794 = arith.select %broadcast_in_dim3A_764, %gather3A_793, %gather3A_791 : vector<16xi1>, vector<16xf32>
      %swap3A_795 = arith.constant 0 : i32
      %swap3A_796 = arith.constant 4 : i32
      %swap3A_797 = arith.index_cast %swap3A_795 : i32 to index
      %swap3A_798 = arith.index_cast %swap3A_796 : i32 to index
      %swap3A_799 = arith.constant 16 : index
      %swap3A_800 = tpu.vector_load %arg8[%swap3A_797, %swap3A_798, %swap3A_799] {strides = array<i32>} : memref<2x8x128xf32, #tpu.memory_space<vmem>>, vector<16xf32>,
      tpu.vector_store %arg8[%swap3A_797, %swap3A_798, %swap3A_799], %select_n3A_794 {strides = array<i32>} : memref<2x8x128xf32, #tpu.memory_space<vmem>>, vector<16xf32>,
      %slice3A_801 = vector.extract_strided_slice %get3A_527 {offsets = [5], sizes = [1], strides = [1]} : vector<16xi32> to vector<1xi32>
      %squeeze3A_802 = vector.extract %slice3A_801[0] : i32 from vector<1xi32>
      %shift_right_arithmetic3A_803 = arith.constant 7 : i32
      %shift_right_arithmetic3A_804 = arith.shrsi %squeeze3A_802, %shift_right_arithmetic3A_803 : i32
      %min3A_805 = arith.constant 7811 : i32
      %min3A_806 = arith.minsi %shift_right_arithmetic3A_804, %min3A_805 : i32
      %mul3A_807 = arith.constant 128 : i32
      %mul3A_808 = arith.muli %min3A_806, %mul3A_807 : i32
      %sub3A_809 = arith.subi %squeeze3A_802, %mul3A_808 : i32
      %min3A_810 = arith.constant 127 : i32
      %min3A_811 = arith.minsi %sub3A_809, %min3A_810 : i32
      %sub3A_812 = arith.constant 999936 : i32
      %sub3A_813 = arith.subi %squeeze3A_802, %sub3A_812 : i32
      %max3A_814 = arith.constant 0 : i32
      %max3A_815 = arith.maxsi %sub3A_813, %max3A_814 : i32
      %min3A_816 = arith.constant 127 : i32
      %min3A_817 = arith.minsi %max3A_815, %min3A_816 : i32
      %ge3A_818 = arith.constant 999936 : i32
      %ge3A_819 = arith.cmpi sge, %squeeze3A_802, %ge3A_818 : i32
      %broadcast_in_dim3A_820 = vector.broadcast %ge3A_819 : i1 to vector<16xi1>
      %add3A_821 = arith.constant 0 : i32
      %add3A_822 = vector.broadcast %add3A_821 : i32 to vector<16xi32>
      %add3A_823 = arith.addi %iota3A, %add3A_822 : vector<16xi32>
      %broadcast_in_dim3A_824 = arith.constant 0 : i32
      %broadcast_in_dim3A_825 = vector.broadcast %broadcast_in_dim3A_824 : i32 to vector<16xi32>
      %broadcast_in_dim3A_826 = arith.constant 5 : i32
      %broadcast_in_dim3A_827 = vector.broadcast %broadcast_in_dim3A_826 : i32 to vector<16xi32>
      %broadcast_in_dim3A_828 = vector.broadcast %min3A_811 : i32 to vector<16xi32>
      %gather3A_829 = tpu.vector_load_idx %arg7[%broadcast_in_dim3A_825, %broadcast_in_dim3A_827, %add3A_823, %broadcast_in_dim3A_828] : memref<2x8x32x128xf32, #tpu.memory_space<vmem>>[vector<16xi32>, vector<16xi32>, vector<16xi32>, vector<16xi32>], vector<16xf32>,
      %broadcast_in_dim3A_830 = vector.broadcast %min3A_817 : i32 to vector<16xi32>
      %gather3A_831 = tpu.vector_load_idx %arg9[%add3A_823, %broadcast_in_dim3A_830] : memref<32x128xf32, #tpu.memory_space<vmem>>[vector<16xi32>, vector<16xi32>], vector<16xf32>,
      %select_n3A_832 = arith.select %broadcast_in_dim3A_820, %gather3A_831, %gather3A_829 : vector<16xi1>, vector<16xf32>
      %swap3A_833 = arith.constant 0 : i32
      %swap3A_834 = arith.constant 5 : i32
      %swap3A_835 = arith.index_cast %swap3A_833 : i32 to index
      %swap3A_836 = arith.index_cast %swap3A_834 : i32 to index
      %swap3A_837 = arith.constant 0 : index
      %swap3A_838 = tpu.vector_load %arg8[%swap3A_835, %swap3A_836, %swap3A_837] {strides = array<i32>} : memref<2x8x128xf32, #tpu.memory_space<vmem>>, vector<16xf32>,
      tpu.vector_store %arg8[%swap3A_835, %swap3A_836, %swap3A_837], %select_n3A_832 {strides = array<i32>} : memref<2x8x128xf32, #tpu.memory_space<vmem>>, vector<16xf32>,
      %add3A_839 = arith.constant 16 : i32
      %add3A_840 = vector.broadcast %add3A_839 : i32 to vector<16xi32>
      %add3A_841 = arith.addi %iota3A, %add3A_840 : vector<16xi32>
      %broadcast_in_dim3A_842 = arith.constant 0 : i32
      %broadcast_in_dim3A_843 = vector.broadcast %broadcast_in_dim3A_842 : i32 to vector<16xi32>
      %broadcast_in_dim3A_844 = arith.constant 5 : i32
      %broadcast_in_dim3A_845 = vector.broadcast %broadcast_in_dim3A_844 : i32 to vector<16xi32>
      %broadcast_in_dim3A_846 = vector.broadcast %min3A_811 : i32 to vector<16xi32>
      %gather3A_847 = tpu.vector_load_idx %arg7[%broadcast_in_dim3A_843, %broadcast_in_dim3A_845, %add3A_841, %broadcast_in_dim3A_846] : memref<2x8x32x128xf32, #tpu.memory_space<vmem>>[vector<16xi32>, vector<16xi32>, vector<16xi32>, vector<16xi32>], vector<16xf32>,
      %broadcast_in_dim3A_848 = vector.broadcast %min3A_817 : i32 to vector<16xi32>
      %gather3A_849 = tpu.vector_load_idx %arg9[%add3A_841, %broadcast_in_dim3A_848] : memref<32x128xf32, #tpu.memory_space<vmem>>[vector<16xi32>, vector<16xi32>], vector<16xf32>,
      %select_n3A_850 = arith.select %broadcast_in_dim3A_820, %gather3A_849, %gather3A_847 : vector<16xi1>, vector<16xf32>
      %swap3A_851 = arith.constant 0 : i32
      %swap3A_852 = arith.constant 5 : i32
      %swap3A_853 = arith.index_cast %swap3A_851 : i32 to index
      %swap3A_854 = arith.index_cast %swap3A_852 : i32 to index
      %swap3A_855 = arith.constant 16 : index
      %swap3A_856 = tpu.vector_load %arg8[%swap3A_853, %swap3A_854, %swap3A_855] {strides = array<i32>} : memref<2x8x128xf32, #tpu.memory_space<vmem>>, vector<16xf32>,
      tpu.vector_store %arg8[%swap3A_853, %swap3A_854, %swap3A_855], %select_n3A_850 {strides = array<i32>} : memref<2x8x128xf32, #tpu.memory_space<vmem>>, vector<16xf32>,
      %slice3A_857 = vector.extract_strided_slice %get3A_527 {offsets = [6], sizes = [1], strides = [1]} : vector<16xi32> to vector<1xi32>
      %squeeze3A_858 = vector.extract %slice3A_857[0] : i32 from vector<1xi32>
      %shift_right_arithmetic3A_859 = arith.constant 7 : i32
      %shift_right_arithmetic3A_860 = arith.shrsi %squeeze3A_858, %shift_right_arithmetic3A_859 : i32
      %min3A_861 = arith.constant 7811 : i32
      %min3A_862 = arith.minsi %shift_right_arithmetic3A_860, %min3A_861 : i32
      %mul3A_863 = arith.constant 128 : i32
      %mul3A_864 = arith.muli %min3A_862, %mul3A_863 : i32
      %sub3A_865 = arith.subi %squeeze3A_858, %mul3A_864 : i32
      %min3A_866 = arith.constant 127 : i32
      %min3A_867 = arith.minsi %sub3A_865, %min3A_866 : i32
      %sub3A_868 = arith.constant 999936 : i32
      %sub3A_869 = arith.subi %squeeze3A_858, %sub3A_868 : i32
      %max3A_870 = arith.constant 0 : i32
      %max3A_871 = arith.maxsi %sub3A_869, %max3A_870 : i32
      %min3A_872 = arith.constant 127 : i32
      %min3A_873 = arith.minsi %max3A_871, %min3A_872 : i32
      %ge3A_874 = arith.constant 999936 : i32
      %ge3A_875 = arith.cmpi sge, %squeeze3A_858, %ge3A_874 : i32
      %broadcast_in_dim3A_876 = vector.broadcast %ge3A_875 : i1 to vector<16xi1>
      %add3A_877 = arith.constant 0 : i32
      %add3A_878 = vector.broadcast %add3A_877 : i32 to vector<16xi32>
      %add3A_879 = arith.addi %iota3A, %add3A_878 : vector<16xi32>
      %broadcast_in_dim3A_880 = arith.constant 0 : i32
      %broadcast_in_dim3A_881 = vector.broadcast %broadcast_in_dim3A_880 : i32 to vector<16xi32>
      %broadcast_in_dim3A_882 = arith.constant 6 : i32
      %broadcast_in_dim3A_883 = vector.broadcast %broadcast_in_dim3A_882 : i32 to vector<16xi32>
      %broadcast_in_dim3A_884 = vector.broadcast %min3A_867 : i32 to vector<16xi32>
      %gather3A_885 = tpu.vector_load_idx %arg7[%broadcast_in_dim3A_881, %broadcast_in_dim3A_883, %add3A_879, %broadcast_in_dim3A_884] : memref<2x8x32x128xf32, #tpu.memory_space<vmem>>[vector<16xi32>, vector<16xi32>, vector<16xi32>, vector<16xi32>], vector<16xf32>,
      %broadcast_in_dim3A_886 = vector.broadcast %min3A_873 : i32 to vector<16xi32>
      %gather3A_887 = tpu.vector_load_idx %arg9[%add3A_879, %broadcast_in_dim3A_886] : memref<32x128xf32, #tpu.memory_space<vmem>>[vector<16xi32>, vector<16xi32>], vector<16xf32>,
      %select_n3A_888 = arith.select %broadcast_in_dim3A_876, %gather3A_887, %gather3A_885 : vector<16xi1>, vector<16xf32>
      %swap3A_889 = arith.constant 0 : i32
      %swap3A_890 = arith.constant 6 : i32
      %swap3A_891 = arith.index_cast %swap3A_889 : i32 to index
      %swap3A_892 = arith.index_cast %swap3A_890 : i32 to index
      %swap3A_893 = arith.constant 0 : index
      %swap3A_894 = tpu.vector_load %arg8[%swap3A_891, %swap3A_892, %swap3A_893] {strides = array<i32>} : memref<2x8x128xf32, #tpu.memory_space<vmem>>, vector<16xf32>,
      tpu.vector_store %arg8[%swap3A_891, %swap3A_892, %swap3A_893], %select_n3A_888 {strides = array<i32>} : memref<2x8x128xf32, #tpu.memory_space<vmem>>, vector<16xf32>,
      %add3A_895 = arith.constant 16 : i32
      %add3A_896 = vector.broadcast %add3A_895 : i32 to vector<16xi32>
      %add3A_897 = arith.addi %iota3A, %add3A_896 : vector<16xi32>
      %broadcast_in_dim3A_898 = arith.constant 0 : i32
      %broadcast_in_dim3A_899 = vector.broadcast %broadcast_in_dim3A_898 : i32 to vector<16xi32>
      %broadcast_in_dim3A_900 = arith.constant 6 : i32
      %broadcast_in_dim3A_901 = vector.broadcast %broadcast_in_dim3A_900 : i32 to vector<16xi32>
      %broadcast_in_dim3A_902 = vector.broadcast %min3A_867 : i32 to vector<16xi32>
      %gather3A_903 = tpu.vector_load_idx %arg7[%broadcast_in_dim3A_899, %broadcast_in_dim3A_901, %add3A_897, %broadcast_in_dim3A_902] : memref<2x8x32x128xf32, #tpu.memory_space<vmem>>[vector<16xi32>, vector<16xi32>, vector<16xi32>, vector<16xi32>], vector<16xf32>,
      %broadcast_in_dim3A_904 = vector.broadcast %min3A_873 : i32 to vector<16xi32>
      %gather3A_905 = tpu.vector_load_idx %arg9[%add3A_897, %broadcast_in_dim3A_904] : memref<32x128xf32, #tpu.memory_space<vmem>>[vector<16xi32>, vector<16xi32>], vector<16xf32>,
      %select_n3A_906 = arith.select %broadcast_in_dim3A_876, %gather3A_905, %gather3A_903 : vector<16xi1>, vector<16xf32>
      %swap3A_907 = arith.constant 0 : i32
      %swap3A_908 = arith.constant 6 : i32
      %swap3A_909 = arith.index_cast %swap3A_907 : i32 to index
      %swap3A_910 = arith.index_cast %swap3A_908 : i32 to index
      %swap3A_911 = arith.constant 16 : index
      %swap3A_912 = tpu.vector_load %arg8[%swap3A_909, %swap3A_910, %swap3A_911] {strides = array<i32>} : memref<2x8x128xf32, #tpu.memory_space<vmem>>, vector<16xf32>,
      tpu.vector_store %arg8[%swap3A_909, %swap3A_910, %swap3A_911], %select_n3A_906 {strides = array<i32>} : memref<2x8x128xf32, #tpu.memory_space<vmem>>, vector<16xf32>,
      %slice3A_913 = vector.extract_strided_slice %get3A_527 {offsets = [7], sizes = [1], strides = [1]} : vector<16xi32> to vector<1xi32>
      %squeeze3A_914 = vector.extract %slice3A_913[0] : i32 from vector<1xi32>
      %shift_right_arithmetic3A_915 = arith.constant 7 : i32
      %shift_right_arithmetic3A_916 = arith.shrsi %squeeze3A_914, %shift_right_arithmetic3A_915 : i32
      %min3A_917 = arith.constant 7811 : i32
      %min3A_918 = arith.minsi %shift_right_arithmetic3A_916, %min3A_917 : i32
      %mul3A_919 = arith.constant 128 : i32
      %mul3A_920 = arith.muli %min3A_918, %mul3A_919 : i32
      %sub3A_921 = arith.subi %squeeze3A_914, %mul3A_920 : i32
      %min3A_922 = arith.constant 127 : i32
      %min3A_923 = arith.minsi %sub3A_921, %min3A_922 : i32
      %sub3A_924 = arith.constant 999936 : i32
      %sub3A_925 = arith.subi %squeeze3A_914, %sub3A_924 : i32
      %max3A_926 = arith.constant 0 : i32
      %max3A_927 = arith.maxsi %sub3A_925, %max3A_926 : i32
      %min3A_928 = arith.constant 127 : i32
      %min3A_929 = arith.minsi %max3A_927, %min3A_928 : i32
      %ge3A_930 = arith.constant 999936 : i32
      %ge3A_931 = arith.cmpi sge, %squeeze3A_914, %ge3A_930 : i32
      %broadcast_in_dim3A_932 = vector.broadcast %ge3A_931 : i1 to vector<16xi1>
      %add3A_933 = arith.constant 0 : i32
      %add3A_934 = vector.broadcast %add3A_933 : i32 to vector<16xi32>
      %add3A_935 = arith.addi %iota3A, %add3A_934 : vector<16xi32>
      %broadcast_in_dim3A_936 = arith.constant 0 : i32
      %broadcast_in_dim3A_937 = vector.broadcast %broadcast_in_dim3A_936 : i32 to vector<16xi32>
      %broadcast_in_dim3A_938 = arith.constant 7 : i32
      %broadcast_in_dim3A_939 = vector.broadcast %broadcast_in_dim3A_938 : i32 to vector<16xi32>
      %broadcast_in_dim3A_940 = vector.broadcast %min3A_923 : i32 to vector<16xi32>
      %gather3A_941 = tpu.vector_load_idx %arg7[%broadcast_in_dim3A_937, %broadcast_in_dim3A_939, %add3A_935, %broadcast_in_dim3A_940] : memref<2x8x32x128xf32, #tpu.memory_space<vmem>>[vector<16xi32>, vector<16xi32>, vector<16xi32>, vector<16xi32>], vector<16xf32>,
      %broadcast_in_dim3A_942 = vector.broadcast %min3A_929 : i32 to vector<16xi32>
      %gather3A_943 = tpu.vector_load_idx %arg9[%add3A_935, %broadcast_in_dim3A_942] : memref<32x128xf32, #tpu.memory_space<vmem>>[vector<16xi32>, vector<16xi32>], vector<16xf32>,
      %select_n3A_944 = arith.select %broadcast_in_dim3A_932, %gather3A_943, %gather3A_941 : vector<16xi1>, vector<16xf32>
      %swap3A_945 = arith.constant 0 : i32
      %swap3A_946 = arith.constant 7 : i32
      %swap3A_947 = arith.index_cast %swap3A_945 : i32 to index
      %swap3A_948 = arith.index_cast %swap3A_946 : i32 to index
      %swap3A_949 = arith.constant 0 : index
      %swap3A_950 = tpu.vector_load %arg8[%swap3A_947, %swap3A_948, %swap3A_949] {strides = array<i32>} : memref<2x8x128xf32, #tpu.memory_space<vmem>>, vector<16xf32>,
      tpu.vector_store %arg8[%swap3A_947, %swap3A_948, %swap3A_949], %select_n3A_944 {strides = array<i32>} : memref<2x8x128xf32, #tpu.memory_space<vmem>>, vector<16xf32>,
      %add3A_951 = arith.constant 16 : i32
      %add3A_952 = vector.broadcast %add3A_951 : i32 to vector<16xi32>
      %add3A_953 = arith.addi %iota3A, %add3A_952 : vector<16xi32>
      %broadcast_in_dim3A_954 = arith.constant 0 : i32
      %broadcast_in_dim3A_955 = vector.broadcast %broadcast_in_dim3A_954 : i32 to vector<16xi32>
      %broadcast_in_dim3A_956 = arith.constant 7 : i32
      %broadcast_in_dim3A_957 = vector.broadcast %broadcast_in_dim3A_956 : i32 to vector<16xi32>
      %broadcast_in_dim3A_958 = vector.broadcast %min3A_923 : i32 to vector<16xi32>
      %gather3A_959 = tpu.vector_load_idx %arg7[%broadcast_in_dim3A_955, %broadcast_in_dim3A_957, %add3A_953, %broadcast_in_dim3A_958] : memref<2x8x32x128xf32, #tpu.memory_space<vmem>>[vector<16xi32>, vector<16xi32>, vector<16xi32>, vector<16xi32>], vector<16xf32>,
      %broadcast_in_dim3A_960 = vector.broadcast %min3A_929 : i32 to vector<16xi32>
      %gather3A_961 = tpu.vector_load_idx %arg9[%add3A_953, %broadcast_in_dim3A_960] : memref<32x128xf32, #tpu.memory_space<vmem>>[vector<16xi32>, vector<16xi32>], vector<16xf32>,
      %select_n3A_962 = arith.select %broadcast_in_dim3A_932, %gather3A_961, %gather3A_959 : vector<16xi1>, vector<16xf32>
      %swap3A_963 = arith.constant 0 : i32
      %swap3A_964 = arith.constant 7 : i32
      %swap3A_965 = arith.index_cast %swap3A_963 : i32 to index
      %swap3A_966 = arith.index_cast %swap3A_964 : i32 to index
      %swap3A_967 = arith.constant 16 : index
      %swap3A_968 = tpu.vector_load %arg8[%swap3A_965, %swap3A_966, %swap3A_967] {strides = array<i32>} : memref<2x8x128xf32, #tpu.memory_space<vmem>>, vector<16xf32>,
      tpu.vector_store %arg8[%swap3A_965, %swap3A_966, %swap3A_967], %select_n3A_962 {strides = array<i32>} : memref<2x8x128xf32, #tpu.memory_space<vmem>>, vector<16xf32>,
      %mul3A_969 = arith.constant 8 : i32
      %mul3A_970 = arith.muli %mul3A_211, %mul3A_969 : i32
      %add3A_971 = arith.addi %mul3A_2, %mul3A_970 : i32
      %dma_start3A_972 = arith.constant 0 : i32
      %dma_start3A_973 = arith.constant 0 : i32
      %dma_start3A_974 = arith.constant 0 : i32
      %dma_start3A_975 = tpu.memref_slice %arg8[%dma_start3A_972, %dma_start3A_973, %dma_start3A_974] : memref<2x8x128xf32, #tpu.memory_space<vmem>> -> memref<1x8x128xf32, #tpu.memory_space<vmem>>
      %dma_start3A_976 = tpu.memref_squeeze %dma_start3A_975 : memref<1x8x128xf32, #tpu.memory_space<vmem>> -> memref<8x128xf32, #tpu.memory_space<vmem>>
      %dma_start3A_977 = arith.constant 0 : i32
      %dma_start3A_978 = tpu.memref_slice %arg5[%add3A_971, %dma_start3A_977] : memref<3072x128xf32, #tpu.memory_space<hbm>> -> memref<8x128xf32, #tpu.memory_space<hbm>>
      %dma_start3A_979 = arith.constant 0 : i32
      %dma_start3A_980 = tpu.memref_slice %arg5[%add3A_971, %dma_start3A_979] : memref<3072x128xf32, #tpu.memory_space<hbm>> -> memref<8x128xf32, #tpu.memory_space<hbm>>
      %dma_start3A_981 = arith.constant 0 : i32
      %dma_start3A_982 = arith.constant 0 : i32
      %dma_start3A_983 = tpu.memref_slice %arg8[%dma_start3A_972, %dma_start3A_981, %dma_start3A_982] : memref<2x8x128xf32, #tpu.memory_space<vmem>> -> memref<1x8x128xf32, #tpu.memory_space<vmem>>
      %dma_start3A_984 = tpu.memref_squeeze %dma_start3A_983 : memref<1x8x128xf32, #tpu.memory_space<vmem>> -> memref<8x128xf32, #tpu.memory_space<vmem>>
      tpu.enqueue_dma source(%dma_start3A_984 : memref<8x128xf32, #tpu.memory_space<vmem>>) target(%dma_start3A_980 : memref<8x128xf32, #tpu.memory_space<hbm>>) target_semaphore(%arg11 : memref<!tpu.dma_semaphore, #tpu.memory_space<semaphore_mem>>)
      %dma_wait3A_985 = arith.constant 1 : i32
      %dma_wait3A_986 = arith.constant 0 : i32
      %dma_wait3A_987 = arith.constant 0 : i32
      %dma_wait3A_988 = arith.constant 0 : i32
      %dma_wait3A_989 = tpu.memref_slice %arg7[%dma_wait3A_985, %dma_wait3A_986, %dma_wait3A_987, %dma_wait3A_988] : memref<2x8x32x128xf32, #tpu.memory_space<vmem>> -> memref<1x1x32x128xf32, #tpu.memory_space<vmem>>
      %dma_wait3A_990 = tpu.memref_squeeze %dma_wait3A_989 : memref<1x1x32x128xf32, #tpu.memory_space<vmem>> -> memref<32x128xf32, #tpu.memory_space<vmem>>
      %dma_wait3A_991 = arith.constant 0 : i32
      %dma_wait3A_992 = arith.constant 0 : i32
      %dma_wait3A_993 = tpu.memref_slice %arg3[%dma_wait3A_991, %dma_wait3A_992] : memref<32x1000000xf32, #tpu.memory_space<hbm>> -> memref<32x128xf32, #tpu.memory_space<hbm>>
      %dma_wait3A_994 = arith.constant 0 : i32
      %dma_wait3A_995 = arith.constant 0 : i32
      %dma_wait3A_996 = tpu.memref_slice %arg7[%dma_wait3A_985, %dma_wait3A_986, %dma_wait3A_994, %dma_wait3A_995] : memref<2x8x32x128xf32, #tpu.memory_space<vmem>> -> memref<1x1x32x128xf32, #tpu.memory_space<vmem>>
      %dma_wait3A_997 = tpu.memref_squeeze %dma_wait3A_996 : memref<1x1x32x128xf32, #tpu.memory_space<vmem>> -> memref<32x128xf32, #tpu.memory_space<vmem>>
      %dma_wait3A_998 = arith.constant 0 : i32
      %dma_wait3A_999 = arith.constant 0 : i32
      %dma_wait3A_1000 = tpu.memref_slice %arg3[%dma_wait3A_998, %dma_wait3A_999] : memref<32x1000000xf32, #tpu.memory_space<hbm>> -> memref<32x128xf32, #tpu.memory_space<hbm>>
      tpu.wait_dma2 semaphore(%arg10 : memref<!tpu.dma_semaphore, #tpu.memory_space<semaphore_mem>>) src(%dma_wait3A_1000 : memref<32x128xf32, #tpu.memory_space<hbm>>) dst(%dma_wait3A_997 : memref<32x128xf32, #tpu.memory_space<vmem>>)
      %dma_wait3A_1001 = arith.constant 1 : i32
      %dma_wait3A_1002 = arith.constant 1 : i32
      %dma_wait3A_1003 = arith.constant 0 : i32
      %dma_wait3A_1004 = arith.constant 0 : i32
      %dma_wait3A_1005 = tpu.memref_slice %arg7[%dma_wait3A_1001, %dma_wait3A_1002, %dma_wait3A_1003, %dma_wait3A_1004] : memref<2x8x32x128xf32, #tpu.memory_space<vmem>> -> memref<1x1x32x128xf32, #tpu.memory_space<vmem>>
      %dma_wait3A_1006 = tpu.memref_squeeze %dma_wait3A_1005 : memref<1x1x32x128xf32, #tpu.memory_space<vmem>> -> memref<32x128xf32, #tpu.memory_space<vmem>>
      %dma_wait3A_1007 = arith.constant 0 : i32
      %dma_wait3A_1008 = arith.constant 0 : i32
      %dma_wait3A_1009 = tpu.memref_slice %arg3[%dma_wait3A_1007, %dma_wait3A_1008] : memref<32x1000000xf32, #tpu.memory_space<hbm>> -> memref<32x128xf32, #tpu.memory_space<hbm>>
      %dma_wait3A_1010 = arith.constant 0 : i32
      %dma_wait3A_1011 = arith.constant 0 : i32
      %dma_wait3A_1012 = tpu.memref_slice %arg7[%dma_wait3A_1001, %dma_wait3A_1002, %dma_wait3A_1010, %dma_wait3A_1011] : memref<2x8x32x128xf32, #tpu.memory_space<vmem>> -> memref<1x1x32x128xf32, #tpu.memory_space<vmem>>
      %dma_wait3A_1013 = tpu.memref_squeeze %dma_wait3A_1012 : memref<1x1x32x128xf32, #tpu.memory_space<vmem>> -> memref<32x128xf32, #tpu.memory_space<vmem>>
      %dma_wait3A_1014 = arith.constant 0 : i32
      %dma_wait3A_1015 = arith.constant 0 : i32
      %dma_wait3A_1016 = tpu.memref_slice %arg3[%dma_wait3A_1014, %dma_wait3A_1015] : memref<32x1000000xf32, #tpu.memory_space<hbm>> -> memref<32x128xf32, #tpu.memory_space<hbm>>
      tpu.wait_dma2 semaphore(%arg10 : memref<!tpu.dma_semaphore, #tpu.memory_space<semaphore_mem>>) src(%dma_wait3A_1016 : memref<32x128xf32, #tpu.memory_space<hbm>>) dst(%dma_wait3A_1013 : memref<32x128xf32, #tpu.memory_space<vmem>>)
      %dma_wait3A_1017 = arith.constant 1 : i32
      %dma_wait3A_1018 = arith.constant 2 : i32
      %dma_wait3A_1019 = arith.constant 0 : i32
      %dma_wait3A_1020 = arith.constant 0 : i32
      %dma_wait3A_1021 = tpu.memref_slice %arg7[%dma_wait3A_1017, %dma_wait3A_1018, %dma_wait3A_1019, %dma_wait3A_1020] : memref<2x8x32x128xf32, #tpu.memory_space<vmem>> -> memref<1x1x32x128xf32, #tpu.memory_space<vmem>>
      %dma_wait3A_1022 = tpu.memref_squeeze %dma_wait3A_1021 : memref<1x1x32x128xf32, #tpu.memory_space<vmem>> -> memref<32x128xf32, #tpu.memory_space<vmem>>
      %dma_wait3A_1023 = arith.constant 0 : i32
      %dma_wait3A_1024 = arith.constant 0 : i32
      %dma_wait3A_1025 = tpu.memref_slice %arg3[%dma_wait3A_1023, %dma_wait3A_1024] : memref<32x1000000xf32, #tpu.memory_space<hbm>> -> memref<32x128xf32, #tpu.memory_space<hbm>>
      %dma_wait3A_1026 = arith.constant 0 : i32
      %dma_wait3A_1027 = arith.constant 0 : i32
      %dma_wait3A_1028 = tpu.memref_slice %arg7[%dma_wait3A_1017, %dma_wait3A_1018, %dma_wait3A_1026, %dma_wait3A_1027] : memref<2x8x32x128xf32, #tpu.memory_space<vmem>> -> memref<1x1x32x128xf32, #tpu.memory_space<vmem>>
      %dma_wait3A_1029 = tpu.memref_squeeze %dma_wait3A_1028 : memref<1x1x32x128xf32, #tpu.memory_space<vmem>> -> memref<32x128xf32, #tpu.memory_space<vmem>>
      %dma_wait3A_1030 = arith.constant 0 : i32
      %dma_wait3A_1031 = arith.constant 0 : i32
      %dma_wait3A_1032 = tpu.memref_slice %arg3[%dma_wait3A_1030, %dma_wait3A_1031] : memref<32x1000000xf32, #tpu.memory_space<hbm>> -> memref<32x128xf32, #tpu.memory_space<hbm>>
      tpu.wait_dma2 semaphore(%arg10 : memref<!tpu.dma_semaphore, #tpu.memory_space<semaphore_mem>>) src(%dma_wait3A_1032 : memref<32x128xf32, #tpu.memory_space<hbm>>) dst(%dma_wait3A_1029 : memref<32x128xf32, #tpu.memory_space<vmem>>)
      %dma_wait3A_1033 = arith.constant 1 : i32
      %dma_wait3A_1034 = arith.constant 3 : i32
      %dma_wait3A_1035 = arith.constant 0 : i32
      %dma_wait3A_1036 = arith.constant 0 : i32
      %dma_wait3A_1037 = tpu.memref_slice %arg7[%dma_wait3A_1033, %dma_wait3A_1034, %dma_wait3A_1035, %dma_wait3A_1036] : memref<2x8x32x128xf32, #tpu.memory_space<vmem>> -> memref<1x1x32x128xf32, #tpu.memory_space<vmem>>
      %dma_wait3A_1038 = tpu.memref_squeeze %dma_wait3A_1037 : memref<1x1x32x128xf32, #tpu.memory_space<vmem>> -> memref<32x128xf32, #tpu.memory_space<vmem>>
      %dma_wait3A_1039 = arith.constant 0 : i32
      %dma_wait3A_1040 = arith.constant 0 : i32
      %dma_wait3A_1041 = tpu.memref_slice %arg3[%dma_wait3A_1039, %dma_wait3A_1040] : memref<32x1000000xf32, #tpu.memory_space<hbm>> -> memref<32x128xf32, #tpu.memory_space<hbm>>
      %dma_wait3A_1042 = arith.constant 0 : i32
      %dma_wait3A_1043 = arith.constant 0 : i32
      %dma_wait3A_1044 = tpu.memref_slice %arg7[%dma_wait3A_1033, %dma_wait3A_1034, %dma_wait3A_1042, %dma_wait3A_1043] : memref<2x8x32x128xf32, #tpu.memory_space<vmem>> -> memref<1x1x32x128xf32, #tpu.memory_space<vmem>>
      %dma_wait3A_1045 = tpu.memref_squeeze %dma_wait3A_1044 : memref<1x1x32x128xf32, #tpu.memory_space<vmem>> -> memref<32x128xf32, #tpu.memory_space<vmem>>
      %dma_wait3A_1046 = arith.constant 0 : i32
      %dma_wait3A_1047 = arith.constant 0 : i32
      %dma_wait3A_1048 = tpu.memref_slice %arg3[%dma_wait3A_1046, %dma_wait3A_1047] : memref<32x1000000xf32, #tpu.memory_space<hbm>> -> memref<32x128xf32, #tpu.memory_space<hbm>>
      tpu.wait_dma2 semaphore(%arg10 : memref<!tpu.dma_semaphore, #tpu.memory_space<semaphore_mem>>) src(%dma_wait3A_1048 : memref<32x128xf32, #tpu.memory_space<hbm>>) dst(%dma_wait3A_1045 : memref<32x128xf32, #tpu.memory_space<vmem>>)
      %dma_wait3A_1049 = arith.constant 1 : i32
      %dma_wait3A_1050 = arith.constant 4 : i32
      %dma_wait3A_1051 = arith.constant 0 : i32
      %dma_wait3A_1052 = arith.constant 0 : i32
      %dma_wait3A_1053 = tpu.memref_slice %arg7[%dma_wait3A_1049, %dma_wait3A_1050, %dma_wait3A_1051, %dma_wait3A_1052] : memref<2x8x32x128xf32, #tpu.memory_space<vmem>> -> memref<1x1x32x128xf32, #tpu.memory_space<vmem>>
      %dma_wait3A_1054 = tpu.memref_squeeze %dma_wait3A_1053 : memref<1x1x32x128xf32, #tpu.memory_space<vmem>> -> memref<32x128xf32, #tpu.memory_space<vmem>>
      %dma_wait3A_1055 = arith.constant 0 : i32
      %dma_wait3A_1056 = arith.constant 0 : i32
      %dma_wait3A_1057 = tpu.memref_slice %arg3[%dma_wait3A_1055, %dma_wait3A_1056] : memref<32x1000000xf32, #tpu.memory_space<hbm>> -> memref<32x128xf32, #tpu.memory_space<hbm>>
      %dma_wait3A_1058 = arith.constant 0 : i32
      %dma_wait3A_1059 = arith.constant 0 : i32
      %dma_wait3A_1060 = tpu.memref_slice %arg7[%dma_wait3A_1049, %dma_wait3A_1050, %dma_wait3A_1058, %dma_wait3A_1059] : memref<2x8x32x128xf32, #tpu.memory_space<vmem>> -> memref<1x1x32x128xf32, #tpu.memory_space<vmem>>
      %dma_wait3A_1061 = tpu.memref_squeeze %dma_wait3A_1060 : memref<1x1x32x128xf32, #tpu.memory_space<vmem>> -> memref<32x128xf32, #tpu.memory_space<vmem>>
      %dma_wait3A_1062 = arith.constant 0 : i32
      %dma_wait3A_1063 = arith.constant 0 : i32
      %dma_wait3A_1064 = tpu.memref_slice %arg3[%dma_wait3A_1062, %dma_wait3A_1063] : memref<32x1000000xf32, #tpu.memory_space<hbm>> -> memref<32x128xf32, #tpu.memory_space<hbm>>
      tpu.wait_dma2 semaphore(%arg10 : memref<!tpu.dma_semaphore, #tpu.memory_space<semaphore_mem>>) src(%dma_wait3A_1064 : memref<32x128xf32, #tpu.memory_space<hbm>>) dst(%dma_wait3A_1061 : memref<32x128xf32, #tpu.memory_space<vmem>>)
      %dma_wait3A_1065 = arith.constant 1 : i32
      %dma_wait3A_1066 = arith.constant 5 : i32
      %dma_wait3A_1067 = arith.constant 0 : i32
      %dma_wait3A_1068 = arith.constant 0 : i32
      %dma_wait3A_1069 = tpu.memref_slice %arg7[%dma_wait3A_1065, %dma_wait3A_1066, %dma_wait3A_1067, %dma_wait3A_1068] : memref<2x8x32x128xf32, #tpu.memory_space<vmem>> -> memref<1x1x32x128xf32, #tpu.memory_space<vmem>>
      %dma_wait3A_1070 = tpu.memref_squeeze %dma_wait3A_1069 : memref<1x1x32x128xf32, #tpu.memory_space<vmem>> -> memref<32x128xf32, #tpu.memory_space<vmem>>
      %dma_wait3A_1071 = arith.constant 0 : i32
      %dma_wait3A_1072 = arith.constant 0 : i32
      %dma_wait3A_1073 = tpu.memref_slice %arg3[%dma_wait3A_1071, %dma_wait3A_1072] : memref<32x1000000xf32, #tpu.memory_space<hbm>> -> memref<32x128xf32, #tpu.memory_space<hbm>>
      %dma_wait3A_1074 = arith.constant 0 : i32
      %dma_wait3A_1075 = arith.constant 0 : i32
      %dma_wait3A_1076 = tpu.memref_slice %arg7[%dma_wait3A_1065, %dma_wait3A_1066, %dma_wait3A_1074, %dma_wait3A_1075] : memref<2x8x32x128xf32, #tpu.memory_space<vmem>> -> memref<1x1x32x128xf32, #tpu.memory_space<vmem>>
      %dma_wait3A_1077 = tpu.memref_squeeze %dma_wait3A_1076 : memref<1x1x32x128xf32, #tpu.memory_space<vmem>> -> memref<32x128xf32, #tpu.memory_space<vmem>>
      %dma_wait3A_1078 = arith.constant 0 : i32
      %dma_wait3A_1079 = arith.constant 0 : i32
      %dma_wait3A_1080 = tpu.memref_slice %arg3[%dma_wait3A_1078, %dma_wait3A_1079] : memref<32x1000000xf32, #tpu.memory_space<hbm>> -> memref<32x128xf32, #tpu.memory_space<hbm>>
      tpu.wait_dma2 semaphore(%arg10 : memref<!tpu.dma_semaphore, #tpu.memory_space<semaphore_mem>>) src(%dma_wait3A_1080 : memref<32x128xf32, #tpu.memory_space<hbm>>) dst(%dma_wait3A_1077 : memref<32x128xf32, #tpu.memory_space<vmem>>)
      %dma_wait3A_1081 = arith.constant 1 : i32
      %dma_wait3A_1082 = arith.constant 6 : i32
      %dma_wait3A_1083 = arith.constant 0 : i32
      %dma_wait3A_1084 = arith.constant 0 : i32
      %dma_wait3A_1085 = tpu.memref_slice %arg7[%dma_wait3A_1081, %dma_wait3A_1082, %dma_wait3A_1083, %dma_wait3A_1084] : memref<2x8x32x128xf32, #tpu.memory_space<vmem>> -> memref<1x1x32x128xf32, #tpu.memory_space<vmem>>
      %dma_wait3A_1086 = tpu.memref_squeeze %dma_wait3A_1085 : memref<1x1x32x128xf32, #tpu.memory_space<vmem>> -> memref<32x128xf32, #tpu.memory_space<vmem>>
      %dma_wait3A_1087 = arith.constant 0 : i32
      %dma_wait3A_1088 = arith.constant 0 : i32
      %dma_wait3A_1089 = tpu.memref_slice %arg3[%dma_wait3A_1087, %dma_wait3A_1088] : memref<32x1000000xf32, #tpu.memory_space<hbm>> -> memref<32x128xf32, #tpu.memory_space<hbm>>
      %dma_wait3A_1090 = arith.constant 0 : i32
      %dma_wait3A_1091 = arith.constant 0 : i32
      %dma_wait3A_1092 = tpu.memref_slice %arg7[%dma_wait3A_1081, %dma_wait3A_1082, %dma_wait3A_1090, %dma_wait3A_1091] : memref<2x8x32x128xf32, #tpu.memory_space<vmem>> -> memref<1x1x32x128xf32, #tpu.memory_space<vmem>>
      %dma_wait3A_1093 = tpu.memref_squeeze %dma_wait3A_1092 : memref<1x1x32x128xf32, #tpu.memory_space<vmem>> -> memref<32x128xf32, #tpu.memory_space<vmem>>
      %dma_wait3A_1094 = arith.constant 0 : i32
      %dma_wait3A_1095 = arith.constant 0 : i32
      %dma_wait3A_1096 = tpu.memref_slice %arg3[%dma_wait3A_1094, %dma_wait3A_1095] : memref<32x1000000xf32, #tpu.memory_space<hbm>> -> memref<32x128xf32, #tpu.memory_space<hbm>>
      tpu.wait_dma2 semaphore(%arg10 : memref<!tpu.dma_semaphore, #tpu.memory_space<semaphore_mem>>) src(%dma_wait3A_1096 : memref<32x128xf32, #tpu.memory_space<hbm>>) dst(%dma_wait3A_1093 : memref<32x128xf32, #tpu.memory_space<vmem>>)
      %dma_wait3A_1097 = arith.constant 1 : i32
      %dma_wait3A_1098 = arith.constant 7 : i32
      %dma_wait3A_1099 = arith.constant 0 : i32
      %dma_wait3A_1100 = arith.constant 0 : i32
      %dma_wait3A_1101 = tpu.memref_slice %arg7[%dma_wait3A_1097, %dma_wait3A_1098, %dma_wait3A_1099, %dma_wait3A_1100] : memref<2x8x32x128xf32, #tpu.memory_space<vmem>> -> memref<1x1x32x128xf32, #tpu.memory_space<vmem>>
      %dma_wait3A_1102 = tpu.memref_squeeze %dma_wait3A_1101 : memref<1x1x32x128xf32, #tpu.memory_space<vmem>> -> memref<32x128xf32, #tpu.memory_space<vmem>>
      %dma_wait3A_1103 = arith.constant 0 : i32
      %dma_wait3A_1104 = arith.constant 0 : i32
      %dma_wait3A_1105 = tpu.memref_slice %arg3[%dma_wait3A_1103, %dma_wait3A_1104] : memref<32x1000000xf32, #tpu.memory_space<hbm>> -> memref<32x128xf32, #tpu.memory_space<hbm>>
      %dma_wait3A_1106 = arith.constant 0 : i32
      %dma_wait3A_1107 = arith.constant 0 : i32
      %dma_wait3A_1108 = tpu.memref_slice %arg7[%dma_wait3A_1097, %dma_wait3A_1098, %dma_wait3A_1106, %dma_wait3A_1107] : memref<2x8x32x128xf32, #tpu.memory_space<vmem>> -> memref<1x1x32x128xf32, #tpu.memory_space<vmem>>
      %dma_wait3A_1109 = tpu.memref_squeeze %dma_wait3A_1108 : memref<1x1x32x128xf32, #tpu.memory_space<vmem>> -> memref<32x128xf32, #tpu.memory_space<vmem>>
      %dma_wait3A_1110 = arith.constant 0 : i32
      %dma_wait3A_1111 = arith.constant 0 : i32
      %dma_wait3A_1112 = tpu.memref_slice %arg3[%dma_wait3A_1110, %dma_wait3A_1111] : memref<32x1000000xf32, #tpu.memory_space<hbm>> -> memref<32x128xf32, #tpu.memory_space<hbm>>
      tpu.wait_dma2 semaphore(%arg10 : memref<!tpu.dma_semaphore, #tpu.memory_space<semaphore_mem>>) src(%dma_wait3A_1112 : memref<32x128xf32, #tpu.memory_space<hbm>>) dst(%dma_wait3A_1109 : memref<32x128xf32, #tpu.memory_space<vmem>>)
      %add3A_1113 = arith.constant 1 : i32
      %add3A_1114 = arith.addi %scan3A_209, %add3A_1113 : i32
      %lt3A = arith.constant 6 : i32
      %lt3A_1115 = arith.cmpi slt, %add3A_1114, %lt3A : i32
      %convert_element_type3A_1116 = arith.extui %lt3A_1115 : i1 to i32
      %cond3A_1117 = arith.constant 0 : i32
      %cond3A_1118 = arith.cmpi ne, %convert_element_type3A_1116, %cond3A_1117 : i32
      scf.if %cond3A_1118 {
        %add3A_1596 = arith.constant 2 : i32
        %add3A_1597 = arith.addi %mul3A_211, %add3A_1596 : i32
        %mul3A_1598 = arith.constant 8 : i32
        %mul3A_1599 = arith.muli %add3A_1597, %mul3A_1598 : i32
        %get3A_1600 = arith.index_cast %mul3A_1599 : i32 to index
        %get3A_1601 = tpu.vector_load %arg6[%get3A_1600] {strides = array<i32>} : memref<112xi32, #tpu.memory_space<vmem>>, vector<16xi32>,
        %slice3A_1602 = vector.extract_strided_slice %get3A_1601 {offsets = [0], sizes = [1], strides = [1]} : vector<16xi32> to vector<1xi32>
        %squeeze3A_1603 = vector.extract %slice3A_1602[0] : i32 from vector<1xi32>
        %shift_right_arithmetic3A_1604 = arith.constant 7 : i32
        %shift_right_arithmetic3A_1605 = arith.shrsi %squeeze3A_1603, %shift_right_arithmetic3A_1604 : i32
        %min3A_1606 = arith.constant 7811 : i32
        %min3A_1607 = arith.minsi %shift_right_arithmetic3A_1605, %min3A_1606 : i32
        %mul3A_1608 = arith.constant 128 : i32
        %mul3A_1609 = arith.muli %min3A_1607, %mul3A_1608 : i32
        %dma_start3A_1610 = arith.constant 0 : i32
        %dma_start3A_1611 = arith.constant 0 : i32
        %dma_start3A_1612 = arith.constant 0 : i32
        %dma_start3A_1613 = arith.constant 0 : i32
        %dma_start3A_1614 = tpu.memref_slice %arg7[%dma_start3A_1610, %dma_start3A_1611, %dma_start3A_1612, %dma_start3A_1613] : memref<2x8x32x128xf32, #tpu.memory_space<vmem>> -> memref<1x1x32x128xf32, #tpu.memory_space<vmem>>
        %dma_start3A_1615 = tpu.memref_squeeze %dma_start3A_1614 : memref<1x1x32x128xf32, #tpu.memory_space<vmem>> -> memref<32x128xf32, #tpu.memory_space<vmem>>
        %dma_start3A_1616 = arith.constant 0 : i32
        %dma_start3A_1617 = tpu.memref_slice %arg3[%dma_start3A_1616, %mul3A_1609] : memref<32x1000000xf32, #tpu.memory_space<hbm>> -> memref<32x128xf32, #tpu.memory_space<hbm>>
        %dma_start3A_1618 = arith.constant 0 : i32
        %dma_start3A_1619 = arith.constant 0 : i32
        %dma_start3A_1620 = tpu.memref_slice %arg7[%dma_start3A_1610, %dma_start3A_1611, %dma_start3A_1618, %dma_start3A_1619] : memref<2x8x32x128xf32, #tpu.memory_space<vmem>> -> memref<1x1x32x128xf32, #tpu.memory_space<vmem>>
        %dma_start3A_1621 = tpu.memref_squeeze %dma_start3A_1620 : memref<1x1x32x128xf32, #tpu.memory_space<vmem>> -> memref<32x128xf32, #tpu.memory_space<vmem>>
        %dma_start3A_1622 = arith.constant 0 : i32
        %dma_start3A_1623 = tpu.memref_slice %arg3[%dma_start3A_1622, %mul3A_1609] : memref<32x1000000xf32, #tpu.memory_space<hbm>> -> memref<32x128xf32, #tpu.memory_space<hbm>>
        tpu.enqueue_dma source(%dma_start3A_1623 : memref<32x128xf32, #tpu.memory_space<hbm>>) target(%dma_start3A_1621 : memref<32x128xf32, #tpu.memory_space<vmem>>) target_semaphore(%arg10 : memref<!tpu.dma_semaphore, #tpu.memory_space<semaphore_mem>>)
        %slice3A_1624 = vector.extract_strided_slice %get3A_1601 {offsets = [1], sizes = [1], strides = [1]} : vector<16xi32> to vector<1xi32>
        %squeeze3A_1625 = vector.extract %slice3A_1624[0] : i32 from vector<1xi32>
        %shift_right_arithmetic3A_1626 = arith.constant 7 : i32
        %shift_right_arithmetic3A_1627 = arith.shrsi %squeeze3A_1625, %shift_right_arithmetic3A_1626 : i32
        %min3A_1628 = arith.constant 7811 : i32
        %min3A_1629 = arith.minsi %shift_right_arithmetic3A_1627, %min3A_1628 : i32
        %mul3A_1630 = arith.constant 128 : i32
        %mul3A_1631 = arith.muli %min3A_1629, %mul3A_1630 : i32
        %dma_start3A_1632 = arith.constant 0 : i32
        %dma_start3A_1633 = arith.constant 1 : i32
        %dma_start3A_1634 = arith.constant 0 : i32
        %dma_start3A_1635 = arith.constant 0 : i32
        %dma_start3A_1636 = tpu.memref_slice %arg7[%dma_start3A_1632, %dma_start3A_1633, %dma_start3A_1634, %dma_start3A_1635] : memref<2x8x32x128xf32, #tpu.memory_space<vmem>> -> memref<1x1x32x128xf32, #tpu.memory_space<vmem>>
        %dma_start3A_1637 = tpu.memref_squeeze %dma_start3A_1636 : memref<1x1x32x128xf32, #tpu.memory_space<vmem>> -> memref<32x128xf32, #tpu.memory_space<vmem>>
        %dma_start3A_1638 = arith.constant 0 : i32
        %dma_start3A_1639 = tpu.memref_slice %arg3[%dma_start3A_1638, %mul3A_1631] : memref<32x1000000xf32, #tpu.memory_space<hbm>> -> memref<32x128xf32, #tpu.memory_space<hbm>>
        %dma_start3A_1640 = arith.constant 0 : i32
        %dma_start3A_1641 = arith.constant 0 : i32
        %dma_start3A_1642 = tpu.memref_slice %arg7[%dma_start3A_1632, %dma_start3A_1633, %dma_start3A_1640, %dma_start3A_1641] : memref<2x8x32x128xf32, #tpu.memory_space<vmem>> -> memref<1x1x32x128xf32, #tpu.memory_space<vmem>>
        %dma_start3A_1643 = tpu.memref_squeeze %dma_start3A_1642 : memref<1x1x32x128xf32, #tpu.memory_space<vmem>> -> memref<32x128xf32, #tpu.memory_space<vmem>>
        %dma_start3A_1644 = arith.constant 0 : i32
        %dma_start3A_1645 = tpu.memref_slice %arg3[%dma_start3A_1644, %mul3A_1631] : memref<32x1000000xf32, #tpu.memory_space<hbm>> -> memref<32x128xf32, #tpu.memory_space<hbm>>
        tpu.enqueue_dma source(%dma_start3A_1645 : memref<32x128xf32, #tpu.memory_space<hbm>>) target(%dma_start3A_1643 : memref<32x128xf32, #tpu.memory_space<vmem>>) target_semaphore(%arg10 : memref<!tpu.dma_semaphore, #tpu.memory_space<semaphore_mem>>)
        %slice3A_1646 = vector.extract_strided_slice %get3A_1601 {offsets = [2], sizes = [1], strides = [1]} : vector<16xi32> to vector<1xi32>
        %squeeze3A_1647 = vector.extract %slice3A_1646[0] : i32 from vector<1xi32>
        %shift_right_arithmetic3A_1648 = arith.constant 7 : i32
        %shift_right_arithmetic3A_1649 = arith.shrsi %squeeze3A_1647, %shift_right_arithmetic3A_1648 : i32
        %min3A_1650 = arith.constant 7811 : i32
        %min3A_1651 = arith.minsi %shift_right_arithmetic3A_1649, %min3A_1650 : i32
        %mul3A_1652 = arith.constant 128 : i32
        %mul3A_1653 = arith.muli %min3A_1651, %mul3A_1652 : i32
        %dma_start3A_1654 = arith.constant 0 : i32
        %dma_start3A_1655 = arith.constant 2 : i32
        %dma_start3A_1656 = arith.constant 0 : i32
        %dma_start3A_1657 = arith.constant 0 : i32
        %dma_start3A_1658 = tpu.memref_slice %arg7[%dma_start3A_1654, %dma_start3A_1655, %dma_start3A_1656, %dma_start3A_1657] : memref<2x8x32x128xf32, #tpu.memory_space<vmem>> -> memref<1x1x32x128xf32, #tpu.memory_space<vmem>>
        %dma_start3A_1659 = tpu.memref_squeeze %dma_start3A_1658 : memref<1x1x32x128xf32, #tpu.memory_space<vmem>> -> memref<32x128xf32, #tpu.memory_space<vmem>>
        %dma_start3A_1660 = arith.constant 0 : i32
        %dma_start3A_1661 = tpu.memref_slice %arg3[%dma_start3A_1660, %mul3A_1653] : memref<32x1000000xf32, #tpu.memory_space<hbm>> -> memref<32x128xf32, #tpu.memory_space<hbm>>
        %dma_start3A_1662 = arith.constant 0 : i32
        %dma_start3A_1663 = arith.constant 0 : i32
        %dma_start3A_1664 = tpu.memref_slice %arg7[%dma_start3A_1654, %dma_start3A_1655, %dma_start3A_1662, %dma_start3A_1663] : memref<2x8x32x128xf32, #tpu.memory_space<vmem>> -> memref<1x1x32x128xf32, #tpu.memory_space<vmem>>
        %dma_start3A_1665 = tpu.memref_squeeze %dma_start3A_1664 : memref<1x1x32x128xf32, #tpu.memory_space<vmem>> -> memref<32x128xf32, #tpu.memory_space<vmem>>
        %dma_start3A_1666 = arith.constant 0 : i32
        %dma_start3A_1667 = tpu.memref_slice %arg3[%dma_start3A_1666, %mul3A_1653] : memref<32x1000000xf32, #tpu.memory_space<hbm>> -> memref<32x128xf32, #tpu.memory_space<hbm>>
        tpu.enqueue_dma source(%dma_start3A_1667 : memref<32x128xf32, #tpu.memory_space<hbm>>) target(%dma_start3A_1665 : memref<32x128xf32, #tpu.memory_space<vmem>>) target_semaphore(%arg10 : memref<!tpu.dma_semaphore, #tpu.memory_space<semaphore_mem>>)
        %slice3A_1668 = vector.extract_strided_slice %get3A_1601 {offsets = [3], sizes = [1], strides = [1]} : vector<16xi32> to vector<1xi32>
        %squeeze3A_1669 = vector.extract %slice3A_1668[0] : i32 from vector<1xi32>
        %shift_right_arithmetic3A_1670 = arith.constant 7 : i32
        %shift_right_arithmetic3A_1671 = arith.shrsi %squeeze3A_1669, %shift_right_arithmetic3A_1670 : i32
        %min3A_1672 = arith.constant 7811 : i32
        %min3A_1673 = arith.minsi %shift_right_arithmetic3A_1671, %min3A_1672 : i32
        %mul3A_1674 = arith.constant 128 : i32
        %mul3A_1675 = arith.muli %min3A_1673, %mul3A_1674 : i32
        %dma_start3A_1676 = arith.constant 0 : i32
        %dma_start3A_1677 = arith.constant 3 : i32
        %dma_start3A_1678 = arith.constant 0 : i32
        %dma_start3A_1679 = arith.constant 0 : i32
        %dma_start3A_1680 = tpu.memref_slice %arg7[%dma_start3A_1676, %dma_start3A_1677, %dma_start3A_1678, %dma_start3A_1679] : memref<2x8x32x128xf32, #tpu.memory_space<vmem>> -> memref<1x1x32x128xf32, #tpu.memory_space<vmem>>
        %dma_start3A_1681 = tpu.memref_squeeze %dma_start3A_1680 : memref<1x1x32x128xf32, #tpu.memory_space<vmem>> -> memref<32x128xf32, #tpu.memory_space<vmem>>
        %dma_start3A_1682 = arith.constant 0 : i32
        %dma_start3A_1683 = tpu.memref_slice %arg3[%dma_start3A_1682, %mul3A_1675] : memref<32x1000000xf32, #tpu.memory_space<hbm>> -> memref<32x128xf32, #tpu.memory_space<hbm>>
        %dma_start3A_1684 = arith.constant 0 : i32
        %dma_start3A_1685 = arith.constant 0 : i32
        %dma_start3A_1686 = tpu.memref_slice %arg7[%dma_start3A_1676, %dma_start3A_1677, %dma_start3A_1684, %dma_start3A_1685] : memref<2x8x32x128xf32, #tpu.memory_space<vmem>> -> memref<1x1x32x128xf32, #tpu.memory_space<vmem>>
        %dma_start3A_1687 = tpu.memref_squeeze %dma_start3A_1686 : memref<1x1x32x128xf32, #tpu.memory_space<vmem>> -> memref<32x128xf32, #tpu.memory_space<vmem>>
        %dma_start3A_1688 = arith.constant 0 : i32
        %dma_start3A_1689 = tpu.memref_slice %arg3[%dma_start3A_1688, %mul3A_1675] : memref<32x1000000xf32, #tpu.memory_space<hbm>> -> memref<32x128xf32, #tpu.memory_space<hbm>>
        tpu.enqueue_dma source(%dma_start3A_1689 : memref<32x128xf32, #tpu.memory_space<hbm>>) target(%dma_start3A_1687 : memref<32x128xf32, #tpu.memory_space<vmem>>) target_semaphore(%arg10 : memref<!tpu.dma_semaphore, #tpu.memory_space<semaphore_mem>>)
        %slice3A_1690 = vector.extract_strided_slice %get3A_1601 {offsets = [4], sizes = [1], strides = [1]} : vector<16xi32> to vector<1xi32>
        %squeeze3A_1691 = vector.extract %slice3A_1690[0] : i32 from vector<1xi32>
        %shift_right_arithmetic3A_1692 = arith.constant 7 : i32
        %shift_right_arithmetic3A_1693 = arith.shrsi %squeeze3A_1691, %shift_right_arithmetic3A_1692 : i32
        %min3A_1694 = arith.constant 7811 : i32
        %min3A_1695 = arith.minsi %shift_right_arithmetic3A_1693, %min3A_1694 : i32
        %mul3A_1696 = arith.constant 128 : i32
        %mul3A_1697 = arith.muli %min3A_1695, %mul3A_1696 : i32
        %dma_start3A_1698 = arith.constant 0 : i32
        %dma_start3A_1699 = arith.constant 4 : i32
        %dma_start3A_1700 = arith.constant 0 : i32
        %dma_start3A_1701 = arith.constant 0 : i32
        %dma_start3A_1702 = tpu.memref_slice %arg7[%dma_start3A_1698, %dma_start3A_1699, %dma_start3A_1700, %dma_start3A_1701] : memref<2x8x32x128xf32, #tpu.memory_space<vmem>> -> memref<1x1x32x128xf32, #tpu.memory_space<vmem>>
        %dma_start3A_1703 = tpu.memref_squeeze %dma_start3A_1702 : memref<1x1x32x128xf32, #tpu.memory_space<vmem>> -> memref<32x128xf32, #tpu.memory_space<vmem>>
        %dma_start3A_1704 = arith.constant 0 : i32
        %dma_start3A_1705 = tpu.memref_slice %arg3[%dma_start3A_1704, %mul3A_1697] : memref<32x1000000xf32, #tpu.memory_space<hbm>> -> memref<32x128xf32, #tpu.memory_space<hbm>>
        %dma_start3A_1706 = arith.constant 0 : i32
        %dma_start3A_1707 = arith.constant 0 : i32
        %dma_start3A_1708 = tpu.memref_slice %arg7[%dma_start3A_1698, %dma_start3A_1699, %dma_start3A_1706, %dma_start3A_1707] : memref<2x8x32x128xf32, #tpu.memory_space<vmem>> -> memref<1x1x32x128xf32, #tpu.memory_space<vmem>>
        %dma_start3A_1709 = tpu.memref_squeeze %dma_start3A_1708 : memref<1x1x32x128xf32, #tpu.memory_space<vmem>> -> memref<32x128xf32, #tpu.memory_space<vmem>>
        %dma_start3A_1710 = arith.constant 0 : i32
        %dma_start3A_1711 = tpu.memref_slice %arg3[%dma_start3A_1710, %mul3A_1697] : memref<32x1000000xf32, #tpu.memory_space<hbm>> -> memref<32x128xf32, #tpu.memory_space<hbm>>
        tpu.enqueue_dma source(%dma_start3A_1711 : memref<32x128xf32, #tpu.memory_space<hbm>>) target(%dma_start3A_1709 : memref<32x128xf32, #tpu.memory_space<vmem>>) target_semaphore(%arg10 : memref<!tpu.dma_semaphore, #tpu.memory_space<semaphore_mem>>)
        %slice3A_1712 = vector.extract_strided_slice %get3A_1601 {offsets = [5], sizes = [1], strides = [1]} : vector<16xi32> to vector<1xi32>
        %squeeze3A_1713 = vector.extract %slice3A_1712[0] : i32 from vector<1xi32>
        %shift_right_arithmetic3A_1714 = arith.constant 7 : i32
        %shift_right_arithmetic3A_1715 = arith.shrsi %squeeze3A_1713, %shift_right_arithmetic3A_1714 : i32
        %min3A_1716 = arith.constant 7811 : i32
        %min3A_1717 = arith.minsi %shift_right_arithmetic3A_1715, %min3A_1716 : i32
        %mul3A_1718 = arith.constant 128 : i32
        %mul3A_1719 = arith.muli %min3A_1717, %mul3A_1718 : i32
        %dma_start3A_1720 = arith.constant 0 : i32
        %dma_start3A_1721 = arith.constant 5 : i32
        %dma_start3A_1722 = arith.constant 0 : i32
        %dma_start3A_1723 = arith.constant 0 : i32
        %dma_start3A_1724 = tpu.memref_slice %arg7[%dma_start3A_1720, %dma_start3A_1721, %dma_start3A_1722, %dma_start3A_1723] : memref<2x8x32x128xf32, #tpu.memory_space<vmem>> -> memref<1x1x32x128xf32, #tpu.memory_space<vmem>>
        %dma_start3A_1725 = tpu.memref_squeeze %dma_start3A_1724 : memref<1x1x32x128xf32, #tpu.memory_space<vmem>> -> memref<32x128xf32, #tpu.memory_space<vmem>>
        %dma_start3A_1726 = arith.constant 0 : i32
        %dma_start3A_1727 = tpu.memref_slice %arg3[%dma_start3A_1726, %mul3A_1719] : memref<32x1000000xf32, #tpu.memory_space<hbm>> -> memref<32x128xf32, #tpu.memory_space<hbm>>
        %dma_start3A_1728 = arith.constant 0 : i32
        %dma_start3A_1729 = arith.constant 0 : i32
        %dma_start3A_1730 = tpu.memref_slice %arg7[%dma_start3A_1720, %dma_start3A_1721, %dma_start3A_1728, %dma_start3A_1729] : memref<2x8x32x128xf32, #tpu.memory_space<vmem>> -> memref<1x1x32x128xf32, #tpu.memory_space<vmem>>
        %dma_start3A_1731 = tpu.memref_squeeze %dma_start3A_1730 : memref<1x1x32x128xf32, #tpu.memory_space<vmem>> -> memref<32x128xf32, #tpu.memory_space<vmem>>
        %dma_start3A_1732 = arith.constant 0 : i32
        %dma_start3A_1733 = tpu.memref_slice %arg3[%dma_start3A_1732, %mul3A_1719] : memref<32x1000000xf32, #tpu.memory_space<hbm>> -> memref<32x128xf32, #tpu.memory_space<hbm>>
        tpu.enqueue_dma source(%dma_start3A_1733 : memref<32x128xf32, #tpu.memory_space<hbm>>) target(%dma_start3A_1731 : memref<32x128xf32, #tpu.memory_space<vmem>>) target_semaphore(%arg10 : memref<!tpu.dma_semaphore, #tpu.memory_space<semaphore_mem>>)
        %slice3A_1734 = vector.extract_strided_slice %get3A_1601 {offsets = [6], sizes = [1], strides = [1]} : vector<16xi32> to vector<1xi32>
        %squeeze3A_1735 = vector.extract %slice3A_1734[0] : i32 from vector<1xi32>
        %shift_right_arithmetic3A_1736 = arith.constant 7 : i32
        %shift_right_arithmetic3A_1737 = arith.shrsi %squeeze3A_1735, %shift_right_arithmetic3A_1736 : i32
        %min3A_1738 = arith.constant 7811 : i32
        %min3A_1739 = arith.minsi %shift_right_arithmetic3A_1737, %min3A_1738 : i32
        %mul3A_1740 = arith.constant 128 : i32
        %mul3A_1741 = arith.muli %min3A_1739, %mul3A_1740 : i32
        %dma_start3A_1742 = arith.constant 0 : i32
        %dma_start3A_1743 = arith.constant 6 : i32
        %dma_start3A_1744 = arith.constant 0 : i32
        %dma_start3A_1745 = arith.constant 0 : i32
        %dma_start3A_1746 = tpu.memref_slice %arg7[%dma_start3A_1742, %dma_start3A_1743, %dma_start3A_1744, %dma_start3A_1745] : memref<2x8x32x128xf32, #tpu.memory_space<vmem>> -> memref<1x1x32x128xf32, #tpu.memory_space<vmem>>
        %dma_start3A_1747 = tpu.memref_squeeze %dma_start3A_1746 : memref<1x1x32x128xf32, #tpu.memory_space<vmem>> -> memref<32x128xf32, #tpu.memory_space<vmem>>
        %dma_start3A_1748 = arith.constant 0 : i32
        %dma_start3A_1749 = tpu.memref_slice %arg3[%dma_start3A_1748, %mul3A_1741] : memref<32x1000000xf32, #tpu.memory_space<hbm>> -> memref<32x128xf32, #tpu.memory_space<hbm>>
        %dma_start3A_1750 = arith.constant 0 : i32
        %dma_start3A_1751 = arith.constant 0 : i32
        %dma_start3A_1752 = tpu.memref_slice %arg7[%dma_start3A_1742, %dma_start3A_1743, %dma_start3A_1750, %dma_start3A_1751] : memref<2x8x32x128xf32, #tpu.memory_space<vmem>> -> memref<1x1x32x128xf32, #tpu.memory_space<vmem>>
        %dma_start3A_1753 = tpu.memref_squeeze %dma_start3A_1752 : memref<1x1x32x128xf32, #tpu.memory_space<vmem>> -> memref<32x128xf32, #tpu.memory_space<vmem>>
        %dma_start3A_1754 = arith.constant 0 : i32
        %dma_start3A_1755 = tpu.memref_slice %arg3[%dma_start3A_1754, %mul3A_1741] : memref<32x1000000xf32, #tpu.memory_space<hbm>> -> memref<32x128xf32, #tpu.memory_space<hbm>>
        tpu.enqueue_dma source(%dma_start3A_1755 : memref<32x128xf32, #tpu.memory_space<hbm>>) target(%dma_start3A_1753 : memref<32x128xf32, #tpu.memory_space<vmem>>) target_semaphore(%arg10 : memref<!tpu.dma_semaphore, #tpu.memory_space<semaphore_mem>>)
        %slice3A_1756 = vector.extract_strided_slice %get3A_1601 {offsets = [7], sizes = [1], strides = [1]} : vector<16xi32> to vector<1xi32>
        %squeeze3A_1757 = vector.extract %slice3A_1756[0] : i32 from vector<1xi32>
        %shift_right_arithmetic3A_1758 = arith.constant 7 : i32
        %shift_right_arithmetic3A_1759 = arith.shrsi %squeeze3A_1757, %shift_right_arithmetic3A_1758 : i32
        %min3A_1760 = arith.constant 7811 : i32
        %min3A_1761 = arith.minsi %shift_right_arithmetic3A_1759, %min3A_1760 : i32
        %mul3A_1762 = arith.constant 128 : i32
        %mul3A_1763 = arith.muli %min3A_1761, %mul3A_1762 : i32
        %dma_start3A_1764 = arith.constant 0 : i32
        %dma_start3A_1765 = arith.constant 7 : i32
        %dma_start3A_1766 = arith.constant 0 : i32
        %dma_start3A_1767 = arith.constant 0 : i32
        %dma_start3A_1768 = tpu.memref_slice %arg7[%dma_start3A_1764, %dma_start3A_1765, %dma_start3A_1766, %dma_start3A_1767] : memref<2x8x32x128xf32, #tpu.memory_space<vmem>> -> memref<1x1x32x128xf32, #tpu.memory_space<vmem>>
        %dma_start3A_1769 = tpu.memref_squeeze %dma_start3A_1768 : memref<1x1x32x128xf32, #tpu.memory_space<vmem>> -> memref<32x128xf32, #tpu.memory_space<vmem>>
        %dma_start3A_1770 = arith.constant 0 : i32
        %dma_start3A_1771 = tpu.memref_slice %arg3[%dma_start3A_1770, %mul3A_1763] : memref<32x1000000xf32, #tpu.memory_space<hbm>> -> memref<32x128xf32, #tpu.memory_space<hbm>>
        %dma_start3A_1772 = arith.constant 0 : i32
        %dma_start3A_1773 = arith.constant 0 : i32
        %dma_start3A_1774 = tpu.memref_slice %arg7[%dma_start3A_1764, %dma_start3A_1765, %dma_start3A_1772, %dma_start3A_1773] : memref<2x8x32x128xf32, #tpu.memory_space<vmem>> -> memref<1x1x32x128xf32, #tpu.memory_space<vmem>>
        %dma_start3A_1775 = tpu.memref_squeeze %dma_start3A_1774 : memref<1x1x32x128xf32, #tpu.memory_space<vmem>> -> memref<32x128xf32, #tpu.memory_space<vmem>>
        %dma_start3A_1776 = arith.constant 0 : i32
        %dma_start3A_1777 = tpu.memref_slice %arg3[%dma_start3A_1776, %mul3A_1763] : memref<32x1000000xf32, #tpu.memory_space<hbm>> -> memref<32x128xf32, #tpu.memory_space<hbm>>
        tpu.enqueue_dma source(%dma_start3A_1777 : memref<32x128xf32, #tpu.memory_space<hbm>>) target(%dma_start3A_1775 : memref<32x128xf32, #tpu.memory_space<vmem>>) target_semaphore(%arg10 : memref<!tpu.dma_semaphore, #tpu.memory_space<semaphore_mem>>)
      } else {
      }
      %gt3A_1119 = arith.constant 0 : i32
      %gt3A_1120 = arith.cmpi sgt, %scan3A_209, %gt3A_1119 : i32
      %convert_element_type3A_1121 = arith.extui %gt3A_1120 : i1 to i32
      %cond3A_1122 = arith.constant 0 : i32
      %cond3A_1123 = arith.cmpi ne, %convert_element_type3A_1121, %cond3A_1122 : i32
      scf.if %cond3A_1123 {
        %dma_wait3A_1596 = arith.constant 1 : i32
        %dma_wait3A_1597 = arith.constant 0 : i32
        %dma_wait3A_1598 = arith.constant 0 : i32
        %dma_wait3A_1599 = tpu.memref_slice %arg8[%dma_wait3A_1596, %dma_wait3A_1597, %dma_wait3A_1598] : memref<2x8x128xf32, #tpu.memory_space<vmem>> -> memref<1x8x128xf32, #tpu.memory_space<vmem>>
        %dma_wait3A_1600 = tpu.memref_squeeze %dma_wait3A_1599 : memref<1x8x128xf32, #tpu.memory_space<vmem>> -> memref<8x128xf32, #tpu.memory_space<vmem>>
        %dma_wait3A_1601 = arith.constant 0 : i32
        %dma_wait3A_1602 = arith.constant 0 : i32
        %dma_wait3A_1603 = tpu.memref_slice %arg5[%dma_wait3A_1601, %dma_wait3A_1602] : memref<3072x128xf32, #tpu.memory_space<hbm>> -> memref<8x128xf32, #tpu.memory_space<hbm>>
        %dma_wait3A_1604 = arith.constant 0 : i32
        %dma_wait3A_1605 = arith.constant 0 : i32
        %dma_wait3A_1606 = tpu.memref_slice %arg8[%dma_wait3A_1596, %dma_wait3A_1604, %dma_wait3A_1605] : memref<2x8x128xf32, #tpu.memory_space<vmem>> -> memref<1x8x128xf32, #tpu.memory_space<vmem>>
        %dma_wait3A_1607 = tpu.memref_squeeze %dma_wait3A_1606 : memref<1x8x128xf32, #tpu.memory_space<vmem>> -> memref<8x128xf32, #tpu.memory_space<vmem>>
        %dma_wait3A_1608 = arith.constant 0 : i32
        %dma_wait3A_1609 = arith.constant 0 : i32
        %dma_wait3A_1610 = tpu.memref_slice %arg5[%dma_wait3A_1608, %dma_wait3A_1609] : memref<3072x128xf32, #tpu.memory_space<hbm>> -> memref<8x128xf32, #tpu.memory_space<hbm>>
        tpu.wait_dma2 semaphore(%arg12 : memref<!tpu.dma_semaphore, #tpu.memory_space<semaphore_mem>>) src(%dma_wait3A_1610 : memref<8x128xf32, #tpu.memory_space<hbm>>) dst(%dma_wait3A_1607 : memref<8x128xf32, #tpu.memory_space<vmem>>)
      } else {
      }
      %add3A_1124 = arith.constant 1 : i32
      %add3A_1125 = arith.addi %mul3A_211, %add3A_1124 : i32
      %mul3A_1126 = arith.constant 8 : i32
      %mul3A_1127 = arith.muli %add3A_1125, %mul3A_1126 : i32
      %get3A_1128 = arith.index_cast %mul3A_1127 : i32 to index
      %get3A_1129 = tpu.vector_load %arg6[%get3A_1128] {strides = array<i32>} : memref<112xi32, #tpu.memory_space<vmem>>, vector<16xi32>,
      %slice3A_1130 = vector.extract_strided_slice %get3A_1129 {offsets = [0], sizes = [1], strides = [1]} : vector<16xi32> to vector<1xi32>
      %squeeze3A_1131 = vector.extract %slice3A_1130[0] : i32 from vector<1xi32>
      %shift_right_arithmetic3A_1132 = arith.constant 7 : i32
      %shift_right_arithmetic3A_1133 = arith.shrsi %squeeze3A_1131, %shift_right_arithmetic3A_1132 : i32
      %min3A_1134 = arith.constant 7811 : i32
      %min3A_1135 = arith.minsi %shift_right_arithmetic3A_1133, %min3A_1134 : i32
      %mul3A_1136 = arith.constant 128 : i32
      %mul3A_1137 = arith.muli %min3A_1135, %mul3A_1136 : i32
      %sub3A_1138 = arith.subi %squeeze3A_1131, %mul3A_1137 : i32
      %min3A_1139 = arith.constant 127 : i32
      %min3A_1140 = arith.minsi %sub3A_1138, %min3A_1139 : i32
      %sub3A_1141 = arith.constant 999936 : i32
      %sub3A_1142 = arith.subi %squeeze3A_1131, %sub3A_1141 : i32
      %max3A_1143 = arith.constant 0 : i32
      %max3A_1144 = arith.maxsi %sub3A_1142, %max3A_1143 : i32
      %min3A_1145 = arith.constant 127 : i32
      %min3A_1146 = arith.minsi %max3A_1144, %min3A_1145 : i32
      %ge3A_1147 = arith.constant 999936 : i32
      %ge3A_1148 = arith.cmpi sge, %squeeze3A_1131, %ge3A_1147 : i32
      %broadcast_in_dim3A_1149 = vector.broadcast %ge3A_1148 : i1 to vector<16xi1>
      %add3A_1150 = arith.constant 0 : i32
      %add3A_1151 = vector.broadcast %add3A_1150 : i32 to vector<16xi32>
      %add3A_1152 = arith.addi %iota3A, %add3A_1151 : vector<16xi32>
      %broadcast_in_dim3A_1153 = arith.constant 1 : i32
      %broadcast_in_dim3A_1154 = vector.broadcast %broadcast_in_dim3A_1153 : i32 to vector<16xi32>
      %broadcast_in_dim3A_1155 = arith.constant 0 : i32
      %broadcast_in_dim3A_1156 = vector.broadcast %broadcast_in_dim3A_1155 : i32 to vector<16xi32>
      %broadcast_in_dim3A_1157 = vector.broadcast %min3A_1140 : i32 to vector<16xi32>
      %gather3A_1158 = tpu.vector_load_idx %arg7[%broadcast_in_dim3A_1154, %broadcast_in_dim3A_1156, %add3A_1152, %broadcast_in_dim3A_1157] : memref<2x8x32x128xf32, #tpu.memory_space<vmem>>[vector<16xi32>, vector<16xi32>, vector<16xi32>, vector<16xi32>], vector<16xf32>,
      %broadcast_in_dim3A_1159 = vector.broadcast %min3A_1146 : i32 to vector<16xi32>
      %gather3A_1160 = tpu.vector_load_idx %arg9[%add3A_1152, %broadcast_in_dim3A_1159] : memref<32x128xf32, #tpu.memory_space<vmem>>[vector<16xi32>, vector<16xi32>], vector<16xf32>,
      %select_n3A_1161 = arith.select %broadcast_in_dim3A_1149, %gather3A_1160, %gather3A_1158 : vector<16xi1>, vector<16xf32>
      %swap3A_1162 = arith.constant 1 : i32
      %swap3A_1163 = arith.constant 0 : i32
      %swap3A_1164 = arith.index_cast %swap3A_1162 : i32 to index
      %swap3A_1165 = arith.index_cast %swap3A_1163 : i32 to index
      %swap3A_1166 = arith.constant 0 : index
      %swap3A_1167 = tpu.vector_load %arg8[%swap3A_1164, %swap3A_1165, %swap3A_1166] {strides = array<i32>} : memref<2x8x128xf32, #tpu.memory_space<vmem>>, vector<16xf32>,
      tpu.vector_store %arg8[%swap3A_1164, %swap3A_1165, %swap3A_1166], %select_n3A_1161 {strides = array<i32>} : memref<2x8x128xf32, #tpu.memory_space<vmem>>, vector<16xf32>,
      %add3A_1168 = arith.constant 16 : i32
      %add3A_1169 = vector.broadcast %add3A_1168 : i32 to vector<16xi32>
      %add3A_1170 = arith.addi %iota3A, %add3A_1169 : vector<16xi32>
      %broadcast_in_dim3A_1171 = arith.constant 1 : i32
      %broadcast_in_dim3A_1172 = vector.broadcast %broadcast_in_dim3A_1171 : i32 to vector<16xi32>
      %broadcast_in_dim3A_1173 = arith.constant 0 : i32
      %broadcast_in_dim3A_1174 = vector.broadcast %broadcast_in_dim3A_1173 : i32 to vector<16xi32>
      %broadcast_in_dim3A_1175 = vector.broadcast %min3A_1140 : i32 to vector<16xi32>
      %gather3A_1176 = tpu.vector_load_idx %arg7[%broadcast_in_dim3A_1172, %broadcast_in_dim3A_1174, %add3A_1170, %broadcast_in_dim3A_1175] : memref<2x8x32x128xf32, #tpu.memory_space<vmem>>[vector<16xi32>, vector<16xi32>, vector<16xi32>, vector<16xi32>], vector<16xf32>,
      %broadcast_in_dim3A_1177 = vector.broadcast %min3A_1146 : i32 to vector<16xi32>
      %gather3A_1178 = tpu.vector_load_idx %arg9[%add3A_1170, %broadcast_in_dim3A_1177] : memref<32x128xf32, #tpu.memory_space<vmem>>[vector<16xi32>, vector<16xi32>], vector<16xf32>,
      %select_n3A_1179 = arith.select %broadcast_in_dim3A_1149, %gather3A_1178, %gather3A_1176 : vector<16xi1>, vector<16xf32>
      %swap3A_1180 = arith.constant 1 : i32
      %swap3A_1181 = arith.constant 0 : i32
      %swap3A_1182 = arith.index_cast %swap3A_1180 : i32 to index
      %swap3A_1183 = arith.index_cast %swap3A_1181 : i32 to index
      %swap3A_1184 = arith.constant 16 : index
      %swap3A_1185 = tpu.vector_load %arg8[%swap3A_1182, %swap3A_1183, %swap3A_1184] {strides = array<i32>} : memref<2x8x128xf32, #tpu.memory_space<vmem>>, vector<16xf32>,
      tpu.vector_store %arg8[%swap3A_1182, %swap3A_1183, %swap3A_1184], %select_n3A_1179 {strides = array<i32>} : memref<2x8x128xf32, #tpu.memory_space<vmem>>, vector<16xf32>,
      %slice3A_1186 = vector.extract_strided_slice %get3A_1129 {offsets = [1], sizes = [1], strides = [1]} : vector<16xi32> to vector<1xi32>
      %squeeze3A_1187 = vector.extract %slice3A_1186[0] : i32 from vector<1xi32>
      %shift_right_arithmetic3A_1188 = arith.constant 7 : i32
      %shift_right_arithmetic3A_1189 = arith.shrsi %squeeze3A_1187, %shift_right_arithmetic3A_1188 : i32
      %min3A_1190 = arith.constant 7811 : i32
      %min3A_1191 = arith.minsi %shift_right_arithmetic3A_1189, %min3A_1190 : i32
      %mul3A_1192 = arith.constant 128 : i32
      %mul3A_1193 = arith.muli %min3A_1191, %mul3A_1192 : i32
      %sub3A_1194 = arith.subi %squeeze3A_1187, %mul3A_1193 : i32
      %min3A_1195 = arith.constant 127 : i32
      %min3A_1196 = arith.minsi %sub3A_1194, %min3A_1195 : i32
      %sub3A_1197 = arith.constant 999936 : i32
      %sub3A_1198 = arith.subi %squeeze3A_1187, %sub3A_1197 : i32
      %max3A_1199 = arith.constant 0 : i32
      %max3A_1200 = arith.maxsi %sub3A_1198, %max3A_1199 : i32
      %min3A_1201 = arith.constant 127 : i32
      %min3A_1202 = arith.minsi %max3A_1200, %min3A_1201 : i32
      %ge3A_1203 = arith.constant 999936 : i32
      %ge3A_1204 = arith.cmpi sge, %squeeze3A_1187, %ge3A_1203 : i32
      %broadcast_in_dim3A_1205 = vector.broadcast %ge3A_1204 : i1 to vector<16xi1>
      %add3A_1206 = arith.constant 0 : i32
      %add3A_1207 = vector.broadcast %add3A_1206 : i32 to vector<16xi32>
      %add3A_1208 = arith.addi %iota3A, %add3A_1207 : vector<16xi32>
      %broadcast_in_dim3A_1209 = arith.constant 1 : i32
      %broadcast_in_dim3A_1210 = vector.broadcast %broadcast_in_dim3A_1209 : i32 to vector<16xi32>
      %broadcast_in_dim3A_1211 = arith.constant 1 : i32
      %broadcast_in_dim3A_1212 = vector.broadcast %broadcast_in_dim3A_1211 : i32 to vector<16xi32>
      %broadcast_in_dim3A_1213 = vector.broadcast %min3A_1196 : i32 to vector<16xi32>
      %gather3A_1214 = tpu.vector_load_idx %arg7[%broadcast_in_dim3A_1210, %broadcast_in_dim3A_1212, %add3A_1208, %broadcast_in_dim3A_1213] : memref<2x8x32x128xf32, #tpu.memory_space<vmem>>[vector<16xi32>, vector<16xi32>, vector<16xi32>, vector<16xi32>], vector<16xf32>,
      %broadcast_in_dim3A_1215 = vector.broadcast %min3A_1202 : i32 to vector<16xi32>
      %gather3A_1216 = tpu.vector_load_idx %arg9[%add3A_1208, %broadcast_in_dim3A_1215] : memref<32x128xf32, #tpu.memory_space<vmem>>[vector<16xi32>, vector<16xi32>], vector<16xf32>,
      %select_n3A_1217 = arith.select %broadcast_in_dim3A_1205, %gather3A_1216, %gather3A_1214 : vector<16xi1>, vector<16xf32>
      %swap3A_1218 = arith.constant 1 : i32
      %swap3A_1219 = arith.constant 1 : i32
      %swap3A_1220 = arith.index_cast %swap3A_1218 : i32 to index
      %swap3A_1221 = arith.index_cast %swap3A_1219 : i32 to index
      %swap3A_1222 = arith.constant 0 : index
      %swap3A_1223 = tpu.vector_load %arg8[%swap3A_1220, %swap3A_1221, %swap3A_1222] {strides = array<i32>} : memref<2x8x128xf32, #tpu.memory_space<vmem>>, vector<16xf32>,
      tpu.vector_store %arg8[%swap3A_1220, %swap3A_1221, %swap3A_1222], %select_n3A_1217 {strides = array<i32>} : memref<2x8x128xf32, #tpu.memory_space<vmem>>, vector<16xf32>,
      %add3A_1224 = arith.constant 16 : i32
      %add3A_1225 = vector.broadcast %add3A_1224 : i32 to vector<16xi32>
      %add3A_1226 = arith.addi %iota3A, %add3A_1225 : vector<16xi32>
      %broadcast_in_dim3A_1227 = arith.constant 1 : i32
      %broadcast_in_dim3A_1228 = vector.broadcast %broadcast_in_dim3A_1227 : i32 to vector<16xi32>
      %broadcast_in_dim3A_1229 = arith.constant 1 : i32
      %broadcast_in_dim3A_1230 = vector.broadcast %broadcast_in_dim3A_1229 : i32 to vector<16xi32>
      %broadcast_in_dim3A_1231 = vector.broadcast %min3A_1196 : i32 to vector<16xi32>
      %gather3A_1232 = tpu.vector_load_idx %arg7[%broadcast_in_dim3A_1228, %broadcast_in_dim3A_1230, %add3A_1226, %broadcast_in_dim3A_1231] : memref<2x8x32x128xf32, #tpu.memory_space<vmem>>[vector<16xi32>, vector<16xi32>, vector<16xi32>, vector<16xi32>], vector<16xf32>,
      %broadcast_in_dim3A_1233 = vector.broadcast %min3A_1202 : i32 to vector<16xi32>
      %gather3A_1234 = tpu.vector_load_idx %arg9[%add3A_1226, %broadcast_in_dim3A_1233] : memref<32x128xf32, #tpu.memory_space<vmem>>[vector<16xi32>, vector<16xi32>], vector<16xf32>,
      %select_n3A_1235 = arith.select %broadcast_in_dim3A_1205, %gather3A_1234, %gather3A_1232 : vector<16xi1>, vector<16xf32>
      %swap3A_1236 = arith.constant 1 : i32
      %swap3A_1237 = arith.constant 1 : i32
      %swap3A_1238 = arith.index_cast %swap3A_1236 : i32 to index
      %swap3A_1239 = arith.index_cast %swap3A_1237 : i32 to index
      %swap3A_1240 = arith.constant 16 : index
      %swap3A_1241 = tpu.vector_load %arg8[%swap3A_1238, %swap3A_1239, %swap3A_1240] {strides = array<i32>} : memref<2x8x128xf32, #tpu.memory_space<vmem>>, vector<16xf32>,
      tpu.vector_store %arg8[%swap3A_1238, %swap3A_1239, %swap3A_1240], %select_n3A_1235 {strides = array<i32>} : memref<2x8x128xf32, #tpu.memory_space<vmem>>, vector<16xf32>,
      %slice3A_1242 = vector.extract_strided_slice %get3A_1129 {offsets = [2], sizes = [1], strides = [1]} : vector<16xi32> to vector<1xi32>
      %squeeze3A_1243 = vector.extract %slice3A_1242[0] : i32 from vector<1xi32>
      %shift_right_arithmetic3A_1244 = arith.constant 7 : i32
      %shift_right_arithmetic3A_1245 = arith.shrsi %squeeze3A_1243, %shift_right_arithmetic3A_1244 : i32
      %min3A_1246 = arith.constant 7811 : i32
      %min3A_1247 = arith.minsi %shift_right_arithmetic3A_1245, %min3A_1246 : i32
      %mul3A_1248 = arith.constant 128 : i32
      %mul3A_1249 = arith.muli %min3A_1247, %mul3A_1248 : i32
      %sub3A_1250 = arith.subi %squeeze3A_1243, %mul3A_1249 : i32
      %min3A_1251 = arith.constant 127 : i32
      %min3A_1252 = arith.minsi %sub3A_1250, %min3A_1251 : i32
      %sub3A_1253 = arith.constant 999936 : i32
      %sub3A_1254 = arith.subi %squeeze3A_1243, %sub3A_1253 : i32
      %max3A_1255 = arith.constant 0 : i32
      %max3A_1256 = arith.maxsi %sub3A_1254, %max3A_1255 : i32
      %min3A_1257 = arith.constant 127 : i32
      %min3A_1258 = arith.minsi %max3A_1256, %min3A_1257 : i32
      %ge3A_1259 = arith.constant 999936 : i32
      %ge3A_1260 = arith.cmpi sge, %squeeze3A_1243, %ge3A_1259 : i32
      %broadcast_in_dim3A_1261 = vector.broadcast %ge3A_1260 : i1 to vector<16xi1>
      %add3A_1262 = arith.constant 0 : i32
      %add3A_1263 = vector.broadcast %add3A_1262 : i32 to vector<16xi32>
      %add3A_1264 = arith.addi %iota3A, %add3A_1263 : vector<16xi32>
      %broadcast_in_dim3A_1265 = arith.constant 1 : i32
      %broadcast_in_dim3A_1266 = vector.broadcast %broadcast_in_dim3A_1265 : i32 to vector<16xi32>
      %broadcast_in_dim3A_1267 = arith.constant 2 : i32
      %broadcast_in_dim3A_1268 = vector.broadcast %broadcast_in_dim3A_1267 : i32 to vector<16xi32>
      %broadcast_in_dim3A_1269 = vector.broadcast %min3A_1252 : i32 to vector<16xi32>
      %gather3A_1270 = tpu.vector_load_idx %arg7[%broadcast_in_dim3A_1266, %broadcast_in_dim3A_1268, %add3A_1264, %broadcast_in_dim3A_1269] : memref<2x8x32x128xf32, #tpu.memory_space<vmem>>[vector<16xi32>, vector<16xi32>, vector<16xi32>, vector<16xi32>], vector<16xf32>,
      %broadcast_in_dim3A_1271 = vector.broadcast %min3A_1258 : i32 to vector<16xi32>
      %gather3A_1272 = tpu.vector_load_idx %arg9[%add3A_1264, %broadcast_in_dim3A_1271] : memref<32x128xf32, #tpu.memory_space<vmem>>[vector<16xi32>, vector<16xi32>], vector<16xf32>,
      %select_n3A_1273 = arith.select %broadcast_in_dim3A_1261, %gather3A_1272, %gather3A_1270 : vector<16xi1>, vector<16xf32>
      %swap3A_1274 = arith.constant 1 : i32
      %swap3A_1275 = arith.constant 2 : i32
      %swap3A_1276 = arith.index_cast %swap3A_1274 : i32 to index
      %swap3A_1277 = arith.index_cast %swap3A_1275 : i32 to index
      %swap3A_1278 = arith.constant 0 : index
      %swap3A_1279 = tpu.vector_load %arg8[%swap3A_1276, %swap3A_1277, %swap3A_1278] {strides = array<i32>} : memref<2x8x128xf32, #tpu.memory_space<vmem>>, vector<16xf32>,
      tpu.vector_store %arg8[%swap3A_1276, %swap3A_1277, %swap3A_1278], %select_n3A_1273 {strides = array<i32>} : memref<2x8x128xf32, #tpu.memory_space<vmem>>, vector<16xf32>,
      %add3A_1280 = arith.constant 16 : i32
      %add3A_1281 = vector.broadcast %add3A_1280 : i32 to vector<16xi32>
      %add3A_1282 = arith.addi %iota3A, %add3A_1281 : vector<16xi32>
      %broadcast_in_dim3A_1283 = arith.constant 1 : i32
      %broadcast_in_dim3A_1284 = vector.broadcast %broadcast_in_dim3A_1283 : i32 to vector<16xi32>
      %broadcast_in_dim3A_1285 = arith.constant 2 : i32
      %broadcast_in_dim3A_1286 = vector.broadcast %broadcast_in_dim3A_1285 : i32 to vector<16xi32>
      %broadcast_in_dim3A_1287 = vector.broadcast %min3A_1252 : i32 to vector<16xi32>
      %gather3A_1288 = tpu.vector_load_idx %arg7[%broadcast_in_dim3A_1284, %broadcast_in_dim3A_1286, %add3A_1282, %broadcast_in_dim3A_1287] : memref<2x8x32x128xf32, #tpu.memory_space<vmem>>[vector<16xi32>, vector<16xi32>, vector<16xi32>, vector<16xi32>], vector<16xf32>,
      %broadcast_in_dim3A_1289 = vector.broadcast %min3A_1258 : i32 to vector<16xi32>
      %gather3A_1290 = tpu.vector_load_idx %arg9[%add3A_1282, %broadcast_in_dim3A_1289] : memref<32x128xf32, #tpu.memory_space<vmem>>[vector<16xi32>, vector<16xi32>], vector<16xf32>,
      %select_n3A_1291 = arith.select %broadcast_in_dim3A_1261, %gather3A_1290, %gather3A_1288 : vector<16xi1>, vector<16xf32>
      %swap3A_1292 = arith.constant 1 : i32
      %swap3A_1293 = arith.constant 2 : i32
      %swap3A_1294 = arith.index_cast %swap3A_1292 : i32 to index
      %swap3A_1295 = arith.index_cast %swap3A_1293 : i32 to index
      %swap3A_1296 = arith.constant 16 : index
      %swap3A_1297 = tpu.vector_load %arg8[%swap3A_1294, %swap3A_1295, %swap3A_1296] {strides = array<i32>} : memref<2x8x128xf32, #tpu.memory_space<vmem>>, vector<16xf32>,
      tpu.vector_store %arg8[%swap3A_1294, %swap3A_1295, %swap3A_1296], %select_n3A_1291 {strides = array<i32>} : memref<2x8x128xf32, #tpu.memory_space<vmem>>, vector<16xf32>,
      %slice3A_1298 = vector.extract_strided_slice %get3A_1129 {offsets = [3], sizes = [1], strides = [1]} : vector<16xi32> to vector<1xi32>
      %squeeze3A_1299 = vector.extract %slice3A_1298[0] : i32 from vector<1xi32>
      %shift_right_arithmetic3A_1300 = arith.constant 7 : i32
      %shift_right_arithmetic3A_1301 = arith.shrsi %squeeze3A_1299, %shift_right_arithmetic3A_1300 : i32
      %min3A_1302 = arith.constant 7811 : i32
      %min3A_1303 = arith.minsi %shift_right_arithmetic3A_1301, %min3A_1302 : i32
      %mul3A_1304 = arith.constant 128 : i32
      %mul3A_1305 = arith.muli %min3A_1303, %mul3A_1304 : i32
      %sub3A_1306 = arith.subi %squeeze3A_1299, %mul3A_1305 : i32
      %min3A_1307 = arith.constant 127 : i32
      %min3A_1308 = arith.minsi %sub3A_1306, %min3A_1307 : i32
      %sub3A_1309 = arith.constant 999936 : i32
      %sub3A_1310 = arith.subi %squeeze3A_1299, %sub3A_1309 : i32
      %max3A_1311 = arith.constant 0 : i32
      %max3A_1312 = arith.maxsi %sub3A_1310, %max3A_1311 : i32
      %min3A_1313 = arith.constant 127 : i32
      %min3A_1314 = arith.minsi %max3A_1312, %min3A_1313 : i32
      %ge3A_1315 = arith.constant 999936 : i32
      %ge3A_1316 = arith.cmpi sge, %squeeze3A_1299, %ge3A_1315 : i32
      %broadcast_in_dim3A_1317 = vector.broadcast %ge3A_1316 : i1 to vector<16xi1>
      %add3A_1318 = arith.constant 0 : i32
      %add3A_1319 = vector.broadcast %add3A_1318 : i32 to vector<16xi32>
      %add3A_1320 = arith.addi %iota3A, %add3A_1319 : vector<16xi32>
      %broadcast_in_dim3A_1321 = arith.constant 1 : i32
      %broadcast_in_dim3A_1322 = vector.broadcast %broadcast_in_dim3A_1321 : i32 to vector<16xi32>
      %broadcast_in_dim3A_1323 = arith.constant 3 : i32
      %broadcast_in_dim3A_1324 = vector.broadcast %broadcast_in_dim3A_1323 : i32 to vector<16xi32>
      %broadcast_in_dim3A_1325 = vector.broadcast %min3A_1308 : i32 to vector<16xi32>
      %gather3A_1326 = tpu.vector_load_idx %arg7[%broadcast_in_dim3A_1322, %broadcast_in_dim3A_1324, %add3A_1320, %broadcast_in_dim3A_1325] : memref<2x8x32x128xf32, #tpu.memory_space<vmem>>[vector<16xi32>, vector<16xi32>, vector<16xi32>, vector<16xi32>], vector<16xf32>,
      %broadcast_in_dim3A_1327 = vector.broadcast %min3A_1314 : i32 to vector<16xi32>
      %gather3A_1328 = tpu.vector_load_idx %arg9[%add3A_1320, %broadcast_in_dim3A_1327] : memref<32x128xf32, #tpu.memory_space<vmem>>[vector<16xi32>, vector<16xi32>], vector<16xf32>,
      %select_n3A_1329 = arith.select %broadcast_in_dim3A_1317, %gather3A_1328, %gather3A_1326 : vector<16xi1>, vector<16xf32>
      %swap3A_1330 = arith.constant 1 : i32
      %swap3A_1331 = arith.constant 3 : i32
      %swap3A_1332 = arith.index_cast %swap3A_1330 : i32 to index
      %swap3A_1333 = arith.index_cast %swap3A_1331 : i32 to index
      %swap3A_1334 = arith.constant 0 : index
      %swap3A_1335 = tpu.vector_load %arg8[%swap3A_1332, %swap3A_1333, %swap3A_1334] {strides = array<i32>} : memref<2x8x128xf32, #tpu.memory_space<vmem>>, vector<16xf32>,
      tpu.vector_store %arg8[%swap3A_1332, %swap3A_1333, %swap3A_1334], %select_n3A_1329 {strides = array<i32>} : memref<2x8x128xf32, #tpu.memory_space<vmem>>, vector<16xf32>,
      %add3A_1336 = arith.constant 16 : i32
      %add3A_1337 = vector.broadcast %add3A_1336 : i32 to vector<16xi32>
      %add3A_1338 = arith.addi %iota3A, %add3A_1337 : vector<16xi32>
      %broadcast_in_dim3A_1339 = arith.constant 1 : i32
      %broadcast_in_dim3A_1340 = vector.broadcast %broadcast_in_dim3A_1339 : i32 to vector<16xi32>
      %broadcast_in_dim3A_1341 = arith.constant 3 : i32
      %broadcast_in_dim3A_1342 = vector.broadcast %broadcast_in_dim3A_1341 : i32 to vector<16xi32>
      %broadcast_in_dim3A_1343 = vector.broadcast %min3A_1308 : i32 to vector<16xi32>
      %gather3A_1344 = tpu.vector_load_idx %arg7[%broadcast_in_dim3A_1340, %broadcast_in_dim3A_1342, %add3A_1338, %broadcast_in_dim3A_1343] : memref<2x8x32x128xf32, #tpu.memory_space<vmem>>[vector<16xi32>, vector<16xi32>, vector<16xi32>, vector<16xi32>], vector<16xf32>,
      %broadcast_in_dim3A_1345 = vector.broadcast %min3A_1314 : i32 to vector<16xi32>
      %gather3A_1346 = tpu.vector_load_idx %arg9[%add3A_1338, %broadcast_in_dim3A_1345] : memref<32x128xf32, #tpu.memory_space<vmem>>[vector<16xi32>, vector<16xi32>], vector<16xf32>,
      %select_n3A_1347 = arith.select %broadcast_in_dim3A_1317, %gather3A_1346, %gather3A_1344 : vector<16xi1>, vector<16xf32>
      %swap3A_1348 = arith.constant 1 : i32
      %swap3A_1349 = arith.constant 3 : i32
      %swap3A_1350 = arith.index_cast %swap3A_1348 : i32 to index
      %swap3A_1351 = arith.index_cast %swap3A_1349 : i32 to index
      %swap3A_1352 = arith.constant 16 : index
      %swap3A_1353 = tpu.vector_load %arg8[%swap3A_1350, %swap3A_1351, %swap3A_1352] {strides = array<i32>} : memref<2x8x128xf32, #tpu.memory_space<vmem>>, vector<16xf32>,
      tpu.vector_store %arg8[%swap3A_1350, %swap3A_1351, %swap3A_1352], %select_n3A_1347 {strides = array<i32>} : memref<2x8x128xf32, #tpu.memory_space<vmem>>, vector<16xf32>,
      %slice3A_1354 = vector.extract_strided_slice %get3A_1129 {offsets = [4], sizes = [1], strides = [1]} : vector<16xi32> to vector<1xi32>
      %squeeze3A_1355 = vector.extract %slice3A_1354[0] : i32 from vector<1xi32>
      %shift_right_arithmetic3A_1356 = arith.constant 7 : i32
      %shift_right_arithmetic3A_1357 = arith.shrsi %squeeze3A_1355, %shift_right_arithmetic3A_1356 : i32
      %min3A_1358 = arith.constant 7811 : i32
      %min3A_1359 = arith.minsi %shift_right_arithmetic3A_1357, %min3A_1358 : i32
      %mul3A_1360 = arith.constant 128 : i32
      %mul3A_1361 = arith.muli %min3A_1359, %mul3A_1360 : i32
      %sub3A_1362 = arith.subi %squeeze3A_1355, %mul3A_1361 : i32
      %min3A_1363 = arith.constant 127 : i32
      %min3A_1364 = arith.minsi %sub3A_1362, %min3A_1363 : i32
      %sub3A_1365 = arith.constant 999936 : i32
      %sub3A_1366 = arith.subi %squeeze3A_1355, %sub3A_1365 : i32
      %max3A_1367 = arith.constant 0 : i32
      %max3A_1368 = arith.maxsi %sub3A_1366, %max3A_1367 : i32
      %min3A_1369 = arith.constant 127 : i32
      %min3A_1370 = arith.minsi %max3A_1368, %min3A_1369 : i32
      %ge3A_1371 = arith.constant 999936 : i32
      %ge3A_1372 = arith.cmpi sge, %squeeze3A_1355, %ge3A_1371 : i32
      %broadcast_in_dim3A_1373 = vector.broadcast %ge3A_1372 : i1 to vector<16xi1>
      %add3A_1374 = arith.constant 0 : i32
      %add3A_1375 = vector.broadcast %add3A_1374 : i32 to vector<16xi32>
      %add3A_1376 = arith.addi %iota3A, %add3A_1375 : vector<16xi32>
      %broadcast_in_dim3A_1377 = arith.constant 1 : i32
      %broadcast_in_dim3A_1378 = vector.broadcast %broadcast_in_dim3A_1377 : i32 to vector<16xi32>
      %broadcast_in_dim3A_1379 = arith.constant 4 : i32
      %broadcast_in_dim3A_1380 = vector.broadcast %broadcast_in_dim3A_1379 : i32 to vector<16xi32>
      %broadcast_in_dim3A_1381 = vector.broadcast %min3A_1364 : i32 to vector<16xi32>
      %gather3A_1382 = tpu.vector_load_idx %arg7[%broadcast_in_dim3A_1378, %broadcast_in_dim3A_1380, %add3A_1376, %broadcast_in_dim3A_1381] : memref<2x8x32x128xf32, #tpu.memory_space<vmem>>[vector<16xi32>, vector<16xi32>, vector<16xi32>, vector<16xi32>], vector<16xf32>,
      %broadcast_in_dim3A_1383 = vector.broadcast %min3A_1370 : i32 to vector<16xi32>
      %gather3A_1384 = tpu.vector_load_idx %arg9[%add3A_1376, %broadcast_in_dim3A_1383] : memref<32x128xf32, #tpu.memory_space<vmem>>[vector<16xi32>, vector<16xi32>], vector<16xf32>,
      %select_n3A_1385 = arith.select %broadcast_in_dim3A_1373, %gather3A_1384, %gather3A_1382 : vector<16xi1>, vector<16xf32>
      %swap3A_1386 = arith.constant 1 : i32
      %swap3A_1387 = arith.constant 4 : i32
      %swap3A_1388 = arith.index_cast %swap3A_1386 : i32 to index
      %swap3A_1389 = arith.index_cast %swap3A_1387 : i32 to index
      %swap3A_1390 = arith.constant 0 : index
      %swap3A_1391 = tpu.vector_load %arg8[%swap3A_1388, %swap3A_1389, %swap3A_1390] {strides = array<i32>} : memref<2x8x128xf32, #tpu.memory_space<vmem>>, vector<16xf32>,
      tpu.vector_store %arg8[%swap3A_1388, %swap3A_1389, %swap3A_1390], %select_n3A_1385 {strides = array<i32>} : memref<2x8x128xf32, #tpu.memory_space<vmem>>, vector<16xf32>,
      %add3A_1392 = arith.constant 16 : i32
      %add3A_1393 = vector.broadcast %add3A_1392 : i32 to vector<16xi32>
      %add3A_1394 = arith.addi %iota3A, %add3A_1393 : vector<16xi32>
      %broadcast_in_dim3A_1395 = arith.constant 1 : i32
      %broadcast_in_dim3A_1396 = vector.broadcast %broadcast_in_dim3A_1395 : i32 to vector<16xi32>
      %broadcast_in_dim3A_1397 = arith.constant 4 : i32
      %broadcast_in_dim3A_1398 = vector.broadcast %broadcast_in_dim3A_1397 : i32 to vector<16xi32>
      %broadcast_in_dim3A_1399 = vector.broadcast %min3A_1364 : i32 to vector<16xi32>
      %gather3A_1400 = tpu.vector_load_idx %arg7[%broadcast_in_dim3A_1396, %broadcast_in_dim3A_1398, %add3A_1394, %broadcast_in_dim3A_1399] : memref<2x8x32x128xf32, #tpu.memory_space<vmem>>[vector<16xi32>, vector<16xi32>, vector<16xi32>, vector<16xi32>], vector<16xf32>,
      %broadcast_in_dim3A_1401 = vector.broadcast %min3A_1370 : i32 to vector<16xi32>
      %gather3A_1402 = tpu.vector_load_idx %arg9[%add3A_1394, %broadcast_in_dim3A_1401] : memref<32x128xf32, #tpu.memory_space<vmem>>[vector<16xi32>, vector<16xi32>], vector<16xf32>,
      %select_n3A_1403 = arith.select %broadcast_in_dim3A_1373, %gather3A_1402, %gather3A_1400 : vector<16xi1>, vector<16xf32>
      %swap3A_1404 = arith.constant 1 : i32
      %swap3A_1405 = arith.constant 4 : i32
      %swap3A_1406 = arith.index_cast %swap3A_1404 : i32 to index
      %swap3A_1407 = arith.index_cast %swap3A_1405 : i32 to index
      %swap3A_1408 = arith.constant 16 : index
      %swap3A_1409 = tpu.vector_load %arg8[%swap3A_1406, %swap3A_1407, %swap3A_1408] {strides = array<i32>} : memref<2x8x128xf32, #tpu.memory_space<vmem>>, vector<16xf32>,
      tpu.vector_store %arg8[%swap3A_1406, %swap3A_1407, %swap3A_1408], %select_n3A_1403 {strides = array<i32>} : memref<2x8x128xf32, #tpu.memory_space<vmem>>, vector<16xf32>,
      %slice3A_1410 = vector.extract_strided_slice %get3A_1129 {offsets = [5], sizes = [1], strides = [1]} : vector<16xi32> to vector<1xi32>
      %squeeze3A_1411 = vector.extract %slice3A_1410[0] : i32 from vector<1xi32>
      %shift_right_arithmetic3A_1412 = arith.constant 7 : i32
      %shift_right_arithmetic3A_1413 = arith.shrsi %squeeze3A_1411, %shift_right_arithmetic3A_1412 : i32
      %min3A_1414 = arith.constant 7811 : i32
      %min3A_1415 = arith.minsi %shift_right_arithmetic3A_1413, %min3A_1414 : i32
      %mul3A_1416 = arith.constant 128 : i32
      %mul3A_1417 = arith.muli %min3A_1415, %mul3A_1416 : i32
      %sub3A_1418 = arith.subi %squeeze3A_1411, %mul3A_1417 : i32
      %min3A_1419 = arith.constant 127 : i32
      %min3A_1420 = arith.minsi %sub3A_1418, %min3A_1419 : i32
      %sub3A_1421 = arith.constant 999936 : i32
      %sub3A_1422 = arith.subi %squeeze3A_1411, %sub3A_1421 : i32
      %max3A_1423 = arith.constant 0 : i32
      %max3A_1424 = arith.maxsi %sub3A_1422, %max3A_1423 : i32
      %min3A_1425 = arith.constant 127 : i32
      %min3A_1426 = arith.minsi %max3A_1424, %min3A_1425 : i32
      %ge3A_1427 = arith.constant 999936 : i32
      %ge3A_1428 = arith.cmpi sge, %squeeze3A_1411, %ge3A_1427 : i32
      %broadcast_in_dim3A_1429 = vector.broadcast %ge3A_1428 : i1 to vector<16xi1>
      %add3A_1430 = arith.constant 0 : i32
      %add3A_1431 = vector.broadcast %add3A_1430 : i32 to vector<16xi32>
      %add3A_1432 = arith.addi %iota3A, %add3A_1431 : vector<16xi32>
      %broadcast_in_dim3A_1433 = arith.constant 1 : i32
      %broadcast_in_dim3A_1434 = vector.broadcast %broadcast_in_dim3A_1433 : i32 to vector<16xi32>
      %broadcast_in_dim3A_1435 = arith.constant 5 : i32
      %broadcast_in_dim3A_1436 = vector.broadcast %broadcast_in_dim3A_1435 : i32 to vector<16xi32>
      %broadcast_in_dim3A_1437 = vector.broadcast %min3A_1420 : i32 to vector<16xi32>
      %gather3A_1438 = tpu.vector_load_idx %arg7[%broadcast_in_dim3A_1434, %broadcast_in_dim3A_1436, %add3A_1432, %broadcast_in_dim3A_1437] : memref<2x8x32x128xf32, #tpu.memory_space<vmem>>[vector<16xi32>, vector<16xi32>, vector<16xi32>, vector<16xi32>], vector<16xf32>,
      %broadcast_in_dim3A_1439 = vector.broadcast %min3A_1426 : i32 to vector<16xi32>
      %gather3A_1440 = tpu.vector_load_idx %arg9[%add3A_1432, %broadcast_in_dim3A_1439] : memref<32x128xf32, #tpu.memory_space<vmem>>[vector<16xi32>, vector<16xi32>], vector<16xf32>,
      %select_n3A_1441 = arith.select %broadcast_in_dim3A_1429, %gather3A_1440, %gather3A_1438 : vector<16xi1>, vector<16xf32>
      %swap3A_1442 = arith.constant 1 : i32
      %swap3A_1443 = arith.constant 5 : i32
      %swap3A_1444 = arith.index_cast %swap3A_1442 : i32 to index
      %swap3A_1445 = arith.index_cast %swap3A_1443 : i32 to index
      %swap3A_1446 = arith.constant 0 : index
      %swap3A_1447 = tpu.vector_load %arg8[%swap3A_1444, %swap3A_1445, %swap3A_1446] {strides = array<i32>} : memref<2x8x128xf32, #tpu.memory_space<vmem>>, vector<16xf32>,
      tpu.vector_store %arg8[%swap3A_1444, %swap3A_1445, %swap3A_1446], %select_n3A_1441 {strides = array<i32>} : memref<2x8x128xf32, #tpu.memory_space<vmem>>, vector<16xf32>,
      %add3A_1448 = arith.constant 16 : i32
      %add3A_1449 = vector.broadcast %add3A_1448 : i32 to vector<16xi32>
      %add3A_1450 = arith.addi %iota3A, %add3A_1449 : vector<16xi32>
      %broadcast_in_dim3A_1451 = arith.constant 1 : i32
      %broadcast_in_dim3A_1452 = vector.broadcast %broadcast_in_dim3A_1451 : i32 to vector<16xi32>
      %broadcast_in_dim3A_1453 = arith.constant 5 : i32
      %broadcast_in_dim3A_1454 = vector.broadcast %broadcast_in_dim3A_1453 : i32 to vector<16xi32>
      %broadcast_in_dim3A_1455 = vector.broadcast %min3A_1420 : i32 to vector<16xi32>
      %gather3A_1456 = tpu.vector_load_idx %arg7[%broadcast_in_dim3A_1452, %broadcast_in_dim3A_1454, %add3A_1450, %broadcast_in_dim3A_1455] : memref<2x8x32x128xf32, #tpu.memory_space<vmem>>[vector<16xi32>, vector<16xi32>, vector<16xi32>, vector<16xi32>], vector<16xf32>,
      %broadcast_in_dim3A_1457 = vector.broadcast %min3A_1426 : i32 to vector<16xi32>
      %gather3A_1458 = tpu.vector_load_idx %arg9[%add3A_1450, %broadcast_in_dim3A_1457] : memref<32x128xf32, #tpu.memory_space<vmem>>[vector<16xi32>, vector<16xi32>], vector<16xf32>,
      %select_n3A_1459 = arith.select %broadcast_in_dim3A_1429, %gather3A_1458, %gather3A_1456 : vector<16xi1>, vector<16xf32>
      %swap3A_1460 = arith.constant 1 : i32
      %swap3A_1461 = arith.constant 5 : i32
      %swap3A_1462 = arith.index_cast %swap3A_1460 : i32 to index
      %swap3A_1463 = arith.index_cast %swap3A_1461 : i32 to index
      %swap3A_1464 = arith.constant 16 : index
      %swap3A_1465 = tpu.vector_load %arg8[%swap3A_1462, %swap3A_1463, %swap3A_1464] {strides = array<i32>} : memref<2x8x128xf32, #tpu.memory_space<vmem>>, vector<16xf32>,
      tpu.vector_store %arg8[%swap3A_1462, %swap3A_1463, %swap3A_1464], %select_n3A_1459 {strides = array<i32>} : memref<2x8x128xf32, #tpu.memory_space<vmem>>, vector<16xf32>,
      %slice3A_1466 = vector.extract_strided_slice %get3A_1129 {offsets = [6], sizes = [1], strides = [1]} : vector<16xi32> to vector<1xi32>
      %squeeze3A_1467 = vector.extract %slice3A_1466[0] : i32 from vector<1xi32>
      %shift_right_arithmetic3A_1468 = arith.constant 7 : i32
      %shift_right_arithmetic3A_1469 = arith.shrsi %squeeze3A_1467, %shift_right_arithmetic3A_1468 : i32
      %min3A_1470 = arith.constant 7811 : i32
      %min3A_1471 = arith.minsi %shift_right_arithmetic3A_1469, %min3A_1470 : i32
      %mul3A_1472 = arith.constant 128 : i32
      %mul3A_1473 = arith.muli %min3A_1471, %mul3A_1472 : i32
      %sub3A_1474 = arith.subi %squeeze3A_1467, %mul3A_1473 : i32
      %min3A_1475 = arith.constant 127 : i32
      %min3A_1476 = arith.minsi %sub3A_1474, %min3A_1475 : i32
      %sub3A_1477 = arith.constant 999936 : i32
      %sub3A_1478 = arith.subi %squeeze3A_1467, %sub3A_1477 : i32
      %max3A_1479 = arith.constant 0 : i32
      %max3A_1480 = arith.maxsi %sub3A_1478, %max3A_1479 : i32
      %min3A_1481 = arith.constant 127 : i32
      %min3A_1482 = arith.minsi %max3A_1480, %min3A_1481 : i32
      %ge3A_1483 = arith.constant 999936 : i32
      %ge3A_1484 = arith.cmpi sge, %squeeze3A_1467, %ge3A_1483 : i32
      %broadcast_in_dim3A_1485 = vector.broadcast %ge3A_1484 : i1 to vector<16xi1>
      %add3A_1486 = arith.constant 0 : i32
      %add3A_1487 = vector.broadcast %add3A_1486 : i32 to vector<16xi32>
      %add3A_1488 = arith.addi %iota3A, %add3A_1487 : vector<16xi32>
      %broadcast_in_dim3A_1489 = arith.constant 1 : i32
      %broadcast_in_dim3A_1490 = vector.broadcast %broadcast_in_dim3A_1489 : i32 to vector<16xi32>
      %broadcast_in_dim3A_1491 = arith.constant 6 : i32
      %broadcast_in_dim3A_1492 = vector.broadcast %broadcast_in_dim3A_1491 : i32 to vector<16xi32>
      %broadcast_in_dim3A_1493 = vector.broadcast %min3A_1476 : i32 to vector<16xi32>
      %gather3A_1494 = tpu.vector_load_idx %arg7[%broadcast_in_dim3A_1490, %broadcast_in_dim3A_1492, %add3A_1488, %broadcast_in_dim3A_1493] : memref<2x8x32x128xf32, #tpu.memory_space<vmem>>[vector<16xi32>, vector<16xi32>, vector<16xi32>, vector<16xi32>], vector<16xf32>,
      %broadcast_in_dim3A_1495 = vector.broadcast %min3A_1482 : i32 to vector<16xi32>
      %gather3A_1496 = tpu.vector_load_idx %arg9[%add3A_1488, %broadcast_in_dim3A_1495] : memref<32x128xf32, #tpu.memory_space<vmem>>[vector<16xi32>, vector<16xi32>], vector<16xf32>,
      %select_n3A_1497 = arith.select %broadcast_in_dim3A_1485, %gather3A_1496, %gather3A_1494 : vector<16xi1>, vector<16xf32>
      %swap3A_1498 = arith.constant 1 : i32
      %swap3A_1499 = arith.constant 6 : i32
      %swap3A_1500 = arith.index_cast %swap3A_1498 : i32 to index
      %swap3A_1501 = arith.index_cast %swap3A_1499 : i32 to index
      %swap3A_1502 = arith.constant 0 : index
      %swap3A_1503 = tpu.vector_load %arg8[%swap3A_1500, %swap3A_1501, %swap3A_1502] {strides = array<i32>} : memref<2x8x128xf32, #tpu.memory_space<vmem>>, vector<16xf32>,
      tpu.vector_store %arg8[%swap3A_1500, %swap3A_1501, %swap3A_1502], %select_n3A_1497 {strides = array<i32>} : memref<2x8x128xf32, #tpu.memory_space<vmem>>, vector<16xf32>,
      %add3A_1504 = arith.constant 16 : i32
      %add3A_1505 = vector.broadcast %add3A_1504 : i32 to vector<16xi32>
      %add3A_1506 = arith.addi %iota3A, %add3A_1505 : vector<16xi32>
      %broadcast_in_dim3A_1507 = arith.constant 1 : i32
      %broadcast_in_dim3A_1508 = vector.broadcast %broadcast_in_dim3A_1507 : i32 to vector<16xi32>
      %broadcast_in_dim3A_1509 = arith.constant 6 : i32
      %broadcast_in_dim3A_1510 = vector.broadcast %broadcast_in_dim3A_1509 : i32 to vector<16xi32>
      %broadcast_in_dim3A_1511 = vector.broadcast %min3A_1476 : i32 to vector<16xi32>
      %gather3A_1512 = tpu.vector_load_idx %arg7[%broadcast_in_dim3A_1508, %broadcast_in_dim3A_1510, %add3A_1506, %broadcast_in_dim3A_1511] : memref<2x8x32x128xf32, #tpu.memory_space<vmem>>[vector<16xi32>, vector<16xi32>, vector<16xi32>, vector<16xi32>], vector<16xf32>,
      %broadcast_in_dim3A_1513 = vector.broadcast %min3A_1482 : i32 to vector<16xi32>
      %gather3A_1514 = tpu.vector_load_idx %arg9[%add3A_1506, %broadcast_in_dim3A_1513] : memref<32x128xf32, #tpu.memory_space<vmem>>[vector<16xi32>, vector<16xi32>], vector<16xf32>,
      %select_n3A_1515 = arith.select %broadcast_in_dim3A_1485, %gather3A_1514, %gather3A_1512 : vector<16xi1>, vector<16xf32>
      %swap3A_1516 = arith.constant 1 : i32
      %swap3A_1517 = arith.constant 6 : i32
      %swap3A_1518 = arith.index_cast %swap3A_1516 : i32 to index
      %swap3A_1519 = arith.index_cast %swap3A_1517 : i32 to index
      %swap3A_1520 = arith.constant 16 : index
      %swap3A_1521 = tpu.vector_load %arg8[%swap3A_1518, %swap3A_1519, %swap3A_1520] {strides = array<i32>} : memref<2x8x128xf32, #tpu.memory_space<vmem>>, vector<16xf32>,
      tpu.vector_store %arg8[%swap3A_1518, %swap3A_1519, %swap3A_1520], %select_n3A_1515 {strides = array<i32>} : memref<2x8x128xf32, #tpu.memory_space<vmem>>, vector<16xf32>,
      %slice3A_1522 = vector.extract_strided_slice %get3A_1129 {offsets = [7], sizes = [1], strides = [1]} : vector<16xi32> to vector<1xi32>
      %squeeze3A_1523 = vector.extract %slice3A_1522[0] : i32 from vector<1xi32>
      %shift_right_arithmetic3A_1524 = arith.constant 7 : i32
      %shift_right_arithmetic3A_1525 = arith.shrsi %squeeze3A_1523, %shift_right_arithmetic3A_1524 : i32
      %min3A_1526 = arith.constant 7811 : i32
      %min3A_1527 = arith.minsi %shift_right_arithmetic3A_1525, %min3A_1526 : i32
      %mul3A_1528 = arith.constant 128 : i32
      %mul3A_1529 = arith.muli %min3A_1527, %mul3A_1528 : i32
      %sub3A_1530 = arith.subi %squeeze3A_1523, %mul3A_1529 : i32
      %min3A_1531 = arith.constant 127 : i32
      %min3A_1532 = arith.minsi %sub3A_1530, %min3A_1531 : i32
      %sub3A_1533 = arith.constant 999936 : i32
      %sub3A_1534 = arith.subi %squeeze3A_1523, %sub3A_1533 : i32
      %max3A_1535 = arith.constant 0 : i32
      %max3A_1536 = arith.maxsi %sub3A_1534, %max3A_1535 : i32
      %min3A_1537 = arith.constant 127 : i32
      %min3A_1538 = arith.minsi %max3A_1536, %min3A_1537 : i32
      %ge3A_1539 = arith.constant 999936 : i32
      %ge3A_1540 = arith.cmpi sge, %squeeze3A_1523, %ge3A_1539 : i32
      %broadcast_in_dim3A_1541 = vector.broadcast %ge3A_1540 : i1 to vector<16xi1>
      %add3A_1542 = arith.constant 0 : i32
      %add3A_1543 = vector.broadcast %add3A_1542 : i32 to vector<16xi32>
      %add3A_1544 = arith.addi %iota3A, %add3A_1543 : vector<16xi32>
      %broadcast_in_dim3A_1545 = arith.constant 1 : i32
      %broadcast_in_dim3A_1546 = vector.broadcast %broadcast_in_dim3A_1545 : i32 to vector<16xi32>
      %broadcast_in_dim3A_1547 = arith.constant 7 : i32
      %broadcast_in_dim3A_1548 = vector.broadcast %broadcast_in_dim3A_1547 : i32 to vector<16xi32>
      %broadcast_in_dim3A_1549 = vector.broadcast %min3A_1532 : i32 to vector<16xi32>
      %gather3A_1550 = tpu.vector_load_idx %arg7[%broadcast_in_dim3A_1546, %broadcast_in_dim3A_1548, %add3A_1544, %broadcast_in_dim3A_1549] : memref<2x8x32x128xf32, #tpu.memory_space<vmem>>[vector<16xi32>, vector<16xi32>, vector<16xi32>, vector<16xi32>], vector<16xf32>,
      %broadcast_in_dim3A_1551 = vector.broadcast %min3A_1538 : i32 to vector<16xi32>
      %gather3A_1552 = tpu.vector_load_idx %arg9[%add3A_1544, %broadcast_in_dim3A_1551] : memref<32x128xf32, #tpu.memory_space<vmem>>[vector<16xi32>, vector<16xi32>], vector<16xf32>,
      %select_n3A_1553 = arith.select %broadcast_in_dim3A_1541, %gather3A_1552, %gather3A_1550 : vector<16xi1>, vector<16xf32>
      %swap3A_1554 = arith.constant 1 : i32
      %swap3A_1555 = arith.constant 7 : i32
      %swap3A_1556 = arith.index_cast %swap3A_1554 : i32 to index
      %swap3A_1557 = arith.index_cast %swap3A_1555 : i32 to index
      %swap3A_1558 = arith.constant 0 : index
      %swap3A_1559 = tpu.vector_load %arg8[%swap3A_1556, %swap3A_1557, %swap3A_1558] {strides = array<i32>} : memref<2x8x128xf32, #tpu.memory_space<vmem>>, vector<16xf32>,
      tpu.vector_store %arg8[%swap3A_1556, %swap3A_1557, %swap3A_1558], %select_n3A_1553 {strides = array<i32>} : memref<2x8x128xf32, #tpu.memory_space<vmem>>, vector<16xf32>,
      %add3A_1560 = arith.constant 16 : i32
      %add3A_1561 = vector.broadcast %add3A_1560 : i32 to vector<16xi32>
      %add3A_1562 = arith.addi %iota3A, %add3A_1561 : vector<16xi32>
      %broadcast_in_dim3A_1563 = arith.constant 1 : i32
      %broadcast_in_dim3A_1564 = vector.broadcast %broadcast_in_dim3A_1563 : i32 to vector<16xi32>
      %broadcast_in_dim3A_1565 = arith.constant 7 : i32
      %broadcast_in_dim3A_1566 = vector.broadcast %broadcast_in_dim3A_1565 : i32 to vector<16xi32>
      %broadcast_in_dim3A_1567 = vector.broadcast %min3A_1532 : i32 to vector<16xi32>
      %gather3A_1568 = tpu.vector_load_idx %arg7[%broadcast_in_dim3A_1564, %broadcast_in_dim3A_1566, %add3A_1562, %broadcast_in_dim3A_1567] : memref<2x8x32x128xf32, #tpu.memory_space<vmem>>[vector<16xi32>, vector<16xi32>, vector<16xi32>, vector<16xi32>], vector<16xf32>,
      %broadcast_in_dim3A_1569 = vector.broadcast %min3A_1538 : i32 to vector<16xi32>
      %gather3A_1570 = tpu.vector_load_idx %arg9[%add3A_1562, %broadcast_in_dim3A_1569] : memref<32x128xf32, #tpu.memory_space<vmem>>[vector<16xi32>, vector<16xi32>], vector<16xf32>,
      %select_n3A_1571 = arith.select %broadcast_in_dim3A_1541, %gather3A_1570, %gather3A_1568 : vector<16xi1>, vector<16xf32>
      %swap3A_1572 = arith.constant 1 : i32
      %swap3A_1573 = arith.constant 7 : i32
      %swap3A_1574 = arith.index_cast %swap3A_1572 : i32 to index
      %swap3A_1575 = arith.index_cast %swap3A_1573 : i32 to index
      %swap3A_1576 = arith.constant 16 : index
      %swap3A_1577 = tpu.vector_load %arg8[%swap3A_1574, %swap3A_1575, %swap3A_1576] {strides = array<i32>} : memref<2x8x128xf32, #tpu.memory_space<vmem>>, vector<16xf32>,
      tpu.vector_store %arg8[%swap3A_1574, %swap3A_1575, %swap3A_1576], %select_n3A_1571 {strides = array<i32>} : memref<2x8x128xf32, #tpu.memory_space<vmem>>, vector<16xf32>,
      %add3A_1578 = arith.constant 1 : i32
      %add3A_1579 = arith.addi %mul3A_211, %add3A_1578 : i32
      %mul3A_1580 = arith.constant 8 : i32
      %mul3A_1581 = arith.muli %add3A_1579, %mul3A_1580 : i32
      %add3A_1582 = arith.addi %mul3A_2, %mul3A_1581 : i32
      %dma_start3A_1583 = arith.constant 1 : i32
      %dma_start3A_1584 = arith.constant 0 : i32
      %dma_start3A_1585 = arith.constant 0 : i32
      %dma_start3A_1586 = tpu.memref_slice %arg8[%dma_start3A_1583, %dma_start3A_1584, %dma_start3A_1585] : memref<2x8x128xf32, #tpu.memory_space<vmem>> -> memref<1x8x128xf32, #tpu.memory_space<vmem>>
      %dma_start3A_1587 = tpu.memref_squeeze %dma_start3A_1586 : memref<1x8x128xf32, #tpu.memory_space<vmem>> -> memref<8x128xf32, #tpu.memory_space<vmem>>
      %dma_start3A_1588 = arith.constant 0 : i32
      %dma_start3A_1589 = tpu.memref_slice %arg5[%add3A_1582, %dma_start3A_1588] : memref<3072x128xf32, #tpu.memory_space<hbm>> -> memref<8x128xf32, #tpu.memory_space<hbm>>
      %dma_start3A_1590 = arith.constant 0 : i32
      %dma_start3A_1591 = tpu.memref_slice %arg5[%add3A_1582, %dma_start3A_1590] : memref<3072x128xf32, #tpu.memory_space<hbm>> -> memref<8x128xf32, #tpu.memory_space<hbm>>
      %dma_start3A_1592 = arith.constant 0 : i32
      %dma_start3A_1593 = arith.constant 0 : i32
      %dma_start3A_1594 = tpu.memref_slice %arg8[%dma_start3A_1583, %dma_start3A_1592, %dma_start3A_1593] : memref<2x8x128xf32, #tpu.memory_space<vmem>> -> memref<1x8x128xf32, #tpu.memory_space<vmem>>
      %dma_start3A_1595 = tpu.memref_squeeze %dma_start3A_1594 : memref<1x8x128xf32, #tpu.memory_space<vmem>> -> memref<8x128xf32, #tpu.memory_space<vmem>>
      tpu.enqueue_dma source(%dma_start3A_1595 : memref<8x128xf32, #tpu.memory_space<vmem>>) target(%dma_start3A_1591 : memref<8x128xf32, #tpu.memory_space<hbm>>) target_semaphore(%arg12 : memref<!tpu.dma_semaphore, #tpu.memory_space<semaphore_mem>>)
    }
    %scan3A_179 = arith.constant 6 : i32
    %dma_wait3A = arith.constant 0 : i32
    %dma_wait3A_180 = arith.constant 0 : i32
    %dma_wait3A_181 = arith.constant 0 : i32
    %dma_wait3A_182 = tpu.memref_slice %arg8[%dma_wait3A, %dma_wait3A_180, %dma_wait3A_181] : memref<2x8x128xf32, #tpu.memory_space<vmem>> -> memref<1x8x128xf32, #tpu.memory_space<vmem>>
    %dma_wait3A_183 = tpu.memref_squeeze %dma_wait3A_182 : memref<1x8x128xf32, #tpu.memory_space<vmem>> -> memref<8x128xf32, #tpu.memory_space<vmem>>
    %dma_wait3A_184 = arith.constant 0 : i32
    %dma_wait3A_185 = arith.constant 0 : i32
    %dma_wait3A_186 = tpu.memref_slice %arg5[%dma_wait3A_184, %dma_wait3A_185] : memref<3072x128xf32, #tpu.memory_space<hbm>> -> memref<8x128xf32, #tpu.memory_space<hbm>>
    %dma_wait3A_187 = arith.constant 0 : i32
    %dma_wait3A_188 = arith.constant 0 : i32
    %dma_wait3A_189 = tpu.memref_slice %arg8[%dma_wait3A, %dma_wait3A_187, %dma_wait3A_188] : memref<2x8x128xf32, #tpu.memory_space<vmem>> -> memref<1x8x128xf32, #tpu.memory_space<vmem>>
    %dma_wait3A_190 = tpu.memref_squeeze %dma_wait3A_189 : memref<1x8x128xf32, #tpu.memory_space<vmem>> -> memref<8x128xf32, #tpu.memory_space<vmem>>
    %dma_wait3A_191 = arith.constant 0 : i32
    %dma_wait3A_192 = arith.constant 0 : i32
    %dma_wait3A_193 = tpu.memref_slice %arg5[%dma_wait3A_191, %dma_wait3A_192] : memref<3072x128xf32, #tpu.memory_space<hbm>> -> memref<8x128xf32, #tpu.memory_space<hbm>>
    tpu.wait_dma2 semaphore(%arg11 : memref<!tpu.dma_semaphore, #tpu.memory_space<semaphore_mem>>) src(%dma_wait3A_193 : memref<8x128xf32, #tpu.memory_space<hbm>>) dst(%dma_wait3A_190 : memref<8x128xf32, #tpu.memory_space<vmem>>)
    %dma_wait3A_194 = arith.constant 1 : i32
    %dma_wait3A_195 = arith.constant 0 : i32
    %dma_wait3A_196 = arith.constant 0 : i32
    %dma_wait3A_197 = tpu.memref_slice %arg8[%dma_wait3A_194, %dma_wait3A_195, %dma_wait3A_196] : memref<2x8x128xf32, #tpu.memory_space<vmem>> -> memref<1x8x128xf32, #tpu.memory_space<vmem>>
    %dma_wait3A_198 = tpu.memref_squeeze %dma_wait3A_197 : memref<1x8x128xf32, #tpu.memory_space<vmem>> -> memref<8x128xf32, #tpu.memory_space<vmem>>
    %dma_wait3A_199 = arith.constant 0 : i32
    %dma_wait3A_200 = arith.constant 0 : i32
    %dma_wait3A_201 = tpu.memref_slice %arg5[%dma_wait3A_199, %dma_wait3A_200] : memref<3072x128xf32, #tpu.memory_space<hbm>> -> memref<8x128xf32, #tpu.memory_space<hbm>>
    %dma_wait3A_202 = arith.constant 0 : i32
    %dma_wait3A_203 = arith.constant 0 : i32
    %dma_wait3A_204 = tpu.memref_slice %arg8[%dma_wait3A_194, %dma_wait3A_202, %dma_wait3A_203] : memref<2x8x128xf32, #tpu.memory_space<vmem>> -> memref<1x8x128xf32, #tpu.memory_space<vmem>>
    %dma_wait3A_205 = tpu.memref_squeeze %dma_wait3A_204 : memref<1x8x128xf32, #tpu.memory_space<vmem>> -> memref<8x128xf32, #tpu.memory_space<vmem>>
    %dma_wait3A_206 = arith.constant 0 : i32
    %dma_wait3A_207 = arith.constant 0 : i32
    %dma_wait3A_208 = tpu.memref_slice %arg5[%dma_wait3A_206, %dma_wait3A_207] : memref<3072x128xf32, #tpu.memory_space<hbm>> -> memref<8x128xf32, #tpu.memory_space<hbm>>
    tpu.wait_dma2 semaphore(%arg12 : memref<!tpu.dma_semaphore, #tpu.memory_space<semaphore_mem>>) src(%dma_wait3A_208 : memref<8x128xf32, #tpu.memory_space<hbm>>) dst(%dma_wait3A_205 : memref<8x128xf32, #tpu.memory_space<vmem>>)
    return
  }
}

module attributes {stable_mosaic.version = 14 : i64} {
  func.func @_cross_a(%arg0: i32, %arg1: memref<1024x128xf32, #tpu.memory_space<vmem>>, %arg2: memref<1024x128xf32, #tpu.memory_space<vmem>>, %arg3: memref<1024x1024xf32, #tpu.memory_space<vmem>>) attributes {dimension_semantics = [#tpu.dimension_semantics<arbitrary>], iteration_bounds = array<i64: 12>, scalar_prefetch = 0 : i64, scratch_operands = 0 : i64, tpu.core_type = #tpu.core_type<tc>, window_params = [{transform_indices = @transform_0, window_bounds = array<i64: 1024, 128>}, {transform_indices = @transform_1, window_bounds = array<i64: 1024, 128>}, {transform_indices = @transform_2, window_bounds = array<i64: 1024, 1024>}]} {
    %lt3A = arith.constant 5 : i32
    %lt3A_0 = arith.cmpi slt, %arg0, %lt3A : i32
    %jit3A = arith.constant 1.000000e+00 : f32
    %jit3A_1 = arith.constant -1.000000e+00 : f32
    %select_n3A = arith.select %lt3A_0, %jit3A, %jit3A_1 : f32
    %get3A = arith.constant 0 : index
    %get3A_2 = arith.constant 0 : index
    %get3A_3 = vector.load %arg1[%get3A, %get3A_2] : memref<1024x128xf32, #tpu.memory_space<vmem>>, vector<1024x32xf32>
    %get3A_4 = arith.constant 0 : index
    %get3A_5 = arith.constant 0 : index
    %get3A_6 = vector.load %arg2[%get3A_4, %get3A_5] : memref<1024x128xf32, #tpu.memory_space<vmem>>, vector<1024x32xf32>
    %dot_general3A = arith.constant dense<0.000000e+00> : vector<1024x1024xf32>
    %dot_general3A_7 = tpu.matmul %get3A_3, %get3A_6, %dot_general3A {dimension_numbers = #tpu.dot_dimension_numbers<[1], [1], [0], [0], [0, 0, 1, 0], [], []>, transpose_lhs_hint = false} : vector<1024x32xf32>, vector<1024x32xf32>, vector<1024x1024xf32> -> vector<1024x1024xf32>
    %mul3A = vector.broadcast %select_n3A : f32 to vector<1024x1024xf32>
    %mul3A_8 = arith.mulf %dot_general3A_7, %mul3A : vector<1024x1024xf32>
    %logistic3A = arith.negf %mul3A_8 : vector<1024x1024xf32>
    %logistic3A_9 = math.exp %logistic3A : vector<1024x1024xf32>
    %logistic3A_10 = arith.constant 1.000000e+00 : f32
    %logistic3A_11 = vector.broadcast %logistic3A_10 : f32 to vector<1024x1024xf32>
    %logistic3A_12 = arith.addf %logistic3A_11, %logistic3A_9 : vector<1024x1024xf32>
    %logistic3A_13 = arith.divf %logistic3A_11, %logistic3A_12 : vector<1024x1024xf32>
    %swap3A = arith.constant 0 : index
    %swap3A_14 = arith.constant 0 : index
    %swap3A_15 = vector.load %arg3[%swap3A, %swap3A_14] : memref<1024x1024xf32, #tpu.memory_space<vmem>>, vector<1024x1024xf32>
    tpu.vector_store %arg3[%swap3A, %swap3A_14], %logistic3A_13 {strides = array<i32>} : memref<1024x1024xf32, #tpu.memory_space<vmem>>, vector<1024x1024xf32>,
    return
  }
  func.func @transform_0(%arg0: i32) -> (i32, i32) {
    %c0_i32 = arith.constant 0 : i32
    %c0_i32_0 = arith.constant 0 : i32
    %c0_i32_1 = arith.constant 0 : i32
    return %c0_i32, %c0_i32_0 : i32, i32
  }
  func.func @transform_1(%arg0: i32) -> (i32, i32) {
    %add3A = arith.constant 1 : i32
    %add3A_0 = arith.addi %add3A, %arg0 : i32
    %c0_i32 = arith.constant 0 : i32
    %c0_i32_1 = arith.constant 0 : i32
    return %add3A_0, %c0_i32 : i32, i32
  }
  func.func @transform_2(%arg0: i32) -> (i32, i32) {
    %c0_i32 = arith.constant 0 : i32
    %c0_i32_0 = arith.constant 0 : i32
    return %c0_i32, %arg0 : i32, i32
  }
}

module attributes {stable_mosaic.version = 14 : i64} {
  func.func @_cross_b(%arg0: i32, %arg1: memref<1024x128xf32, #tpu.memory_space<vmem>>, %arg2: memref<1024x128xf32, #tpu.memory_space<vmem>>, %arg3: memref<1024x15360xf32, #tpu.memory_space<any>>, %arg4: memref<1024x1024xf32, #tpu.memory_space<vmem>>) attributes {dimension_semantics = [#tpu.dimension_semantics<arbitrary>], iteration_bounds = array<i64: 3>, scalar_prefetch = 0 : i64, scratch_operands = 0 : i64, tpu.core_type = #tpu.core_type<tc>, window_params = [{transform_indices = @transform_0, window_bounds = array<i64: 1024, 128>}, {transform_indices = @transform_1, window_bounds = array<i64: 1024, 128>}, {}, {transform_indices = @transform_3, window_bounds = array<i64: 1024, 1024>}]} {
    %get3A = arith.constant 0 : index
    %get3A_0 = arith.constant 0 : index
    %get3A_1 = vector.load %arg1[%get3A, %get3A_0] : memref<1024x128xf32, #tpu.memory_space<vmem>>, vector<1024x32xf32>
    %get3A_2 = arith.constant 0 : index
    %get3A_3 = arith.constant 0 : index
    %get3A_4 = vector.load %arg2[%get3A_2, %get3A_3] : memref<1024x128xf32, #tpu.memory_space<vmem>>, vector<1024x32xf32>
    %dot_general3A = arith.constant dense<0.000000e+00> : vector<1024x1024xf32>
    %dot_general3A_5 = tpu.matmul %get3A_1, %get3A_4, %dot_general3A {dimension_numbers = #tpu.dot_dimension_numbers<[1], [1], [0], [0], [0, 0, 1, 0], [], []>, transpose_lhs_hint = false} : vector<1024x32xf32>, vector<1024x32xf32>, vector<1024x1024xf32> -> vector<1024x1024xf32>
    %neg3A = arith.constant 0.000000e+00 : f32
    %neg3A_6 = vector.broadcast %neg3A : f32 to vector<1024x1024xf32>
    %neg3A_7 = arith.subf %neg3A_6, %dot_general3A_5 : vector<1024x1024xf32>
    %logistic3A = arith.negf %neg3A_7 : vector<1024x1024xf32>
    %logistic3A_8 = math.exp %logistic3A : vector<1024x1024xf32>
    %logistic3A_9 = arith.constant 1.000000e+00 : f32
    %logistic3A_10 = vector.broadcast %logistic3A_9 : f32 to vector<1024x1024xf32>
    %logistic3A_11 = arith.addf %logistic3A_10, %logistic3A_8 : vector<1024x1024xf32>
    %logistic3A_12 = arith.divf %logistic3A_10, %logistic3A_11 : vector<1024x1024xf32>
    %swap3A = arith.constant 0 : index
    %swap3A_13 = arith.constant 0 : index
    %swap3A_14 = vector.load %arg4[%swap3A, %swap3A_13] : memref<1024x1024xf32, #tpu.memory_space<vmem>>, vector<1024x1024xf32>
    tpu.vector_store %arg4[%swap3A, %swap3A_13], %logistic3A_12 {strides = array<i32>} : memref<1024x1024xf32, #tpu.memory_space<vmem>>, vector<1024x1024xf32>,
    return
  }
  func.func @transform_0(%arg0: i32) -> (i32, i32) {
    %c0_i32 = arith.constant 0 : i32
    %c0_i32_0 = arith.constant 0 : i32
    %c0_i32_1 = arith.constant 0 : i32
    return %c0_i32, %c0_i32_0 : i32, i32
  }
  func.func @transform_1(%arg0: i32) -> (i32, i32) {
    %c0_i32 = arith.constant 0 : i32
    %c0_i32_0 = arith.constant 0 : i32
    return %arg0, %c0_i32 : i32, i32
  }
  func.func @transform_3(%arg0: i32) -> (i32, i32) {
    %add3A = arith.constant 12 : i32
    %add3A_0 = arith.addi %add3A, %arg0 : i32
    %c0_i32 = arith.constant 0 : i32
    %c0_i32_1 = arith.constant 0 : i32
    return %c0_i32, %add3A_0 : i32, i32
  }
}

</mosaic_0001>

<sc_bundles>
// kernel: kernel.6.cloned.1.call-start
scs
__scs_entry_jumppad:
0x0: {  	(pc) =	sbr.rel $0x88, $3  }
0x1: {  	(tag) =	ssettag $0x0;
	lr =	simm.s32 $0x1  }
0x2: {  	[smem:$0x3F9D] =	sst lr;
	_ =	strace $0xD0000000  }
0x3: {  	_ = 	snop  }
0x4: {  	_ = 	snop  }
0x5: {  	_ = 	snop  }
0x6: {  	_ = 	snop  }
0x7: {  	_ = 	snop  }
__scs_overlays_trampoline_lowered:
0x8: {  	[smem:$0x3FAC] =	sst s0  }
0x9: {  	[smem:$0x3FAD] =	sst s1  }
0xa: {  	[smem:$0x3FAE] =	sst s2  }
0xb: {  	[smem:$0x3FAF] =	sst s3  }
0xc: {  	[smem:$0x3FB0] =	sst s4  }
0xd: {  	[smem:$0x3FB1] =	sst s5  }
0xe: {  	[smem:$0x3FB2] =	sst s6  }
0xf: {  	[smem:$0x3FB3] =	sst s7  }
0x10: {  	[smem:$0x3FB4] =	sst s8  }
0x11: {  	[smem:$0x3FB5] =	sst s9;
	s0 =	simm.s32 @!p0 $0x0  }
0x12: {  	s1 =	sld [smem:$0x3F9B];
	s0 =	simm.s32 @p0 $0x1  }
0x13: {  	[smem:$0x3FB6] =	sst s0;
	s0 =	simm.s32 @!p1 $0x0  }
0x14: {  	s2 =	sld [smem:$0x3F9A];
	s0 =	simm.s32 @p1 $0x1  }
0x15: {  	[smem:$0x3FB7] =	sst s0;
	s0 =	simm.s32 @!p2 $0x0  }
0x16: {  	s3 =	sld [smem:$0x3FDB];
	s0 =	simm.s32 @p2 $0x1  }
0x17: {  	s4 =	simm.s32 $0x1BF5;
	[smem:$0x3FB9] =	sst s0  }
0x18: {  	s0 =	sld [smem:$0x3F9C];
	_ =	swait.ge [sflag:s4], $0x0  }
0x19: {  	s7 =	sld [smem:$0x3F9D]  }
0x1a: {  	s8 =	sadd.s32 $0xFFFFE003, lr  }
0x1b: {  	s9 =	sadd.s32 $0xFFFFFEF7, lr;
	s5 =	simm.s32 $0xFFFFFFFF;
	p2 =	slt.u32 s8, $0xFFFFF086  }
0x1c: {  	p1 =	slt.u32 s9, $0xF7A;
	s5 =	simm.s32 @!p2 $0x0  }
0x1d: {  	s5 =	simm.s32 @p1 $0x1;
	p0 =	seq.s32 s7, s2  }
0x1e: {  	s7 =	smul.u32 @!p0 $0xF7A, s2;
	p2 =	seq.s32 @!p0 s5, $0x0  }
0x1f: {  	s9 =	smul.u32 $0xF7A, s1;
	s8 =	simm.s32 @!p0 $0x1BF5;
	p2 =	por !p2, p0  }
0x20: {  	[sflag:s8] =	ssyncset.s32 @!p0 $0xFFFFF086;
	s6 =	sadd.s32 @!p0 s3, s7;
	s7 =	simm.s32 @!p0 $0x108  }
0x21: {  	s3 =	sadd.s32 s3, s9;
	s6 =	sadd.s32 @!p0 $0x88, s6;
	s7 =	simm.s32 @p2 $0x1082  }
0x22: {  	[simem:s7], [sflag:s8] =	dma.local @!p0 [hbm:s6], $0xF7A  }
0x23: {  	s9 =	sor.u32 $0xD0000000, s2;
	s6 =	simm.s32 $0x108;
	_ =	swait.ge @!p0 [sflag:s8], $0x0  }
0x24: {  	s3 =	sadd.s32 $0x88, s3;
	s6 =	simm.s32 @!p1 $0x1082;
	[sflag:s4] =	ssyncset.s32 $0xFFFFF086  }
0x25: {  	[simem:s6], [sflag:s4] =	dma.local [hbm:s3], $0xF7A  }
0x26: {  	[smem:$0x3F9D] =	sst s1;
	(tag) =	ssettag s2;
	_ =	strace s9  }
0x27: {  	s1 =	sld [smem:$0x3FAD]  }
0x28: {  	s2 =	sld [smem:$0x3FAE]  }
0x29: {  	s4 =	sld [smem:$0x3FB0]  }
0x2a: {  	p0 =	seq.s32 s5, $0x0;
	s5 =	sld [smem:$0x3FB1]  }
0x2b: {  	s6 =	sld [smem:$0x3FB2]  }
0x2c: {  	s7 =	sld [smem:$0x3FB3]  }
0x2d: {  	s3 =	simm.s32 $0x108;
	s8 =	sld [smem:$0x3FB4]  }
0x2e: {  	s3 =	simm.s32 @!p0 $0x1082;
	s9 =	sld [smem:$0x3FB5]  }
0x2f: {  	lr =	sadd.s32 s0, s3;
	s0 =	sld [smem:$0x3FAC]  }
0x30: {  	s3 =	sld [smem:$0x3FAF]  }
0x31: {  	[smem:$0x3FB8] =	sst s10  }
0x32: {  	s10 =	sld [smem:$0x3FB6];
	_ =	sdelay $0x3  }
0x33: {  	p0 =	seq.s32 s10, $0x1;
	s10 =	sld [smem:$0x3FB8];
	_ =	sdelay $0x3  }
0x34: {  	[smem:$0x3FB8] =	sst s10  }
0x35: {  	s10 =	sld [smem:$0x3FB7];
	_ =	sdelay $0x3  }
0x36: {  	p1 =	seq.s32 s10, $0x1;
	s10 =	sld [smem:$0x3FB8];
	_ =	sdelay $0x3  }
0x37: {  	[smem:$0x3FB8] =	sst s10  }
0x38: {  	s10 =	sld [smem:$0x3FB9]  }
0x39: {  	_ = 	snop;
	(pc) =	sbr.ind lr, $3  }
0x3a: {  	_ = 	snop  }
0x3b: {  	_ = 	snop  }
0x3c: {  	p2 =	seq.s32 s10, $0x1;
	s10 =	sld [smem:$0x3FB8]  }
0x3d: {  	_ =	shalt  }
0x3e: {  	_ =	shalt  }
0x3f: {  	_ =	shalt  }
0x40: {  	_ =	shalt  }
0x41: {  	_ =	shalt  }
0x42: {  	_ =	shalt  }
0x43: {  	_ =	shalt  }
0x44: {  	_ =	shalt  }
0x45: {  	_ =	shalt  }
0x46: {  	_ =	shalt  }
0x47: {  	_ =	shalt  }
0x48: {  	_ =	shalt  }
0x49: {  	_ =	shalt  }
0x4a: {  	_ =	shalt  }
0x4b: {  	_ =	shalt  }
0x4c: {  	_ =	shalt  }
0x4d: {  	_ =	shalt  }
0x4e: {  	_ =	shalt  }
0x4f: {  	_ =	shalt  }
0x50: {  	_ =	shalt  }
0x51: {  	_ =	shalt  }
0x52: {  	_ =	shalt  }
0x53: {  	_ =	shalt  }
0x54: {  	_ =	shalt  }
0x55: {  	_ =	shalt  }
0x56: {  	_ =	shalt  }
0x57: {  	_ =	shalt  }
0x58: {  	_ =	shalt  }
0x59: {  	_ =	shalt  }
0x5a: {  	_ =	shalt  }
0x5b: {  	_ =	shalt  }
0x5c: {  	_ =	shalt  }
0x5d: {  	_ =	shalt  }
0x5e: {  	_ =	shalt  }
0x5f: {  	_ =	shalt  }
0x60: {  	_ =	shalt  }
0x61: {  	_ =	shalt  }
0x62: {  	_ =	shalt  }
0x63: {  	_ =	shalt  }
0x64: {  	_ =	shalt  }
0x65: {  	_ =	shalt  }
0x66: {  	_ =	shalt  }
0x67: {  	_ =	shalt  }
0x68: {  	_ =	shalt  }
0x69: {  	_ =	shalt  }
0x6a: {  	_ =	shalt  }
0x6b: {  	_ =	shalt  }
0x6c: {  	_ =	shalt  }
0x6d: {  	_ =	shalt  }
0x6e: {  	_ =	shalt  }
0x6f: {  	_ =	shalt  }
0x70: {  	_ =	shalt  }
0x71: {  	_ =	shalt  }
0x72: {  	_ =	shalt  }
0x73: {  	_ =	shalt  }
0x74: {  	_ =	shalt  }
0x75: {  	_ =	shalt  }
0x76: {  	_ =	shalt  }
0x77: {  	_ =	shalt  }
0x78: {  	_ =	shalt  }
0x79: {  	_ =	shalt  }
0x7a: {  	_ =	shalt  }
0x7b: {  	_ =	shalt  }
0x7c: {  	_ =	shalt  }
0x7d: {  	_ =	shalt  }
0x7e: {  	_ =	shalt  }
0x7f: {  	_ =	shalt  }
0x80: {  	_ =	shalt  }
0x81: {  	_ =	shalt  }
0x82: {  	_ =	shalt  }
0x83: {  	_ =	shalt  }
0x84: {  	_ =	shalt  }
0x85: {  	_ =	shalt  }
0x86: {  	_ =	shalt  }
0x87: {  	_ =	shalt  }
.Lfunc_end0:
.L_simem_size_0:
called_computation_lowered:
.L_overlay_start_0:
0x88: {  	s2 =	sld [smem:$0x3FD9]  }
0x89: {  	s3 =	sld [smem:$0x3FFE];
	_ =	sdelay $0x1  }
0x8a: {  	s1 =	srdreg.scid  }
0x8b: {  	s0 =	sand.u32 $0x1, s1  }
0x8c: {  	s17 =	sshll.u32 s0, $0xA;
	s2 =	sadd.s32 s3, s2  }
0x8d: {  	s2 =	sadd.s32 s2, s17  }
0x8e: {  	[smem:$0x3FC4] =	sst s2  }
0x8f: {  	_ = 	snop  }
0x90: {  	s2 =	sld [smem:$0x3FC6]  }
0x91: {  	s18 =	sld [smem:$0x3FD0];
	(tm) =	ssettm $0x1  }
0x92: {  	s4 =	sld [smem:$0x3FFB];
	_ =	sdelay $0x3  }
0x93: {  	_ =	strace s4  }
0x94: {  	s4 =	sld [smem:$0x3FFC];
	_ =	sdelay $0x3  }
0x95: {  	_ =	strace s4  }
0x96: {  	s4 =	sld [smem:$0x3FFD];
	_ =	sdelay $0x3  }
0x97: {  	_ =	strace s4  }
0x98: {  	_ =	strace $0x8FFFFFFF  }
0x99: {  	s19 =	sld [smem:$0x3FDB];
	_ =	sdelay $0x1  }
0x9a: {  	s5 =	simm.s32 $_scs_section_size  }
0x9b: {  	s6 =	simm.s32 $_size__tile_overlayer_lowered;
	s7 =	simm.s32 $_tile_overlayer_lowered  }
0x9c: {  	s22 =	simm.s32 $0x1BFF;
	s21 =	sshll.u32 s7, $0x1;
	s4 =	sadd.s32 s5, s19  }
0x9d: {  	s8 =	simm.s32 $0x0;
	s20 =	sshll.u32 s6, $0x1;
	s6 =	sadd.s32 s21, s4  }
0x9e: {  	[timem:s8], [sflag:s22] =	dma.local [hbm:s6], s20  }
0x9f: {  	_ =	swait.ge [sflag:s22], s20  }
0xa0: {  	s5 =	ssub.s32 $0x0, s20;
	[sflag:s22] =	ssyncset.done $0x0  }
0xa1: {  	[sflag:s22] =	ssyncadd.s32 s5;
	_ =	sdelay $0x1  }
0xa2: {  	s23 =	simm.s32 $0x1B8B  }
0xa3: {  	_ =	swait.ge [sflag:s23], $0x1  }
0xa4: {  	[sflag:s23] =	ssyncset.done $0x0  }
0xa5: {  	s25 =	simm.s32 $0x1B8E;
	s24 =	sld [smem:$0x3FFE];
	[sflag:s23] =	ssyncadd.s32 $0xFFFFFFFF  }
0xa6: {  	s26 =	simm.s32 $execute0_lowered;
	[smem:$0x3FD2] =	sst s25  }
0xa7: {  	s6 =	sshll.u32 s26, $0x1;
	_ =	strace $0x80000046;
	[dreg:$0x1] =	wrdreg $0xFFFFFFFF  }
0xa8: {  	s28 =	simm.s32 $_size_execute0_lowered;
	s4 =	sadd.s32 s4, s6;
	[dreg:$0x0] =	wrdreg $0x0  }
0xa9: {  	s6 =	sshll.u32 s28, $0x1;
	[dreg:$0x2] =	wrdreg s4  }
0xaa: {  	[dreg:$0x3] =	wrdreg s6  }
0xab: {  	[dreg:$0x4] =	wrdreg $0xC0  }
0xac: {  	_ =	task [dreg:s8], $0x5FFFF  }
0xad: {  	[dreg:$0x1] =	wrdreg $0xFFFFFFFF  }
0xae: {  	[dreg:$0x0] =	wrdreg $0x60  }
0xaf: {  	[dreg:$0x2] =	wrdreg s24  }
0xb0: {  	[dreg:$0x3] =	wrdreg s2  }
0xb1: {  	[dreg:$0x4] =	wrdreg s18  }
0xb2: {  	[dreg:$0x5] =	wrdreg $0x9  }
0xb3: {  	_ =	task.clear_ibuf [dreg:s8], $0x6FFFF;
	_ =	strace $0x90000046  }
0xb4: {  	s29 =	simm.s32 $0x9;
	_ =	strace $0x80000048  }
0xb5: {  	_ =	swait.ge [sflag:s29], $0x1  }
0xb6: {  	[sflag:s29] =	ssyncadd.s32 $0xFFFFFFFF  }
0xb7: {  	_ =	strace $0x90000048  }
0xb8: {  	_ =	sfence  }
0xb9: {  	s30 =	sld [smem:$0x0];
	_ =	sdelay $0x2  }
0xba: {  	s31 =	sshll.u32 s1, $0xD;
	s1 =	sshrl.u32 s1, $0x2  }
0xbb: {  	s3 =	sand.u32 $0x4000, s31;
	s1 =	sadd.s32 s1, s30  }
0xbc: {  	s0 =	sor.u32 s3, s0;
	s1 =	sshll.u32 s1, $0x11  }
0xbd: {  	s0 =	sor.u32 s1, s0  }
0xbe: {  	s0 =	sadd.s32 $0x8F2B, s0  }
0xbf: {  	[sflag:s0] =	ssyncadd.remote.s32 $0x1  }
0xc0: {  	_ =	sfence.sel $0xFFFF  }
0xc1: {  	[dreg:$0x0] =	wrdreg $0xFFFFFFFF;
	(pc) =	sbr.abs _section_cstart, $3  }
0xc2: {  	[dreg:$0x1] =	wrdreg $0xFFFFFFFF  }
0xc3: {  	_ =	task.clear_ibuf [dreg:s8], $0x2FFFF;
	_ =	strace $0x9FFFFFFF  }
0xc4: {  	(tm) =	ssettm $0x7FFFFFFF  }
0xc5: {  	_ =	shalt  }
tec
execute0_lowered:
.L_overlay_start_1:
0x0: {  	(tag) =	ssettag $0x1  }
0x1: {  	s0 =	rddreg [dreg:$0x0]  }
0x2: {  	s1 =	srdreg.scid;
	s2 =	rddreg [dreg:$0x1]  }
0x3: {  	s9 =	stileid.u32;
	s7 =	rddreg [dreg:$0x2];
	v0 =	vlaneseq.u32  }
0x4: {  	s10 =	simm.s32 $0x4;
	s11 =	simm.s32 $0x7A1400;
	s12 =	simm.s32 $0x200;
	v0 =	vmul.u32 $0x80, v0  }
0x5: {  	s20 =	simm.s32 $0x1;
	s21 =	simm.s32 $0x8200;
	s22 =	simm.s32 $0x9200  }
0x6: {  	s23 =	simm.s32 $0xA200;
	s24 =	simm.s32 $0xB200;
	s28 =	simm.s32 $0xE200;
	v1 =	vor.u32 $0x800, v0  }
0x7: {  	s29 =	simm.s32 $0xF200;
	s30 =	simm.s32 $0x10200;
	s31 =	simm.s32 $0x10600;
	v2 =	vor.u32 $0x1000, v0;
	v3 =	vor.u32 $0x1800, v0;
	v4 =	vor.u32 $0x2000, v0  }
0x8: {  	s1 =	sand.u32 $0x1, s1;
	s3 =	sshll.u32 s9, $0x1;
	s9 =	smul.u32 $0x3400, s9;
	v5 =	vor.u32 $0x2800, v0;
	v6 =	vor.u32 $0x3000, v0;
	v7 =	vor.u32 $0x3800, v0  }
0x9: {  	s4 =	sor.u32 s1, s3;
	s5 =	ssub.s32 $0x2, s1;
	s1 =	smul.u32 $0x1A00, s1;
	v8 =	vor.u32 $0x4000, v0;
	v9 =	vor.u32 $0x4800, v0;
	v10 =	vor.u32 $0x5000, v0  }
0xa: {  	s13 =	simm.s32 $0x0;
	s3 =	simm.s32 $0x0;
	s4 =	smul.u32 $0x1A0, s4;
	v11 =	vor.u32 $0x5800, v0;
	v12 =	vor.u32 $0x6000, v0;
	v13 =	vor.u32 $0x6800, v0  }
0xb: {  	[smem:$0x7FF] =	sst s3;
	s8 =	sshrl.u32 s5, $0x1;
	s26 =	sadd.s32 s9, s7;
	v14 =	vor.u32 $0x7000, v0;
	v15 =	vor.u32 $0x7800, v0;
	v16 =	vor.u32 $0x8000, v0  }
0xc: {  	s9 =	simm.s32 $0x400;
	v17 =	vor.u32 $0x8800, v0;
	v18 =	vor.u32 $0x9000, v0;
	v19 =	vor.u32 $0x9800, v0;
	_ =	strace $0x80000047;
	s25 =	ssub.s32 s5, s8  }
0xd: {  	v20 =	vor.u32 $0xA000, v0;
	v21 =	vor.u32 $0xA800, v0;
	v22 =	vor.u32 $0xB000, v0;
	s7 =	sadd.s32 s1, s26;
	s8 =	simm.s32 $0x10A00;
	s4 =	sshrl.u32 s4, $0x3  }
0xe: {  	v23 =	vor.u32 $0xB800, v0;
	v24 =	vor.u32 $0xC000, v0;
	v25 =	vor.u32 $0xC800, v0;
	s26 =	simm.s32 $0xD200;
	s6 =	sadd.s32 s4, s0;
	s0 =	sadd.s32 $0xC00, s0  }
0xf: {  	v26 =	vor.u32 $0xD000, v0;
	v27 =	vor.u32 $0xD800, v0;
	v28 =	vor.u32 $0xE000, v0;
	s1 =	simm.s32 $0x2;
	[dreg:$0x4] =	wrdreg s0;
	s5 =	sadd.s32 $0xE00, s6  }
0x10: {  	v29 =	vor.u32 $0xE800, v0;
	v30 =	vor.u32 $0xF000, v0;
	v31 =	vor.u32 $0xF800, v0;
	s6 =	smax.u32 s25, $0x1;
	s25 =	simm.s32 $0xC200;
	s0 =	simm.s32 $0x3  }
.LBB2_1:
0x11: {  	[tilespmem:s3], [sflag:$0x4] =	stream.linear.gather [hbm4b:s5+s3], $0x1A0, $0x38;
	[tilespmem:$0x11A00] =	vst v63  }
0x12: {  	_ =	swait.ge [sflag:s10], $0x1A0  }
0x13: {  	[sflag:s10] =	ssyncset.done $0x0  }
0x14: {  	s4 =	rddreg [dreg:$0x4];
	[sflag:s10] =	ssyncadd.s32 $0xFFFFFE60  }
0x15: {  	[tilespmem:s8], [sflag:$0x4] =	stream.linear.gather [hbm4b:s4+s3], $0x1000, $0x38;
	[tilespmem:$0x11A00] =	vst v63  }
0x16: {  	_ =	swait.ge [sflag:s10], $0x1000  }
0x17: {  	[sflag:s10] =	ssyncset.done $0x0  }
0x18: {  	[sflag:s10] =	ssyncadd.s32 $0xFFFFF000  }
0x19: {  	v32 =	vld [tilespmem:$0x0];
	_ =	sdelay $0x4  }
0x1a: {  	v32 =	vshra.s32 v32, $0x7  }
0x1b: {  	(v2sf) =	vpush v32, $0x0;
	_ =	sdelay $0x6  }
0x1c: {  	(v2sf) =	vpush v32, $0x1;
	_ =	sdelay $0x6  }
0x1d: {  	(v2sf) =	vpush v32, $0x2  }
0x1e: {  	s14 =	spop (v2sf)  }
0x1f: {  	p0 =	slt.s32 s14, $0x1E83  }
0x20: {  	s14 =	simm.s32 @!p0 $0x1E83  }
0x21: {  	s14 =	sshll.u32 s14, $0x7  }
0x22: {  	s14 =	sand.u32 $0x1FFFFF80, s14  }
0x23: {  	s14 =	sadd.s32 s2, s14  }
0x24: {  	(v2sf) =	vpush v32, $0x3;
	[tilespmem:s12], [sflag:$0x1] =	stream.strided.gather [hbm4b:s14+s9], $0x1000, s11, s9, $0x38;
	[tilespmem:$0x11A00] =	vst v63  }
0x25: {  	s14 =	spop (v2sf)  }
0x26: {  	p0 =	slt.s32 s14, $0x1E83  }
0x27: {  	s14 =	simm.s32 @!p0 $0x1E83  }
0x28: {  	s14 =	sshll.u32 s14, $0x7  }
0x29: {  	s14 =	sand.u32 $0x1FFFFF80, s14  }
0x2a: {  	s16 =	simm.s32 $0x1200;
	s14 =	sadd.s32 s2, s14  }
0x2b: {  	(v2sf) =	vpush v32, $0x4;
	[tilespmem:s16], [sflag:$0x1] =	stream.strided.gather [hbm4b:s14+s9], $0x1000, s11, s9, $0x38;
	[tilespmem:$0x11A00] =	vst v63  }
0x2c: {  	s14 =	spop (v2sf)  }
0x2d: {  	p0 =	slt.s32 s14, $0x1E83  }
0x2e: {  	(v2sf) =	vpush v32, $0x5;
	s14 =	simm.s32 @!p0 $0x1E83  }
0x2f: {  	s14 =	sshll.u32 s14, $0x7  }
0x30: {  	s14 =	sand.u32 $0x1FFFFF80, s14  }
0x31: {  	s17 =	simm.s32 $0x2200;
	s14 =	sadd.s32 s2, s14  }
0x32: {  	[tilespmem:s17], [sflag:$0x1] =	stream.strided.gather [hbm4b:s14+s9], $0x1000, s11, s9, $0x38;
	[tilespmem:$0x11A00] =	vst v63  }
0x33: {  	s14 =	spop (v2sf)  }
0x34: {  	(v2sf) =	vpush v32, $0x6;
	p0 =	slt.s32 s14, $0x1E83  }
0x35: {  	s14 =	simm.s32 @!p0 $0x1E83  }
0x36: {  	s14 =	sshll.u32 s14, $0x7  }
0x37: {  	s14 =	sand.u32 $0x1FFFFF80, s14  }
0x38: {  	s18 =	simm.s32 $0x3200;
	s14 =	sadd.s32 s2, s14  }
0x39: {  	[tilespmem:s18], [sflag:$0x1] =	stream.strided.gather [hbm4b:s14+s9], $0x1000, s11, s9, $0x38;
	[tilespmem:$0x11A00] =	vst v63  }
0x3a: {  	s14 =	spop (v2sf)  }
0x3b: {  	p0 =	slt.s32 s14, $0x1E83  }
0x3c: {  	(v2sf) =	vpush v32, $0x7;
	s14 =	simm.s32 @!p0 $0x1E83  }
0x3d: {  	s14 =	sshll.u32 s14, $0x7;
	s15 =	spop (v2sf)  }
0x3e: {  	s14 =	sand.u32 $0x1FFFFF80, s14;
	p0 =	slt.s32 s15, $0x1E83  }
0x3f: {  	s19 =	simm.s32 $0x4200;
	s14 =	sadd.s32 s2, s14;
	s15 =	simm.s32 @!p0 $0x1E83  }
0x40: {  	[tilespmem:s19], [sflag:$0x1] =	stream.strided.gather [hbm4b:s14+s9], $0x1000, s11, s9, $0x38;
	[tilespmem:$0x11A00] =	vst v63  }
0x41: {  	s15 =	sshll.u32 s15, $0x7  }
0x42: {  	s14 =	sand.u32 $0x1FFFFF80, s15  }
0x43: {  	s16 =	simm.s32 $0x5200;
	s14 =	sadd.s32 s2, s14;
	s15 =	spop (v2sf)  }
0x44: {  	[tilespmem:s16], [sflag:$0x1] =	stream.strided.gather [hbm4b:s14+s9], $0x1000, s11, s9, $0x38;
	[tilespmem:$0x11A00] =	vst v63  }
0x45: {  	p0 =	slt.s32 s15, $0x1E83  }
0x46: {  	s15 =	simm.s32 @!p0 $0x1E83  }
0x47: {  	s17 =	sshll.u32 s15, $0x7  }
0x48: {  	s14 =	sand.u32 $0x1FFFFF80, s17  }
0x49: {  	s18 =	simm.s32 $0x6200;
	s14 =	sadd.s32 s2, s14  }
0x4a: {  	[tilespmem:s18], [sflag:$0x1] =	stream.strided.gather [hbm4b:s14+s9], $0x1000, s11, s9, $0x38;
	[tilespmem:$0x11A00] =	vst v63  }
0x4b: {  	s14 =	spop (v2sf)  }
0x4c: {  	p0 =	slt.s32 s14, $0x1E83  }
0x4d: {  	s14 =	simm.s32 @!p0 $0x1E83  }
0x4e: {  	s14 =	sshll.u32 s14, $0x7  }
0x4f: {  	s14 =	sand.u32 $0x1FFFFF80, s14  }
0x50: {  	s19 =	simm.s32 $0x7200;
	s14 =	sadd.s32 s2, s14  }
0x51: {  	[tilespmem:s19], [sflag:$0x1] =	stream.strided.gather [hbm4b:s14+s9], $0x1000, s11, s9, $0x38;
	[tilespmem:$0x11A00] =	vst v63  }
0x52: {  	s15 =	simm.s32 $0x0;
	s14 =	simm.s32 $0x8  }
.LBB2_2:
0x53: {  	_ =	swait.ge [sflag:s20], $0x1000  }
0x54: {  	[sflag:s20] =	ssyncset.done $0x0  }
0x55: {  	[sflag:s20] =	ssyncadd.s32 $0xFFFFF000  }
0x56: {  	_ =	swait.ge [sflag:s20], $0x1000  }
0x57: {  	[sflag:s20] =	ssyncset.done $0x0  }
0x58: {  	[sflag:s20] =	ssyncadd.s32 $0xFFFFF000  }
0x59: {  	_ =	swait.ge [sflag:s20], $0x1000  }
0x5a: {  	[sflag:s20] =	ssyncset.done $0x0  }
0x5b: {  	[sflag:s20] =	ssyncadd.s32 $0xFFFFF000  }
0x5c: {  	_ =	swait.ge [sflag:s20], $0x1000  }
0x5d: {  	[sflag:s20] =	ssyncset.done $0x0  }
0x5e: {  	[sflag:s20] =	ssyncadd.s32 $0xFFFFF000  }
0x5f: {  	_ =	swait.ge [sflag:s20], $0x1000  }
0x60: {  	[sflag:s20] =	ssyncset.done $0x0  }
0x61: {  	[sflag:s20] =	ssyncadd.s32 $0xFFFFF000  }
0x62: {  	_ =	swait.ge [sflag:s20], $0x1000  }
0x63: {  	[sflag:s20] =	ssyncset.done $0x0  }
0x64: {  	[sflag:s20] =	ssyncadd.s32 $0xFFFFF000  }
0x65: {  	_ =	swait.ge [sflag:s20], $0x1000  }
0x66: {  	[sflag:s20] =	ssyncset.done $0x0  }
0x67: {  	[sflag:s20] =	ssyncadd.s32 $0xFFFFF000  }
0x68: {  	_ =	swait.ge [sflag:s20], $0x1000  }
0x69: {  	[sflag:s20] =	ssyncset.done $0x0  }
0x6a: {  	[sflag:s20] =	ssyncadd.s32 $0xFFFFF000  }
0x6b: {  	v32 =	vld [tilespmem:s14+$0x0];
	_ =	sdelay $0x4  }
0x6c: {  	v32 =	vshra.s32 v32, $0x7  }
0x6d: {  	(v2sf) =	vpush v32, $0x0;
	_ =	sdelay $0x6  }
0x6e: {  	(v2sf) =	vpush v32, $0x1;
	_ =	sdelay $0x6  }
0x6f: {  	(v2sf) =	vpush v32, $0x2  }
0x70: {  	s16 =	spop (v2sf)  }
0x71: {  	p0 =	slt.s32 s16, $0x1E83  }
0x72: {  	s16 =	simm.s32 @!p0 $0x1E83  }
0x73: {  	s16 =	sshll.u32 s16, $0x7  }
0x74: {  	s16 =	sand.u32 $0x1FFFFF80, s16  }
0x75: {  	s16 =	sadd.s32 s2, s16  }
0x76: {  	(v2sf) =	vpush v32, $0x3;
	[tilespmem:s21], [sflag:$0x1] =	stream.strided.gather [hbm4b:s16+s9], $0x1000, s11, s9, $0x38;
	[tilespmem:$0x11A00] =	vst v63  }
0x77: {  	s16 =	spop (v2sf)  }
0x78: {  	p0 =	slt.s32 s16, $0x1E83  }
0x79: {  	(v2sf) =	vpush v32, $0x4;
	s16 =	simm.s32 @!p0 $0x1E83  }
0x7a: {  	s16 =	sshll.u32 s16, $0x7  }
0x7b: {  	s16 =	sand.u32 $0x1FFFFF80, s16  }
0x7c: {  	s16 =	sadd.s32 s2, s16  }
0x7d: {  	[tilespmem:s22], [sflag:$0x1] =	stream.strided.gather [hbm4b:s16+s9], $0x1000, s11, s9, $0x38;
	[tilespmem:$0x11A00] =	vst v63  }
0x7e: {  	s16 =	spop (v2sf)  }
0x7f: {  	(v2sf) =	vpush v32, $0x5;
	p0 =	slt.s32 s16, $0x1E83  }
0x80: {  	s16 =	simm.s32 @!p0 $0x1E83  }
0x81: {  	s16 =	sshll.u32 s16, $0x7  }
0x82: {  	s16 =	sand.u32 $0x1FFFFF80, s16  }
0x83: {  	s16 =	sadd.s32 s2, s16  }
0x84: {  	[tilespmem:s23], [sflag:$0x1] =	stream.strided.gather [hbm4b:s16+s9], $0x1000, s11, s9, $0x38;
	[tilespmem:$0x11A00] =	vst v63  }
0x85: {  	s16 =	spop (v2sf)  }
0x86: {  	p0 =	slt.s32 s16, $0x1E83  }
0x87: {  	(v2sf) =	vpush v32, $0x6;
	s16 =	simm.s32 @!p0 $0x1E83  }
0x88: {  	s16 =	sshll.u32 s16, $0x7;
	s17 =	spop (v2sf)  }
0x89: {  	s16 =	sand.u32 $0x1FFFFF80, s16;
	p0 =	slt.s32 s17, $0x1E83  }
0x8a: {  	s16 =	sadd.s32 s2, s16;
	s17 =	simm.s32 @!p0 $0x1E83  }
0x8b: {  	[tilespmem:s24], [sflag:$0x1] =	stream.strided.gather [hbm4b:s16+s9], $0x1000, s11, s9, $0x38;
	[tilespmem:$0x11A00] =	vst v63  }
0x8c: {  	s17 =	sshll.u32 s17, $0x7  }
0x8d: {  	s16 =	sand.u32 $0x1FFFFF80, s17  }
0x8e: {  	(v2sf) =	vpush v32, $0x7;
	s16 =	sadd.s32 s2, s16;
	s17 =	spop (v2sf)  }
0x8f: {  	[tilespmem:s25], [sflag:$0x1] =	stream.strided.gather [hbm4b:s16+s9], $0x1000, s11, s9, $0x38;
	[tilespmem:$0x11A00] =	vst v63  }
0x90: {  	p0 =	slt.s32 s17, $0x1E83  }
0x91: {  	s17 =	simm.s32 @!p0 $0x1E83  }
0x92: {  	s18 =	sshll.u32 s17, $0x7  }
0x93: {  	s16 =	sand.u32 $0x1FFFFF80, s18  }
0x94: {  	s16 =	sadd.s32 s2, s16  }
0x95: {  	[tilespmem:s26], [sflag:$0x1] =	stream.strided.gather [hbm4b:s16+s9], $0x1000, s11, s9, $0x38;
	[tilespmem:$0x11A00] =	vst v63  }
0x96: {  	s16 =	spop (v2sf)  }
0x97: {  	p0 =	slt.s32 s16, $0x1E83  }
0x98: {  	s16 =	simm.s32 @!p0 $0x1E83  }
0x99: {  	s16 =	sshll.u32 s16, $0x7  }
0x9a: {  	s16 =	sand.u32 $0x1FFFFF80, s16  }
0x9b: {  	s16 =	sadd.s32 s2, s16  }
0x9c: {  	[tilespmem:s28], [sflag:$0x1] =	stream.strided.gather [hbm4b:s16+s9], $0x1000, s11, s9, $0x38;
	[tilespmem:$0x11A00] =	vst v63  }
0x9d: {  	s16 =	spop (v2sf)  }
0x9e: {  	p0 =	slt.s32 s16, $0x1E83  }
0x9f: {  	s16 =	simm.s32 @!p0 $0x1E83  }
0xa0: {  	s16 =	sshll.u32 s16, $0x7  }
0xa1: {  	s16 =	sand.u32 $0x1FFFFF80, s16  }
0xa2: {  	p0 =	seq.s32 s15, $0x0;
	s16 =	sadd.s32 s2, s16  }
0xa3: {  	[tilespmem:s29], [sflag:$0x1] =	stream.strided.gather [hbm4b:s16+s9], $0x1000, s11, s9, $0x38;
	[tilespmem:$0x11A00] =	vst v63  }
0xa4: {  	s16 =	simm.s32 @!p0 $0x2  }
0xa5: {  	_ =	swait.ge @!p0 [sflag:s16], $0x400  }
0xa6: {  	[sflag:s16] =	ssyncset.done @!p0 $0x0  }
0xa7: {  	[sflag:s16] =	ssyncadd.s32 @!p0 $0xFFFFFC00  }
0xa8: {  	v32 =	vld [tilespmem:s14+$0xFFFFFFF8];
	_ =	sdelay $0x4  }
0xa9: {  	(v2sf) =	vpush v32, $0x0;
	_ =	sdelay $0xe  }
0xaa: {  	s19 =	spop (v2sf);
	(v2sf) =	vpush v32, $0x1  }
0xab: {  	s17 =	sshra.s32 s19, $0x7  }
0xac: {  	p0 =	slt.s32 s17, $0x1E83  }
0xad: {  	s18 =	sadd.s32 $0xFFF0BE00, s19;
	s17 =	simm.s32 @!p0 $0x1E83  }
0xae: {  	p1 =	sgt.s32 s18, $0x0;
	s17 =	sshll.u32 s17, $0x7  }
0xaf: {  	s18 =	simm.s32 @!p1 $0x0;
	s17 =	ssub.s32 s19, s17  }
0xb0: {  	s18 =	smin.u32 s18, $0x7F;
	p0 =	slt.s32 s17, $0x7F  }
0xb1: {  	v34 =	vor.u32 s18, v0;
	s17 =	simm.s32 @!p0 $0x7F  }
0xb2: {  	v33 =	vadd.s32 s17, v0;
	_ =	sdelay $0x3  }
0xb3: {  	v34 =	vld.idx.msk [tilespmem:v34+s8+$0x0], $0xffff  }
0xb4: {  	v33 =	vld.idx.msk [tilespmem:v33+s12+$0x0], $0xffff;
	_ =	sdelay $0x1  }
0xb5: {  	v35 =	vadd.s32 s17, v1;
	s4 =	spop (v2sf)  }
0xb6: {  	v36 =	vor.u32 s18, v1;
	(v2sf) =	vpush v32, $0x2;
	s18 =	sshra.s32 s4, $0x7  }
0xb7: {  	p4 =	sgt.s32 s19, $0xF41FF;
	p1 =	slt.s32 s18, $0x1E83  }
0xb8: {  	v33 =	vpsel p4, v34, v33;
	s18 =	simm.s32 @!p1 $0x1E83  }
0xb9: {  	[tilespmem:$0x10200] =	vst v33;
	s18 =	sshll.u32 s18, $0x7  }
0xba: {  	v33 =	vld.idx.msk [tilespmem:v35+s12+$0x0], $0xffff;
	s16 =	ssub.s32 s4, s18;
	s18 =	sadd.s32 $0xFFF0BE00, s4  }
0xbb: {  	v52 =	vld.idx.msk [tilespmem:v36+s8+$0x0], $0xffff;
	p1 =	slt.s32 s16, $0x7F;
	p2 =	sgt.s32 s18, $0x0  }
0xbc: {  	s16 =	simm.s32 @!p1 $0x7F;
	s18 =	simm.s32 @!p2 $0x0  }
0xbd: {  	s18 =	smin.u32 s18, $0x7F;
	v53 =	vadd.s32 s16, v2  }
0xbe: {  	v54 =	vor.u32 s18, v0;
	_ =	sdelay $0x1  }
0xbf: {  	v33 =	vpsel p4, v52, v33  }
0xc0: {  	[tilespmem:$0x10210] =	vst v33  }
0xc1: {  	v33 =	vld.idx.msk [tilespmem:v53+s12+$0x0], $0xffff  }
0xc2: {  	v55 =	vld.idx.msk [tilespmem:v54+s8+$0x0], $0xffff;
	_ =	sdelay $0x1  }
0xc3: {  	v56 =	vadd.s32 s16, v3;
	s16 =	spop (v2sf)  }
0xc4: {  	v57 =	vor.u32 s18, v1;
	(v2sf) =	vpush v32, $0x3;
	s18 =	sshra.s32 s16, $0x7  }
0xc5: {  	p5 =	sgt.s32 s4, $0xF41FF;
	p1 =	slt.s32 s18, $0x1E83  }
0xc6: {  	s18 =	simm.s32 @!p1 $0x1E83;
	v33 =	vpsel p5, v55, v33  }
0xc7: {  	s19 =	sshll.u32 s18, $0x7;
	[tilespmem:$0x10280] =	vst v33  }
0xc8: {  	s18 =	sadd.s32 $0xFFF0BE00, s16;
	s17 =	ssub.s32 s16, s19;
	v33 =	vld.idx.msk [tilespmem:v56+s12+$0x0], $0xffff  }
0xc9: {  	p2 =	sgt.s32 s18, $0x0;
	v58 =	vld.idx.msk [tilespmem:v57+s8+$0x0], $0xffff;
	p1 =	slt.s32 s17, $0x7F  }
0xca: {  	s18 =	simm.s32 @!p2 $0x0;
	s17 =	simm.s32 @!p1 $0x7F  }
0xcb: {  	s18 =	smin.u32 s18, $0x7F;
	v59 =	vadd.s32 s17, v4  }
0xcc: {  	v60 =	vor.u32 s18, v0;
	_ =	sdelay $0x1  }
0xcd: {  	v33 =	vpsel p5, v58, v33  }
0xce: {  	[tilespmem:$0x10290] =	vst v33  }
0xcf: {  	v33 =	vld.idx.msk [tilespmem:v59+s12+$0x0], $0xffff  }
0xd0: {  	v61 =	vld.idx.msk [tilespmem:v60+s8+$0x0], $0xffff;
	_ =	sdelay $0x1  }
0xd1: {  	v62 =	vadd.s32 s17, v5;
	s4 =	spop (v2sf)  }
0xd2: {  	v63 =	vor.u32 s18, v1;
	(v2sf) =	vpush v32, $0x4;
	s18 =	sshra.s32 s4, $0x7  }
0xd3: {  	p6 =	sgt.s32 s16, $0xF41FF;
	p1 =	slt.s32 s18, $0x1E83  }
0xd4: {  	v33 =	vpsel p6, v61, v33;
	s18 =	simm.s32 @!p1 $0x1E83  }
0xd5: {  	[tilespmem:$0x10300] =	vst v33;
	s18 =	sshll.u32 s18, $0x7  }
0xd6: {  	v33 =	vld.idx.msk [tilespmem:v62+s12+$0x0], $0xffff;
	s16 =	ssub.s32 s4, s18;
	s18 =	sadd.s32 $0xFFF0BE00, s4  }
0xd7: {  	v40 =	vld.idx.msk [tilespmem:v63+s8+$0x0], $0xffff;
	p1 =	slt.s32 s16, $0x7F;
	p2 =	sgt.s32 s18, $0x0  }
0xd8: {  	s16 =	simm.s32 @!p1 $0x7F;
	s18 =	simm.s32 @!p2 $0x0  }
0xd9: {  	s18 =	smin.u32 s18, $0x7F;
	v41 =	vadd.s32 s16, v6  }
0xda: {  	v42 =	vor.u32 s18, v0;
	_ =	sdelay $0x1  }
0xdb: {  	v33 =	vpsel p6, v40, v33  }
0xdc: {  	[tilespmem:$0x10310] =	vst v33  }
0xdd: {  	v33 =	vld.idx.msk [tilespmem:v41+s12+$0x0], $0xffff  }
0xde: {  	v43 =	vld.idx.msk [tilespmem:v42+s8+$0x0], $0xffff;
	_ =	sdelay $0x1  }
0xdf: {  	v44 =	vadd.s32 s16, v7;
	s16 =	spop (v2sf)  }
0xe0: {  	v45 =	vor.u32 s18, v1;
	(v2sf) =	vpush v32, $0x5;
	s18 =	sshra.s32 s16, $0x7  }
0xe1: {  	p3 =	sgt.s32 s4, $0xF41FF;
	p1 =	slt.s32 s18, $0x1E83  }
0xe2: {  	s18 =	simm.s32 @!p1 $0x1E83;
	v33 =	vpsel p3, v43, v33  }
0xe3: {  	s19 =	sshll.u32 s18, $0x7;
	[tilespmem:$0x10380] =	vst v33  }
0xe4: {  	s18 =	sadd.s32 $0xFFF0BE00, s16;
	s17 =	ssub.s32 s16, s19;
	v33 =	vld.idx.msk [tilespmem:v44+s12+$0x0], $0xffff  }
0xe5: {  	p2 =	sgt.s32 s18, $0x0;
	v46 =	vld.idx.msk [tilespmem:v45+s8+$0x0], $0xffff;
	p1 =	slt.s32 s17, $0x7F  }
0xe6: {  	s18 =	simm.s32 @!p2 $0x0;
	s17 =	simm.s32 @!p1 $0x7F  }
0xe7: {  	s18 =	smin.u32 s18, $0x7F;
	v47 =	vadd.s32 s17, v8  }
0xe8: {  	v48 =	vor.u32 s18, v0;
	_ =	sdelay $0x1  }
0xe9: {  	v33 =	vpsel p3, v46, v33  }
0xea: {  	[tilespmem:$0x10390] =	vst v33  }
0xeb: {  	v33 =	vld.idx.msk [tilespmem:v47+s12+$0x0], $0xffff  }
0xec: {  	v49 =	vld.idx.msk [tilespmem:v48+s8+$0x0], $0xffff;
	_ =	sdelay $0x1  }
0xed: {  	v50 =	vadd.s32 s17, v9;
	s4 =	spop (v2sf)  }
0xee: {  	v51 =	vor.u32 s18, v1;
	(v2sf) =	vpush v32, $0x6;
	s18 =	sshra.s32 s4, $0x7  }
0xef: {  	p4 =	sgt.s32 s16, $0xF41FF;
	p1 =	slt.s32 s18, $0x1E83  }
0xf0: {  	v33 =	vpsel p4, v49, v33;
	s18 =	simm.s32 @!p1 $0x1E83  }
0xf1: {  	[tilespmem:$0x10400] =	vst v33;
	s18 =	sshll.u32 s18, $0x7  }
0xf2: {  	v33 =	vld.idx.msk [tilespmem:v50+s12+$0x0], $0xffff;
	s16 =	ssub.s32 s4, s18;
	s18 =	sadd.s32 $0xFFF0BE00, s4  }
0xf3: {  	v52 =	vld.idx.msk [tilespmem:v51+s8+$0x0], $0xffff;
	p1 =	slt.s32 s16, $0x7F;
	p2 =	sgt.s32 s18, $0x0  }
0xf4: {  	s16 =	simm.s32 @!p1 $0x7F;
	s18 =	simm.s32 @!p2 $0x0  }
0xf5: {  	s18 =	smin.u32 s18, $0x7F;
	v53 =	vadd.s32 s16, v10  }
0xf6: {  	v54 =	vor.u32 s18, v0;
	_ =	sdelay $0x1  }
0xf7: {  	v33 =	vpsel p4, v52, v33  }
0xf8: {  	[tilespmem:$0x10410] =	vst v33  }
0xf9: {  	v33 =	vld.idx.msk [tilespmem:v53+s12+$0x0], $0xffff  }
0xfa: {  	v55 =	vld.idx.msk [tilespmem:v54+s8+$0x0], $0xffff;
	_ =	sdelay $0x1  }
0xfb: {  	v56 =	vadd.s32 s16, v11;
	s16 =	spop (v2sf)  }
0xfc: {  	v57 =	vor.u32 s18, v1;
	(v2sf) =	vpush v32, $0x7;
	s18 =	sshra.s32 s16, $0x7  }
0xfd: {  	p5 =	sgt.s32 s4, $0xF41FF;
	p1 =	slt.s32 s18, $0x1E83  }
0xfe: {  	s18 =	simm.s32 @!p1 $0x1E83;
	v33 =	vpsel p5, v55, v33  }
0xff: {  	s19 =	sshll.u32 s18, $0x7;
	[tilespmem:$0x10480] =	vst v33  }
0x100: {  	s18 =	sadd.s32 $0xFFF0BE00, s16;
	s17 =	ssub.s32 s16, s19;
	v33 =	vld.idx.msk [tilespmem:v56+s12+$0x0], $0xffff  }
0x101: {  	p2 =	sgt.s32 s18, $0x0;
	v32 =	vld.idx.msk [tilespmem:v57+s8+$0x0], $0xffff;
	p1 =	slt.s32 s17, $0x7F  }
0x102: {  	s18 =	simm.s32 @!p2 $0x0;
	s17 =	simm.s32 @!p1 $0x7F  }
0x103: {  	s18 =	smin.u32 s18, $0x7F;
	v58 =	vadd.s32 s17, v12  }
0x104: {  	v59 =	vor.u32 s18, v0;
	_ =	sdelay $0x1  }
0x105: {  	v32 =	vpsel p5, v32, v33  }
0x106: {  	[tilespmem:$0x10490] =	vst v32  }
0x107: {  	v32 =	vld.idx.msk [tilespmem:v58+s12+$0x0], $0xffff  }
0x108: {  	v60 =	vld.idx.msk [tilespmem:v59+s8+$0x0], $0xffff;
	_ =	sdelay $0x1  }
0x109: {  	v61 =	vadd.s32 s17, v13;
	s4 =	spop (v2sf)  }
0x10a: {  	v62 =	vor.u32 s18, v1;
	s18 =	sshra.s32 s4, $0x7  }
0x10b: {  	p6 =	sgt.s32 s16, $0xF41FF;
	p1 =	slt.s32 s18, $0x1E83  }
0x10c: {  	v32 =	vpsel p6, v60, v32;
	s18 =	simm.s32 @!p1 $0x1E83  }
0x10d: {  	[tilespmem:$0x10500] =	vst v32;
	s18 =	sshll.u32 s18, $0x7  }
0x10e: {  	v32 =	vld.idx.msk [tilespmem:v61+s12+$0x0], $0xffff;
	s16 =	ssub.s32 s4, s18;
	s18 =	sadd.s32 $0xFFF0BE00, s4  }
0x10f: {  	v63 =	vld.idx.msk [tilespmem:v62+s8+$0x0], $0xffff;
	p1 =	slt.s32 s16, $0x7F;
	p2 =	sgt.s32 s18, $0x0  }
0x110: {  	s16 =	simm.s32 @!p1 $0x7F;
	s18 =	simm.s32 @!p2 $0x0  }
0x111: {  	s18 =	smin.u32 s18, $0x7F;
	v36 =	vadd.s32 s16, v14  }
0x112: {  	v37 =	vor.u32 s18, v0;
	_ =	sdelay $0x1  }
0x113: {  	v32 =	vpsel p6, v63, v32  }
0x114: {  	[tilespmem:$0x10510] =	vst v32  }
0x115: {  	v32 =	vld.idx.msk [tilespmem:v36+s12+$0x0], $0xffff  }
0x116: {  	v38 =	vld.idx.msk [tilespmem:v37+s8+$0x0], $0xffff;
	_ =	sdelay $0x1  }
0x117: {  	v39 =	vadd.s32 s16, v15  }
0x118: {  	v40 =	vor.u32 s18, v1  }
0x119: {  	p2 =	sgt.s32 s4, $0xF41FF  }
0x11a: {  	v32 =	vpsel p2, v38, v32  }
0x11b: {  	[tilespmem:$0x10580] =	vst v32  }
0x11c: {  	v32 =	vld.idx.msk [tilespmem:v39+s12+$0x0], $0xffff  }
0x11d: {  	v41 =	vld.idx.msk [tilespmem:v40+s8+$0x0], $0xffff;
	_ =	sdelay $0x4  }
0x11e: {  	v32 =	vpsel p2, v41, v32  }
0x11f: {  	s16 =	sadd.s32 s15, s7;
	[tilespmem:$0x10590] =	vst v32  }
0x120: {  	[hbm4b:s16+s3] =	stream.linear.scatter [tilespmem:s30], [sflag:$0x2], $0x400, $0x38;
	[tilespmem:$0x11A00] =	vst v63  }
0x121: {  	_ =	swait.ge [sflag:s20], $0x1000  }
0x122: {  	[sflag:s20] =	ssyncset.done $0x0  }
0x123: {  	[sflag:s20] =	ssyncadd.s32 $0xFFFFF000  }
0x124: {  	_ =	swait.ge [sflag:s20], $0x1000  }
0x125: {  	[sflag:s20] =	ssyncset.done $0x0  }
0x126: {  	[sflag:s20] =	ssyncadd.s32 $0xFFFFF000  }
0x127: {  	_ =	swait.ge [sflag:s20], $0x1000  }
0x128: {  	[sflag:s20] =	ssyncset.done $0x0  }
0x129: {  	[sflag:s20] =	ssyncadd.s32 $0xFFFFF000  }
0x12a: {  	_ =	swait.ge [sflag:s20], $0x1000  }
0x12b: {  	[sflag:s20] =	ssyncset.done $0x0  }
0x12c: {  	[sflag:s20] =	ssyncadd.s32 $0xFFFFF000  }
0x12d: {  	_ =	swait.ge [sflag:s20], $0x1000  }
0x12e: {  	[sflag:s20] =	ssyncset.done $0x0  }
0x12f: {  	[sflag:s20] =	ssyncadd.s32 $0xFFFFF000  }
0x130: {  	_ =	swait.ge [sflag:s20], $0x1000  }
0x131: {  	[sflag:s20] =	ssyncset.done $0x0  }
0x132: {  	[sflag:s20] =	ssyncadd.s32 $0xFFFFF000  }
0x133: {  	_ =	swait.ge [sflag:s20], $0x1000  }
0x134: {  	[sflag:s20] =	ssyncset.done $0x0  }
0x135: {  	[sflag:s20] =	ssyncadd.s32 $0xFFFFF000  }
0x136: {  	_ =	swait.ge [sflag:s20], $0x1000  }
0x137: {  	[sflag:s20] =	ssyncset.done $0x0  }
0x138: {  	p0 =	seq.s32 s15, $0x1900;
	[sflag:s20] =	ssyncadd.s32 $0xFFFFF000  }
0x139: {  	v32 =	vld @!p0 [tilespmem:s14+$0x8];
	_ =	sdelay $0x4  }
0x13a: {  	v32 =	vshra.s32 @!p0 v32, $0x7  }
0x13b: {  	(v2sf) =	vpush @!p0 v32, $0x0;
	_ =	sdelay $0x7  }
0x13c: {  	(v2sf) =	vpush @!p0 v32, $0x1;
	_ =	sdelay $0x6  }
0x13d: {  	s17 =	spop @!p0 (v2sf)  }
0x13e: {  	(v2sf) =	vpush @!p0 v32, $0x2;
	p1 =	slt.s32 @!p0 s17, $0x1E83  }
0x13f: {  	p1 =	por !p1, p0  }
0x140: {  	s17 =	simm.s32 @p1 $0x1E83  }
0x141: {  	s17 =	sshll.u32 @!p0 s17, $0x7  }
0x142: {  	s4 =	simm.s32 @!p0 $0x200;
	s17 =	sand.u32 @!p0 $0x1FFFFF80, s17  }
0x143: {  	s18 =	simm.s32 @!p0 $0x7A1400;
	s19 =	sadd.s32 @!p0 s2, s17;
	s17 =	simm.s32 @!p0 $0x400  }
0x144: {  	[tilespmem:s4], [sflag:$0x1] =	stream.strided.gather @!p0 [hbm4b:s19+s17], $0x1000, s18, s17, $0x38;
	[tilespmem:$0x11A00] =	vst v63  }
0x145: {  	s4 =	spop @!p0 (v2sf)  }
0x146: {  	(v2sf) =	vpush @!p0 v32, $0x3;
	p1 =	slt.s32 @!p0 s4, $0x1E83  }
0x147: {  	p1 =	por !p1, p0  }
0x148: {  	s4 =	simm.s32 @p1 $0x1E83  }
0x149: {  	s4 =	sshll.u32 @!p0 s4, $0x7  }
0x14a: {  	s4 =	sand.u32 @!p0 $0x1FFFFF80, s4  }
0x14b: {  	s19 =	simm.s32 @!p0 $0x1200;
	s4 =	sadd.s32 @!p0 s2, s4  }
0x14c: {  	[tilespmem:s19], [sflag:$0x1] =	stream.strided.gather @!p0 [hbm4b:s4+s17], $0x1000, s18, s17, $0x38;
	[tilespmem:$0x11A00] =	vst v63  }
0x14d: {  	s4 =	spop @!p0 (v2sf)  }
0x14e: {  	(v2sf) =	vpush @!p0 v32, $0x4;
	p1 =	slt.s32 @!p0 s4, $0x1E83  }
0x14f: {  	p1 =	por !p1, p0  }
0x150: {  	s4 =	simm.s32 @p1 $0x1E83  }
0x151: {  	s4 =	sshll.u32 @!p0 s4, $0x7  }
0x152: {  	s4 =	sand.u32 @!p0 $0x1FFFFF80, s4  }
0x153: {  	s19 =	simm.s32 @!p0 $0x2200;
	s4 =	sadd.s32 @!p0 s2, s4  }
0x154: {  	[tilespmem:s19], [sflag:$0x1] =	stream.strided.gather @!p0 [hbm4b:s4+s17], $0x1000, s18, s17, $0x38;
	[tilespmem:$0x11A00] =	vst v63  }
0x155: {  	s4 =	spop @!p0 (v2sf)  }
0x156: {  	(v2sf) =	vpush @!p0 v32, $0x5;
	p1 =	slt.s32 @!p0 s4, $0x1E83  }
0x157: {  	p1 =	por !p1, p0  }
0x158: {  	s4 =	simm.s32 @p1 $0x1E83  }
0x159: {  	s4 =	sshll.u32 @!p0 s4, $0x7  }
0x15a: {  	s4 =	sand.u32 @!p0 $0x1FFFFF80, s4  }
0x15b: {  	s19 =	simm.s32 @!p0 $0x3200;
	s4 =	sadd.s32 @!p0 s2, s4  }
0x15c: {  	[tilespmem:s19], [sflag:$0x1] =	stream.strided.gather @!p0 [hbm4b:s4+s17], $0x1000, s18, s17, $0x38;
	[tilespmem:$0x11A00] =	vst v63  }
0x15d: {  	s4 =	spop @!p0 (v2sf)  }
0x15e: {  	(v2sf) =	vpush @!p0 v32, $0x6;
	p1 =	slt.s32 @!p0 s4, $0x1E83  }
0x15f: {  	p1 =	por !p1, p0  }
0x160: {  	s4 =	simm.s32 @p1 $0x1E83  }
0x161: {  	s4 =	sshll.u32 @!p0 s4, $0x7  }
0x162: {  	s4 =	sand.u32 @!p0 $0x1FFFFF80, s4  }
0x163: {  	s19 =	simm.s32 @!p0 $0x4200;
	s4 =	sadd.s32 @!p0 s2, s4  }
0x164: {  	[tilespmem:s19], [sflag:$0x1] =	stream.strided.gather @!p0 [hbm4b:s4+s17], $0x1000, s18, s17, $0x38;
	[tilespmem:$0x11A00] =	vst v63  }
0x165: {  	s4 =	spop @!p0 (v2sf)  }
0x166: {  	(v2sf) =	vpush @!p0 v32, $0x7;
	p1 =	slt.s32 @!p0 s4, $0x1E83  }
0x167: {  	p1 =	por !p1, p0  }
0x168: {  	s4 =	simm.s32 @p1 $0x1E83  }
0x169: {  	s4 =	sshll.u32 @!p0 s4, $0x7  }
0x16a: {  	s4 =	sand.u32 @!p0 $0x1FFFFF80, s4  }
0x16b: {  	s19 =	simm.s32 @!p0 $0x5200;
	s4 =	sadd.s32 @!p0 s2, s4  }
0x16c: {  	[tilespmem:s19], [sflag:$0x1] =	stream.strided.gather @!p0 [hbm4b:s4+s17], $0x1000, s18, s17, $0x38;
	[tilespmem:$0x11A00] =	vst v63  }
0x16d: {  	s4 =	spop @!p0 (v2sf)  }
0x16e: {  	p1 =	slt.s32 @!p0 s4, $0x1E83  }
0x16f: {  	p1 =	por !p1, p0  }
0x170: {  	s4 =	simm.s32 @p1 $0x1E83  }
0x171: {  	s4 =	sshll.u32 @!p0 s4, $0x7  }
0x172: {  	s4 =	sand.u32 @!p0 $0x1FFFFF80, s4  }
0x173: {  	s19 =	simm.s32 @!p0 $0x6200;
	s4 =	sadd.s32 @!p0 s2, s4  }
0x174: {  	[tilespmem:s19], [sflag:$0x1] =	stream.strided.gather @!p0 [hbm4b:s4+s17], $0x1000, s18, s17, $0x38;
	[tilespmem:$0x11A00] =	vst v63  }
0x175: {  	s4 =	spop @!p0 (v2sf)  }
0x176: {  	p1 =	slt.s32 @!p0 s4, $0x1E83  }
0x177: {  	p1 =	por !p1, p0  }
0x178: {  	s4 =	simm.s32 @p1 $0x1E83  }
0x179: {  	s4 =	sshll.u32 @!p0 s4, $0x7  }
0x17a: {  	s4 =	sand.u32 @!p0 $0x1FFFFF80, s4  }
0x17b: {  	s19 =	simm.s32 @!p0 $0x7200;
	p1 =	seq.s32 @!p0 s15, $0x0;
	s4 =	sadd.s32 @!p0 s2, s4  }
0x17c: {  	[tilespmem:s19], [sflag:$0x1] =	stream.strided.gather @!p0 [hbm4b:s4+s17], $0x1000, s18, s17, $0x38;
	[tilespmem:$0x11A00] =	vst v63  }
0x17d: {  	p0 =	por p0, !p1  }
0x17e: {  	_ =	swait.ge @p0 [sflag:s0], $0x400  }
0x17f: {  	[sflag:s0] =	ssyncset.done @p0 $0x0  }
0x180: {  	[sflag:s0] =	ssyncadd.s32 @p0 $0xFFFFFC00  }
0x181: {  	v32 =	vld [tilespmem:s14+$0x0];
	_ =	sdelay $0x4  }
0x182: {  	(v2sf) =	vpush v32, $0x0;
	_ =	sdelay $0xe  }
0x183: {  	s4 =	spop (v2sf);
	(v2sf) =	vpush v32, $0x1  }
0x184: {  	s17 =	sshra.s32 s4, $0x7  }
0x185: {  	p0 =	slt.s32 s17, $0x1E83  }
0x186: {  	s18 =	sadd.s32 $0xFFF0BE00, s4;
	s17 =	simm.s32 @!p0 $0x1E83  }
0x187: {  	p1 =	sgt.s32 s18, $0x0;
	s17 =	sshll.u32 s17, $0x7  }
0x188: {  	s18 =	simm.s32 @!p1 $0x0;
	s17 =	ssub.s32 s4, s17  }
0x189: {  	s18 =	smin.u32 s18, $0x7F;
	p0 =	slt.s32 s17, $0x7F  }
0x18a: {  	v43 =	vor.u32 s18, v0;
	s17 =	simm.s32 @!p0 $0x7F  }
0x18b: {  	v42 =	vadd.s32 s17, v16;
	_ =	sdelay $0x3  }
0x18c: {  	v34 =	vld.idx.msk [tilespmem:v43+s8+$0x0], $0xffff  }
0x18d: {  	v33 =	vld.idx.msk [tilespmem:v42+s12+$0x0], $0xffff;
	_ =	sdelay $0x1  }
0x18e: {  	v44 =	vadd.s32 s17, v17;
	s19 =	spop (v2sf)  }
0x18f: {  	v45 =	vor.u32 s18, v1;
	(v2sf) =	vpush v32, $0x2;
	s18 =	sshra.s32 s19, $0x7  }
0x190: {  	p3 =	sgt.s32 s4, $0xF41FF;
	p1 =	slt.s32 s18, $0x1E83  }
0x191: {  	v33 =	vpsel p3, v34, v33;
	s18 =	simm.s32 @!p1 $0x1E83  }
0x192: {  	[tilespmem:$0x10600] =	vst v33;
	s18 =	sshll.u32 s18, $0x7  }
0x193: {  	v33 =	vld.idx.msk [tilespmem:v44+s12+$0x0], $0xffff;
	s4 =	ssub.s32 s19, s18;
	s18 =	sadd.s32 $0xFFF0BE00, s19  }
0x194: {  	v46 =	vld.idx.msk [tilespmem:v45+s8+$0x0], $0xffff;
	p1 =	slt.s32 s4, $0x7F;
	p2 =	sgt.s32 s18, $0x0  }
0x195: {  	s4 =	simm.s32 @!p1 $0x7F;
	s18 =	simm.s32 @!p2 $0x0  }
0x196: {  	s18 =	smin.u32 s18, $0x7F;
	v47 =	vadd.s32 s4, v18  }
0x197: {  	v48 =	vor.u32 s18, v0;
	_ =	sdelay $0x1  }
0x198: {  	v33 =	vpsel p3, v46, v33  }
0x199: {  	[tilespmem:$0x10610] =	vst v33  }
0x19a: {  	v33 =	vld.idx.msk [tilespmem:v47+s12+$0x0], $0xffff  }
0x19b: {  	v49 =	vld.idx.msk [tilespmem:v48+s8+$0x0], $0xffff;
	_ =	sdelay $0x1  }
0x19c: {  	v50 =	vadd.s32 s4, v19;
	s4 =	spop (v2sf)  }
0x19d: {  	v51 =	vor.u32 s18, v1;
	(v2sf) =	vpush v32, $0x3;
	s18 =	sshra.s32 s4, $0x7  }
0x19e: {  	p4 =	sgt.s32 s19, $0xF41FF;
	p1 =	slt.s32 s18, $0x1E83  }
0x19f: {  	s18 =	simm.s32 @!p1 $0x1E83;
	v33 =	vpsel p4, v49, v33  }
0x1a0: {  	s19 =	sshll.u32 s18, $0x7;
	[tilespmem:$0x10680] =	vst v33  }
0x1a1: {  	s18 =	sadd.s32 $0xFFF0BE00, s4;
	s17 =	ssub.s32 s4, s19;
	v33 =	vld.idx.msk [tilespmem:v50+s12+$0x0], $0xffff  }
0x1a2: {  	p2 =	sgt.s32 s18, $0x0;
	v52 =	vld.idx.msk [tilespmem:v51+s8+$0x0], $0xffff;
	p1 =	slt.s32 s17, $0x7F  }
0x1a3: {  	s18 =	simm.s32 @!p2 $0x0;
	s17 =	simm.s32 @!p1 $0x7F  }
0x1a4: {  	s18 =	smin.u32 s18, $0x7F;
	v53 =	vadd.s32 s17, v20  }
0x1a5: {  	v54 =	vor.u32 s18, v0;
	_ =	sdelay $0x1  }
0x1a6: {  	v33 =	vpsel p4, v52, v33  }
0x1a7: {  	[tilespmem:$0x10690] =	vst v33  }
0x1a8: {  	v33 =	vld.idx.msk [tilespmem:v53+s12+$0x0], $0xffff  }
0x1a9: {  	v55 =	vld.idx.msk [tilespmem:v54+s8+$0x0], $0xffff;
	_ =	sdelay $0x1  }
0x1aa: {  	v56 =	vadd.s32 s17, v21;
	s17 =	spop (v2sf)  }
0x1ab: {  	v57 =	vor.u32 s18, v1;
	(v2sf) =	vpush v32, $0x4;
	s18 =	sshra.s32 s17, $0x7  }
0x1ac: {  	p5 =	sgt.s32 s4, $0xF41FF;
	p1 =	slt.s32 s18, $0x1E83  }
0x1ad: {  	v33 =	vpsel p5, v55, v33;
	s18 =	simm.s32 @!p1 $0x1E83  }
0x1ae: {  	[tilespmem:$0x10700] =	vst v33;
	s18 =	sshll.u32 s18, $0x7  }
0x1af: {  	v33 =	vld.idx.msk [tilespmem:v56+s12+$0x0], $0xffff;
	s4 =	ssub.s32 s17, s18;
	s18 =	sadd.s32 $0xFFF0BE00, s17  }
0x1b0: {  	v58 =	vld.idx.msk [tilespmem:v57+s8+$0x0], $0xffff;
	p1 =	slt.s32 s4, $0x7F;
	p2 =	sgt.s32 s18, $0x0  }
0x1b1: {  	s4 =	simm.s32 @!p1 $0x7F;
	s18 =	simm.s32 @!p2 $0x0  }
0x1b2: {  	s18 =	smin.u32 s18, $0x7F;
	v59 =	vadd.s32 s4, v22  }
0x1b3: {  	v60 =	vor.u32 s18, v0;
	_ =	sdelay $0x1  }
0x1b4: {  	v33 =	vpsel p5, v58, v33  }
0x1b5: {  	[tilespmem:$0x10710] =	vst v33  }
0x1b6: {  	v33 =	vld.idx.msk [tilespmem:v59+s12+$0x0], $0xffff  }
0x1b7: {  	v61 =	vld.idx.msk [tilespmem:v60+s8+$0x0], $0xffff;
	_ =	sdelay $0x1  }
0x1b8: {  	v62 =	vadd.s32 s4, v23;
	s19 =	spop (v2sf)  }
0x1b9: {  	v63 =	vor.u32 s18, v1;
	(v2sf) =	vpush v32, $0x5;
	s18 =	sshra.s32 s19, $0x7  }
0x1ba: {  	p6 =	sgt.s32 s17, $0xF41FF;
	p1 =	slt.s32 s18, $0x1E83  }
0x1bb: {  	s18 =	simm.s32 @!p1 $0x1E83;
	v33 =	vpsel p6, v61, v33  }
0x1bc: {  	s18 =	sshll.u32 s18, $0x7;
	[tilespmem:$0x10780] =	vst v33  }
0x1bd: {  	s17 =	ssub.s32 s19, s18;
	s18 =	sadd.s32 $0xFFF0BE00, s19;
	v33 =	vld.idx.msk [tilespmem:v62+s12+$0x0], $0xffff  }
0x1be: {  	v40 =	vld.idx.msk [tilespmem:v63+s8+$0x0], $0xffff;
	p1 =	slt.s32 s17, $0x7F;
	p2 =	sgt.s32 s18, $0x0  }
0x1bf: {  	s17 =	simm.s32 @!p1 $0x7F;
	s18 =	simm.s32 @!p2 $0x0  }
0x1c0: {  	s18 =	smin.u32 s18, $0x7F;
	v41 =	vadd.s32 s17, v24  }
0x1c1: {  	v42 =	vor.u32 s18, v0;
	_ =	sdelay $0x1  }
0x1c2: {  	v33 =	vpsel p6, v40, v33  }
0x1c3: {  	[tilespmem:$0x10790] =	vst v33  }
0x1c4: {  	v33 =	vld.idx.msk [tilespmem:v41+s12+$0x0], $0xffff  }
0x1c5: {  	v43 =	vld.idx.msk [tilespmem:v42+s8+$0x0], $0xffff;
	_ =	sdelay $0x1  }
0x1c6: {  	v44 =	vadd.s32 s17, v25;
	s17 =	spop (v2sf)  }
0x1c7: {  	v45 =	vor.u32 s18, v1;
	(v2sf) =	vpush v32, $0x6;
	s18 =	sshra.s32 s17, $0x7  }
0x1c8: {  	p3 =	sgt.s32 s19, $0xF41FF;
	p1 =	slt.s32 s18, $0x1E83  }
0x1c9: {  	s18 =	simm.s32 @!p1 $0x1E83;
	v33 =	vpsel p3, v43, v33  }
0x1ca: {  	s19 =	sshll.u32 s18, $0x7;
	[tilespmem:$0x10800] =	vst v33  }
0x1cb: {  	s18 =	sadd.s32 $0xFFF0BE00, s17;
	s4 =	ssub.s32 s17, s19;
	v33 =	vld.idx.msk [tilespmem:v44+s12+$0x0], $0xffff  }
0x1cc: {  	p2 =	sgt.s32 s18, $0x0;
	v46 =	vld.idx.msk [tilespmem:v45+s8+$0x0], $0xffff;
	p1 =	slt.s32 s4, $0x7F  }
0x1cd: {  	s18 =	simm.s32 @!p2 $0x0;
	s4 =	simm.s32 @!p1 $0x7F  }
0x1ce: {  	s18 =	smin.u32 s18, $0x7F;
	v47 =	vadd.s32 s4, v26  }
0x1cf: {  	v48 =	vor.u32 s18, v0;
	_ =	sdelay $0x1  }
0x1d0: {  	v33 =	vpsel p3, v46, v33  }
0x1d1: {  	[tilespmem:$0x10810] =	vst v33  }
0x1d2: {  	v33 =	vld.idx.msk [tilespmem:v47+s12+$0x0], $0xffff  }
0x1d3: {  	v49 =	vld.idx.msk [tilespmem:v48+s8+$0x0], $0xffff;
	_ =	sdelay $0x1  }
0x1d4: {  	v50 =	vadd.s32 s4, v27;
	s4 =	spop (v2sf)  }
0x1d5: {  	v51 =	vor.u32 s18, v1;
	(v2sf) =	vpush v32, $0x7;
	s18 =	sshra.s32 s4, $0x7  }
0x1d6: {  	p4 =	sgt.s32 s17, $0xF41FF;
	p1 =	slt.s32 s18, $0x1E83  }
0x1d7: {  	v33 =	vpsel p4, v49, v33;
	s18 =	simm.s32 @!p1 $0x1E83  }
0x1d8: {  	[tilespmem:$0x10880] =	vst v33;
	s18 =	sshll.u32 s18, $0x7  }
0x1d9: {  	v33 =	vld.idx.msk [tilespmem:v50+s12+$0x0], $0xffff;
	s17 =	ssub.s32 s4, s18;
	s18 =	sadd.s32 $0xFFF0BE00, s4  }
0x1da: {  	v32 =	vld.idx.msk [tilespmem:v51+s8+$0x0], $0xffff;
	p1 =	slt.s32 s17, $0x7F;
	p2 =	sgt.s32 s18, $0x0  }
0x1db: {  	s17 =	simm.s32 @!p1 $0x7F;
	s18 =	simm.s32 @!p2 $0x0  }
0x1dc: {  	s18 =	smin.u32 s18, $0x7F;
	v52 =	vadd.s32 s17, v28  }
0x1dd: {  	v53 =	vor.u32 s18, v0;
	_ =	sdelay $0x1  }
0x1de: {  	v32 =	vpsel p4, v32, v33  }
0x1df: {  	[tilespmem:$0x10890] =	vst v32  }
0x1e0: {  	v32 =	vld.idx.msk [tilespmem:v52+s12+$0x0], $0xffff  }
0x1e1: {  	v54 =	vld.idx.msk [tilespmem:v53+s8+$0x0], $0xffff;
	_ =	sdelay $0x1  }
0x1e2: {  	v55 =	vadd.s32 s17, v29;
	s19 =	spop (v2sf)  }
0x1e3: {  	v56 =	vor.u32 s18, v1;
	s18 =	sshra.s32 s19, $0x7  }
0x1e4: {  	p5 =	sgt.s32 s4, $0xF41FF;
	p1 =	slt.s32 s18, $0x1E83  }
0x1e5: {  	s18 =	simm.s32 @!p1 $0x1E83;
	v32 =	vpsel p5, v54, v32  }
0x1e6: {  	s18 =	sshll.u32 s18, $0x7;
	[tilespmem:$0x10900] =	vst v32  }
0x1e7: {  	s4 =	ssub.s32 s19, s18;
	s18 =	sadd.s32 $0xFFF0BE00, s19;
	v32 =	vld.idx.msk [tilespmem:v55+s12+$0x0], $0xffff  }
0x1e8: {  	v57 =	vld.idx.msk [tilespmem:v56+s8+$0x0], $0xffff;
	p1 =	slt.s32 s4, $0x7F;
	p2 =	sgt.s32 s18, $0x0  }
0x1e9: {  	s4 =	simm.s32 @!p1 $0x7F;
	s18 =	simm.s32 @!p2 $0x0  }
0x1ea: {  	s18 =	smin.u32 s18, $0x7F;
	v58 =	vadd.s32 s4, v30  }
0x1eb: {  	v59 =	vor.u32 s18, v0;
	_ =	sdelay $0x1  }
0x1ec: {  	v32 =	vpsel p5, v57, v32  }
0x1ed: {  	[tilespmem:$0x10910] =	vst v32  }
0x1ee: {  	v32 =	vld.idx.msk [tilespmem:v58+s12+$0x0], $0xffff  }
0x1ef: {  	v60 =	vld.idx.msk [tilespmem:v59+s8+$0x0], $0xffff;
	_ =	sdelay $0x1  }
0x1f0: {  	v61 =	vadd.s32 s4, v31  }
0x1f1: {  	v62 =	vor.u32 s18, v1  }
0x1f2: {  	p6 =	sgt.s32 s19, $0xF41FF  }
0x1f3: {  	v32 =	vpsel p6, v60, v32  }
0x1f4: {  	[tilespmem:$0x10980] =	vst v32  }
0x1f5: {  	v32 =	vld.idx.msk [tilespmem:v61+s12+$0x0], $0xffff  }
0x1f6: {  	v63 =	vld.idx.msk [tilespmem:v62+s8+$0x0], $0xffff  }
0x1f7: {  	s15 =	sadd.s32 $0x100, s15  }
0x1f8: {  	p0 =	sne.s32 s15, $0x1A00  }
.Ltmp0:
0x1f9: {  	_ = 	snop;
	(pc) =	sbr.rel @p0 .LBB2_2-.Ltmp0, $4  }
0x1fa: {  	_ = 	snop  }
0x1fb: {  	v32 =	vpsel p6, v63, v32  }
0x1fc: {  	s14 =	sadd.s32 $0x10, s14;
	s19 =	sadd.s32 $0x80, s16;
	[tilespmem:$0x10990] =	vst v32  }
0x1fd: {  	[hbm4b:s19+s3] =	stream.linear.scatter [tilespmem:s31], [sflag:$0x3], $0x400, $0x38;
	[tilespmem:$0x11A00] =	vst v63  }
0x1fe: {  	s13 =	sadd.s32 $0x1, s13  }
0x1ff: {  	_ =	swait.ge [sflag:s1], $0x400;
	p0 =	sne.s32 s13, s6  }
.Ltmp1:
0x200: {  	[sflag:s1] =	ssyncset.done $0x0;
	(pc) =	sbr.rel @p0 .LBB2_1-.Ltmp1, $4  }
0x201: {  	[sflag:s1] =	ssyncadd.s32 $0xFFFFFC00  }
0x202: {  	_ =	swait.ge [sflag:s0], $0x400  }
0x203: {  	[sflag:s0] =	ssyncset.done $0x0  }
0x204: {  	[sflag:s0] =	ssyncadd.s32 $0xFFFFFC00  }
0x205: {  	_ =	sfence.sel $0x180000  }
0x206: {  	[bflag:$0x0] =	sbarrier.arrive $0xFFFF  }
0x207: {  	_ =	strace $0x90000047  }
0x208: {  	s0 =	stileid.u32;
	[bflag:$0x2] =	sbarrier.arrive $0xFFFF  }
0x209: {  	p0 =	sne.s32 s0, $0x0;
	s0 =	rddreg [dreg:$0x3]  }
0x20a: {  	s0 =	sadd.s32 @!p0 $0x100000, s0  }
0x20b: {  	[sflag:s0] =	ssyncadd.tile.s32 @!p0 $0x1;
	_ =	shalt  }
.Lfunc_end2:
_tile_overlayer_lowered:
.L_overlay_start_2:
0x20c: {  	(tag) =	ssettag $0x2  }
0x20d: {  	s0 =	rddreg [dreg:$0x0];
	s2 =	stileid.u32  }
0x20e: {  	s1 =	rddreg [dreg:$0x1];
	p0 =	sne.s32 s2, $0x0  }
0x20f: {  	s3 =	rddreg [dreg:$0x2];
	[bflag:$0x3] =	sbarrier.arrive $0xFFFF;
	s2 =	simm.s32 @!p0 $0x1C04  }
0x210: {  	[timem:s3], [sflag:s2] =	dma.local @!p0 [hbm:s0], s1  }
0x211: {  	s0 =	simm.s32 @!p0 $0x4  }
0x212: {  	_ =	swait.ge @!p0 [sflag:s0], s1  }
0x213: {  	s1 =	ssub.s32 @!p0 $0x0, s1;
	[sflag:s0] =	ssyncset.done @!p0 $0x0  }
0x214: {  	[sflag:s0] =	ssyncadd.s32 @!p0 s1  }
0x215: {  	[bflag:$0x3] =	sbarrier.arrive $0xFFFF  }
0x216: {  	_ =	shalt  }

// kernel: kernel.9.cloned.1.call-start
scs
__scs_entry_jumppad:
0x0: {  	(pc) =	sbr.rel $0x88, $3  }
0x1: {  	(tag) =	ssettag $0x0;
	lr =	simm.s32 $0x1  }
0x2: {  	[smem:$0x3F9D] =	sst lr;
	_ =	strace $0xD0000000  }
0x3: {  	_ = 	snop  }
0x4: {  	_ = 	snop  }
0x5: {  	_ = 	snop  }
0x6: {  	_ = 	snop  }
0x7: {  	_ = 	snop  }
__scs_overlays_trampoline_lowered:
0x8: {  	[smem:$0x3FAC] =	sst s0  }
0x9: {  	[smem:$0x3FAD] =	sst s1  }
0xa: {  	[smem:$0x3FAE] =	sst s2  }
0xb: {  	[smem:$0x3FAF] =	sst s3  }
0xc: {  	[smem:$0x3FB0] =	sst s4  }
0xd: {  	[smem:$0x3FB1] =	sst s5  }
0xe: {  	[smem:$0x3FB2] =	sst s6  }
0xf: {  	[smem:$0x3FB3] =	sst s7  }
0x10: {  	[smem:$0x3FB4] =	sst s8  }
0x11: {  	[smem:$0x3FB5] =	sst s9;
	s0 =	simm.s32 @!p0 $0x0  }
0x12: {  	s1 =	sld [smem:$0x3F9B];
	s0 =	simm.s32 @p0 $0x1  }
0x13: {  	[smem:$0x3FB6] =	sst s0;
	s0 =	simm.s32 @!p1 $0x0  }
0x14: {  	s2 =	sld [smem:$0x3F9A];
	s0 =	simm.s32 @p1 $0x1  }
0x15: {  	[smem:$0x3FB7] =	sst s0;
	s0 =	simm.s32 @!p2 $0x0  }
0x16: {  	s3 =	sld [smem:$0x3FDB];
	s0 =	simm.s32 @p2 $0x1  }
0x17: {  	s4 =	simm.s32 $0x1BF5;
	[smem:$0x3FB9] =	sst s0  }
0x18: {  	s0 =	sld [smem:$0x3F9C];
	_ =	swait.ge [sflag:s4], $0x0  }
0x19: {  	s7 =	sld [smem:$0x3F9D]  }
0x1a: {  	s8 =	sadd.s32 $0xFFFFE003, lr  }
0x1b: {  	s9 =	sadd.s32 $0xFFFFFEF7, lr;
	s5 =	simm.s32 $0xFFFFFFFF;
	p2 =	slt.u32 s8, $0xFFFFF086  }
0x1c: {  	p1 =	slt.u32 s9, $0xF7A;
	s5 =	simm.s32 @!p2 $0x0  }
0x1d: {  	s5 =	simm.s32 @p1 $0x1;
	p0 =	seq.s32 s7, s2  }
0x1e: {  	s7 =	smul.u32 @!p0 $0xF7A, s2;
	p2 =	seq.s32 @!p0 s5, $0x0  }
0x1f: {  	s9 =	smul.u32 $0xF7A, s1;
	s8 =	simm.s32 @!p0 $0x1BF5;
	p2 =	por !p2, p0  }
0x20: {  	[sflag:s8] =	ssyncset.s32 @!p0 $0xFFFFF086;
	s6 =	sadd.s32 @!p0 s3, s7;
	s7 =	simm.s32 @!p0 $0x108  }
0x21: {  	s3 =	sadd.s32 s3, s9;
	s6 =	sadd.s32 @!p0 $0x88, s6;
	s7 =	simm.s32 @p2 $0x1082  }
0x22: {  	[simem:s7], [sflag:s8] =	dma.local @!p0 [hbm:s6], $0xF7A  }
0x23: {  	s9 =	sor.u32 $0xD0000000, s2;
	s6 =	simm.s32 $0x108;
	_ =	swait.ge @!p0 [sflag:s8], $0x0  }
0x24: {  	s3 =	sadd.s32 $0x88, s3;
	s6 =	simm.s32 @!p1 $0x1082;
	[sflag:s4] =	ssyncset.s32 $0xFFFFF086  }
0x25: {  	[simem:s6], [sflag:s4] =	dma.local [hbm:s3], $0xF7A  }
0x26: {  	[smem:$0x3F9D] =	sst s1;
	(tag) =	ssettag s2;
	_ =	strace s9  }
0x27: {  	s1 =	sld [smem:$0x3FAD]  }
0x28: {  	s2 =	sld [smem:$0x3FAE]  }
0x29: {  	s4 =	sld [smem:$0x3FB0]  }
0x2a: {  	p0 =	seq.s32 s5, $0x0;
	s5 =	sld [smem:$0x3FB1]  }
0x2b: {  	s6 =	sld [smem:$0x3FB2]  }
0x2c: {  	s7 =	sld [smem:$0x3FB3]  }
0x2d: {  	s3 =	simm.s32 $0x108;
	s8 =	sld [smem:$0x3FB4]  }
0x2e: {  	s3 =	simm.s32 @!p0 $0x1082;
	s9 =	sld [smem:$0x3FB5]  }
0x2f: {  	lr =	sadd.s32 s0, s3;
	s0 =	sld [smem:$0x3FAC]  }
0x30: {  	s3 =	sld [smem:$0x3FAF]  }
0x31: {  	[smem:$0x3FB8] =	sst s10  }
0x32: {  	s10 =	sld [smem:$0x3FB6];
	_ =	sdelay $0x3  }
0x33: {  	p0 =	seq.s32 s10, $0x1;
	s10 =	sld [smem:$0x3FB8];
	_ =	sdelay $0x3  }
0x34: {  	[smem:$0x3FB8] =	sst s10  }
0x35: {  	s10 =	sld [smem:$0x3FB7];
	_ =	sdelay $0x3  }
0x36: {  	p1 =	seq.s32 s10, $0x1;
	s10 =	sld [smem:$0x3FB8];
	_ =	sdelay $0x3  }
0x37: {  	[smem:$0x3FB8] =	sst s10  }
0x38: {  	s10 =	sld [smem:$0x3FB9]  }
0x39: {  	_ = 	snop;
	(pc) =	sbr.ind lr, $3  }
0x3a: {  	_ = 	snop  }
0x3b: {  	_ = 	snop  }
0x3c: {  	p2 =	seq.s32 s10, $0x1;
	s10 =	sld [smem:$0x3FB8]  }
0x3d: {  	_ =	shalt  }
0x3e: {  	_ =	shalt  }
0x3f: {  	_ =	shalt  }
0x40: {  	_ =	shalt  }
0x41: {  	_ =	shalt  }
0x42: {  	_ =	shalt  }
0x43: {  	_ =	shalt  }
0x44: {  	_ =	shalt  }
0x45: {  	_ =	shalt  }
0x46: {  	_ =	shalt  }
0x47: {  	_ =	shalt  }
0x48: {  	_ =	shalt  }
0x49: {  	_ =	shalt  }
0x4a: {  	_ =	shalt  }
0x4b: {  	_ =	shalt  }
0x4c: {  	_ =	shalt  }
0x4d: {  	_ =	shalt  }
0x4e: {  	_ =	shalt  }
0x4f: {  	_ =	shalt  }
0x50: {  	_ =	shalt  }
0x51: {  	_ =	shalt  }
0x52: {  	_ =	shalt  }
0x53: {  	_ =	shalt  }
0x54: {  	_ =	shalt  }
0x55: {  	_ =	shalt  }
0x56: {  	_ =	shalt  }
0x57: {  	_ =	shalt  }
0x58: {  	_ =	shalt  }
0x59: {  	_ =	shalt  }
0x5a: {  	_ =	shalt  }
0x5b: {  	_ =	shalt  }
0x5c: {  	_ =	shalt  }
0x5d: {  	_ =	shalt  }
0x5e: {  	_ =	shalt  }
0x5f: {  	_ =	shalt  }
0x60: {  	_ =	shalt  }
0x61: {  	_ =	shalt  }
0x62: {  	_ =	shalt  }
0x63: {  	_ =	shalt  }
0x64: {  	_ =	shalt  }
0x65: {  	_ =	shalt  }
0x66: {  	_ =	shalt  }
0x67: {  	_ =	shalt  }
0x68: {  	_ =	shalt  }
0x69: {  	_ =	shalt  }
0x6a: {  	_ =	shalt  }
0x6b: {  	_ =	shalt  }
0x6c: {  	_ =	shalt  }
0x6d: {  	_ =	shalt  }
0x6e: {  	_ =	shalt  }
0x6f: {  	_ =	shalt  }
0x70: {  	_ =	shalt  }
0x71: {  	_ =	shalt  }
0x72: {  	_ =	shalt  }
0x73: {  	_ =	shalt  }
0x74: {  	_ =	shalt  }
0x75: {  	_ =	shalt  }
0x76: {  	_ =	shalt  }
0x77: {  	_ =	shalt  }
0x78: {  	_ =	shalt  }
0x79: {  	_ =	shalt  }
0x7a: {  	_ =	shalt  }
0x7b: {  	_ =	shalt  }
0x7c: {  	_ =	shalt  }
0x7d: {  	_ =	shalt  }
0x7e: {  	_ =	shalt  }
0x7f: {  	_ =	shalt  }
0x80: {  	_ =	shalt  }
0x81: {  	_ =	shalt  }
0x82: {  	_ =	shalt  }
0x83: {  	_ =	shalt  }
0x84: {  	_ =	shalt  }
0x85: {  	_ =	shalt  }
0x86: {  	_ =	shalt  }
0x87: {  	_ =	shalt  }
.Lfunc_end0:
.L_simem_size_0:
called_computation.1_lowered:
.L_overlay_start_0:
0x88: {  	s2 =	sld [smem:$0x3FD9]  }
0x89: {  	s3 =	sld [smem:$0x3FFE];
	_ =	sdelay $0x1  }
0x8a: {  	s1 =	srdreg.scid  }
0x8b: {  	s0 =	sand.u32 $0x1, s1  }
0x8c: {  	s17 =	sshll.u32 s0, $0xA;
	s2 =	sadd.s32 s3, s2  }
0x8d: {  	s2 =	sadd.s32 s2, s17  }
0x8e: {  	[smem:$0x3FC4] =	sst s2  }
0x8f: {  	_ = 	snop  }
0x90: {  	s18 =	sld [smem:$0x3FC6];
	(tm) =	ssettm $0x1  }
0x91: {  	s19 =	sld [smem:$0x3FFB];
	_ =	sdelay $0x3  }
0x92: {  	_ =	strace s19  }
0x93: {  	s2 =	sld [smem:$0x3FFC];
	_ =	sdelay $0x3  }
0x94: {  	_ =	strace s2  }
0x95: {  	s2 =	sld [smem:$0x3FFD];
	_ =	sdelay $0x3  }
0x96: {  	_ =	strace s2  }
0x97: {  	_ =	strace $0x8FFFFFFF  }
0x98: {  	s20 =	sld [smem:$0x3FDB];
	_ =	sdelay $0x1  }
0x99: {  	s4 =	simm.s32 $_scs_section_size  }
0x9a: {  	s5 =	simm.s32 $_size__tile_overlayer_lowered;
	s6 =	simm.s32 $_tile_overlayer_lowered  }
0x9b: {  	s7 =	simm.s32 $0x1BFF;
	s21 =	sshll.u32 s6, $0x1;
	s4 =	sadd.s32 s4, s20  }
0x9c: {  	s22 =	simm.s32 $0x0;
	s5 =	sshll.u32 s5, $0x1;
	s6 =	sadd.s32 s21, s4  }
0x9d: {  	[timem:s22], [sflag:s7] =	dma.local [hbm:s6], s5  }
0x9e: {  	_ =	swait.ge [sflag:s7], s5  }
0x9f: {  	s5 =	ssub.s32 $0x0, s5;
	[sflag:s7] =	ssyncset.done $0x0  }
0xa0: {  	[sflag:s7] =	ssyncadd.s32 s5;
	_ =	sdelay $0x1  }
0xa1: {  	s23 =	simm.s32 $0x1B8B  }
0xa2: {  	_ =	swait.ge [sflag:s23], $0x1  }
0xa3: {  	[sflag:s23] =	ssyncset.done $0x0  }
0xa4: {  	[sflag:s23] =	ssyncadd.s32 $0xFFFFFFFF  }
0xa5: {  	s5 =	sld [smem:$0x0]  }
0xa6: {  	s6 =	sand.u32 $0xFFFFFFFE, s1  }
0xa7: {  	p0 =	sne.s32 s1, s6  }
0xa8: {  	s6 =	sshll.u32 @p0 s6, $0xE  }
0xa9: {  	s6 =	sadd.s32 @p0 $0x11B8D, s6;
	s7 =	sshll.u32 @p0 s5, $0x11  }
0xaa: {  	s6 =	sor.u32 @p0 s7, s6  }
0xab: {  	[sflag:s6] =	ssyncadd.remote.s32 @p0 $0x1;
	_ =	sdelay $0x1  }
0xac: {  	s6 =	simm.s32 @p0 $0x1B8D  }
0xad: {  	_ =	swait.eq @p0 [sflag:s6], $0x1  }
0xae: {  	[sflag:s6] =	ssyncadd.s32 @p0 $0xFFFFFFFF  }
0xaf: {  	s7 =	sshll.u32 @!p0 s1, $0xE  }
0xb0: {  	s7 =	sor.u32 @!p0 $0x4000, s7;
	s6 =	simm.s32 @!p0 $0x1B8D  }
0xb1: {  	s5 =	sshll.u32 @!p0 s5, $0x11;
	s7 =	sadd.s32 @!p0 $0x11B8D, s7;
	_ =	swait.eq @!p0 [sflag:s6], $0x1  }
0xb2: {  	s5 =	sor.u32 @!p0 s5, s7;
	[sflag:s6] =	ssyncadd.s32 @!p0 $0xFFFFFFFF  }
0xb3: {  	s25 =	simm.s32 $0x1B8E;
	s24 =	sld [smem:$0x3FFE];
	[sflag:s5] =	ssyncadd.remote.s32 @!p0 $0x1  }
0xb4: {  	s26 =	simm.s32 $execute0_lowered;
	[smem:$0x3FD2] =	sst s25  }
0xb5: {  	s6 =	sshll.u32 s26, $0x1;
	_ =	strace $0x80000049;
	[dreg:$0x1] =	wrdreg $0xFFFFFFFF  }
0xb6: {  	s28 =	simm.s32 $_size_execute0_lowered;
	s4 =	sadd.s32 s4, s6;
	[dreg:$0x0] =	wrdreg $0x0  }
0xb7: {  	s6 =	sshll.u32 s28, $0x1;
	[dreg:$0x2] =	wrdreg s4  }
0xb8: {  	[dreg:$0x3] =	wrdreg s6  }
0xb9: {  	[dreg:$0x4] =	wrdreg $0xC0  }
0xba: {  	_ =	task [dreg:s22], $0x5FFFF  }
0xbb: {  	[dreg:$0x1] =	wrdreg $0xFFFFFFFF  }
0xbc: {  	[dreg:$0x0] =	wrdreg $0x60  }
0xbd: {  	[dreg:$0x2] =	wrdreg s24  }
0xbe: {  	[dreg:$0x3] =	wrdreg s18  }
0xbf: {  	[dreg:$0x4] =	wrdreg $0xA  }
0xc0: {  	_ =	task.clear_ibuf [dreg:s22], $0x5FFFF;
	_ =	strace $0x90000049  }
0xc1: {  	s29 =	simm.s32 $0xA;
	_ =	strace $0x8000004B  }
0xc2: {  	_ =	swait.ge [sflag:s29], $0x1  }
0xc3: {  	[sflag:s29] =	ssyncadd.s32 $0xFFFFFFFF  }
0xc4: {  	_ =	strace $0x9000004B  }
0xc5: {  	_ =	sfence  }
0xc6: {  	s30 =	sld [smem:$0x0];
	_ =	sdelay $0x2  }
0xc7: {  	s31 =	sshll.u32 s1, $0xD;
	s1 =	sshrl.u32 s1, $0x2  }
0xc8: {  	s4 =	sand.u32 $0x4000, s31;
	s1 =	sadd.s32 s1, s30  }
0xc9: {  	s0 =	sor.u32 s4, s0;
	s1 =	sshll.u32 s1, $0x11  }
0xca: {  	s0 =	sor.u32 s1, s0  }
0xcb: {  	s0 =	sadd.s32 $0x8F2B, s0  }
0xcc: {  	[sflag:s0] =	ssyncadd.remote.s32 $0x1  }
0xcd: {  	_ =	sfence.sel $0xFFFF  }
0xce: {  	[dreg:$0x0] =	wrdreg $0xFFFFFFFF;
	(pc) =	sbr.abs _section_cstart, $3  }
0xcf: {  	[dreg:$0x1] =	wrdreg $0xFFFFFFFF  }
0xd0: {  	_ =	task.clear_ibuf [dreg:s22], $0x2FFFF;
	_ =	strace $0x9FFFFFFF  }
0xd1: {  	(tm) =	ssettm $0x7FFFFFFF  }
tec
execute0_lowered:
.L_overlay_start_1:
0x0: {  	(tag) =	ssettag $0x1  }
0x1: {  	s0 =	rddreg [dreg:$0x0];
	s1 =	srdreg.scid  }
0x2: {  	s5 =	stileid.u32;
	s2 =	rddreg [dreg:$0x1];
	s3 =	simm.s32 $0x0;
	v0 =	vlaneseq.u32  }
0x3: {  	s9 =	simm.s32 $0x10880;
	s10 =	simm.s32 $0x400;
	s11 =	simm.s32 $0x7A1400;
	v0 =	vmul.u32 $0x80, v0  }
0x4: {  	s12 =	simm.s32 $0x80;
	s20 =	simm.s32 $0x1;
	s21 =	simm.s32 $0x8080  }
0x5: {  	s22 =	simm.s32 $0x9080;
	s23 =	simm.s32 $0xA080;
	s24 =	simm.s32 $0xB080;
	v1 =	vor.u32 $0x800, v0  }
0x6: {  	s25 =	simm.s32 $0xC080;
	s28 =	simm.s32 $0xE080;
	s29 =	simm.s32 $0xF080;
	v2 =	vor.u32 $0x1000, v0;
	v3 =	vor.u32 $0x1800, v0;
	v4 =	vor.u32 $0x2000, v0  }
0x7: {  	s30 =	simm.s32 $0x10080;
	s31 =	simm.s32 $0x10480;
	s13 =	simm.s32 $0x0;
	v5 =	vor.u32 $0x2800, v0;
	v6 =	vor.u32 $0x3000, v0;
	v7 =	vor.u32 $0x3800, v0  }
0x8: {  	s1 =	sand.u32 $0x1, s1;
	s4 =	sshll.u32 s5, $0x1;
	[smem:$0x7FF] =	sst s3;
	v8 =	vor.u32 $0x4000, v0;
	v9 =	vor.u32 $0x4800, v0;
	v10 =	vor.u32 $0x5000, v0  }
0x9: {  	s5 =	smul.u32 $0xC00, s5;
	s26 =	sadd.s32 $0xC00, s0;
	s4 =	sor.u32 s1, s4;
	v11 =	vor.u32 $0x5800, v0;
	v12 =	vor.u32 $0x6000, v0;
	v13 =	vor.u32 $0x6800, v0  }
0xa: {  	_ =	strace $0x8000004A;
	s6 =	ssub.s32 $0x2, s1;
	s4 =	smul.u32 $0x60, s4;
	v14 =	vor.u32 $0x7000, v0;
	v15 =	vor.u32 $0x7800, v0;
	v16 =	vor.u32 $0x8000, v0  }
0xb: {  	s1 =	smul.u32 $0x600, s1;
	[dreg:$0x3] =	wrdreg s26;
	s8 =	sshrl.u32 s6, $0x1;
	v17 =	vor.u32 $0x8800, v0;
	v18 =	vor.u32 $0x9000, v0;
	v19 =	vor.u32 $0x9800, v0  }
0xc: {  	s26 =	simm.s32 $0xD080;
	v20 =	vor.u32 $0xA000, v0;
	v21 =	vor.u32 $0xA800, v0;
	v22 =	vor.u32 $0xB000, v0;
	s6 =	ssub.s32 s6, s8;
	s4 =	sshrl.u32 s4, $0x3  }
0xd: {  	v23 =	vor.u32 $0xB800, v0;
	v24 =	vor.u32 $0xC000, v0;
	v25 =	vor.u32 $0xC800, v0;
	s8 =	simm.s32 $0x4;
	s7 =	sadd.s32 s4, s0;
	s0 =	sadd.s32 s5, s0  }
0xe: {  	v26 =	vor.u32 $0xD000, v0;
	v27 =	vor.u32 $0xD800, v0;
	v28 =	vor.u32 $0xE000, v0;
	s6 =	smax.u32 s6, $0x1;
	s5 =	sadd.s32 $0x1600, s7;
	s0 =	sadd.s32 s1, s0  }
0xf: {  	v29 =	vor.u32 $0xE800, v0;
	v30 =	vor.u32 $0xF000, v0;
	v31 =	vor.u32 $0xF800, v0;
	s1 =	simm.s32 $0x2;
	s7 =	sadd.s32 $0x1800, s0;
	s0 =	simm.s32 $0x3  }
.LBB2_1:
0x10: {  	[tilespmem:s3], [sflag:$0x4] =	stream.linear.gather [hbm4b:s5+s3], $0x60, $0x38;
	[tilespmem:$0x11880] =	vst v63  }
0x11: {  	_ =	swait.ge [sflag:s8], $0x60  }
0x12: {  	[sflag:s8] =	ssyncset.done $0x0  }
0x13: {  	s4 =	rddreg [dreg:$0x3];
	[sflag:s8] =	ssyncadd.s32 $0xFFFFFFA0  }
0x14: {  	[tilespmem:s9], [sflag:$0x4] =	stream.linear.gather [hbm4b:s4+s3], $0x1000, $0x38;
	[tilespmem:$0x11880] =	vst v63  }
0x15: {  	_ =	swait.ge [sflag:s8], $0x1000  }
0x16: {  	[sflag:s8] =	ssyncset.done $0x0  }
0x17: {  	[sflag:s8] =	ssyncadd.s32 $0xFFFFF000  }
0x18: {  	v32 =	vld [tilespmem:$0x0];
	_ =	sdelay $0x4  }
0x19: {  	v32 =	vshra.s32 v32, $0x7  }
0x1a: {  	(v2sf) =	vpush v32, $0x0;
	_ =	sdelay $0x6  }
0x1b: {  	(v2sf) =	vpush v32, $0x1;
	_ =	sdelay $0x6  }
0x1c: {  	(v2sf) =	vpush v32, $0x2  }
0x1d: {  	s14 =	spop (v2sf)  }
0x1e: {  	p0 =	slt.s32 s14, $0x1E83  }
0x1f: {  	s14 =	simm.s32 @!p0 $0x1E83  }
0x20: {  	s14 =	sshll.u32 s14, $0x7  }
0x21: {  	s14 =	sand.u32 $0x1FFFFF80, s14  }
0x22: {  	s14 =	sadd.s32 s2, s14  }
0x23: {  	(v2sf) =	vpush v32, $0x3;
	[tilespmem:s12], [sflag:$0x1] =	stream.strided.gather [hbm4b:s14+s10], $0x1000, s11, s10, $0x38;
	[tilespmem:$0x11880] =	vst v63  }
0x24: {  	s14 =	spop (v2sf)  }
0x25: {  	p0 =	slt.s32 s14, $0x1E83  }
0x26: {  	s14 =	simm.s32 @!p0 $0x1E83  }
0x27: {  	s14 =	sshll.u32 s14, $0x7  }
0x28: {  	s14 =	sand.u32 $0x1FFFFF80, s14  }
0x29: {  	s16 =	simm.s32 $0x1080;
	s14 =	sadd.s32 s2, s14  }
0x2a: {  	(v2sf) =	vpush v32, $0x4;
	[tilespmem:s16], [sflag:$0x1] =	stream.strided.gather [hbm4b:s14+s10], $0x1000, s11, s10, $0x38;
	[tilespmem:$0x11880] =	vst v63  }
0x2b: {  	s14 =	spop (v2sf)  }
0x2c: {  	p0 =	slt.s32 s14, $0x1E83  }
0x2d: {  	(v2sf) =	vpush v32, $0x5;
	s14 =	simm.s32 @!p0 $0x1E83  }
0x2e: {  	s14 =	sshll.u32 s14, $0x7  }
0x2f: {  	s14 =	sand.u32 $0x1FFFFF80, s14  }
0x30: {  	s17 =	simm.s32 $0x2080;
	s14 =	sadd.s32 s2, s14  }
0x31: {  	[tilespmem:s17], [sflag:$0x1] =	stream.strided.gather [hbm4b:s14+s10], $0x1000, s11, s10, $0x38;
	[tilespmem:$0x11880] =	vst v63  }
0x32: {  	s14 =	spop (v2sf)  }
0x33: {  	(v2sf) =	vpush v32, $0x6;
	p0 =	slt.s32 s14, $0x1E83  }
0x34: {  	s14 =	simm.s32 @!p0 $0x1E83  }
0x35: {  	s14 =	sshll.u32 s14, $0x7  }
0x36: {  	s14 =	sand.u32 $0x1FFFFF80, s14  }
0x37: {  	s18 =	simm.s32 $0x3080;
	s14 =	sadd.s32 s2, s14  }
0x38: {  	[tilespmem:s18], [sflag:$0x1] =	stream.strided.gather [hbm4b:s14+s10], $0x1000, s11, s10, $0x38;
	[tilespmem:$0x11880] =	vst v63  }
0x39: {  	s14 =	spop (v2sf)  }
0x3a: {  	p0 =	slt.s32 s14, $0x1E83  }
0x3b: {  	(v2sf) =	vpush v32, $0x7;
	s14 =	simm.s32 @!p0 $0x1E83  }
0x3c: {  	s14 =	sshll.u32 s14, $0x7;
	s15 =	spop (v2sf)  }
0x3d: {  	s14 =	sand.u32 $0x1FFFFF80, s14;
	p0 =	slt.s32 s15, $0x1E83  }
0x3e: {  	s19 =	simm.s32 $0x4080;
	s14 =	sadd.s32 s2, s14;
	s15 =	simm.s32 @!p0 $0x1E83  }
0x3f: {  	[tilespmem:s19], [sflag:$0x1] =	stream.strided.gather [hbm4b:s14+s10], $0x1000, s11, s10, $0x38;
	[tilespmem:$0x11880] =	vst v63  }
0x40: {  	s15 =	sshll.u32 s15, $0x7  }
0x41: {  	s14 =	sand.u32 $0x1FFFFF80, s15  }
0x42: {  	s16 =	simm.s32 $0x5080;
	s14 =	sadd.s32 s2, s14;
	s15 =	spop (v2sf)  }
0x43: {  	[tilespmem:s16], [sflag:$0x1] =	stream.strided.gather [hbm4b:s14+s10], $0x1000, s11, s10, $0x38;
	[tilespmem:$0x11880] =	vst v63  }
0x44: {  	p0 =	slt.s32 s15, $0x1E83  }
0x45: {  	s15 =	simm.s32 @!p0 $0x1E83  }
0x46: {  	s17 =	sshll.u32 s15, $0x7  }
0x47: {  	s14 =	sand.u32 $0x1FFFFF80, s17  }
0x48: {  	s18 =	simm.s32 $0x6080;
	s14 =	sadd.s32 s2, s14  }
0x49: {  	[tilespmem:s18], [sflag:$0x1] =	stream.strided.gather [hbm4b:s14+s10], $0x1000, s11, s10, $0x38;
	[tilespmem:$0x11880] =	vst v63  }
0x4a: {  	s14 =	spop (v2sf)  }
0x4b: {  	p0 =	slt.s32 s14, $0x1E83  }
0x4c: {  	s14 =	simm.s32 @!p0 $0x1E83  }
0x4d: {  	s14 =	sshll.u32 s14, $0x7  }
0x4e: {  	s14 =	sand.u32 $0x1FFFFF80, s14  }
0x4f: {  	s19 =	simm.s32 $0x7080;
	s14 =	sadd.s32 s2, s14  }
0x50: {  	[tilespmem:s19], [sflag:$0x1] =	stream.strided.gather [hbm4b:s14+s10], $0x1000, s11, s10, $0x38;
	[tilespmem:$0x11880] =	vst v63  }
0x51: {  	s15 =	simm.s32 $0x0;
	s14 =	simm.s32 $0x8  }
.LBB2_2:
0x52: {  	_ =	swait.ge [sflag:s20], $0x1000  }
0x53: {  	[sflag:s20] =	ssyncset.done $0x0  }
0x54: {  	[sflag:s20] =	ssyncadd.s32 $0xFFFFF000  }
0x55: {  	_ =	swait.ge [sflag:s20], $0x1000  }
0x56: {  	[sflag:s20] =	ssyncset.done $0x0  }
0x57: {  	[sflag:s20] =	ssyncadd.s32 $0xFFFFF000  }
0x58: {  	_ =	swait.ge [sflag:s20], $0x1000  }
0x59: {  	[sflag:s20] =	ssyncset.done $0x0  }
0x5a: {  	[sflag:s20] =	ssyncadd.s32 $0xFFFFF000  }
0x5b: {  	_ =	swait.ge [sflag:s20], $0x1000  }
0x5c: {  	[sflag:s20] =	ssyncset.done $0x0  }
0x5d: {  	[sflag:s20] =	ssyncadd.s32 $0xFFFFF000  }
0x5e: {  	_ =	swait.ge [sflag:s20], $0x1000  }
0x5f: {  	[sflag:s20] =	ssyncset.done $0x0  }
0x60: {  	[sflag:s20] =	ssyncadd.s32 $0xFFFFF000  }
0x61: {  	_ =	swait.ge [sflag:s20], $0x1000  }
0x62: {  	[sflag:s20] =	ssyncset.done $0x0  }
0x63: {  	[sflag:s20] =	ssyncadd.s32 $0xFFFFF000  }
0x64: {  	_ =	swait.ge [sflag:s20], $0x1000  }
0x65: {  	[sflag:s20] =	ssyncset.done $0x0  }
0x66: {  	[sflag:s20] =	ssyncadd.s32 $0xFFFFF000  }
0x67: {  	_ =	swait.ge [sflag:s20], $0x1000  }
0x68: {  	[sflag:s20] =	ssyncset.done $0x0  }
0x69: {  	[sflag:s20] =	ssyncadd.s32 $0xFFFFF000  }
0x6a: {  	v32 =	vld [tilespmem:s14+$0x0];
	_ =	sdelay $0x4  }
0x6b: {  	v32 =	vshra.s32 v32, $0x7  }
0x6c: {  	(v2sf) =	vpush v32, $0x0;
	_ =	sdelay $0x6  }
0x6d: {  	(v2sf) =	vpush v32, $0x1;
	_ =	sdelay $0x6  }
0x6e: {  	(v2sf) =	vpush v32, $0x2  }
0x6f: {  	s16 =	spop (v2sf)  }
0x70: {  	p0 =	slt.s32 s16, $0x1E83  }
0x71: {  	s16 =	simm.s32 @!p0 $0x1E83  }
0x72: {  	s16 =	sshll.u32 s16, $0x7  }
0x73: {  	s16 =	sand.u32 $0x1FFFFF80, s16  }
0x74: {  	s16 =	sadd.s32 s2, s16  }
0x75: {  	(v2sf) =	vpush v32, $0x3;
	[tilespmem:s21], [sflag:$0x1] =	stream.strided.gather [hbm4b:s16+s10], $0x1000, s11, s10, $0x38;
	[tilespmem:$0x11880] =	vst v63  }
0x76: {  	s16 =	spop (v2sf)  }
0x77: {  	p0 =	slt.s32 s16, $0x1E83  }
0x78: {  	(v2sf) =	vpush v32, $0x4;
	s16 =	simm.s32 @!p0 $0x1E83  }
0x79: {  	s16 =	sshll.u32 s16, $0x7  }
0x7a: {  	s16 =	sand.u32 $0x1FFFFF80, s16  }
0x7b: {  	s16 =	sadd.s32 s2, s16  }
0x7c: {  	[tilespmem:s22], [sflag:$0x1] =	stream.strided.gather [hbm4b:s16+s10], $0x1000, s11, s10, $0x38;
	[tilespmem:$0x11880] =	vst v63  }
0x7d: {  	s16 =	spop (v2sf)  }
0x7e: {  	(v2sf) =	vpush v32, $0x5;
	p0 =	slt.s32 s16, $0x1E83  }
0x7f: {  	s16 =	simm.s32 @!p0 $0x1E83  }
0x80: {  	s16 =	sshll.u32 s16, $0x7  }
0x81: {  	s16 =	sand.u32 $0x1FFFFF80, s16  }
0x82: {  	s16 =	sadd.s32 s2, s16  }
0x83: {  	[tilespmem:s23], [sflag:$0x1] =	stream.strided.gather [hbm4b:s16+s10], $0x1000, s11, s10, $0x38;
	[tilespmem:$0x11880] =	vst v63  }
0x84: {  	s16 =	spop (v2sf)  }
0x85: {  	p0 =	slt.s32 s16, $0x1E83  }
0x86: {  	(v2sf) =	vpush v32, $0x6;
	s16 =	simm.s32 @!p0 $0x1E83  }
0x87: {  	s16 =	sshll.u32 s16, $0x7;
	s17 =	spop (v2sf)  }
0x88: {  	s16 =	sand.u32 $0x1FFFFF80, s16;
	p0 =	slt.s32 s17, $0x1E83  }
0x89: {  	s16 =	sadd.s32 s2, s16;
	s17 =	simm.s32 @!p0 $0x1E83  }
0x8a: {  	[tilespmem:s24], [sflag:$0x1] =	stream.strided.gather [hbm4b:s16+s10], $0x1000, s11, s10, $0x38;
	[tilespmem:$0x11880] =	vst v63  }
0x8b: {  	s17 =	sshll.u32 s17, $0x7  }
0x8c: {  	s16 =	sand.u32 $0x1FFFFF80, s17  }
0x8d: {  	(v2sf) =	vpush v32, $0x7;
	s16 =	sadd.s32 s2, s16;
	s17 =	spop (v2sf)  }
0x8e: {  	[tilespmem:s25], [sflag:$0x1] =	stream.strided.gather [hbm4b:s16+s10], $0x1000, s11, s10, $0x38;
	[tilespmem:$0x11880] =	vst v63  }
0x8f: {  	p0 =	slt.s32 s17, $0x1E83  }
0x90: {  	s17 =	simm.s32 @!p0 $0x1E83  }
0x91: {  	s18 =	sshll.u32 s17, $0x7  }
0x92: {  	s16 =	sand.u32 $0x1FFFFF80, s18  }
0x93: {  	s16 =	sadd.s32 s2, s16  }
0x94: {  	[tilespmem:s26], [sflag:$0x1] =	stream.strided.gather [hbm4b:s16+s10], $0x1000, s11, s10, $0x38;
	[tilespmem:$0x11880] =	vst v63  }
0x95: {  	s16 =	spop (v2sf)  }
0x96: {  	p0 =	slt.s32 s16, $0x1E83  }
0x97: {  	s16 =	simm.s32 @!p0 $0x1E83  }
0x98: {  	s16 =	sshll.u32 s16, $0x7  }
0x99: {  	s16 =	sand.u32 $0x1FFFFF80, s16  }
0x9a: {  	s16 =	sadd.s32 s2, s16  }
0x9b: {  	[tilespmem:s28], [sflag:$0x1] =	stream.strided.gather [hbm4b:s16+s10], $0x1000, s11, s10, $0x38;
	[tilespmem:$0x11880] =	vst v63  }
0x9c: {  	s16 =	spop (v2sf)  }
0x9d: {  	p0 =	slt.s32 s16, $0x1E83  }
0x9e: {  	s16 =	simm.s32 @!p0 $0x1E83  }
0x9f: {  	s16 =	sshll.u32 s16, $0x7  }
0xa0: {  	s16 =	sand.u32 $0x1FFFFF80, s16  }
0xa1: {  	p0 =	seq.s32 s15, $0x0;
	s16 =	sadd.s32 s2, s16  }
0xa2: {  	[tilespmem:s29], [sflag:$0x1] =	stream.strided.gather [hbm4b:s16+s10], $0x1000, s11, s10, $0x38;
	[tilespmem:$0x11880] =	vst v63  }
0xa3: {  	s16 =	simm.s32 @!p0 $0x2  }
0xa4: {  	_ =	swait.ge @!p0 [sflag:s16], $0x400  }
0xa5: {  	[sflag:s16] =	ssyncset.done @!p0 $0x0  }
0xa6: {  	[sflag:s16] =	ssyncadd.s32 @!p0 $0xFFFFFC00  }
0xa7: {  	v32 =	vld [tilespmem:s14+$0xFFFFFFF8];
	_ =	sdelay $0x4  }
0xa8: {  	(v2sf) =	vpush v32, $0x0;
	_ =	sdelay $0xe  }
0xa9: {  	s19 =	spop (v2sf);
	(v2sf) =	vpush v32, $0x1  }
0xaa: {  	s17 =	sshra.s32 s19, $0x7  }
0xab: {  	p0 =	slt.s32 s17, $0x1E83  }
0xac: {  	s18 =	sadd.s32 $0xFFF0BE00, s19;
	s17 =	simm.s32 @!p0 $0x1E83  }
0xad: {  	p1 =	sgt.s32 s18, $0x0;
	s17 =	sshll.u32 s17, $0x7  }
0xae: {  	s18 =	simm.s32 @!p1 $0x0;
	s17 =	ssub.s32 s19, s17  }
0xaf: {  	s18 =	smin.u32 s18, $0x7F;
	p0 =	slt.s32 s17, $0x7F  }
0xb0: {  	v34 =	vor.u32 s18, v0;
	s17 =	simm.s32 @!p0 $0x7F  }
0xb1: {  	v33 =	vadd.s32 s17, v0;
	_ =	sdelay $0x3  }
0xb2: {  	v34 =	vld.idx.msk [tilespmem:v34+s9+$0x0], $0xffff  }
0xb3: {  	v33 =	vld.idx.msk [tilespmem:v33+s12+$0x0], $0xffff;
	_ =	sdelay $0x1  }
0xb4: {  	v35 =	vadd.s32 s17, v1;
	s4 =	spop (v2sf)  }
0xb5: {  	v36 =	vor.u32 s18, v1;
	(v2sf) =	vpush v32, $0x2;
	s18 =	sshra.s32 s4, $0x7  }
0xb6: {  	p4 =	sgt.s32 s19, $0xF41FF;
	p1 =	slt.s32 s18, $0x1E83  }
0xb7: {  	v33 =	vpsel p4, v34, v33;
	s18 =	simm.s32 @!p1 $0x1E83  }
0xb8: {  	[tilespmem:$0x10080] =	vst v33;
	s18 =	sshll.u32 s18, $0x7  }
0xb9: {  	v33 =	vld.idx.msk [tilespmem:v35+s12+$0x0], $0xffff;
	s16 =	ssub.s32 s4, s18;
	s18 =	sadd.s32 $0xFFF0BE00, s4  }
0xba: {  	v52 =	vld.idx.msk [tilespmem:v36+s9+$0x0], $0xffff;
	p1 =	slt.s32 s16, $0x7F;
	p2 =	sgt.s32 s18, $0x0  }
0xbb: {  	s16 =	simm.s32 @!p1 $0x7F;
	s18 =	simm.s32 @!p2 $0x0  }
0xbc: {  	s18 =	smin.u32 s18, $0x7F;
	v53 =	vadd.s32 s16, v2  }
0xbd: {  	v54 =	vor.u32 s18, v0;
	_ =	sdelay $0x1  }
0xbe: {  	v33 =	vpsel p4, v52, v33  }
0xbf: {  	[tilespmem:$0x10090] =	vst v33  }
0xc0: {  	v33 =	vld.idx.msk [tilespmem:v53+s12+$0x0], $0xffff  }
0xc1: {  	v55 =	vld.idx.msk [tilespmem:v54+s9+$0x0], $0xffff;
	_ =	sdelay $0x1  }
0xc2: {  	v56 =	vadd.s32 s16, v3;
	s16 =	spop (v2sf)  }
0xc3: {  	v57 =	vor.u32 s18, v1;
	(v2sf) =	vpush v32, $0x3;
	s18 =	sshra.s32 s16, $0x7  }
0xc4: {  	p5 =	sgt.s32 s4, $0xF41FF;
	p1 =	slt.s32 s18, $0x1E83  }
0xc5: {  	s18 =	simm.s32 @!p1 $0x1E83;
	v33 =	vpsel p5, v55, v33  }
0xc6: {  	s19 =	sshll.u32 s18, $0x7;
	[tilespmem:$0x10100] =	vst v33  }
0xc7: {  	s18 =	sadd.s32 $0xFFF0BE00, s16;
	s17 =	ssub.s32 s16, s19;
	v33 =	vld.idx.msk [tilespmem:v56+s12+$0x0], $0xffff  }
0xc8: {  	p2 =	sgt.s32 s18, $0x0;
	v58 =	vld.idx.msk [tilespmem:v57+s9+$0x0], $0xffff;
	p1 =	slt.s32 s17, $0x7F  }
0xc9: {  	s18 =	simm.s32 @!p2 $0x0;
	s17 =	simm.s32 @!p1 $0x7F  }
0xca: {  	s18 =	smin.u32 s18, $0x7F;
	v59 =	vadd.s32 s17, v4  }
0xcb: {  	v60 =	vor.u32 s18, v0;
	_ =	sdelay $0x1  }
0xcc: {  	v33 =	vpsel p5, v58, v33  }
0xcd: {  	[tilespmem:$0x10110] =	vst v33  }
0xce: {  	v33 =	vld.idx.msk [tilespmem:v59+s12+$0x0], $0xffff  }
0xcf: {  	v61 =	vld.idx.msk [tilespmem:v60+s9+$0x0], $0xffff;
	_ =	sdelay $0x1  }
0xd0: {  	v62 =	vadd.s32 s17, v5;
	s4 =	spop (v2sf)  }
0xd1: {  	v63 =	vor.u32 s18, v1;
	(v2sf) =	vpush v32, $0x4;
	s18 =	sshra.s32 s4, $0x7  }
0xd2: {  	p6 =	sgt.s32 s16, $0xF41FF;
	p1 =	slt.s32 s18, $0x1E83  }
0xd3: {  	v33 =	vpsel p6, v61, v33;
	s18 =	simm.s32 @!p1 $0x1E83  }
0xd4: {  	[tilespmem:$0x10180] =	vst v33;
	s18 =	sshll.u32 s18, $0x7  }
0xd5: {  	v33 =	vld.idx.msk [tilespmem:v62+s12+$0x0], $0xffff;
	s16 =	ssub.s32 s4, s18;
	s18 =	sadd.s32 $0xFFF0BE00, s4  }
0xd6: {  	v40 =	vld.idx.msk [tilespmem:v63+s9+$0x0], $0xffff;
	p1 =	slt.s32 s16, $0x7F;
	p2 =	sgt.s32 s18, $0x0  }
0xd7: {  	s16 =	simm.s32 @!p1 $0x7F;
	s18 =	simm.s32 @!p2 $0x0  }
0xd8: {  	s18 =	smin.u32 s18, $0x7F;
	v41 =	vadd.s32 s16, v6  }
0xd9: {  	v42 =	vor.u32 s18, v0;
	_ =	sdelay $0x1  }
0xda: {  	v33 =	vpsel p6, v40, v33  }
0xdb: {  	[tilespmem:$0x10190] =	vst v33  }
0xdc: {  	v33 =	vld.idx.msk [tilespmem:v41+s12+$0x0], $0xffff  }
0xdd: {  	v43 =	vld.idx.msk [tilespmem:v42+s9+$0x0], $0xffff;
	_ =	sdelay $0x1  }
0xde: {  	v44 =	vadd.s32 s16, v7;
	s16 =	spop (v2sf)  }
0xdf: {  	v45 =	vor.u32 s18, v1;
	(v2sf) =	vpush v32, $0x5;
	s18 =	sshra.s32 s16, $0x7  }
0xe0: {  	p3 =	sgt.s32 s4, $0xF41FF;
	p1 =	slt.s32 s18, $0x1E83  }
0xe1: {  	s18 =	simm.s32 @!p1 $0x1E83;
	v33 =	vpsel p3, v43, v33  }
0xe2: {  	s19 =	sshll.u32 s18, $0x7;
	[tilespmem:$0x10200] =	vst v33  }
0xe3: {  	s18 =	sadd.s32 $0xFFF0BE00, s16;
	s17 =	ssub.s32 s16, s19;
	v33 =	vld.idx.msk [tilespmem:v44+s12+$0x0], $0xffff  }
0xe4: {  	p2 =	sgt.s32 s18, $0x0;
	v46 =	vld.idx.msk [tilespmem:v45+s9+$0x0], $0xffff;
	p1 =	slt.s32 s17, $0x7F  }
0xe5: {  	s18 =	simm.s32 @!p2 $0x0;
	s17 =	simm.s32 @!p1 $0x7F  }
0xe6: {  	s18 =	smin.u32 s18, $0x7F;
	v47 =	vadd.s32 s17, v8  }
0xe7: {  	v48 =	vor.u32 s18, v0;
	_ =	sdelay $0x1  }
0xe8: {  	v33 =	vpsel p3, v46, v33  }
0xe9: {  	[tilespmem:$0x10210] =	vst v33  }
0xea: {  	v33 =	vld.idx.msk [tilespmem:v47+s12+$0x0], $0xffff  }
0xeb: {  	v49 =	vld.idx.msk [tilespmem:v48+s9+$0x0], $0xffff;
	_ =	sdelay $0x1  }
0xec: {  	v50 =	vadd.s32 s17, v9;
	s4 =	spop (v2sf)  }
0xed: {  	v51 =	vor.u32 s18, v1;
	(v2sf) =	vpush v32, $0x6;
	s18 =	sshra.s32 s4, $0x7  }
0xee: {  	p4 =	sgt.s32 s16, $0xF41FF;
	p1 =	slt.s32 s18, $0x1E83  }
0xef: {  	v33 =	vpsel p4, v49, v33;
	s18 =	simm.s32 @!p1 $0x1E83  }
0xf0: {  	[tilespmem:$0x10280] =	vst v33;
	s18 =	sshll.u32 s18, $0x7  }
0xf1: {  	v33 =	vld.idx.msk [tilespmem:v50+s12+$0x0], $0xffff;
	s16 =	ssub.s32 s4, s18;
	s18 =	sadd.s32 $0xFFF0BE00, s4  }
0xf2: {  	v52 =	vld.idx.msk [tilespmem:v51+s9+$0x0], $0xffff;
	p1 =	slt.s32 s16, $0x7F;
	p2 =	sgt.s32 s18, $0x0  }
0xf3: {  	s16 =	simm.s32 @!p1 $0x7F;
	s18 =	simm.s32 @!p2 $0x0  }
0xf4: {  	s18 =	smin.u32 s18, $0x7F;
	v53 =	vadd.s32 s16, v10  }
0xf5: {  	v54 =	vor.u32 s18, v0;
	_ =	sdelay $0x1  }
0xf6: {  	v33 =	vpsel p4, v52, v33  }
0xf7: {  	[tilespmem:$0x10290] =	vst v33  }
0xf8: {  	v33 =	vld.idx.msk [tilespmem:v53+s12+$0x0], $0xffff  }
0xf9: {  	v55 =	vld.idx.msk [tilespmem:v54+s9+$0x0], $0xffff;
	_ =	sdelay $0x1  }
0xfa: {  	v56 =	vadd.s32 s16, v11;
	s16 =	spop (v2sf)  }
0xfb: {  	v57 =	vor.u32 s18, v1;
	(v2sf) =	vpush v32, $0x7;
	s18 =	sshra.s32 s16, $0x7  }
0xfc: {  	p5 =	sgt.s32 s4, $0xF41FF;
	p1 =	slt.s32 s18, $0x1E83  }
0xfd: {  	s18 =	simm.s32 @!p1 $0x1E83;
	v33 =	vpsel p5, v55, v33  }
0xfe: {  	s19 =	sshll.u32 s18, $0x7;
	[tilespmem:$0x10300] =	vst v33  }
0xff: {  	s18 =	sadd.s32 $0xFFF0BE00, s16;
	s17 =	ssub.s32 s16, s19;
	v33 =	vld.idx.msk [tilespmem:v56+s12+$0x0], $0xffff  }
0x100: {  	p2 =	sgt.s32 s18, $0x0;
	v32 =	vld.idx.msk [tilespmem:v57+s9+$0x0], $0xffff;
	p1 =	slt.s32 s17, $0x7F  }
0x101: {  	s18 =	simm.s32 @!p2 $0x0;
	s17 =	simm.s32 @!p1 $0x7F  }
0x102: {  	s18 =	smin.u32 s18, $0x7F;
	v58 =	vadd.s32 s17, v12  }
0x103: {  	v59 =	vor.u32 s18, v0;
	_ =	sdelay $0x1  }
0x104: {  	v32 =	vpsel p5, v32, v33  }
0x105: {  	[tilespmem:$0x10310] =	vst v32  }
0x106: {  	v32 =	vld.idx.msk [tilespmem:v58+s12+$0x0], $0xffff  }
0x107: {  	v60 =	vld.idx.msk [tilespmem:v59+s9+$0x0], $0xffff;
	_ =	sdelay $0x1  }
0x108: {  	v61 =	vadd.s32 s17, v13;
	s4 =	spop (v2sf)  }
0x109: {  	v62 =	vor.u32 s18, v1;
	s18 =	sshra.s32 s4, $0x7  }
0x10a: {  	p6 =	sgt.s32 s16, $0xF41FF;
	p1 =	slt.s32 s18, $0x1E83  }
0x10b: {  	v32 =	vpsel p6, v60, v32;
	s18 =	simm.s32 @!p1 $0x1E83  }
0x10c: {  	[tilespmem:$0x10380] =	vst v32;
	s18 =	sshll.u32 s18, $0x7  }
0x10d: {  	v32 =	vld.idx.msk [tilespmem:v61+s12+$0x0], $0xffff;
	s16 =	ssub.s32 s4, s18;
	s18 =	sadd.s32 $0xFFF0BE00, s4  }
0x10e: {  	v63 =	vld.idx.msk [tilespmem:v62+s9+$0x0], $0xffff;
	p1 =	slt.s32 s16, $0x7F;
	p2 =	sgt.s32 s18, $0x0  }
0x10f: {  	s16 =	simm.s32 @!p1 $0x7F;
	s18 =	simm.s32 @!p2 $0x0  }
0x110: {  	s18 =	smin.u32 s18, $0x7F;
	v36 =	vadd.s32 s16, v14  }
0x111: {  	v37 =	vor.u32 s18, v0;
	_ =	sdelay $0x1  }
0x112: {  	v32 =	vpsel p6, v63, v32  }
0x113: {  	[tilespmem:$0x10390] =	vst v32  }
0x114: {  	v32 =	vld.idx.msk [tilespmem:v36+s12+$0x0], $0xffff  }
0x115: {  	v38 =	vld.idx.msk [tilespmem:v37+s9+$0x0], $0xffff;
	_ =	sdelay $0x1  }
0x116: {  	v39 =	vadd.s32 s16, v15  }
0x117: {  	v40 =	vor.u32 s18, v1  }
0x118: {  	p2 =	sgt.s32 s4, $0xF41FF  }
0x119: {  	v32 =	vpsel p2, v38, v32  }
0x11a: {  	[tilespmem:$0x10400] =	vst v32  }
0x11b: {  	v32 =	vld.idx.msk [tilespmem:v39+s12+$0x0], $0xffff  }
0x11c: {  	v41 =	vld.idx.msk [tilespmem:v40+s9+$0x0], $0xffff;
	_ =	sdelay $0x4  }
0x11d: {  	v32 =	vpsel p2, v41, v32  }
0x11e: {  	s16 =	sadd.s32 s15, s7;
	[tilespmem:$0x10410] =	vst v32  }
0x11f: {  	[hbm4b:s16+s3] =	stream.linear.scatter [tilespmem:s30], [sflag:$0x2], $0x400, $0x38;
	[tilespmem:$0x11880] =	vst v63  }
0x120: {  	_ =	swait.ge [sflag:s20], $0x1000  }
0x121: {  	[sflag:s20] =	ssyncset.done $0x0  }
0x122: {  	[sflag:s20] =	ssyncadd.s32 $0xFFFFF000  }
0x123: {  	_ =	swait.ge [sflag:s20], $0x1000  }
0x124: {  	[sflag:s20] =	ssyncset.done $0x0  }
0x125: {  	[sflag:s20] =	ssyncadd.s32 $0xFFFFF000  }
0x126: {  	_ =	swait.ge [sflag:s20], $0x1000  }
0x127: {  	[sflag:s20] =	ssyncset.done $0x0  }
0x128: {  	[sflag:s20] =	ssyncadd.s32 $0xFFFFF000  }
0x129: {  	_ =	swait.ge [sflag:s20], $0x1000  }
0x12a: {  	[sflag:s20] =	ssyncset.done $0x0  }
0x12b: {  	[sflag:s20] =	ssyncadd.s32 $0xFFFFF000  }
0x12c: {  	_ =	swait.ge [sflag:s20], $0x1000  }
0x12d: {  	[sflag:s20] =	ssyncset.done $0x0  }
0x12e: {  	[sflag:s20] =	ssyncadd.s32 $0xFFFFF000  }
0x12f: {  	_ =	swait.ge [sflag:s20], $0x1000  }
0x130: {  	[sflag:s20] =	ssyncset.done $0x0  }
0x131: {  	[sflag:s20] =	ssyncadd.s32 $0xFFFFF000  }
0x132: {  	_ =	swait.ge [sflag:s20], $0x1000  }
0x133: {  	[sflag:s20] =	ssyncset.done $0x0  }
0x134: {  	[sflag:s20] =	ssyncadd.s32 $0xFFFFF000  }
0x135: {  	_ =	swait.ge [sflag:s20], $0x1000  }
0x136: {  	[sflag:s20] =	ssyncset.done $0x0  }
0x137: {  	p0 =	seq.s32 s15, $0x500;
	[sflag:s20] =	ssyncadd.s32 $0xFFFFF000  }
0x138: {  	v32 =	vld @!p0 [tilespmem:s14+$0x8];
	_ =	sdelay $0x4  }
0x139: {  	v32 =	vshra.s32 @!p0 v32, $0x7  }
0x13a: {  	(v2sf) =	vpush @!p0 v32, $0x0;
	_ =	sdelay $0x7  }
0x13b: {  	(v2sf) =	vpush @!p0 v32, $0x1;
	_ =	sdelay $0x6  }
0x13c: {  	s17 =	spop @!p0 (v2sf)  }
0x13d: {  	(v2sf) =	vpush @!p0 v32, $0x2;
	p1 =	slt.s32 @!p0 s17, $0x1E83  }
0x13e: {  	p1 =	por !p1, p0  }
0x13f: {  	s17 =	simm.s32 @p1 $0x1E83  }
0x140: {  	s17 =	sshll.u32 @!p0 s17, $0x7  }
0x141: {  	s4 =	simm.s32 @!p0 $0x80;
	s17 =	sand.u32 @!p0 $0x1FFFFF80, s17  }
0x142: {  	s18 =	simm.s32 @!p0 $0x7A1400;
	s19 =	sadd.s32 @!p0 s2, s17;
	s17 =	simm.s32 @!p0 $0x400  }
0x143: {  	[tilespmem:s4], [sflag:$0x1] =	stream.strided.gather @!p0 [hbm4b:s19+s17], $0x1000, s18, s17, $0x38;
	[tilespmem:$0x11880] =	vst v63  }
0x144: {  	s4 =	spop @!p0 (v2sf)  }
0x145: {  	(v2sf) =	vpush @!p0 v32, $0x3;
	p1 =	slt.s32 @!p0 s4, $0x1E83  }
0x146: {  	p1 =	por !p1, p0  }
0x147: {  	s4 =	simm.s32 @p1 $0x1E83  }
0x148: {  	s4 =	sshll.u32 @!p0 s4, $0x7  }
0x149: {  	s4 =	sand.u32 @!p0 $0x1FFFFF80, s4  }
0x14a: {  	s19 =	simm.s32 @!p0 $0x1080;
	s4 =	sadd.s32 @!p0 s2, s4  }
0x14b: {  	[tilespmem:s19], [sflag:$0x1] =	stream.strided.gather @!p0 [hbm4b:s4+s17], $0x1000, s18, s17, $0x38;
	[tilespmem:$0x11880] =	vst v63  }
0x14c: {  	s4 =	spop @!p0 (v2sf)  }
0x14d: {  	(v2sf) =	vpush @!p0 v32, $0x4;
	p1 =	slt.s32 @!p0 s4, $0x1E83  }
0x14e: {  	p1 =	por !p1, p0  }
0x14f: {  	s4 =	simm.s32 @p1 $0x1E83  }
0x150: {  	s4 =	sshll.u32 @!p0 s4, $0x7  }
0x151: {  	s4 =	sand.u32 @!p0 $0x1FFFFF80, s4  }
0x152: {  	s19 =	simm.s32 @!p0 $0x2080;
	s4 =	sadd.s32 @!p0 s2, s4  }
0x153: {  	[tilespmem:s19], [sflag:$0x1] =	stream.strided.gather @!p0 [hbm4b:s4+s17], $0x1000, s18, s17, $0x38;
	[tilespmem:$0x11880] =	vst v63  }
0x154: {  	s4 =	spop @!p0 (v2sf)  }
0x155: {  	(v2sf) =	vpush @!p0 v32, $0x5;
	p1 =	slt.s32 @!p0 s4, $0x1E83  }
0x156: {  	p1 =	por !p1, p0  }
0x157: {  	s4 =	simm.s32 @p1 $0x1E83  }
0x158: {  	s4 =	sshll.u32 @!p0 s4, $0x7  }
0x159: {  	s4 =	sand.u32 @!p0 $0x1FFFFF80, s4  }
0x15a: {  	s19 =	simm.s32 @!p0 $0x3080;
	s4 =	sadd.s32 @!p0 s2, s4  }
0x15b: {  	[tilespmem:s19], [sflag:$0x1] =	stream.strided.gather @!p0 [hbm4b:s4+s17], $0x1000, s18, s17, $0x38;
	[tilespmem:$0x11880] =	vst v63  }
0x15c: {  	s4 =	spop @!p0 (v2sf)  }
0x15d: {  	(v2sf) =	vpush @!p0 v32, $0x6;
	p1 =	slt.s32 @!p0 s4, $0x1E83  }
0x15e: {  	p1 =	por !p1, p0  }
0x15f: {  	s4 =	simm.s32 @p1 $0x1E83  }
0x160: {  	s4 =	sshll.u32 @!p0 s4, $0x7  }
0x161: {  	s4 =	sand.u32 @!p0 $0x1FFFFF80, s4  }
0x162: {  	s19 =	simm.s32 @!p0 $0x4080;
	s4 =	sadd.s32 @!p0 s2, s4  }
0x163: {  	[tilespmem:s19], [sflag:$0x1] =	stream.strided.gather @!p0 [hbm4b:s4+s17], $0x1000, s18, s17, $0x38;
	[tilespmem:$0x11880] =	vst v63  }
0x164: {  	s4 =	spop @!p0 (v2sf)  }
0x165: {  	(v2sf) =	vpush @!p0 v32, $0x7;
	p1 =	slt.s32 @!p0 s4, $0x1E83  }
0x166: {  	p1 =	por !p1, p0  }
0x167: {  	s4 =	simm.s32 @p1 $0x1E83  }
0x168: {  	s4 =	sshll.u32 @!p0 s4, $0x7  }
0x169: {  	s4 =	sand.u32 @!p0 $0x1FFFFF80, s4  }
0x16a: {  	s19 =	simm.s32 @!p0 $0x5080;
	s4 =	sadd.s32 @!p0 s2, s4  }
0x16b: {  	[tilespmem:s19], [sflag:$0x1] =	stream.strided.gather @!p0 [hbm4b:s4+s17], $0x1000, s18, s17, $0x38;
	[tilespmem:$0x11880] =	vst v63  }
0x16c: {  	s4 =	spop @!p0 (v2sf)  }
0x16d: {  	p1 =	slt.s32 @!p0 s4, $0x1E83  }
0x16e: {  	p1 =	por !p1, p0  }
0x16f: {  	s4 =	simm.s32 @p1 $0x1E83  }
0x170: {  	s4 =	sshll.u32 @!p0 s4, $0x7  }
0x171: {  	s4 =	sand.u32 @!p0 $0x1FFFFF80, s4  }
0x172: {  	s19 =	simm.s32 @!p0 $0x6080;
	s4 =	sadd.s32 @!p0 s2, s4  }
0x173: {  	[tilespmem:s19], [sflag:$0x1] =	stream.strided.gather @!p0 [hbm4b:s4+s17], $0x1000, s18, s17, $0x38;
	[tilespmem:$0x11880] =	vst v63  }
0x174: {  	s4 =	spop @!p0 (v2sf)  }
0x175: {  	p1 =	slt.s32 @!p0 s4, $0x1E83  }
0x176: {  	p1 =	por !p1, p0  }
0x177: {  	s4 =	simm.s32 @p1 $0x1E83  }
0x178: {  	s4 =	sshll.u32 @!p0 s4, $0x7  }
0x179: {  	s4 =	sand.u32 @!p0 $0x1FFFFF80, s4  }
0x17a: {  	s19 =	simm.s32 @!p0 $0x7080;
	p1 =	seq.s32 @!p0 s15, $0x0;
	s4 =	sadd.s32 @!p0 s2, s4  }
0x17b: {  	[tilespmem:s19], [sflag:$0x1] =	stream.strided.gather @!p0 [hbm4b:s4+s17], $0x1000, s18, s17, $0x38;
	[tilespmem:$0x11880] =	vst v63  }
0x17c: {  	p0 =	por p0, !p1  }
0x17d: {  	_ =	swait.ge @p0 [sflag:s0], $0x400  }
0x17e: {  	[sflag:s0] =	ssyncset.done @p0 $0x0  }
0x17f: {  	[sflag:s0] =	ssyncadd.s32 @p0 $0xFFFFFC00  }
0x180: {  	v32 =	vld [tilespmem:s14+$0x0];
	_ =	sdelay $0x4  }
0x181: {  	(v2sf) =	vpush v32, $0x0;
	_ =	sdelay $0xe  }
0x182: {  	s4 =	spop (v2sf);
	(v2sf) =	vpush v32, $0x1  }
0x183: {  	s17 =	sshra.s32 s4, $0x7  }
0x184: {  	p0 =	slt.s32 s17, $0x1E83  }
0x185: {  	s18 =	sadd.s32 $0xFFF0BE00, s4;
	s17 =	simm.s32 @!p0 $0x1E83  }
0x186: {  	p1 =	sgt.s32 s18, $0x0;
	s17 =	sshll.u32 s17, $0x7  }
0x187: {  	s18 =	simm.s32 @!p1 $0x0;
	s17 =	ssub.s32 s4, s17  }
0x188: {  	s18 =	smin.u32 s18, $0x7F;
	p0 =	slt.s32 s17, $0x7F  }
0x189: {  	v43 =	vor.u32 s18, v0;
	s17 =	simm.s32 @!p0 $0x7F  }
0x18a: {  	v42 =	vadd.s32 s17, v16;
	_ =	sdelay $0x3  }
0x18b: {  	v34 =	vld.idx.msk [tilespmem:v43+s9+$0x0], $0xffff  }
0x18c: {  	v33 =	vld.idx.msk [tilespmem:v42+s12+$0x0], $0xffff;
	_ =	sdelay $0x1  }
0x18d: {  	v44 =	vadd.s32 s17, v17;
	s19 =	spop (v2sf)  }
0x18e: {  	v45 =	vor.u32 s18, v1;
	(v2sf) =	vpush v32, $0x2;
	s18 =	sshra.s32 s19, $0x7  }
0x18f: {  	p3 =	sgt.s32 s4, $0xF41FF;
	p1 =	slt.s32 s18, $0x1E83  }
0x190: {  	v33 =	vpsel p3, v34, v33;
	s18 =	simm.s32 @!p1 $0x1E83  }
0x191: {  	[tilespmem:$0x10480] =	vst v33;
	s18 =	sshll.u32 s18, $0x7  }
0x192: {  	v33 =	vld.idx.msk [tilespmem:v44+s12+$0x0], $0xffff;
	s4 =	ssub.s32 s19, s18;
	s18 =	sadd.s32 $0xFFF0BE00, s19  }
0x193: {  	v46 =	vld.idx.msk [tilespmem:v45+s9+$0x0], $0xffff;
	p1 =	slt.s32 s4, $0x7F;
	p2 =	sgt.s32 s18, $0x0  }
0x194: {  	s4 =	simm.s32 @!p1 $0x7F;
	s18 =	simm.s32 @!p2 $0x0  }
0x195: {  	s18 =	smin.u32 s18, $0x7F;
	v47 =	vadd.s32 s4, v18  }
0x196: {  	v48 =	vor.u32 s18, v0;
	_ =	sdelay $0x1  }
0x197: {  	v33 =	vpsel p3, v46, v33  }
0x198: {  	[tilespmem:$0x10490] =	vst v33  }
0x199: {  	v33 =	vld.idx.msk [tilespmem:v47+s12+$0x0], $0xffff  }
0x19a: {  	v49 =	vld.idx.msk [tilespmem:v48+s9+$0x0], $0xffff;
	_ =	sdelay $0x1  }
0x19b: {  	v50 =	vadd.s32 s4, v19;
	s4 =	spop (v2sf)  }
0x19c: {  	v51 =	vor.u32 s18, v1;
	(v2sf) =	vpush v32, $0x3;
	s18 =	sshra.s32 s4, $0x7  }
0x19d: {  	p4 =	sgt.s32 s19, $0xF41FF;
	p1 =	slt.s32 s18, $0x1E83  }
0x19e: {  	s18 =	simm.s32 @!p1 $0x1E83;
	v33 =	vpsel p4, v49, v33  }
0x19f: {  	s19 =	sshll.u32 s18, $0x7;
	[tilespmem:$0x10500] =	vst v33  }
0x1a0: {  	s18 =	sadd.s32 $0xFFF0BE00, s4;
	s17 =	ssub.s32 s4, s19;
	v33 =	vld.idx.msk [tilespmem:v50+s12+$0x0], $0xffff  }
0x1a1: {  	p2 =	sgt.s32 s18, $0x0;
	v52 =	vld.idx.msk [tilespmem:v51+s9+$0x0], $0xffff;
	p1 =	slt.s32 s17, $0x7F  }
0x1a2: {  	s18 =	simm.s32 @!p2 $0x0;
	s17 =	simm.s32 @!p1 $0x7F  }
0x1a3: {  	s18 =	smin.u32 s18, $0x7F;
	v53 =	vadd.s32 s17, v20  }
0x1a4: {  	v54 =	vor.u32 s18, v0;
	_ =	sdelay $0x1  }
0x1a5: {  	v33 =	vpsel p4, v52, v33  }
0x1a6: {  	[tilespmem:$0x10510] =	vst v33  }
0x1a7: {  	v33 =	vld.idx.msk [tilespmem:v53+s12+$0x0], $0xffff  }
0x1a8: {  	v55 =	vld.idx.msk [tilespmem:v54+s9+$0x0], $0xffff;
	_ =	sdelay $0x1  }
0x1a9: {  	v56 =	vadd.s32 s17, v21;
	s17 =	spop (v2sf)  }
0x1aa: {  	v57 =	vor.u32 s18, v1;
	(v2sf) =	vpush v32, $0x4;
	s18 =	sshra.s32 s17, $0x7  }
0x1ab: {  	p5 =	sgt.s32 s4, $0xF41FF;
	p1 =	slt.s32 s18, $0x1E83  }
0x1ac: {  	v33 =	vpsel p5, v55, v33;
	s18 =	simm.s32 @!p1 $0x1E83  }
0x1ad: {  	[tilespmem:$0x10580] =	vst v33;
	s18 =	sshll.u32 s18, $0x7  }
0x1ae: {  	v33 =	vld.idx.msk [tilespmem:v56+s12+$0x0], $0xffff;
	s4 =	ssub.s32 s17, s18;
	s18 =	sadd.s32 $0xFFF0BE00, s17  }
0x1af: {  	v58 =	vld.idx.msk [tilespmem:v57+s9+$0x0], $0xffff;
	p1 =	slt.s32 s4, $0x7F;
	p2 =	sgt.s32 s18, $0x0  }
0x1b0: {  	s4 =	simm.s32 @!p1 $0x7F;
	s18 =	simm.s32 @!p2 $0x0  }
0x1b1: {  	s18 =	smin.u32 s18, $0x7F;
	v59 =	vadd.s32 s4, v22  }
0x1b2: {  	v60 =	vor.u32 s18, v0;
	_ =	sdelay $0x1  }
0x1b3: {  	v33 =	vpsel p5, v58, v33  }
0x1b4: {  	[tilespmem:$0x10590] =	vst v33  }
0x1b5: {  	v33 =	vld.idx.msk [tilespmem:v59+s12+$0x0], $0xffff  }
0x1b6: {  	v61 =	vld.idx.msk [tilespmem:v60+s9+$0x0], $0xffff;
	_ =	sdelay $0x1  }
0x1b7: {  	v62 =	vadd.s32 s4, v23;
	s19 =	spop (v2sf)  }
0x1b8: {  	v63 =	vor.u32 s18, v1;
	(v2sf) =	vpush v32, $0x5;
	s18 =	sshra.s32 s19, $0x7  }
0x1b9: {  	p6 =	sgt.s32 s17, $0xF41FF;
	p1 =	slt.s32 s18, $0x1E83  }
0x1ba: {  	s18 =	simm.s32 @!p1 $0x1E83;
	v33 =	vpsel p6, v61, v33  }
0x1bb: {  	s18 =	sshll.u32 s18, $0x7;
	[tilespmem:$0x10600] =	vst v33  }
0x1bc: {  	s17 =	ssub.s32 s19, s18;
	s18 =	sadd.s32 $0xFFF0BE00, s19;
	v33 =	vld.idx.msk [tilespmem:v62+s12+$0x0], $0xffff  }
0x1bd: {  	v40 =	vld.idx.msk [tilespmem:v63+s9+$0x0], $0xffff;
	p1 =	slt.s32 s17, $0x7F;
	p2 =	sgt.s32 s18, $0x0  }
0x1be: {  	s17 =	simm.s32 @!p1 $0x7F;
	s18 =	simm.s32 @!p2 $0x0  }
0x1bf: {  	s18 =	smin.u32 s18, $0x7F;
	v41 =	vadd.s32 s17, v24  }
0x1c0: {  	v42 =	vor.u32 s18, v0;
	_ =	sdelay $0x1  }
0x1c1: {  	v33 =	vpsel p6, v40, v33  }
0x1c2: {  	[tilespmem:$0x10610] =	vst v33  }
0x1c3: {  	v33 =	vld.idx.msk [tilespmem:v41+s12+$0x0], $0xffff  }
0x1c4: {  	v43 =	vld.idx.msk [tilespmem:v42+s9+$0x0], $0xffff;
	_ =	sdelay $0x1  }
0x1c5: {  	v44 =	vadd.s32 s17, v25;
	s17 =	spop (v2sf)  }
0x1c6: {  	v45 =	vor.u32 s18, v1;
	(v2sf) =	vpush v32, $0x6;
	s18 =	sshra.s32 s17, $0x7  }
0x1c7: {  	p3 =	sgt.s32 s19, $0xF41FF;
	p1 =	slt.s32 s18, $0x1E83  }
0x1c8: {  	s18 =	simm.s32 @!p1 $0x1E83;
	v33 =	vpsel p3, v43, v33  }
0x1c9: {  	s19 =	sshll.u32 s18, $0x7;
	[tilespmem:$0x10680] =	vst v33  }
0x1ca: {  	s18 =	sadd.s32 $0xFFF0BE00, s17;
	s4 =	ssub.s32 s17, s19;
	v33 =	vld.idx.msk [tilespmem:v44+s12+$0x0], $0xffff  }
0x1cb: {  	p2 =	sgt.s32 s18, $0x0;
	v46 =	vld.idx.msk [tilespmem:v45+s9+$0x0], $0xffff;
	p1 =	slt.s32 s4, $0x7F  }
0x1cc: {  	s18 =	simm.s32 @!p2 $0x0;
	s4 =	simm.s32 @!p1 $0x7F  }
0x1cd: {  	s18 =	smin.u32 s18, $0x7F;
	v47 =	vadd.s32 s4, v26  }
0x1ce: {  	v48 =	vor.u32 s18, v0;
	_ =	sdelay $0x1  }
0x1cf: {  	v33 =	vpsel p3, v46, v33  }
0x1d0: {  	[tilespmem:$0x10690] =	vst v33  }
0x1d1: {  	v33 =	vld.idx.msk [tilespmem:v47+s12+$0x0], $0xffff  }
0x1d2: {  	v49 =	vld.idx.msk [tilespmem:v48+s9+$0x0], $0xffff;
	_ =	sdelay $0x1  }
0x1d3: {  	v50 =	vadd.s32 s4, v27;
	s4 =	spop (v2sf)  }
0x1d4: {  	v51 =	vor.u32 s18, v1;
	(v2sf) =	vpush v32, $0x7;
	s18 =	sshra.s32 s4, $0x7  }
0x1d5: {  	p4 =	sgt.s32 s17, $0xF41FF;
	p1 =	slt.s32 s18, $0x1E83  }
0x1d6: {  	v33 =	vpsel p4, v49, v33;
	s18 =	simm.s32 @!p1 $0x1E83  }
0x1d7: {  	[tilespmem:$0x10700] =	vst v33;
	s18 =	sshll.u32 s18, $0x7  }
0x1d8: {  	v33 =	vld.idx.msk [tilespmem:v50+s12+$0x0], $0xffff;
	s17 =	ssub.s32 s4, s18;
	s18 =	sadd.s32 $0xFFF0BE00, s4  }
0x1d9: {  	v32 =	vld.idx.msk [tilespmem:v51+s9+$0x0], $0xffff;
	p1 =	slt.s32 s17, $0x7F;
	p2 =	sgt.s32 s18, $0x0  }
0x1da: {  	s17 =	simm.s32 @!p1 $0x7F;
	s18 =	simm.s32 @!p2 $0x0  }
0x1db: {  	s18 =	smin.u32 s18, $0x7F;
	v52 =	vadd.s32 s17, v28  }
0x1dc: {  	v53 =	vor.u32 s18, v0;
	_ =	sdelay $0x1  }
0x1dd: {  	v32 =	vpsel p4, v32, v33  }
0x1de: {  	[tilespmem:$0x10710] =	vst v32  }
0x1df: {  	v32 =	vld.idx.msk [tilespmem:v52+s12+$0x0], $0xffff  }
0x1e0: {  	v54 =	vld.idx.msk [tilespmem:v53+s9+$0x0], $0xffff;
	_ =	sdelay $0x1  }
0x1e1: {  	v55 =	vadd.s32 s17, v29;
	s19 =	spop (v2sf)  }
0x1e2: {  	v56 =	vor.u32 s18, v1;
	s18 =	sshra.s32 s19, $0x7  }
0x1e3: {  	p5 =	sgt.s32 s4, $0xF41FF;
	p1 =	slt.s32 s18, $0x1E83  }
0x1e4: {  	s18 =	simm.s32 @!p1 $0x1E83;
	v32 =	vpsel p5, v54, v32  }
0x1e5: {  	s18 =	sshll.u32 s18, $0x7;
	[tilespmem:$0x10780] =	vst v32  }
0x1e6: {  	s4 =	ssub.s32 s19, s18;
	s18 =	sadd.s32 $0xFFF0BE00, s19;
	v32 =	vld.idx.msk [tilespmem:v55+s12+$0x0], $0xffff  }
0x1e7: {  	v57 =	vld.idx.msk [tilespmem:v56+s9+$0x0], $0xffff;
	p1 =	slt.s32 s4, $0x7F;
	p2 =	sgt.s32 s18, $0x0  }
0x1e8: {  	s4 =	simm.s32 @!p1 $0x7F;
	s18 =	simm.s32 @!p2 $0x0  }
0x1e9: {  	s18 =	smin.u32 s18, $0x7F;
	v58 =	vadd.s32 s4, v30  }
0x1ea: {  	v59 =	vor.u32 s18, v0;
	_ =	sdelay $0x1  }
0x1eb: {  	v32 =	vpsel p5, v57, v32  }
0x1ec: {  	[tilespmem:$0x10790] =	vst v32  }
0x1ed: {  	v32 =	vld.idx.msk [tilespmem:v58+s12+$0x0], $0xffff  }
0x1ee: {  	v60 =	vld.idx.msk [tilespmem:v59+s9+$0x0], $0xffff;
	_ =	sdelay $0x1  }
0x1ef: {  	v61 =	vadd.s32 s4, v31  }
0x1f0: {  	v62 =	vor.u32 s18, v1  }
0x1f1: {  	p6 =	sgt.s32 s19, $0xF41FF  }
0x1f2: {  	v32 =	vpsel p6, v60, v32  }
0x1f3: {  	[tilespmem:$0x10800] =	vst v32  }
0x1f4: {  	v32 =	vld.idx.msk [tilespmem:v61+s12+$0x0], $0xffff  }
0x1f5: {  	v63 =	vld.idx.msk [tilespmem:v62+s9+$0x0], $0xffff  }
0x1f6: {  	s15 =	sadd.s32 $0x100, s15  }
0x1f7: {  	p0 =	sne.s32 s15, $0x600  }
.Ltmp0:
0x1f8: {  	_ = 	snop;
	(pc) =	sbr.rel @p0 .LBB2_2-.Ltmp0, $4  }
0x1f9: {  	_ = 	snop  }
0x1fa: {  	v32 =	vpsel p6, v63, v32  }
0x1fb: {  	s14 =	sadd.s32 $0x10, s14;
	s19 =	sadd.s32 $0x80, s16;
	[tilespmem:$0x10810] =	vst v32  }
0x1fc: {  	[hbm4b:s19+s3] =	stream.linear.scatter [tilespmem:s31], [sflag:$0x3], $0x400, $0x38;
	[tilespmem:$0x11880] =	vst v63  }
0x1fd: {  	s13 =	sadd.s32 $0x1, s13  }
0x1fe: {  	_ =	swait.ge [sflag:s1], $0x400;
	p0 =	sne.s32 s13, s6  }
.Ltmp1:
0x1ff: {  	[sflag:s1] =	ssyncset.done $0x0;
	(pc) =	sbr.rel @p0 .LBB2_1-.Ltmp1, $4  }
0x200: {  	[sflag:s1] =	ssyncadd.s32 $0xFFFFFC00  }
0x201: {  	_ =	swait.ge [sflag:s0], $0x400  }
0x202: {  	[sflag:s0] =	ssyncset.done $0x0  }
0x203: {  	[sflag:s0] =	ssyncadd.s32 $0xFFFFFC00  }
0x204: {  	_ =	sfence.sel $0x180000  }
0x205: {  	[bflag:$0x0] =	sbarrier.arrive $0xFFFF  }
0x206: {  	_ =	strace $0x9000004A  }
0x207: {  	s0 =	stileid.u32;
	[bflag:$0x2] =	sbarrier.arrive $0xFFFF  }
0x208: {  	p0 =	sne.s32 s0, $0x0;
	s0 =	rddreg [dreg:$0x2]  }
0x209: {  	s0 =	sadd.s32 @!p0 $0x100000, s0  }
0x20a: {  	[sflag:s0] =	ssyncadd.tile.s32 @!p0 $0x1;
	_ =	shalt  }
.Lfunc_end2:
_tile_overlayer_lowered:
.L_overlay_start_2:
0x20b: {  	(tag) =	ssettag $0x2  }
0x20c: {  	s0 =	rddreg [dreg:$0x0];
	s2 =	stileid.u32  }
0x20d: {  	s1 =	rddreg [dreg:$0x1];
	p0 =	sne.s32 s2, $0x0  }
0x20e: {  	s3 =	rddreg [dreg:$0x2];
	[bflag:$0x3] =	sbarrier.arrive $0xFFFF;
	s2 =	simm.s32 @!p0 $0x1C04  }
0x20f: {  	[timem:s3], [sflag:s2] =	dma.local @!p0 [hbm:s0], s1  }
0x210: {  	s0 =	simm.s32 @!p0 $0x4  }
0x211: {  	_ =	swait.ge @!p0 [sflag:s0], s1  }
0x212: {  	s1 =	ssub.s32 @!p0 $0x0, s1;
	[sflag:s0] =	ssyncset.done @!p0 $0x0  }
0x213: {  	[sflag:s0] =	ssyncadd.s32 @!p0 s1  }
0x214: {  	[bflag:$0x3] =	sbarrier.arrive $0xFFFF  }
0x215: {  	_ =	shalt  }

</sc_bundles>
